<compile_context>
chip_gen: v7x
topology: tpu7x:2x2x1
jax: 0.10.2.dev20260603
libtpu: 0.0.44.dev20260713+nightly
codegen_flags: <defaults>
</compile_context>

<pallas_src>
import functools

import jax
import jax.numpy as jnp
from jax import lax
from jax.experimental import pallas as pl
from jax.experimental.pallas import tpu as pltpu
from jax.experimental.pallas import tpu_sc as plsc

N_BINS = 15
N_ROWS = 1_000_000
N_CLS = 100

TC_BLOCK = 32768
TC_GRID = 31

LANES = 16
N_TILES = 16
UNROLL = 4
BANKS = UNROLL
SLOTS = 16 * LANES
PAD_N = TC_GRID * TC_BLOCK
PER_TILE = PAD_N // N_TILES
VREGS_PER_TILE = PER_TILE // LANES


def _tc_body(x_ref, lab_ref, out_ref):
    xt = x_ref[...]
    lab = lab_ref[...]
    m = jnp.max(xt, axis=0)
    e = jnp.exp(xt - m[None, :])
    s = jnp.sum(e, axis=0)
    row = lax.broadcasted_iota(jnp.int32, xt.shape, 0)
    hit = jnp.where((row == lab[None, :]) & (xt == m[None, :]), 1.0, 0.0)
    cnt = jnp.sum(hit, axis=0)
    conf = 1.0 / s
    packed = jnp.where(cnt > 0.5, -conf, conf)
    row_id = pl.program_id(0) * TC_BLOCK + lax.iota(jnp.int32, TC_BLOCK)
    out_ref[...] = jnp.where(row_id < N_ROWS, packed, 0.0)


def _tc_stage(logits, labels):
    return pl.pallas_call(
        _tc_body,
        grid=(TC_GRID,),
        in_specs=[
            pl.BlockSpec((N_CLS, TC_BLOCK), lambda i: (0, i)),
            pl.BlockSpec((TC_BLOCK,), lambda i: (i,)),
        ],
        out_specs=pl.BlockSpec((TC_BLOCK,), lambda i: (i,)),
        out_shape=jax.ShapeDtypeStruct((PAD_N,), jnp.float32),
    )(logits.T, labels.astype(jnp.int32))


def _sc_body(packed_hbm, out_hbm, buf_v, comb_v, sconf_v, cnt_v, acc_v, conf_v,
             outbuf_v, cnt_sh, sconf_sh, sacc_sh):
    tid = lax.axis_index("s")
    pltpu.sync_copy(packed_hbm.at[pl.ds(tid * PER_TILE, PER_TILE)], buf_v)

    lane = lax.iota(jnp.int32, LANES)
    zeros = jnp.zeros((LANES,), jnp.float32)
    for r in range(16 * BANKS):
        comb_v[pl.ds(r * LANES, LANES)] = zeros
        sconf_v[pl.ds(r * LANES, LANES)] = zeros
    bases = [lane * 16 + (1 + u * SLOTS) for u in range(UNROLL)]

    @plsc.parallel_loop(0, VREGS_PER_TILE, step=UNROLL, unroll=2)
    def _main(k):
        off = k * LANES
        for u in range(UNROLL):
            v = buf_v[pl.ds(off + u * LANES, LANES)]
            conf = jnp.abs(v)
            live = conf > 0.0
            t = conf * jnp.float32(N_BINS)
            b = jnp.minimum(t.astype(jnp.int32), N_BINS - 1)
            slot = bases[u] + b
            comb = jnp.where(v < 0.0, jnp.float32(4097.0), jnp.float32(1.0))
            plsc.addupdate_scatter(comb_v, [slot], comb, mask=live)
            plsc.addupdate_scatter(sconf_v, [slot], conf, mask=live)

    for r in range(16):
        c = comb_v[pl.ds(r * LANES, LANES)]
        f = sconf_v[pl.ds(r * LANES, LANES)]
        for u in range(1, BANKS):
            c = c + comb_v[pl.ds(u * SLOTS + r * LANES, LANES)]
            f = f + sconf_v[pl.ds(u * SLOTS + r * LANES, LANES)]
        a = (c * jnp.float32(1.0 / 4096.0)).astype(jnp.int32).astype(jnp.float32)
        cnt_v[pl.ds(r * LANES, LANES)] = c - a * 4096.0
        acc_v[pl.ds(r * LANES, LANES)] = a
        conf_v[pl.ds(r * LANES, LANES)] = f

    pltpu.sync_copy(cnt_v, cnt_sh.at[pl.ds(tid * SLOTS, SLOTS)])
    pltpu.sync_copy(conf_v, sconf_sh.at[pl.ds(tid * SLOTS, SLOTS)])
    pltpu.sync_copy(acc_v, sacc_sh.at[pl.ds(tid * SLOTS, SLOTS)])

    plsc.subcore_barrier()

    @pl.when(tid == 0)
    def _finalize():
        nslots = N_TILES * SLOTS
        pltpu.sync_copy(cnt_sh, buf_v.at[pl.ds(0, nslots)])
        pltpu.sync_copy(sconf_sh, buf_v.at[pl.ds(nslots, nslots)])
        pltpu.sync_copy(sacc_sh, buf_v.at[pl.ds(2 * nslots, nslots)])
        cnt = zeros
        sc = zeros
        sa = zeros
        for r in range(nslots // LANES):
            cnt = cnt + buf_v[pl.ds(r * LANES, LANES)]
            sc = sc + buf_v[pl.ds(nslots + r * LANES, LANES)]
            sa = sa + buf_v[pl.ds(2 * nslots + r * LANES, LANES)]
        safe = jnp.maximum(cnt, 1.0)
        contrib = jnp.abs(sc / safe - sa / safe) * (cnt * jnp.float32(1.0 / N_ROWS))
        valid = (cnt > 0.0) & (lane > 0)
        contrib = jnp.where(valid, contrib, 0.0)
        outbuf_v[...] = jnp.broadcast_to(jnp.sum(contrib), (LANES,))
        pltpu.sync_copy(outbuf_v, out_hbm)


@functools.cache
def _sc_histogram_fn():
    return functools.partial(
        pl.kernel,
        out_type=jax.ShapeDtypeStruct((LANES,), jnp.float32),
        mesh=plsc.VectorSubcoreMesh(
            core_axis_name="c", subcore_axis_name="s", num_cores=1),
        compiler_params=pltpu.CompilerParams(needs_layout_passes=False),
        scratch_types=[
            pltpu.VMEM((PER_TILE,), jnp.float32),
            pltpu.VMEM((BANKS * SLOTS,), jnp.float32),
            pltpu.VMEM((BANKS * SLOTS,), jnp.float32),
            pltpu.VMEM((SLOTS,), jnp.float32),
            pltpu.VMEM((SLOTS,), jnp.float32),
            pltpu.VMEM((SLOTS,), jnp.float32),
            pltpu.VMEM((LANES,), jnp.float32),
            pltpu.VMEM_SHARED((N_TILES * SLOTS,), jnp.float32),
            pltpu.VMEM_SHARED((N_TILES * SLOTS,), jnp.float32),
            pltpu.VMEM_SHARED((N_TILES * SLOTS,), jnp.float32),
        ],
    )(_sc_body)


@jax.jit
def kernel(logits, labels):
    padded = _tc_stage(logits, labels)
    ece_vec = _sc_histogram_fn()(padded)
    return ece_vec[0:1]

# --- scband reference (transcript-rebuilt; emitter-appended) ---
"""Pipeline reference for scband-eceloss-21199958573518 (READ-ONLY COPY).

The authoritative reference and input builder live on the scoring server;
editing this copy changes nothing except your own understanding.
"""

import jax, jax.numpy as jnp
import numpy as np

N_BINS = 15


def setup_inputs(seed: int = 0) -> dict:
    key = jax.random.key(seed)
    k1, k2 = jax.random.split(key)
    logits = jax.random.normal(k1, (1000000, 100), dtype=jnp.float32)
    labels = jax.random.randint(k2, (1000000,), 0, 100, dtype=jnp.int64)
    return {"logits": logits, "labels": labels}


def reference(logits, labels):
    bin_boundaries = np.linspace(0.0, 1.0, N_BINS + 1)
    bin_lowers = bin_boundaries[:-1]
    bin_uppers = bin_boundaries[1:]

    softmaxes = jax.nn.softmax(logits, axis=1)
    confidences = jnp.max(softmaxes, axis=1)
    predictions = jnp.argmax(softmaxes, axis=1)
    accuracies = (predictions == labels).astype(jnp.float32)

    ece = jnp.zeros((1,), dtype=logits.dtype)
    for lo, hi in zip(bin_lowers, bin_uppers):
        in_bin = (confidences > float(lo)) & (confidences <= float(hi))
        in_bin_f = in_bin.astype(jnp.float32)
        prop_in_bin = jnp.mean(in_bin_f)
        cnt = jnp.sum(in_bin_f)
        safe_cnt = jnp.maximum(cnt, 1.0)
        accuracy_in_bin = jnp.sum(jnp.where(in_bin, accuracies, 0.0)) / safe_cnt
        avg_confidence_in_bin = jnp.sum(jnp.where(in_bin, confidences, 0.0)) / safe_cnt
        contrib = jnp.where(cnt > 0.0, jnp.abs(avg_confidence_in_bin - accuracy_in_bin) * prop_in_bin, 0.0)
        ece = ece + contrib
    return ece

if __name__ == "__main__":
    import jax
    _d = setup_inputs()
    print(jax.jit(kernel)(*tuple(_d.values())))

</pallas_src>

<mosaic_0001>
#map = affine_map<(d0, d1) -> (0)>
module attributes {stable_mosaic.version = 14 : i64} {
  func.func @_sc_body(%arg0: i32, %arg1: i32, %arg2: memref<1015808xf32, #tpu.memory_space<hbm>>, %arg3: memref<16xf32, #tpu.memory_space<hbm>>, %arg4: memref<63488xf32, #tpu.memory_space<vmem>>, %arg5: memref<1024xf32, #tpu.memory_space<vmem>>, %arg6: memref<1024xf32, #tpu.memory_space<vmem>>, %arg7: memref<256xf32, #tpu.memory_space<vmem>>, %arg8: memref<256xf32, #tpu.memory_space<vmem>>, %arg9: memref<256xf32, #tpu.memory_space<vmem>>, %arg10: memref<16xf32, #tpu.memory_space<vmem>>, %arg11: memref<4096xf32, #tpu.memory_space<vmem_shared>>, %arg12: memref<4096xf32, #tpu.memory_space<vmem_shared>>, %arg13: memref<4096xf32, #tpu.memory_space<vmem_shared>>) attributes {dimension_semantics = [#tpu.dimension_semantics<core_parallel>, #tpu.dimension_semantics<subcore_parallel>], iteration_bounds = array<i64: 1, 16>, scalar_prefetch = 0 : i64, scratch_operands = 10 : i64, tpu.core_type = #tpu.core_type<sc_vector_subcore>, window_params = [{transform_indices = #map}, {transform_indices = #map}]} {
    %mul3A = arith.constant 63488 : i32
    %mul3A_0 = arith.muli %arg1, %mul3A : i32
    "tpu.region"() ({
      %run_scoped3A = tpu.sem_alloc : memref<!tpu.dma_semaphore, #tpu.memory_space<semaphore_mem>>
      %dma_start3A = tpu.memref_slice %arg2[%mul3A_0] : memref<1015808xf32, #tpu.memory_space<hbm>> -> memref<63488xf32, #tpu.memory_space<hbm>>
      %dma_start3A_880 = tpu.memref_slice %arg2[%mul3A_0] : memref<1015808xf32, #tpu.memory_space<hbm>> -> memref<63488xf32, #tpu.memory_space<hbm>>
      tpu.enqueue_dma source(%dma_start3A_880 : memref<63488xf32, #tpu.memory_space<hbm>>) target(%arg4 : memref<63488xf32, #tpu.memory_space<vmem>>) target_semaphore(%run_scoped3A : memref<!tpu.dma_semaphore, #tpu.memory_space<semaphore_mem>>)
      %dma_wait3A = tpu.memref_slice %arg2[%mul3A_0] : memref<1015808xf32, #tpu.memory_space<hbm>> -> memref<63488xf32, #tpu.memory_space<hbm>>
      %dma_wait3A_881 = tpu.memref_slice %arg2[%mul3A_0] : memref<1015808xf32, #tpu.memory_space<hbm>> -> memref<63488xf32, #tpu.memory_space<hbm>>
      tpu.wait_dma2 semaphore(%run_scoped3A : memref<!tpu.dma_semaphore, #tpu.memory_space<semaphore_mem>>) src(%dma_wait3A_881 : memref<63488xf32, #tpu.memory_space<hbm>>) dst(%arg4 : memref<63488xf32, #tpu.memory_space<vmem>>)
      tpu.yield
    }) : () -> ()
    %iota3A = tpu.iota {dimensions = array<i32: 0>} : vector<16xi32>
    %broadcast_in_dim3A = arith.constant 0.000000e+00 : f32
    %broadcast_in_dim3A_1 = vector.broadcast %broadcast_in_dim3A : f32 to vector<16xf32>
    %swap3A = arith.constant 0 : index
    %swap3A_2 = tpu.vector_load %arg5[%swap3A] {strides = array<i32>} : memref<1024xf32, #tpu.memory_space<vmem>>, vector<16xf32>,
    tpu.vector_store %arg5[%swap3A], %broadcast_in_dim3A_1 {strides = array<i32>} : memref<1024xf32, #tpu.memory_space<vmem>>, vector<16xf32>,
    %swap3A_3 = arith.constant 0 : index
    %swap3A_4 = tpu.vector_load %arg6[%swap3A_3] {strides = array<i32>} : memref<1024xf32, #tpu.memory_space<vmem>>, vector<16xf32>,
    tpu.vector_store %arg6[%swap3A_3], %broadcast_in_dim3A_1 {strides = array<i32>} : memref<1024xf32, #tpu.memory_space<vmem>>, vector<16xf32>,
    %swap3A_5 = arith.constant 16 : index
    %swap3A_6 = tpu.vector_load %arg5[%swap3A_5] {strides = array<i32>} : memref<1024xf32, #tpu.memory_space<vmem>>, vector<16xf32>,
    tpu.vector_store %arg5[%swap3A_5], %broadcast_in_dim3A_1 {strides = array<i32>} : memref<1024xf32, #tpu.memory_space<vmem>>, vector<16xf32>,
    %swap3A_7 = arith.constant 16 : index
    %swap3A_8 = tpu.vector_load %arg6[%swap3A_7] {strides = array<i32>} : memref<1024xf32, #tpu.memory_space<vmem>>, vector<16xf32>,
    tpu.vector_store %arg6[%swap3A_7], %broadcast_in_dim3A_1 {strides = array<i32>} : memref<1024xf32, #tpu.memory_space<vmem>>, vector<16xf32>,
    %swap3A_9 = arith.constant 32 : index
    %swap3A_10 = tpu.vector_load %arg5[%swap3A_9] {strides = array<i32>} : memref<1024xf32, #tpu.memory_space<vmem>>, vector<16xf32>,
    tpu.vector_store %arg5[%swap3A_9], %broadcast_in_dim3A_1 {strides = array<i32>} : memref<1024xf32, #tpu.memory_space<vmem>>, vector<16xf32>,
    %swap3A_11 = arith.constant 32 : index
    %swap3A_12 = tpu.vector_load %arg6[%swap3A_11] {strides = array<i32>} : memref<1024xf32, #tpu.memory_space<vmem>>, vector<16xf32>,
    tpu.vector_store %arg6[%swap3A_11], %broadcast_in_dim3A_1 {strides = array<i32>} : memref<1024xf32, #tpu.memory_space<vmem>>, vector<16xf32>,
    %swap3A_13 = arith.constant 48 : index
    %swap3A_14 = tpu.vector_load %arg5[%swap3A_13] {strides = array<i32>} : memref<1024xf32, #tpu.memory_space<vmem>>, vector<16xf32>,
    tpu.vector_store %arg5[%swap3A_13], %broadcast_in_dim3A_1 {strides = array<i32>} : memref<1024xf32, #tpu.memory_space<vmem>>, vector<16xf32>,
    %swap3A_15 = arith.constant 48 : index
    %swap3A_16 = tpu.vector_load %arg6[%swap3A_15] {strides = array<i32>} : memref<1024xf32, #tpu.memory_space<vmem>>, vector<16xf32>,
    tpu.vector_store %arg6[%swap3A_15], %broadcast_in_dim3A_1 {strides = array<i32>} : memref<1024xf32, #tpu.memory_space<vmem>>, vector<16xf32>,
    %swap3A_17 = arith.constant 64 : index
    %swap3A_18 = tpu.vector_load %arg5[%swap3A_17] {strides = array<i32>} : memref<1024xf32, #tpu.memory_space<vmem>>, vector<16xf32>,
    tpu.vector_store %arg5[%swap3A_17], %broadcast_in_dim3A_1 {strides = array<i32>} : memref<1024xf32, #tpu.memory_space<vmem>>, vector<16xf32>,
    %swap3A_19 = arith.constant 64 : index
    %swap3A_20 = tpu.vector_load %arg6[%swap3A_19] {strides = array<i32>} : memref<1024xf32, #tpu.memory_space<vmem>>, vector<16xf32>,
    tpu.vector_store %arg6[%swap3A_19], %broadcast_in_dim3A_1 {strides = array<i32>} : memref<1024xf32, #tpu.memory_space<vmem>>, vector<16xf32>,
    %swap3A_21 = arith.constant 80 : index
    %swap3A_22 = tpu.vector_load %arg5[%swap3A_21] {strides = array<i32>} : memref<1024xf32, #tpu.memory_space<vmem>>, vector<16xf32>,
    tpu.vector_store %arg5[%swap3A_21], %broadcast_in_dim3A_1 {strides = array<i32>} : memref<1024xf32, #tpu.memory_space<vmem>>, vector<16xf32>,
    %swap3A_23 = arith.constant 80 : index
    %swap3A_24 = tpu.vector_load %arg6[%swap3A_23] {strides = array<i32>} : memref<1024xf32, #tpu.memory_space<vmem>>, vector<16xf32>,
    tpu.vector_store %arg6[%swap3A_23], %broadcast_in_dim3A_1 {strides = array<i32>} : memref<1024xf32, #tpu.memory_space<vmem>>, vector<16xf32>,
    %swap3A_25 = arith.constant 96 : index
    %swap3A_26 = tpu.vector_load %arg5[%swap3A_25] {strides = array<i32>} : memref<1024xf32, #tpu.memory_space<vmem>>, vector<16xf32>,
    tpu.vector_store %arg5[%swap3A_25], %broadcast_in_dim3A_1 {strides = array<i32>} : memref<1024xf32, #tpu.memory_space<vmem>>, vector<16xf32>,
    %swap3A_27 = arith.constant 96 : index
    %swap3A_28 = tpu.vector_load %arg6[%swap3A_27] {strides = array<i32>} : memref<1024xf32, #tpu.memory_space<vmem>>, vector<16xf32>,
    tpu.vector_store %arg6[%swap3A_27], %broadcast_in_dim3A_1 {strides = array<i32>} : memref<1024xf32, #tpu.memory_space<vmem>>, vector<16xf32>,
    %swap3A_29 = arith.constant 112 : index
    %swap3A_30 = tpu.vector_load %arg5[%swap3A_29] {strides = array<i32>} : memref<1024xf32, #tpu.memory_space<vmem>>, vector<16xf32>,
    tpu.vector_store %arg5[%swap3A_29], %broadcast_in_dim3A_1 {strides = array<i32>} : memref<1024xf32, #tpu.memory_space<vmem>>, vector<16xf32>,
    %swap3A_31 = arith.constant 112 : index
    %swap3A_32 = tpu.vector_load %arg6[%swap3A_31] {strides = array<i32>} : memref<1024xf32, #tpu.memory_space<vmem>>, vector<16xf32>,
    tpu.vector_store %arg6[%swap3A_31], %broadcast_in_dim3A_1 {strides = array<i32>} : memref<1024xf32, #tpu.memory_space<vmem>>, vector<16xf32>,
    %swap3A_33 = arith.constant 128 : index
    %swap3A_34 = tpu.vector_load %arg5[%swap3A_33] {strides = array<i32>} : memref<1024xf32, #tpu.memory_space<vmem>>, vector<16xf32>,
    tpu.vector_store %arg5[%swap3A_33], %broadcast_in_dim3A_1 {strides = array<i32>} : memref<1024xf32, #tpu.memory_space<vmem>>, vector<16xf32>,
    %swap3A_35 = arith.constant 128 : index
    %swap3A_36 = tpu.vector_load %arg6[%swap3A_35] {strides = array<i32>} : memref<1024xf32, #tpu.memory_space<vmem>>, vector<16xf32>,
    tpu.vector_store %arg6[%swap3A_35], %broadcast_in_dim3A_1 {strides = array<i32>} : memref<1024xf32, #tpu.memory_space<vmem>>, vector<16xf32>,
    %swap3A_37 = arith.constant 144 : index
    %swap3A_38 = tpu.vector_load %arg5[%swap3A_37] {strides = array<i32>} : memref<1024xf32, #tpu.memory_space<vmem>>, vector<16xf32>,
    tpu.vector_store %arg5[%swap3A_37], %broadcast_in_dim3A_1 {strides = array<i32>} : memref<1024xf32, #tpu.memory_space<vmem>>, vector<16xf32>,
    %swap3A_39 = arith.constant 144 : index
    %swap3A_40 = tpu.vector_load %arg6[%swap3A_39] {strides = array<i32>} : memref<1024xf32, #tpu.memory_space<vmem>>, vector<16xf32>,
    tpu.vector_store %arg6[%swap3A_39], %broadcast_in_dim3A_1 {strides = array<i32>} : memref<1024xf32, #tpu.memory_space<vmem>>, vector<16xf32>,
    %swap3A_41 = arith.constant 160 : index
    %swap3A_42 = tpu.vector_load %arg5[%swap3A_41] {strides = array<i32>} : memref<1024xf32, #tpu.memory_space<vmem>>, vector<16xf32>,
    tpu.vector_store %arg5[%swap3A_41], %broadcast_in_dim3A_1 {strides = array<i32>} : memref<1024xf32, #tpu.memory_space<vmem>>, vector<16xf32>,
    %swap3A_43 = arith.constant 160 : index
    %swap3A_44 = tpu.vector_load %arg6[%swap3A_43] {strides = array<i32>} : memref<1024xf32, #tpu.memory_space<vmem>>, vector<16xf32>,
    tpu.vector_store %arg6[%swap3A_43], %broadcast_in_dim3A_1 {strides = array<i32>} : memref<1024xf32, #tpu.memory_space<vmem>>, vector<16xf32>,
    %swap3A_45 = arith.constant 176 : index
    %swap3A_46 = tpu.vector_load %arg5[%swap3A_45] {strides = array<i32>} : memref<1024xf32, #tpu.memory_space<vmem>>, vector<16xf32>,
    tpu.vector_store %arg5[%swap3A_45], %broadcast_in_dim3A_1 {strides = array<i32>} : memref<1024xf32, #tpu.memory_space<vmem>>, vector<16xf32>,
    %swap3A_47 = arith.constant 176 : index
    %swap3A_48 = tpu.vector_load %arg6[%swap3A_47] {strides = array<i32>} : memref<1024xf32, #tpu.memory_space<vmem>>, vector<16xf32>,
    tpu.vector_store %arg6[%swap3A_47], %broadcast_in_dim3A_1 {strides = array<i32>} : memref<1024xf32, #tpu.memory_space<vmem>>, vector<16xf32>,
    %swap3A_49 = arith.constant 192 : index
    %swap3A_50 = tpu.vector_load %arg5[%swap3A_49] {strides = array<i32>} : memref<1024xf32, #tpu.memory_space<vmem>>, vector<16xf32>,
    tpu.vector_store %arg5[%swap3A_49], %broadcast_in_dim3A_1 {strides = array<i32>} : memref<1024xf32, #tpu.memory_space<vmem>>, vector<16xf32>,
    %swap3A_51 = arith.constant 192 : index
    %swap3A_52 = tpu.vector_load %arg6[%swap3A_51] {strides = array<i32>} : memref<1024xf32, #tpu.memory_space<vmem>>, vector<16xf32>,
    tpu.vector_store %arg6[%swap3A_51], %broadcast_in_dim3A_1 {strides = array<i32>} : memref<1024xf32, #tpu.memory_space<vmem>>, vector<16xf32>,
    %swap3A_53 = arith.constant 208 : index
    %swap3A_54 = tpu.vector_load %arg5[%swap3A_53] {strides = array<i32>} : memref<1024xf32, #tpu.memory_space<vmem>>, vector<16xf32>,
    tpu.vector_store %arg5[%swap3A_53], %broadcast_in_dim3A_1 {strides = array<i32>} : memref<1024xf32, #tpu.memory_space<vmem>>, vector<16xf32>,
    %swap3A_55 = arith.constant 208 : index
    %swap3A_56 = tpu.vector_load %arg6[%swap3A_55] {strides = array<i32>} : memref<1024xf32, #tpu.memory_space<vmem>>, vector<16xf32>,
    tpu.vector_store %arg6[%swap3A_55], %broadcast_in_dim3A_1 {strides = array<i32>} : memref<1024xf32, #tpu.memory_space<vmem>>, vector<16xf32>,
    %swap3A_57 = arith.constant 224 : index
    %swap3A_58 = tpu.vector_load %arg5[%swap3A_57] {strides = array<i32>} : memref<1024xf32, #tpu.memory_space<vmem>>, vector<16xf32>,
    tpu.vector_store %arg5[%swap3A_57], %broadcast_in_dim3A_1 {strides = array<i32>} : memref<1024xf32, #tpu.memory_space<vmem>>, vector<16xf32>,
    %swap3A_59 = arith.constant 224 : index
    %swap3A_60 = tpu.vector_load %arg6[%swap3A_59] {strides = array<i32>} : memref<1024xf32, #tpu.memory_space<vmem>>, vector<16xf32>,
    tpu.vector_store %arg6[%swap3A_59], %broadcast_in_dim3A_1 {strides = array<i32>} : memref<1024xf32, #tpu.memory_space<vmem>>, vector<16xf32>,
    %swap3A_61 = arith.constant 240 : index
    %swap3A_62 = tpu.vector_load %arg5[%swap3A_61] {strides = array<i32>} : memref<1024xf32, #tpu.memory_space<vmem>>, vector<16xf32>,
    tpu.vector_store %arg5[%swap3A_61], %broadcast_in_dim3A_1 {strides = array<i32>} : memref<1024xf32, #tpu.memory_space<vmem>>, vector<16xf32>,
    %swap3A_63 = arith.constant 240 : index
    %swap3A_64 = tpu.vector_load %arg6[%swap3A_63] {strides = array<i32>} : memref<1024xf32, #tpu.memory_space<vmem>>, vector<16xf32>,
    tpu.vector_store %arg6[%swap3A_63], %broadcast_in_dim3A_1 {strides = array<i32>} : memref<1024xf32, #tpu.memory_space<vmem>>, vector<16xf32>,
    %swap3A_65 = arith.constant 256 : index
    %swap3A_66 = tpu.vector_load %arg5[%swap3A_65] {strides = array<i32>} : memref<1024xf32, #tpu.memory_space<vmem>>, vector<16xf32>,
    tpu.vector_store %arg5[%swap3A_65], %broadcast_in_dim3A_1 {strides = array<i32>} : memref<1024xf32, #tpu.memory_space<vmem>>, vector<16xf32>,
    %swap3A_67 = arith.constant 256 : index
    %swap3A_68 = tpu.vector_load %arg6[%swap3A_67] {strides = array<i32>} : memref<1024xf32, #tpu.memory_space<vmem>>, vector<16xf32>,
    tpu.vector_store %arg6[%swap3A_67], %broadcast_in_dim3A_1 {strides = array<i32>} : memref<1024xf32, #tpu.memory_space<vmem>>, vector<16xf32>,
    %swap3A_69 = arith.constant 272 : index
    %swap3A_70 = tpu.vector_load %arg5[%swap3A_69] {strides = array<i32>} : memref<1024xf32, #tpu.memory_space<vmem>>, vector<16xf32>,
    tpu.vector_store %arg5[%swap3A_69], %broadcast_in_dim3A_1 {strides = array<i32>} : memref<1024xf32, #tpu.memory_space<vmem>>, vector<16xf32>,
    %swap3A_71 = arith.constant 272 : index
    %swap3A_72 = tpu.vector_load %arg6[%swap3A_71] {strides = array<i32>} : memref<1024xf32, #tpu.memory_space<vmem>>, vector<16xf32>,
    tpu.vector_store %arg6[%swap3A_71], %broadcast_in_dim3A_1 {strides = array<i32>} : memref<1024xf32, #tpu.memory_space<vmem>>, vector<16xf32>,
    %swap3A_73 = arith.constant 288 : index
    %swap3A_74 = tpu.vector_load %arg5[%swap3A_73] {strides = array<i32>} : memref<1024xf32, #tpu.memory_space<vmem>>, vector<16xf32>,
    tpu.vector_store %arg5[%swap3A_73], %broadcast_in_dim3A_1 {strides = array<i32>} : memref<1024xf32, #tpu.memory_space<vmem>>, vector<16xf32>,
    %swap3A_75 = arith.constant 288 : index
    %swap3A_76 = tpu.vector_load %arg6[%swap3A_75] {strides = array<i32>} : memref<1024xf32, #tpu.memory_space<vmem>>, vector<16xf32>,
    tpu.vector_store %arg6[%swap3A_75], %broadcast_in_dim3A_1 {strides = array<i32>} : memref<1024xf32, #tpu.memory_space<vmem>>, vector<16xf32>,
    %swap3A_77 = arith.constant 304 : index
    %swap3A_78 = tpu.vector_load %arg5[%swap3A_77] {strides = array<i32>} : memref<1024xf32, #tpu.memory_space<vmem>>, vector<16xf32>,
    tpu.vector_store %arg5[%swap3A_77], %broadcast_in_dim3A_1 {strides = array<i32>} : memref<1024xf32, #tpu.memory_space<vmem>>, vector<16xf32>,
    %swap3A_79 = arith.constant 304 : index
    %swap3A_80 = tpu.vector_load %arg6[%swap3A_79] {strides = array<i32>} : memref<1024xf32, #tpu.memory_space<vmem>>, vector<16xf32>,
    tpu.vector_store %arg6[%swap3A_79], %broadcast_in_dim3A_1 {strides = array<i32>} : memref<1024xf32, #tpu.memory_space<vmem>>, vector<16xf32>,
    %swap3A_81 = arith.constant 320 : index
    %swap3A_82 = tpu.vector_load %arg5[%swap3A_81] {strides = array<i32>} : memref<1024xf32, #tpu.memory_space<vmem>>, vector<16xf32>,
    tpu.vector_store %arg5[%swap3A_81], %broadcast_in_dim3A_1 {strides = array<i32>} : memref<1024xf32, #tpu.memory_space<vmem>>, vector<16xf32>,
    %swap3A_83 = arith.constant 320 : index
    %swap3A_84 = tpu.vector_load %arg6[%swap3A_83] {strides = array<i32>} : memref<1024xf32, #tpu.memory_space<vmem>>, vector<16xf32>,
    tpu.vector_store %arg6[%swap3A_83], %broadcast_in_dim3A_1 {strides = array<i32>} : memref<1024xf32, #tpu.memory_space<vmem>>, vector<16xf32>,
    %swap3A_85 = arith.constant 336 : index
    %swap3A_86 = tpu.vector_load %arg5[%swap3A_85] {strides = array<i32>} : memref<1024xf32, #tpu.memory_space<vmem>>, vector<16xf32>,
    tpu.vector_store %arg5[%swap3A_85], %broadcast_in_dim3A_1 {strides = array<i32>} : memref<1024xf32, #tpu.memory_space<vmem>>, vector<16xf32>,
    %swap3A_87 = arith.constant 336 : index
    %swap3A_88 = tpu.vector_load %arg6[%swap3A_87] {strides = array<i32>} : memref<1024xf32, #tpu.memory_space<vmem>>, vector<16xf32>,
    tpu.vector_store %arg6[%swap3A_87], %broadcast_in_dim3A_1 {strides = array<i32>} : memref<1024xf32, #tpu.memory_space<vmem>>, vector<16xf32>,
    %swap3A_89 = arith.constant 352 : index
    %swap3A_90 = tpu.vector_load %arg5[%swap3A_89] {strides = array<i32>} : memref<1024xf32, #tpu.memory_space<vmem>>, vector<16xf32>,
    tpu.vector_store %arg5[%swap3A_89], %broadcast_in_dim3A_1 {strides = array<i32>} : memref<1024xf32, #tpu.memory_space<vmem>>, vector<16xf32>,
    %swap3A_91 = arith.constant 352 : index
    %swap3A_92 = tpu.vector_load %arg6[%swap3A_91] {strides = array<i32>} : memref<1024xf32, #tpu.memory_space<vmem>>, vector<16xf32>,
    tpu.vector_store %arg6[%swap3A_91], %broadcast_in_dim3A_1 {strides = array<i32>} : memref<1024xf32, #tpu.memory_space<vmem>>, vector<16xf32>,
    %swap3A_93 = arith.constant 368 : index
    %swap3A_94 = tpu.vector_load %arg5[%swap3A_93] {strides = array<i32>} : memref<1024xf32, #tpu.memory_space<vmem>>, vector<16xf32>,
    tpu.vector_store %arg5[%swap3A_93], %broadcast_in_dim3A_1 {strides = array<i32>} : memref<1024xf32, #tpu.memory_space<vmem>>, vector<16xf32>,
    %swap3A_95 = arith.constant 368 : index
    %swap3A_96 = tpu.vector_load %arg6[%swap3A_95] {strides = array<i32>} : memref<1024xf32, #tpu.memory_space<vmem>>, vector<16xf32>,
    tpu.vector_store %arg6[%swap3A_95], %broadcast_in_dim3A_1 {strides = array<i32>} : memref<1024xf32, #tpu.memory_space<vmem>>, vector<16xf32>,
    %swap3A_97 = arith.constant 384 : index
    %swap3A_98 = tpu.vector_load %arg5[%swap3A_97] {strides = array<i32>} : memref<1024xf32, #tpu.memory_space<vmem>>, vector<16xf32>,
    tpu.vector_store %arg5[%swap3A_97], %broadcast_in_dim3A_1 {strides = array<i32>} : memref<1024xf32, #tpu.memory_space<vmem>>, vector<16xf32>,
    %swap3A_99 = arith.constant 384 : index
    %swap3A_100 = tpu.vector_load %arg6[%swap3A_99] {strides = array<i32>} : memref<1024xf32, #tpu.memory_space<vmem>>, vector<16xf32>,
    tpu.vector_store %arg6[%swap3A_99], %broadcast_in_dim3A_1 {strides = array<i32>} : memref<1024xf32, #tpu.memory_space<vmem>>, vector<16xf32>,
    %swap3A_101 = arith.constant 400 : index
    %swap3A_102 = tpu.vector_load %arg5[%swap3A_101] {strides = array<i32>} : memref<1024xf32, #tpu.memory_space<vmem>>, vector<16xf32>,
    tpu.vector_store %arg5[%swap3A_101], %broadcast_in_dim3A_1 {strides = array<i32>} : memref<1024xf32, #tpu.memory_space<vmem>>, vector<16xf32>,
    %swap3A_103 = arith.constant 400 : index
    %swap3A_104 = tpu.vector_load %arg6[%swap3A_103] {strides = array<i32>} : memref<1024xf32, #tpu.memory_space<vmem>>, vector<16xf32>,
    tpu.vector_store %arg6[%swap3A_103], %broadcast_in_dim3A_1 {strides = array<i32>} : memref<1024xf32, #tpu.memory_space<vmem>>, vector<16xf32>,
    %swap3A_105 = arith.constant 416 : index
    %swap3A_106 = tpu.vector_load %arg5[%swap3A_105] {strides = array<i32>} : memref<1024xf32, #tpu.memory_space<vmem>>, vector<16xf32>,
    tpu.vector_store %arg5[%swap3A_105], %broadcast_in_dim3A_1 {strides = array<i32>} : memref<1024xf32, #tpu.memory_space<vmem>>, vector<16xf32>,
    %swap3A_107 = arith.constant 416 : index
    %swap3A_108 = tpu.vector_load %arg6[%swap3A_107] {strides = array<i32>} : memref<1024xf32, #tpu.memory_space<vmem>>, vector<16xf32>,
    tpu.vector_store %arg6[%swap3A_107], %broadcast_in_dim3A_1 {strides = array<i32>} : memref<1024xf32, #tpu.memory_space<vmem>>, vector<16xf32>,
    %swap3A_109 = arith.constant 432 : index
    %swap3A_110 = tpu.vector_load %arg5[%swap3A_109] {strides = array<i32>} : memref<1024xf32, #tpu.memory_space<vmem>>, vector<16xf32>,
    tpu.vector_store %arg5[%swap3A_109], %broadcast_in_dim3A_1 {strides = array<i32>} : memref<1024xf32, #tpu.memory_space<vmem>>, vector<16xf32>,
    %swap3A_111 = arith.constant 432 : index
    %swap3A_112 = tpu.vector_load %arg6[%swap3A_111] {strides = array<i32>} : memref<1024xf32, #tpu.memory_space<vmem>>, vector<16xf32>,
    tpu.vector_store %arg6[%swap3A_111], %broadcast_in_dim3A_1 {strides = array<i32>} : memref<1024xf32, #tpu.memory_space<vmem>>, vector<16xf32>,
    %swap3A_113 = arith.constant 448 : index
    %swap3A_114 = tpu.vector_load %arg5[%swap3A_113] {strides = array<i32>} : memref<1024xf32, #tpu.memory_space<vmem>>, vector<16xf32>,
    tpu.vector_store %arg5[%swap3A_113], %broadcast_in_dim3A_1 {strides = array<i32>} : memref<1024xf32, #tpu.memory_space<vmem>>, vector<16xf32>,
    %swap3A_115 = arith.constant 448 : index
    %swap3A_116 = tpu.vector_load %arg6[%swap3A_115] {strides = array<i32>} : memref<1024xf32, #tpu.memory_space<vmem>>, vector<16xf32>,
    tpu.vector_store %arg6[%swap3A_115], %broadcast_in_dim3A_1 {strides = array<i32>} : memref<1024xf32, #tpu.memory_space<vmem>>, vector<16xf32>,
    %swap3A_117 = arith.constant 464 : index
    %swap3A_118 = tpu.vector_load %arg5[%swap3A_117] {strides = array<i32>} : memref<1024xf32, #tpu.memory_space<vmem>>, vector<16xf32>,
    tpu.vector_store %arg5[%swap3A_117], %broadcast_in_dim3A_1 {strides = array<i32>} : memref<1024xf32, #tpu.memory_space<vmem>>, vector<16xf32>,
    %swap3A_119 = arith.constant 464 : index
    %swap3A_120 = tpu.vector_load %arg6[%swap3A_119] {strides = array<i32>} : memref<1024xf32, #tpu.memory_space<vmem>>, vector<16xf32>,
    tpu.vector_store %arg6[%swap3A_119], %broadcast_in_dim3A_1 {strides = array<i32>} : memref<1024xf32, #tpu.memory_space<vmem>>, vector<16xf32>,
    %swap3A_121 = arith.constant 480 : index
    %swap3A_122 = tpu.vector_load %arg5[%swap3A_121] {strides = array<i32>} : memref<1024xf32, #tpu.memory_space<vmem>>, vector<16xf32>,
    tpu.vector_store %arg5[%swap3A_121], %broadcast_in_dim3A_1 {strides = array<i32>} : memref<1024xf32, #tpu.memory_space<vmem>>, vector<16xf32>,
    %swap3A_123 = arith.constant 480 : index
    %swap3A_124 = tpu.vector_load %arg6[%swap3A_123] {strides = array<i32>} : memref<1024xf32, #tpu.memory_space<vmem>>, vector<16xf32>,
    tpu.vector_store %arg6[%swap3A_123], %broadcast_in_dim3A_1 {strides = array<i32>} : memref<1024xf32, #tpu.memory_space<vmem>>, vector<16xf32>,
    %swap3A_125 = arith.constant 496 : index
    %swap3A_126 = tpu.vector_load %arg5[%swap3A_125] {strides = array<i32>} : memref<1024xf32, #tpu.memory_space<vmem>>, vector<16xf32>,
    tpu.vector_store %arg5[%swap3A_125], %broadcast_in_dim3A_1 {strides = array<i32>} : memref<1024xf32, #tpu.memory_space<vmem>>, vector<16xf32>,
    %swap3A_127 = arith.constant 496 : index
    %swap3A_128 = tpu.vector_load %arg6[%swap3A_127] {strides = array<i32>} : memref<1024xf32, #tpu.memory_space<vmem>>, vector<16xf32>,
    tpu.vector_store %arg6[%swap3A_127], %broadcast_in_dim3A_1 {strides = array<i32>} : memref<1024xf32, #tpu.memory_space<vmem>>, vector<16xf32>,
    %swap3A_129 = arith.constant 512 : index
    %swap3A_130 = tpu.vector_load %arg5[%swap3A_129] {strides = array<i32>} : memref<1024xf32, #tpu.memory_space<vmem>>, vector<16xf32>,
    tpu.vector_store %arg5[%swap3A_129], %broadcast_in_dim3A_1 {strides = array<i32>} : memref<1024xf32, #tpu.memory_space<vmem>>, vector<16xf32>,
    %swap3A_131 = arith.constant 512 : index
    %swap3A_132 = tpu.vector_load %arg6[%swap3A_131] {strides = array<i32>} : memref<1024xf32, #tpu.memory_space<vmem>>, vector<16xf32>,
    tpu.vector_store %arg6[%swap3A_131], %broadcast_in_dim3A_1 {strides = array<i32>} : memref<1024xf32, #tpu.memory_space<vmem>>, vector<16xf32>,
    %swap3A_133 = arith.constant 528 : index
    %swap3A_134 = tpu.vector_load %arg5[%swap3A_133] {strides = array<i32>} : memref<1024xf32, #tpu.memory_space<vmem>>, vector<16xf32>,
    tpu.vector_store %arg5[%swap3A_133], %broadcast_in_dim3A_1 {strides = array<i32>} : memref<1024xf32, #tpu.memory_space<vmem>>, vector<16xf32>,
    %swap3A_135 = arith.constant 528 : index
    %swap3A_136 = tpu.vector_load %arg6[%swap3A_135] {strides = array<i32>} : memref<1024xf32, #tpu.memory_space<vmem>>, vector<16xf32>,
    tpu.vector_store %arg6[%swap3A_135], %broadcast_in_dim3A_1 {strides = array<i32>} : memref<1024xf32, #tpu.memory_space<vmem>>, vector<16xf32>,
    %swap3A_137 = arith.constant 544 : index
    %swap3A_138 = tpu.vector_load %arg5[%swap3A_137] {strides = array<i32>} : memref<1024xf32, #tpu.memory_space<vmem>>, vector<16xf32>,
    tpu.vector_store %arg5[%swap3A_137], %broadcast_in_dim3A_1 {strides = array<i32>} : memref<1024xf32, #tpu.memory_space<vmem>>, vector<16xf32>,
    %swap3A_139 = arith.constant 544 : index
    %swap3A_140 = tpu.vector_load %arg6[%swap3A_139] {strides = array<i32>} : memref<1024xf32, #tpu.memory_space<vmem>>, vector<16xf32>,
    tpu.vector_store %arg6[%swap3A_139], %broadcast_in_dim3A_1 {strides = array<i32>} : memref<1024xf32, #tpu.memory_space<vmem>>, vector<16xf32>,
    %swap3A_141 = arith.constant 560 : index
    %swap3A_142 = tpu.vector_load %arg5[%swap3A_141] {strides = array<i32>} : memref<1024xf32, #tpu.memory_space<vmem>>, vector<16xf32>,
    tpu.vector_store %arg5[%swap3A_141], %broadcast_in_dim3A_1 {strides = array<i32>} : memref<1024xf32, #tpu.memory_space<vmem>>, vector<16xf32>,
    %swap3A_143 = arith.constant 560 : index
    %swap3A_144 = tpu.vector_load %arg6[%swap3A_143] {strides = array<i32>} : memref<1024xf32, #tpu.memory_space<vmem>>, vector<16xf32>,
    tpu.vector_store %arg6[%swap3A_143], %broadcast_in_dim3A_1 {strides = array<i32>} : memref<1024xf32, #tpu.memory_space<vmem>>, vector<16xf32>,
    %swap3A_145 = arith.constant 576 : index
    %swap3A_146 = tpu.vector_load %arg5[%swap3A_145] {strides = array<i32>} : memref<1024xf32, #tpu.memory_space<vmem>>, vector<16xf32>,
    tpu.vector_store %arg5[%swap3A_145], %broadcast_in_dim3A_1 {strides = array<i32>} : memref<1024xf32, #tpu.memory_space<vmem>>, vector<16xf32>,
    %swap3A_147 = arith.constant 576 : index
    %swap3A_148 = tpu.vector_load %arg6[%swap3A_147] {strides = array<i32>} : memref<1024xf32, #tpu.memory_space<vmem>>, vector<16xf32>,
    tpu.vector_store %arg6[%swap3A_147], %broadcast_in_dim3A_1 {strides = array<i32>} : memref<1024xf32, #tpu.memory_space<vmem>>, vector<16xf32>,
    %swap3A_149 = arith.constant 592 : index
    %swap3A_150 = tpu.vector_load %arg5[%swap3A_149] {strides = array<i32>} : memref<1024xf32, #tpu.memory_space<vmem>>, vector<16xf32>,
    tpu.vector_store %arg5[%swap3A_149], %broadcast_in_dim3A_1 {strides = array<i32>} : memref<1024xf32, #tpu.memory_space<vmem>>, vector<16xf32>,
    %swap3A_151 = arith.constant 592 : index
    %swap3A_152 = tpu.vector_load %arg6[%swap3A_151] {strides = array<i32>} : memref<1024xf32, #tpu.memory_space<vmem>>, vector<16xf32>,
    tpu.vector_store %arg6[%swap3A_151], %broadcast_in_dim3A_1 {strides = array<i32>} : memref<1024xf32, #tpu.memory_space<vmem>>, vector<16xf32>,
    %swap3A_153 = arith.constant 608 : index
    %swap3A_154 = tpu.vector_load %arg5[%swap3A_153] {strides = array<i32>} : memref<1024xf32, #tpu.memory_space<vmem>>, vector<16xf32>,
    tpu.vector_store %arg5[%swap3A_153], %broadcast_in_dim3A_1 {strides = array<i32>} : memref<1024xf32, #tpu.memory_space<vmem>>, vector<16xf32>,
    %swap3A_155 = arith.constant 608 : index
    %swap3A_156 = tpu.vector_load %arg6[%swap3A_155] {strides = array<i32>} : memref<1024xf32, #tpu.memory_space<vmem>>, vector<16xf32>,
    tpu.vector_store %arg6[%swap3A_155], %broadcast_in_dim3A_1 {strides = array<i32>} : memref<1024xf32, #tpu.memory_space<vmem>>, vector<16xf32>,
    %swap3A_157 = arith.constant 624 : index
    %swap3A_158 = tpu.vector_load %arg5[%swap3A_157] {strides = array<i32>} : memref<1024xf32, #tpu.memory_space<vmem>>, vector<16xf32>,
    tpu.vector_store %arg5[%swap3A_157], %broadcast_in_dim3A_1 {strides = array<i32>} : memref<1024xf32, #tpu.memory_space<vmem>>, vector<16xf32>,
    %swap3A_159 = arith.constant 624 : index
    %swap3A_160 = tpu.vector_load %arg6[%swap3A_159] {strides = array<i32>} : memref<1024xf32, #tpu.memory_space<vmem>>, vector<16xf32>,
    tpu.vector_store %arg6[%swap3A_159], %broadcast_in_dim3A_1 {strides = array<i32>} : memref<1024xf32, #tpu.memory_space<vmem>>, vector<16xf32>,
    %swap3A_161 = arith.constant 640 : index
    %swap3A_162 = tpu.vector_load %arg5[%swap3A_161] {strides = array<i32>} : memref<1024xf32, #tpu.memory_space<vmem>>, vector<16xf32>,
    tpu.vector_store %arg5[%swap3A_161], %broadcast_in_dim3A_1 {strides = array<i32>} : memref<1024xf32, #tpu.memory_space<vmem>>, vector<16xf32>,
    %swap3A_163 = arith.constant 640 : index
    %swap3A_164 = tpu.vector_load %arg6[%swap3A_163] {strides = array<i32>} : memref<1024xf32, #tpu.memory_space<vmem>>, vector<16xf32>,
    tpu.vector_store %arg6[%swap3A_163], %broadcast_in_dim3A_1 {strides = array<i32>} : memref<1024xf32, #tpu.memory_space<vmem>>, vector<16xf32>,
    %swap3A_165 = arith.constant 656 : index
    %swap3A_166 = tpu.vector_load %arg5[%swap3A_165] {strides = array<i32>} : memref<1024xf32, #tpu.memory_space<vmem>>, vector<16xf32>,
    tpu.vector_store %arg5[%swap3A_165], %broadcast_in_dim3A_1 {strides = array<i32>} : memref<1024xf32, #tpu.memory_space<vmem>>, vector<16xf32>,
    %swap3A_167 = arith.constant 656 : index
    %swap3A_168 = tpu.vector_load %arg6[%swap3A_167] {strides = array<i32>} : memref<1024xf32, #tpu.memory_space<vmem>>, vector<16xf32>,
    tpu.vector_store %arg6[%swap3A_167], %broadcast_in_dim3A_1 {strides = array<i32>} : memref<1024xf32, #tpu.memory_space<vmem>>, vector<16xf32>,
    %swap3A_169 = arith.constant 672 : index
    %swap3A_170 = tpu.vector_load %arg5[%swap3A_169] {strides = array<i32>} : memref<1024xf32, #tpu.memory_space<vmem>>, vector<16xf32>,
    tpu.vector_store %arg5[%swap3A_169], %broadcast_in_dim3A_1 {strides = array<i32>} : memref<1024xf32, #tpu.memory_space<vmem>>, vector<16xf32>,
    %swap3A_171 = arith.constant 672 : index
    %swap3A_172 = tpu.vector_load %arg6[%swap3A_171] {strides = array<i32>} : memref<1024xf32, #tpu.memory_space<vmem>>, vector<16xf32>,
    tpu.vector_store %arg6[%swap3A_171], %broadcast_in_dim3A_1 {strides = array<i32>} : memref<1024xf32, #tpu.memory_space<vmem>>, vector<16xf32>,
    %swap3A_173 = arith.constant 688 : index
    %swap3A_174 = tpu.vector_load %arg5[%swap3A_173] {strides = array<i32>} : memref<1024xf32, #tpu.memory_space<vmem>>, vector<16xf32>,
    tpu.vector_store %arg5[%swap3A_173], %broadcast_in_dim3A_1 {strides = array<i32>} : memref<1024xf32, #tpu.memory_space<vmem>>, vector<16xf32>,
    %swap3A_175 = arith.constant 688 : index
    %swap3A_176 = tpu.vector_load %arg6[%swap3A_175] {strides = array<i32>} : memref<1024xf32, #tpu.memory_space<vmem>>, vector<16xf32>,
    tpu.vector_store %arg6[%swap3A_175], %broadcast_in_dim3A_1 {strides = array<i32>} : memref<1024xf32, #tpu.memory_space<vmem>>, vector<16xf32>,
    %swap3A_177 = arith.constant 704 : index
    %swap3A_178 = tpu.vector_load %arg5[%swap3A_177] {strides = array<i32>} : memref<1024xf32, #tpu.memory_space<vmem>>, vector<16xf32>,
    tpu.vector_store %arg5[%swap3A_177], %broadcast_in_dim3A_1 {strides = array<i32>} : memref<1024xf32, #tpu.memory_space<vmem>>, vector<16xf32>,
    %swap3A_179 = arith.constant 704 : index
    %swap3A_180 = tpu.vector_load %arg6[%swap3A_179] {strides = array<i32>} : memref<1024xf32, #tpu.memory_space<vmem>>, vector<16xf32>,
    tpu.vector_store %arg6[%swap3A_179], %broadcast_in_dim3A_1 {strides = array<i32>} : memref<1024xf32, #tpu.memory_space<vmem>>, vector<16xf32>,
    %swap3A_181 = arith.constant 720 : index
    %swap3A_182 = tpu.vector_load %arg5[%swap3A_181] {strides = array<i32>} : memref<1024xf32, #tpu.memory_space<vmem>>, vector<16xf32>,
    tpu.vector_store %arg5[%swap3A_181], %broadcast_in_dim3A_1 {strides = array<i32>} : memref<1024xf32, #tpu.memory_space<vmem>>, vector<16xf32>,
    %swap3A_183 = arith.constant 720 : index
    %swap3A_184 = tpu.vector_load %arg6[%swap3A_183] {strides = array<i32>} : memref<1024xf32, #tpu.memory_space<vmem>>, vector<16xf32>,
    tpu.vector_store %arg6[%swap3A_183], %broadcast_in_dim3A_1 {strides = array<i32>} : memref<1024xf32, #tpu.memory_space<vmem>>, vector<16xf32>,
    %swap3A_185 = arith.constant 736 : index
    %swap3A_186 = tpu.vector_load %arg5[%swap3A_185] {strides = array<i32>} : memref<1024xf32, #tpu.memory_space<vmem>>, vector<16xf32>,
    tpu.vector_store %arg5[%swap3A_185], %broadcast_in_dim3A_1 {strides = array<i32>} : memref<1024xf32, #tpu.memory_space<vmem>>, vector<16xf32>,
    %swap3A_187 = arith.constant 736 : index
    %swap3A_188 = tpu.vector_load %arg6[%swap3A_187] {strides = array<i32>} : memref<1024xf32, #tpu.memory_space<vmem>>, vector<16xf32>,
    tpu.vector_store %arg6[%swap3A_187], %broadcast_in_dim3A_1 {strides = array<i32>} : memref<1024xf32, #tpu.memory_space<vmem>>, vector<16xf32>,
    %swap3A_189 = arith.constant 752 : index
    %swap3A_190 = tpu.vector_load %arg5[%swap3A_189] {strides = array<i32>} : memref<1024xf32, #tpu.memory_space<vmem>>, vector<16xf32>,
    tpu.vector_store %arg5[%swap3A_189], %broadcast_in_dim3A_1 {strides = array<i32>} : memref<1024xf32, #tpu.memory_space<vmem>>, vector<16xf32>,
    %swap3A_191 = arith.constant 752 : index
    %swap3A_192 = tpu.vector_load %arg6[%swap3A_191] {strides = array<i32>} : memref<1024xf32, #tpu.memory_space<vmem>>, vector<16xf32>,
    tpu.vector_store %arg6[%swap3A_191], %broadcast_in_dim3A_1 {strides = array<i32>} : memref<1024xf32, #tpu.memory_space<vmem>>, vector<16xf32>,
    %swap3A_193 = arith.constant 768 : index
    %swap3A_194 = tpu.vector_load %arg5[%swap3A_193] {strides = array<i32>} : memref<1024xf32, #tpu.memory_space<vmem>>, vector<16xf32>,
    tpu.vector_store %arg5[%swap3A_193], %broadcast_in_dim3A_1 {strides = array<i32>} : memref<1024xf32, #tpu.memory_space<vmem>>, vector<16xf32>,
    %swap3A_195 = arith.constant 768 : index
    %swap3A_196 = tpu.vector_load %arg6[%swap3A_195] {strides = array<i32>} : memref<1024xf32, #tpu.memory_space<vmem>>, vector<16xf32>,
    tpu.vector_store %arg6[%swap3A_195], %broadcast_in_dim3A_1 {strides = array<i32>} : memref<1024xf32, #tpu.memory_space<vmem>>, vector<16xf32>,
    %swap3A_197 = arith.constant 784 : index
    %swap3A_198 = tpu.vector_load %arg5[%swap3A_197] {strides = array<i32>} : memref<1024xf32, #tpu.memory_space<vmem>>, vector<16xf32>,
    tpu.vector_store %arg5[%swap3A_197], %broadcast_in_dim3A_1 {strides = array<i32>} : memref<1024xf32, #tpu.memory_space<vmem>>, vector<16xf32>,
    %swap3A_199 = arith.constant 784 : index
    %swap3A_200 = tpu.vector_load %arg6[%swap3A_199] {strides = array<i32>} : memref<1024xf32, #tpu.memory_space<vmem>>, vector<16xf32>,
    tpu.vector_store %arg6[%swap3A_199], %broadcast_in_dim3A_1 {strides = array<i32>} : memref<1024xf32, #tpu.memory_space<vmem>>, vector<16xf32>,
    %swap3A_201 = arith.constant 800 : index
    %swap3A_202 = tpu.vector_load %arg5[%swap3A_201] {strides = array<i32>} : memref<1024xf32, #tpu.memory_space<vmem>>, vector<16xf32>,
    tpu.vector_store %arg5[%swap3A_201], %broadcast_in_dim3A_1 {strides = array<i32>} : memref<1024xf32, #tpu.memory_space<vmem>>, vector<16xf32>,
    %swap3A_203 = arith.constant 800 : index
    %swap3A_204 = tpu.vector_load %arg6[%swap3A_203] {strides = array<i32>} : memref<1024xf32, #tpu.memory_space<vmem>>, vector<16xf32>,
    tpu.vector_store %arg6[%swap3A_203], %broadcast_in_dim3A_1 {strides = array<i32>} : memref<1024xf32, #tpu.memory_space<vmem>>, vector<16xf32>,
    %swap3A_205 = arith.constant 816 : index
    %swap3A_206 = tpu.vector_load %arg5[%swap3A_205] {strides = array<i32>} : memref<1024xf32, #tpu.memory_space<vmem>>, vector<16xf32>,
    tpu.vector_store %arg5[%swap3A_205], %broadcast_in_dim3A_1 {strides = array<i32>} : memref<1024xf32, #tpu.memory_space<vmem>>, vector<16xf32>,
    %swap3A_207 = arith.constant 816 : index
    %swap3A_208 = tpu.vector_load %arg6[%swap3A_207] {strides = array<i32>} : memref<1024xf32, #tpu.memory_space<vmem>>, vector<16xf32>,
    tpu.vector_store %arg6[%swap3A_207], %broadcast_in_dim3A_1 {strides = array<i32>} : memref<1024xf32, #tpu.memory_space<vmem>>, vector<16xf32>,
    %swap3A_209 = arith.constant 832 : index
    %swap3A_210 = tpu.vector_load %arg5[%swap3A_209] {strides = array<i32>} : memref<1024xf32, #tpu.memory_space<vmem>>, vector<16xf32>,
    tpu.vector_store %arg5[%swap3A_209], %broadcast_in_dim3A_1 {strides = array<i32>} : memref<1024xf32, #tpu.memory_space<vmem>>, vector<16xf32>,
    %swap3A_211 = arith.constant 832 : index
    %swap3A_212 = tpu.vector_load %arg6[%swap3A_211] {strides = array<i32>} : memref<1024xf32, #tpu.memory_space<vmem>>, vector<16xf32>,
    tpu.vector_store %arg6[%swap3A_211], %broadcast_in_dim3A_1 {strides = array<i32>} : memref<1024xf32, #tpu.memory_space<vmem>>, vector<16xf32>,
    %swap3A_213 = arith.constant 848 : index
    %swap3A_214 = tpu.vector_load %arg5[%swap3A_213] {strides = array<i32>} : memref<1024xf32, #tpu.memory_space<vmem>>, vector<16xf32>,
    tpu.vector_store %arg5[%swap3A_213], %broadcast_in_dim3A_1 {strides = array<i32>} : memref<1024xf32, #tpu.memory_space<vmem>>, vector<16xf32>,
    %swap3A_215 = arith.constant 848 : index
    %swap3A_216 = tpu.vector_load %arg6[%swap3A_215] {strides = array<i32>} : memref<1024xf32, #tpu.memory_space<vmem>>, vector<16xf32>,
    tpu.vector_store %arg6[%swap3A_215], %broadcast_in_dim3A_1 {strides = array<i32>} : memref<1024xf32, #tpu.memory_space<vmem>>, vector<16xf32>,
    %swap3A_217 = arith.constant 864 : index
    %swap3A_218 = tpu.vector_load %arg5[%swap3A_217] {strides = array<i32>} : memref<1024xf32, #tpu.memory_space<vmem>>, vector<16xf32>,
    tpu.vector_store %arg5[%swap3A_217], %broadcast_in_dim3A_1 {strides = array<i32>} : memref<1024xf32, #tpu.memory_space<vmem>>, vector<16xf32>,
    %swap3A_219 = arith.constant 864 : index
    %swap3A_220 = tpu.vector_load %arg6[%swap3A_219] {strides = array<i32>} : memref<1024xf32, #tpu.memory_space<vmem>>, vector<16xf32>,
    tpu.vector_store %arg6[%swap3A_219], %broadcast_in_dim3A_1 {strides = array<i32>} : memref<1024xf32, #tpu.memory_space<vmem>>, vector<16xf32>,
    %swap3A_221 = arith.constant 880 : index
    %swap3A_222 = tpu.vector_load %arg5[%swap3A_221] {strides = array<i32>} : memref<1024xf32, #tpu.memory_space<vmem>>, vector<16xf32>,
    tpu.vector_store %arg5[%swap3A_221], %broadcast_in_dim3A_1 {strides = array<i32>} : memref<1024xf32, #tpu.memory_space<vmem>>, vector<16xf32>,
    %swap3A_223 = arith.constant 880 : index
    %swap3A_224 = tpu.vector_load %arg6[%swap3A_223] {strides = array<i32>} : memref<1024xf32, #tpu.memory_space<vmem>>, vector<16xf32>,
    tpu.vector_store %arg6[%swap3A_223], %broadcast_in_dim3A_1 {strides = array<i32>} : memref<1024xf32, #tpu.memory_space<vmem>>, vector<16xf32>,
    %swap3A_225 = arith.constant 896 : index
    %swap3A_226 = tpu.vector_load %arg5[%swap3A_225] {strides = array<i32>} : memref<1024xf32, #tpu.memory_space<vmem>>, vector<16xf32>,
    tpu.vector_store %arg5[%swap3A_225], %broadcast_in_dim3A_1 {strides = array<i32>} : memref<1024xf32, #tpu.memory_space<vmem>>, vector<16xf32>,
    %swap3A_227 = arith.constant 896 : index
    %swap3A_228 = tpu.vector_load %arg6[%swap3A_227] {strides = array<i32>} : memref<1024xf32, #tpu.memory_space<vmem>>, vector<16xf32>,
    tpu.vector_store %arg6[%swap3A_227], %broadcast_in_dim3A_1 {strides = array<i32>} : memref<1024xf32, #tpu.memory_space<vmem>>, vector<16xf32>,
    %swap3A_229 = arith.constant 912 : index
    %swap3A_230 = tpu.vector_load %arg5[%swap3A_229] {strides = array<i32>} : memref<1024xf32, #tpu.memory_space<vmem>>, vector<16xf32>,
    tpu.vector_store %arg5[%swap3A_229], %broadcast_in_dim3A_1 {strides = array<i32>} : memref<1024xf32, #tpu.memory_space<vmem>>, vector<16xf32>,
    %swap3A_231 = arith.constant 912 : index
    %swap3A_232 = tpu.vector_load %arg6[%swap3A_231] {strides = array<i32>} : memref<1024xf32, #tpu.memory_space<vmem>>, vector<16xf32>,
    tpu.vector_store %arg6[%swap3A_231], %broadcast_in_dim3A_1 {strides = array<i32>} : memref<1024xf32, #tpu.memory_space<vmem>>, vector<16xf32>,
    %swap3A_233 = arith.constant 928 : index
    %swap3A_234 = tpu.vector_load %arg5[%swap3A_233] {strides = array<i32>} : memref<1024xf32, #tpu.memory_space<vmem>>, vector<16xf32>,
    tpu.vector_store %arg5[%swap3A_233], %broadcast_in_dim3A_1 {strides = array<i32>} : memref<1024xf32, #tpu.memory_space<vmem>>, vector<16xf32>,
    %swap3A_235 = arith.constant 928 : index
    %swap3A_236 = tpu.vector_load %arg6[%swap3A_235] {strides = array<i32>} : memref<1024xf32, #tpu.memory_space<vmem>>, vector<16xf32>,
    tpu.vector_store %arg6[%swap3A_235], %broadcast_in_dim3A_1 {strides = array<i32>} : memref<1024xf32, #tpu.memory_space<vmem>>, vector<16xf32>,
    %swap3A_237 = arith.constant 944 : index
    %swap3A_238 = tpu.vector_load %arg5[%swap3A_237] {strides = array<i32>} : memref<1024xf32, #tpu.memory_space<vmem>>, vector<16xf32>,
    tpu.vector_store %arg5[%swap3A_237], %broadcast_in_dim3A_1 {strides = array<i32>} : memref<1024xf32, #tpu.memory_space<vmem>>, vector<16xf32>,
    %swap3A_239 = arith.constant 944 : index
    %swap3A_240 = tpu.vector_load %arg6[%swap3A_239] {strides = array<i32>} : memref<1024xf32, #tpu.memory_space<vmem>>, vector<16xf32>,
    tpu.vector_store %arg6[%swap3A_239], %broadcast_in_dim3A_1 {strides = array<i32>} : memref<1024xf32, #tpu.memory_space<vmem>>, vector<16xf32>,
    %swap3A_241 = arith.constant 960 : index
    %swap3A_242 = tpu.vector_load %arg5[%swap3A_241] {strides = array<i32>} : memref<1024xf32, #tpu.memory_space<vmem>>, vector<16xf32>,
    tpu.vector_store %arg5[%swap3A_241], %broadcast_in_dim3A_1 {strides = array<i32>} : memref<1024xf32, #tpu.memory_space<vmem>>, vector<16xf32>,
    %swap3A_243 = arith.constant 960 : index
    %swap3A_244 = tpu.vector_load %arg6[%swap3A_243] {strides = array<i32>} : memref<1024xf32, #tpu.memory_space<vmem>>, vector<16xf32>,
    tpu.vector_store %arg6[%swap3A_243], %broadcast_in_dim3A_1 {strides = array<i32>} : memref<1024xf32, #tpu.memory_space<vmem>>, vector<16xf32>,
    %swap3A_245 = arith.constant 976 : index
    %swap3A_246 = tpu.vector_load %arg5[%swap3A_245] {strides = array<i32>} : memref<1024xf32, #tpu.memory_space<vmem>>, vector<16xf32>,
    tpu.vector_store %arg5[%swap3A_245], %broadcast_in_dim3A_1 {strides = array<i32>} : memref<1024xf32, #tpu.memory_space<vmem>>, vector<16xf32>,
    %swap3A_247 = arith.constant 976 : index
    %swap3A_248 = tpu.vector_load %arg6[%swap3A_247] {strides = array<i32>} : memref<1024xf32, #tpu.memory_space<vmem>>, vector<16xf32>,
    tpu.vector_store %arg6[%swap3A_247], %broadcast_in_dim3A_1 {strides = array<i32>} : memref<1024xf32, #tpu.memory_space<vmem>>, vector<16xf32>,
    %swap3A_249 = arith.constant 992 : index
    %swap3A_250 = tpu.vector_load %arg5[%swap3A_249] {strides = array<i32>} : memref<1024xf32, #tpu.memory_space<vmem>>, vector<16xf32>,
    tpu.vector_store %arg5[%swap3A_249], %broadcast_in_dim3A_1 {strides = array<i32>} : memref<1024xf32, #tpu.memory_space<vmem>>, vector<16xf32>,
    %swap3A_251 = arith.constant 992 : index
    %swap3A_252 = tpu.vector_load %arg6[%swap3A_251] {strides = array<i32>} : memref<1024xf32, #tpu.memory_space<vmem>>, vector<16xf32>,
    tpu.vector_store %arg6[%swap3A_251], %broadcast_in_dim3A_1 {strides = array<i32>} : memref<1024xf32, #tpu.memory_space<vmem>>, vector<16xf32>,
    %swap3A_253 = arith.constant 1008 : index
    %swap3A_254 = tpu.vector_load %arg5[%swap3A_253] {strides = array<i32>} : memref<1024xf32, #tpu.memory_space<vmem>>, vector<16xf32>,
    tpu.vector_store %arg5[%swap3A_253], %broadcast_in_dim3A_1 {strides = array<i32>} : memref<1024xf32, #tpu.memory_space<vmem>>, vector<16xf32>,
    %swap3A_255 = arith.constant 1008 : index
    %swap3A_256 = tpu.vector_load %arg6[%swap3A_255] {strides = array<i32>} : memref<1024xf32, #tpu.memory_space<vmem>>, vector<16xf32>,
    tpu.vector_store %arg6[%swap3A_255], %broadcast_in_dim3A_1 {strides = array<i32>} : memref<1024xf32, #tpu.memory_space<vmem>>, vector<16xf32>,
    %mul3A_257 = arith.constant 16 : i32
    %mul3A_258 = vector.broadcast %mul3A_257 : i32 to vector<16xi32>
    %mul3A_259 = arith.muli %iota3A, %mul3A_258 : vector<16xi32>
    %add3A = arith.constant 1 : i32
    %add3A_260 = vector.broadcast %add3A : i32 to vector<16xi32>
    %add3A_261 = arith.addi %mul3A_259, %add3A_260 : vector<16xi32>
    %mul3A_262 = arith.constant 16 : i32
    %mul3A_263 = vector.broadcast %mul3A_262 : i32 to vector<16xi32>
    %mul3A_264 = arith.muli %iota3A, %mul3A_263 : vector<16xi32>
    %add3A_265 = arith.constant 257 : i32
    %add3A_266 = vector.broadcast %add3A_265 : i32 to vector<16xi32>
    %add3A_267 = arith.addi %mul3A_264, %add3A_266 : vector<16xi32>
    %mul3A_268 = arith.constant 16 : i32
    %mul3A_269 = vector.broadcast %mul3A_268 : i32 to vector<16xi32>
    %mul3A_270 = arith.muli %iota3A, %mul3A_269 : vector<16xi32>
    %add3A_271 = arith.constant 513 : i32
    %add3A_272 = vector.broadcast %add3A_271 : i32 to vector<16xi32>
    %add3A_273 = arith.addi %mul3A_270, %add3A_272 : vector<16xi32>
    %mul3A_274 = arith.constant 16 : i32
    %mul3A_275 = vector.broadcast %mul3A_274 : i32 to vector<16xi32>
    %mul3A_276 = arith.muli %iota3A, %mul3A_275 : vector<16xi32>
    %add3A_277 = arith.constant 769 : i32
    %add3A_278 = vector.broadcast %add3A_277 : i32 to vector<16xi32>
    %add3A_279 = arith.addi %mul3A_276, %add3A_278 : vector<16xi32>
    %parallel_loop3A = arith.constant 0 : i32
    %parallel_loop3A_280 = arith.constant 3968 : i32
    %parallel_loop3A_281 = arith.constant 4 : i32
    scf.for %parallel_loop3A_880 = %parallel_loop3A to %parallel_loop3A_280 step %parallel_loop3A_281  : i32 {
      %parallel_loop3A_881 = arith.constant 16 : i32
      %parallel_loop3A_882 = arith.muli %parallel_loop3A_880, %parallel_loop3A_881 : i32
      %parallel_loop3A_883 = arith.constant 0 : i32
      %parallel_loop3A_884 = arith.addi %parallel_loop3A_882, %parallel_loop3A_883 : i32
      %parallel_loop3A_885 = arith.index_cast %parallel_loop3A_884 : i32 to index
      %parallel_loop3A_886 = tpu.vector_load %arg4[%parallel_loop3A_885] {strides = array<i32>} : memref<63488xf32, #tpu.memory_space<vmem>>, vector<16xf32>,
      %parallel_loop3A_887 = math.absf %parallel_loop3A_886 : vector<16xf32>
      %parallel_loop3A_888 = arith.constant 0.000000e+00 : f32
      %parallel_loop3A_889 = vector.broadcast %parallel_loop3A_888 : f32 to vector<16xf32>
      %parallel_loop3A_890 = arith.cmpf ogt, %parallel_loop3A_887, %parallel_loop3A_889 : vector<16xf32>
      %parallel_loop3A_891 = arith.constant 1.500000e+01 : f32
      %parallel_loop3A_892 = vector.broadcast %parallel_loop3A_891 : f32 to vector<16xf32>
      %parallel_loop3A_893 = arith.mulf %parallel_loop3A_887, %parallel_loop3A_892 : vector<16xf32>
      %parallel_loop3A_894 = arith.fptosi %parallel_loop3A_893 : vector<16xf32> to vector<16xi32>
      %parallel_loop3A_895 = arith.constant 14 : i32
      %parallel_loop3A_896 = vector.broadcast %parallel_loop3A_895 : i32 to vector<16xi32>
      %parallel_loop3A_897 = arith.minsi %parallel_loop3A_894, %parallel_loop3A_896 : vector<16xi32>
      %parallel_loop3A_898 = arith.addi %add3A_261, %parallel_loop3A_897 : vector<16xi32>
      %parallel_loop3A_899 = arith.constant 0.000000e+00 : f32
      %parallel_loop3A_900 = vector.broadcast %parallel_loop3A_899 : f32 to vector<16xf32>
      %parallel_loop3A_901 = arith.cmpf olt, %parallel_loop3A_886, %parallel_loop3A_900 : vector<16xf32>
      %parallel_loop3A_902 = arith.constant 4.097000e+03 : f32
      %parallel_loop3A_903 = arith.constant 1.000000e+00 : f32
      %parallel_loop3A_904 = vector.broadcast %parallel_loop3A_902 : f32 to vector<16xf32>
      %parallel_loop3A_905 = vector.broadcast %parallel_loop3A_903 : f32 to vector<16xf32>
      %parallel_loop3A_906 = arith.select %parallel_loop3A_901, %parallel_loop3A_904, %parallel_loop3A_905 : vector<16xi1>, vector<16xf32>
      tpu.vector_store_idx %arg5[%parallel_loop3A_898], %parallel_loop3A_906 masked %parallel_loop3A_890 {add = true} : memref<1024xf32, #tpu.memory_space<vmem>>[vector<16xi32>], vector<16xf32>, vector<16xi1>
      tpu.vector_store_idx %arg6[%parallel_loop3A_898], %parallel_loop3A_887 masked %parallel_loop3A_890 {add = true} : memref<1024xf32, #tpu.memory_space<vmem>>[vector<16xi32>], vector<16xf32>, vector<16xi1>
      %parallel_loop3A_907 = arith.constant 16 : i32
      %parallel_loop3A_908 = arith.addi %parallel_loop3A_882, %parallel_loop3A_907 : i32
      %parallel_loop3A_909 = arith.index_cast %parallel_loop3A_908 : i32 to index
      %parallel_loop3A_910 = tpu.vector_load %arg4[%parallel_loop3A_909] {strides = array<i32>} : memref<63488xf32, #tpu.memory_space<vmem>>, vector<16xf32>,
      %parallel_loop3A_911 = math.absf %parallel_loop3A_910 : vector<16xf32>
      %parallel_loop3A_912 = arith.constant 0.000000e+00 : f32
      %parallel_loop3A_913 = vector.broadcast %parallel_loop3A_912 : f32 to vector<16xf32>
      %parallel_loop3A_914 = arith.cmpf ogt, %parallel_loop3A_911, %parallel_loop3A_913 : vector<16xf32>
      %parallel_loop3A_915 = arith.constant 1.500000e+01 : f32
      %parallel_loop3A_916 = vector.broadcast %parallel_loop3A_915 : f32 to vector<16xf32>
      %parallel_loop3A_917 = arith.mulf %parallel_loop3A_911, %parallel_loop3A_916 : vector<16xf32>
      %parallel_loop3A_918 = arith.fptosi %parallel_loop3A_917 : vector<16xf32> to vector<16xi32>
      %parallel_loop3A_919 = arith.constant 14 : i32
      %parallel_loop3A_920 = vector.broadcast %parallel_loop3A_919 : i32 to vector<16xi32>
      %parallel_loop3A_921 = arith.minsi %parallel_loop3A_918, %parallel_loop3A_920 : vector<16xi32>
      %parallel_loop3A_922 = arith.addi %add3A_267, %parallel_loop3A_921 : vector<16xi32>
      %parallel_loop3A_923 = arith.constant 0.000000e+00 : f32
      %parallel_loop3A_924 = vector.broadcast %parallel_loop3A_923 : f32 to vector<16xf32>
      %parallel_loop3A_925 = arith.cmpf olt, %parallel_loop3A_910, %parallel_loop3A_924 : vector<16xf32>
      %parallel_loop3A_926 = arith.constant 4.097000e+03 : f32
      %parallel_loop3A_927 = arith.constant 1.000000e+00 : f32
      %parallel_loop3A_928 = vector.broadcast %parallel_loop3A_926 : f32 to vector<16xf32>
      %parallel_loop3A_929 = vector.broadcast %parallel_loop3A_927 : f32 to vector<16xf32>
      %parallel_loop3A_930 = arith.select %parallel_loop3A_925, %parallel_loop3A_928, %parallel_loop3A_929 : vector<16xi1>, vector<16xf32>
      tpu.vector_store_idx %arg5[%parallel_loop3A_922], %parallel_loop3A_930 masked %parallel_loop3A_914 {add = true} : memref<1024xf32, #tpu.memory_space<vmem>>[vector<16xi32>], vector<16xf32>, vector<16xi1>
      tpu.vector_store_idx %arg6[%parallel_loop3A_922], %parallel_loop3A_911 masked %parallel_loop3A_914 {add = true} : memref<1024xf32, #tpu.memory_space<vmem>>[vector<16xi32>], vector<16xf32>, vector<16xi1>
      %parallel_loop3A_931 = arith.constant 32 : i32
      %parallel_loop3A_932 = arith.addi %parallel_loop3A_882, %parallel_loop3A_931 : i32
      %parallel_loop3A_933 = arith.index_cast %parallel_loop3A_932 : i32 to index
      %parallel_loop3A_934 = tpu.vector_load %arg4[%parallel_loop3A_933] {strides = array<i32>} : memref<63488xf32, #tpu.memory_space<vmem>>, vector<16xf32>,
      %parallel_loop3A_935 = math.absf %parallel_loop3A_934 : vector<16xf32>
      %parallel_loop3A_936 = arith.constant 0.000000e+00 : f32
      %parallel_loop3A_937 = vector.broadcast %parallel_loop3A_936 : f32 to vector<16xf32>
      %parallel_loop3A_938 = arith.cmpf ogt, %parallel_loop3A_935, %parallel_loop3A_937 : vector<16xf32>
      %parallel_loop3A_939 = arith.constant 1.500000e+01 : f32
      %parallel_loop3A_940 = vector.broadcast %parallel_loop3A_939 : f32 to vector<16xf32>
      %parallel_loop3A_941 = arith.mulf %parallel_loop3A_935, %parallel_loop3A_940 : vector<16xf32>
      %parallel_loop3A_942 = arith.fptosi %parallel_loop3A_941 : vector<16xf32> to vector<16xi32>
      %parallel_loop3A_943 = arith.constant 14 : i32
      %parallel_loop3A_944 = vector.broadcast %parallel_loop3A_943 : i32 to vector<16xi32>
      %parallel_loop3A_945 = arith.minsi %parallel_loop3A_942, %parallel_loop3A_944 : vector<16xi32>
      %parallel_loop3A_946 = arith.addi %add3A_273, %parallel_loop3A_945 : vector<16xi32>
      %parallel_loop3A_947 = arith.constant 0.000000e+00 : f32
      %parallel_loop3A_948 = vector.broadcast %parallel_loop3A_947 : f32 to vector<16xf32>
      %parallel_loop3A_949 = arith.cmpf olt, %parallel_loop3A_934, %parallel_loop3A_948 : vector<16xf32>
      %parallel_loop3A_950 = arith.constant 4.097000e+03 : f32
      %parallel_loop3A_951 = arith.constant 1.000000e+00 : f32
      %parallel_loop3A_952 = vector.broadcast %parallel_loop3A_950 : f32 to vector<16xf32>
      %parallel_loop3A_953 = vector.broadcast %parallel_loop3A_951 : f32 to vector<16xf32>
      %parallel_loop3A_954 = arith.select %parallel_loop3A_949, %parallel_loop3A_952, %parallel_loop3A_953 : vector<16xi1>, vector<16xf32>
      tpu.vector_store_idx %arg5[%parallel_loop3A_946], %parallel_loop3A_954 masked %parallel_loop3A_938 {add = true} : memref<1024xf32, #tpu.memory_space<vmem>>[vector<16xi32>], vector<16xf32>, vector<16xi1>
      tpu.vector_store_idx %arg6[%parallel_loop3A_946], %parallel_loop3A_935 masked %parallel_loop3A_938 {add = true} : memref<1024xf32, #tpu.memory_space<vmem>>[vector<16xi32>], vector<16xf32>, vector<16xi1>
      %parallel_loop3A_955 = arith.constant 48 : i32
      %parallel_loop3A_956 = arith.addi %parallel_loop3A_882, %parallel_loop3A_955 : i32
      %parallel_loop3A_957 = arith.index_cast %parallel_loop3A_956 : i32 to index
      %parallel_loop3A_958 = tpu.vector_load %arg4[%parallel_loop3A_957] {strides = array<i32>} : memref<63488xf32, #tpu.memory_space<vmem>>, vector<16xf32>,
      %parallel_loop3A_959 = math.absf %parallel_loop3A_958 : vector<16xf32>
      %parallel_loop3A_960 = arith.constant 0.000000e+00 : f32
      %parallel_loop3A_961 = vector.broadcast %parallel_loop3A_960 : f32 to vector<16xf32>
      %parallel_loop3A_962 = arith.cmpf ogt, %parallel_loop3A_959, %parallel_loop3A_961 : vector<16xf32>
      %parallel_loop3A_963 = arith.constant 1.500000e+01 : f32
      %parallel_loop3A_964 = vector.broadcast %parallel_loop3A_963 : f32 to vector<16xf32>
      %parallel_loop3A_965 = arith.mulf %parallel_loop3A_959, %parallel_loop3A_964 : vector<16xf32>
      %parallel_loop3A_966 = arith.fptosi %parallel_loop3A_965 : vector<16xf32> to vector<16xi32>
      %parallel_loop3A_967 = arith.constant 14 : i32
      %parallel_loop3A_968 = vector.broadcast %parallel_loop3A_967 : i32 to vector<16xi32>
      %parallel_loop3A_969 = arith.minsi %parallel_loop3A_966, %parallel_loop3A_968 : vector<16xi32>
      %parallel_loop3A_970 = arith.addi %add3A_279, %parallel_loop3A_969 : vector<16xi32>
      %parallel_loop3A_971 = arith.constant 0.000000e+00 : f32
      %parallel_loop3A_972 = vector.broadcast %parallel_loop3A_971 : f32 to vector<16xf32>
      %parallel_loop3A_973 = arith.cmpf olt, %parallel_loop3A_958, %parallel_loop3A_972 : vector<16xf32>
      %parallel_loop3A_974 = arith.constant 4.097000e+03 : f32
      %parallel_loop3A_975 = arith.constant 1.000000e+00 : f32
      %parallel_loop3A_976 = vector.broadcast %parallel_loop3A_974 : f32 to vector<16xf32>
      %parallel_loop3A_977 = vector.broadcast %parallel_loop3A_975 : f32 to vector<16xf32>
      %parallel_loop3A_978 = arith.select %parallel_loop3A_973, %parallel_loop3A_976, %parallel_loop3A_977 : vector<16xi1>, vector<16xf32>
      tpu.vector_store_idx %arg5[%parallel_loop3A_970], %parallel_loop3A_978 masked %parallel_loop3A_962 {add = true} : memref<1024xf32, #tpu.memory_space<vmem>>[vector<16xi32>], vector<16xf32>, vector<16xi1>
      tpu.vector_store_idx %arg6[%parallel_loop3A_970], %parallel_loop3A_959 masked %parallel_loop3A_962 {add = true} : memref<1024xf32, #tpu.memory_space<vmem>>[vector<16xi32>], vector<16xf32>, vector<16xi1>
    } {sc.loop_unroll_factor = 2 : i64, sc.parallel_access}
    %get3A = arith.constant 0 : index
    %get3A_282 = tpu.vector_load %arg5[%get3A] {strides = array<i32>} : memref<1024xf32, #tpu.memory_space<vmem>>, vector<16xf32>,
    %get3A_283 = arith.constant 0 : index
    %get3A_284 = tpu.vector_load %arg6[%get3A_283] {strides = array<i32>} : memref<1024xf32, #tpu.memory_space<vmem>>, vector<16xf32>,
    %get3A_285 = arith.constant 256 : index
    %get3A_286 = tpu.vector_load %arg5[%get3A_285] {strides = array<i32>} : memref<1024xf32, #tpu.memory_space<vmem>>, vector<16xf32>,
    %add3A_287 = arith.addf %get3A_282, %get3A_286 : vector<16xf32>
    %get3A_288 = arith.constant 256 : index
    %get3A_289 = tpu.vector_load %arg6[%get3A_288] {strides = array<i32>} : memref<1024xf32, #tpu.memory_space<vmem>>, vector<16xf32>,
    %add3A_290 = arith.addf %get3A_284, %get3A_289 : vector<16xf32>
    %get3A_291 = arith.constant 512 : index
    %get3A_292 = tpu.vector_load %arg5[%get3A_291] {strides = array<i32>} : memref<1024xf32, #tpu.memory_space<vmem>>, vector<16xf32>,
    %add3A_293 = arith.addf %add3A_287, %get3A_292 : vector<16xf32>
    %get3A_294 = arith.constant 512 : index
    %get3A_295 = tpu.vector_load %arg6[%get3A_294] {strides = array<i32>} : memref<1024xf32, #tpu.memory_space<vmem>>, vector<16xf32>,
    %add3A_296 = arith.addf %add3A_290, %get3A_295 : vector<16xf32>
    %get3A_297 = arith.constant 768 : index
    %get3A_298 = tpu.vector_load %arg5[%get3A_297] {strides = array<i32>} : memref<1024xf32, #tpu.memory_space<vmem>>, vector<16xf32>,
    %add3A_299 = arith.addf %add3A_293, %get3A_298 : vector<16xf32>
    %get3A_300 = arith.constant 768 : index
    %get3A_301 = tpu.vector_load %arg6[%get3A_300] {strides = array<i32>} : memref<1024xf32, #tpu.memory_space<vmem>>, vector<16xf32>,
    %add3A_302 = arith.addf %add3A_296, %get3A_301 : vector<16xf32>
    %mul3A_303 = arith.constant 2.44140625E-4 : f32
    %mul3A_304 = vector.broadcast %mul3A_303 : f32 to vector<16xf32>
    %mul3A_305 = arith.mulf %add3A_299, %mul3A_304 : vector<16xf32>
    %convert_element_type3A = arith.fptosi %mul3A_305 : vector<16xf32> to vector<16xi32>
    %convert_element_type3A_306 = arith.sitofp %convert_element_type3A : vector<16xi32> to vector<16xf32>
    %mul3A_307 = arith.constant 4.096000e+03 : f32
    %mul3A_308 = vector.broadcast %mul3A_307 : f32 to vector<16xf32>
    %mul3A_309 = arith.mulf %convert_element_type3A_306, %mul3A_308 : vector<16xf32>
    %sub3A = arith.subf %add3A_299, %mul3A_309 : vector<16xf32>
    %swap3A_310 = arith.constant 0 : index
    %swap3A_311 = tpu.vector_load %arg7[%swap3A_310] {strides = array<i32>} : memref<256xf32, #tpu.memory_space<vmem>>, vector<16xf32>,
    tpu.vector_store %arg7[%swap3A_310], %sub3A {strides = array<i32>} : memref<256xf32, #tpu.memory_space<vmem>>, vector<16xf32>,
    %swap3A_312 = arith.constant 0 : index
    %swap3A_313 = tpu.vector_load %arg8[%swap3A_312] {strides = array<i32>} : memref<256xf32, #tpu.memory_space<vmem>>, vector<16xf32>,
    tpu.vector_store %arg8[%swap3A_312], %convert_element_type3A_306 {strides = array<i32>} : memref<256xf32, #tpu.memory_space<vmem>>, vector<16xf32>,
    %swap3A_314 = arith.constant 0 : index
    %swap3A_315 = tpu.vector_load %arg9[%swap3A_314] {strides = array<i32>} : memref<256xf32, #tpu.memory_space<vmem>>, vector<16xf32>,
    tpu.vector_store %arg9[%swap3A_314], %add3A_302 {strides = array<i32>} : memref<256xf32, #tpu.memory_space<vmem>>, vector<16xf32>,
    %get3A_316 = arith.constant 16 : index
    %get3A_317 = tpu.vector_load %arg5[%get3A_316] {strides = array<i32>} : memref<1024xf32, #tpu.memory_space<vmem>>, vector<16xf32>,
    %get3A_318 = arith.constant 16 : index
    %get3A_319 = tpu.vector_load %arg6[%get3A_318] {strides = array<i32>} : memref<1024xf32, #tpu.memory_space<vmem>>, vector<16xf32>,
    %get3A_320 = arith.constant 272 : index
    %get3A_321 = tpu.vector_load %arg5[%get3A_320] {strides = array<i32>} : memref<1024xf32, #tpu.memory_space<vmem>>, vector<16xf32>,
    %add3A_322 = arith.addf %get3A_317, %get3A_321 : vector<16xf32>
    %get3A_323 = arith.constant 272 : index
    %get3A_324 = tpu.vector_load %arg6[%get3A_323] {strides = array<i32>} : memref<1024xf32, #tpu.memory_space<vmem>>, vector<16xf32>,
    %add3A_325 = arith.addf %get3A_319, %get3A_324 : vector<16xf32>
    %get3A_326 = arith.constant 528 : index
    %get3A_327 = tpu.vector_load %arg5[%get3A_326] {strides = array<i32>} : memref<1024xf32, #tpu.memory_space<vmem>>, vector<16xf32>,
    %add3A_328 = arith.addf %add3A_322, %get3A_327 : vector<16xf32>
    %get3A_329 = arith.constant 528 : index
    %get3A_330 = tpu.vector_load %arg6[%get3A_329] {strides = array<i32>} : memref<1024xf32, #tpu.memory_space<vmem>>, vector<16xf32>,
    %add3A_331 = arith.addf %add3A_325, %get3A_330 : vector<16xf32>
    %get3A_332 = arith.constant 784 : index
    %get3A_333 = tpu.vector_load %arg5[%get3A_332] {strides = array<i32>} : memref<1024xf32, #tpu.memory_space<vmem>>, vector<16xf32>,
    %add3A_334 = arith.addf %add3A_328, %get3A_333 : vector<16xf32>
    %get3A_335 = arith.constant 784 : index
    %get3A_336 = tpu.vector_load %arg6[%get3A_335] {strides = array<i32>} : memref<1024xf32, #tpu.memory_space<vmem>>, vector<16xf32>,
    %add3A_337 = arith.addf %add3A_331, %get3A_336 : vector<16xf32>
    %mul3A_338 = arith.constant 2.44140625E-4 : f32
    %mul3A_339 = vector.broadcast %mul3A_338 : f32 to vector<16xf32>
    %mul3A_340 = arith.mulf %add3A_334, %mul3A_339 : vector<16xf32>
    %convert_element_type3A_341 = arith.fptosi %mul3A_340 : vector<16xf32> to vector<16xi32>
    %convert_element_type3A_342 = arith.sitofp %convert_element_type3A_341 : vector<16xi32> to vector<16xf32>
    %mul3A_343 = arith.constant 4.096000e+03 : f32
    %mul3A_344 = vector.broadcast %mul3A_343 : f32 to vector<16xf32>
    %mul3A_345 = arith.mulf %convert_element_type3A_342, %mul3A_344 : vector<16xf32>
    %sub3A_346 = arith.subf %add3A_334, %mul3A_345 : vector<16xf32>
    %swap3A_347 = arith.constant 16 : index
    %swap3A_348 = tpu.vector_load %arg7[%swap3A_347] {strides = array<i32>} : memref<256xf32, #tpu.memory_space<vmem>>, vector<16xf32>,
    tpu.vector_store %arg7[%swap3A_347], %sub3A_346 {strides = array<i32>} : memref<256xf32, #tpu.memory_space<vmem>>, vector<16xf32>,
    %swap3A_349 = arith.constant 16 : index
    %swap3A_350 = tpu.vector_load %arg8[%swap3A_349] {strides = array<i32>} : memref<256xf32, #tpu.memory_space<vmem>>, vector<16xf32>,
    tpu.vector_store %arg8[%swap3A_349], %convert_element_type3A_342 {strides = array<i32>} : memref<256xf32, #tpu.memory_space<vmem>>, vector<16xf32>,
    %swap3A_351 = arith.constant 16 : index
    %swap3A_352 = tpu.vector_load %arg9[%swap3A_351] {strides = array<i32>} : memref<256xf32, #tpu.memory_space<vmem>>, vector<16xf32>,
    tpu.vector_store %arg9[%swap3A_351], %add3A_337 {strides = array<i32>} : memref<256xf32, #tpu.memory_space<vmem>>, vector<16xf32>,
    %get3A_353 = arith.constant 32 : index
    %get3A_354 = tpu.vector_load %arg5[%get3A_353] {strides = array<i32>} : memref<1024xf32, #tpu.memory_space<vmem>>, vector<16xf32>,
    %get3A_355 = arith.constant 32 : index
    %get3A_356 = tpu.vector_load %arg6[%get3A_355] {strides = array<i32>} : memref<1024xf32, #tpu.memory_space<vmem>>, vector<16xf32>,
    %get3A_357 = arith.constant 288 : index
    %get3A_358 = tpu.vector_load %arg5[%get3A_357] {strides = array<i32>} : memref<1024xf32, #tpu.memory_space<vmem>>, vector<16xf32>,
    %add3A_359 = arith.addf %get3A_354, %get3A_358 : vector<16xf32>
    %get3A_360 = arith.constant 288 : index
    %get3A_361 = tpu.vector_load %arg6[%get3A_360] {strides = array<i32>} : memref<1024xf32, #tpu.memory_space<vmem>>, vector<16xf32>,
    %add3A_362 = arith.addf %get3A_356, %get3A_361 : vector<16xf32>
    %get3A_363 = arith.constant 544 : index
    %get3A_364 = tpu.vector_load %arg5[%get3A_363] {strides = array<i32>} : memref<1024xf32, #tpu.memory_space<vmem>>, vector<16xf32>,
    %add3A_365 = arith.addf %add3A_359, %get3A_364 : vector<16xf32>
    %get3A_366 = arith.constant 544 : index
    %get3A_367 = tpu.vector_load %arg6[%get3A_366] {strides = array<i32>} : memref<1024xf32, #tpu.memory_space<vmem>>, vector<16xf32>,
    %add3A_368 = arith.addf %add3A_362, %get3A_367 : vector<16xf32>
    %get3A_369 = arith.constant 800 : index
    %get3A_370 = tpu.vector_load %arg5[%get3A_369] {strides = array<i32>} : memref<1024xf32, #tpu.memory_space<vmem>>, vector<16xf32>,
    %add3A_371 = arith.addf %add3A_365, %get3A_370 : vector<16xf32>
    %get3A_372 = arith.constant 800 : index
    %get3A_373 = tpu.vector_load %arg6[%get3A_372] {strides = array<i32>} : memref<1024xf32, #tpu.memory_space<vmem>>, vector<16xf32>,
    %add3A_374 = arith.addf %add3A_368, %get3A_373 : vector<16xf32>
    %mul3A_375 = arith.constant 2.44140625E-4 : f32
    %mul3A_376 = vector.broadcast %mul3A_375 : f32 to vector<16xf32>
    %mul3A_377 = arith.mulf %add3A_371, %mul3A_376 : vector<16xf32>
    %convert_element_type3A_378 = arith.fptosi %mul3A_377 : vector<16xf32> to vector<16xi32>
    %convert_element_type3A_379 = arith.sitofp %convert_element_type3A_378 : vector<16xi32> to vector<16xf32>
    %mul3A_380 = arith.constant 4.096000e+03 : f32
    %mul3A_381 = vector.broadcast %mul3A_380 : f32 to vector<16xf32>
    %mul3A_382 = arith.mulf %convert_element_type3A_379, %mul3A_381 : vector<16xf32>
    %sub3A_383 = arith.subf %add3A_371, %mul3A_382 : vector<16xf32>
    %swap3A_384 = arith.constant 32 : index
    %swap3A_385 = tpu.vector_load %arg7[%swap3A_384] {strides = array<i32>} : memref<256xf32, #tpu.memory_space<vmem>>, vector<16xf32>,
    tpu.vector_store %arg7[%swap3A_384], %sub3A_383 {strides = array<i32>} : memref<256xf32, #tpu.memory_space<vmem>>, vector<16xf32>,
    %swap3A_386 = arith.constant 32 : index
    %swap3A_387 = tpu.vector_load %arg8[%swap3A_386] {strides = array<i32>} : memref<256xf32, #tpu.memory_space<vmem>>, vector<16xf32>,
    tpu.vector_store %arg8[%swap3A_386], %convert_element_type3A_379 {strides = array<i32>} : memref<256xf32, #tpu.memory_space<vmem>>, vector<16xf32>,
    %swap3A_388 = arith.constant 32 : index
    %swap3A_389 = tpu.vector_load %arg9[%swap3A_388] {strides = array<i32>} : memref<256xf32, #tpu.memory_space<vmem>>, vector<16xf32>,
    tpu.vector_store %arg9[%swap3A_388], %add3A_374 {strides = array<i32>} : memref<256xf32, #tpu.memory_space<vmem>>, vector<16xf32>,
    %get3A_390 = arith.constant 48 : index
    %get3A_391 = tpu.vector_load %arg5[%get3A_390] {strides = array<i32>} : memref<1024xf32, #tpu.memory_space<vmem>>, vector<16xf32>,
    %get3A_392 = arith.constant 48 : index
    %get3A_393 = tpu.vector_load %arg6[%get3A_392] {strides = array<i32>} : memref<1024xf32, #tpu.memory_space<vmem>>, vector<16xf32>,
    %get3A_394 = arith.constant 304 : index
    %get3A_395 = tpu.vector_load %arg5[%get3A_394] {strides = array<i32>} : memref<1024xf32, #tpu.memory_space<vmem>>, vector<16xf32>,
    %add3A_396 = arith.addf %get3A_391, %get3A_395 : vector<16xf32>
    %get3A_397 = arith.constant 304 : index
    %get3A_398 = tpu.vector_load %arg6[%get3A_397] {strides = array<i32>} : memref<1024xf32, #tpu.memory_space<vmem>>, vector<16xf32>,
    %add3A_399 = arith.addf %get3A_393, %get3A_398 : vector<16xf32>
    %get3A_400 = arith.constant 560 : index
    %get3A_401 = tpu.vector_load %arg5[%get3A_400] {strides = array<i32>} : memref<1024xf32, #tpu.memory_space<vmem>>, vector<16xf32>,
    %add3A_402 = arith.addf %add3A_396, %get3A_401 : vector<16xf32>
    %get3A_403 = arith.constant 560 : index
    %get3A_404 = tpu.vector_load %arg6[%get3A_403] {strides = array<i32>} : memref<1024xf32, #tpu.memory_space<vmem>>, vector<16xf32>,
    %add3A_405 = arith.addf %add3A_399, %get3A_404 : vector<16xf32>
    %get3A_406 = arith.constant 816 : index
    %get3A_407 = tpu.vector_load %arg5[%get3A_406] {strides = array<i32>} : memref<1024xf32, #tpu.memory_space<vmem>>, vector<16xf32>,
    %add3A_408 = arith.addf %add3A_402, %get3A_407 : vector<16xf32>
    %get3A_409 = arith.constant 816 : index
    %get3A_410 = tpu.vector_load %arg6[%get3A_409] {strides = array<i32>} : memref<1024xf32, #tpu.memory_space<vmem>>, vector<16xf32>,
    %add3A_411 = arith.addf %add3A_405, %get3A_410 : vector<16xf32>
    %mul3A_412 = arith.constant 2.44140625E-4 : f32
    %mul3A_413 = vector.broadcast %mul3A_412 : f32 to vector<16xf32>
    %mul3A_414 = arith.mulf %add3A_408, %mul3A_413 : vector<16xf32>
    %convert_element_type3A_415 = arith.fptosi %mul3A_414 : vector<16xf32> to vector<16xi32>
    %convert_element_type3A_416 = arith.sitofp %convert_element_type3A_415 : vector<16xi32> to vector<16xf32>
    %mul3A_417 = arith.constant 4.096000e+03 : f32
    %mul3A_418 = vector.broadcast %mul3A_417 : f32 to vector<16xf32>
    %mul3A_419 = arith.mulf %convert_element_type3A_416, %mul3A_418 : vector<16xf32>
    %sub3A_420 = arith.subf %add3A_408, %mul3A_419 : vector<16xf32>
    %swap3A_421 = arith.constant 48 : index
    %swap3A_422 = tpu.vector_load %arg7[%swap3A_421] {strides = array<i32>} : memref<256xf32, #tpu.memory_space<vmem>>, vector<16xf32>,
    tpu.vector_store %arg7[%swap3A_421], %sub3A_420 {strides = array<i32>} : memref<256xf32, #tpu.memory_space<vmem>>, vector<16xf32>,
    %swap3A_423 = arith.constant 48 : index
    %swap3A_424 = tpu.vector_load %arg8[%swap3A_423] {strides = array<i32>} : memref<256xf32, #tpu.memory_space<vmem>>, vector<16xf32>,
    tpu.vector_store %arg8[%swap3A_423], %convert_element_type3A_416 {strides = array<i32>} : memref<256xf32, #tpu.memory_space<vmem>>, vector<16xf32>,
    %swap3A_425 = arith.constant 48 : index
    %swap3A_426 = tpu.vector_load %arg9[%swap3A_425] {strides = array<i32>} : memref<256xf32, #tpu.memory_space<vmem>>, vector<16xf32>,
    tpu.vector_store %arg9[%swap3A_425], %add3A_411 {strides = array<i32>} : memref<256xf32, #tpu.memory_space<vmem>>, vector<16xf32>,
    %get3A_427 = arith.constant 64 : index
    %get3A_428 = tpu.vector_load %arg5[%get3A_427] {strides = array<i32>} : memref<1024xf32, #tpu.memory_space<vmem>>, vector<16xf32>,
    %get3A_429 = arith.constant 64 : index
    %get3A_430 = tpu.vector_load %arg6[%get3A_429] {strides = array<i32>} : memref<1024xf32, #tpu.memory_space<vmem>>, vector<16xf32>,
    %get3A_431 = arith.constant 320 : index
    %get3A_432 = tpu.vector_load %arg5[%get3A_431] {strides = array<i32>} : memref<1024xf32, #tpu.memory_space<vmem>>, vector<16xf32>,
    %add3A_433 = arith.addf %get3A_428, %get3A_432 : vector<16xf32>
    %get3A_434 = arith.constant 320 : index
    %get3A_435 = tpu.vector_load %arg6[%get3A_434] {strides = array<i32>} : memref<1024xf32, #tpu.memory_space<vmem>>, vector<16xf32>,
    %add3A_436 = arith.addf %get3A_430, %get3A_435 : vector<16xf32>
    %get3A_437 = arith.constant 576 : index
    %get3A_438 = tpu.vector_load %arg5[%get3A_437] {strides = array<i32>} : memref<1024xf32, #tpu.memory_space<vmem>>, vector<16xf32>,
    %add3A_439 = arith.addf %add3A_433, %get3A_438 : vector<16xf32>
    %get3A_440 = arith.constant 576 : index
    %get3A_441 = tpu.vector_load %arg6[%get3A_440] {strides = array<i32>} : memref<1024xf32, #tpu.memory_space<vmem>>, vector<16xf32>,
    %add3A_442 = arith.addf %add3A_436, %get3A_441 : vector<16xf32>
    %get3A_443 = arith.constant 832 : index
    %get3A_444 = tpu.vector_load %arg5[%get3A_443] {strides = array<i32>} : memref<1024xf32, #tpu.memory_space<vmem>>, vector<16xf32>,
    %add3A_445 = arith.addf %add3A_439, %get3A_444 : vector<16xf32>
    %get3A_446 = arith.constant 832 : index
    %get3A_447 = tpu.vector_load %arg6[%get3A_446] {strides = array<i32>} : memref<1024xf32, #tpu.memory_space<vmem>>, vector<16xf32>,
    %add3A_448 = arith.addf %add3A_442, %get3A_447 : vector<16xf32>
    %mul3A_449 = arith.constant 2.44140625E-4 : f32
    %mul3A_450 = vector.broadcast %mul3A_449 : f32 to vector<16xf32>
    %mul3A_451 = arith.mulf %add3A_445, %mul3A_450 : vector<16xf32>
    %convert_element_type3A_452 = arith.fptosi %mul3A_451 : vector<16xf32> to vector<16xi32>
    %convert_element_type3A_453 = arith.sitofp %convert_element_type3A_452 : vector<16xi32> to vector<16xf32>
    %mul3A_454 = arith.constant 4.096000e+03 : f32
    %mul3A_455 = vector.broadcast %mul3A_454 : f32 to vector<16xf32>
    %mul3A_456 = arith.mulf %convert_element_type3A_453, %mul3A_455 : vector<16xf32>
    %sub3A_457 = arith.subf %add3A_445, %mul3A_456 : vector<16xf32>
    %swap3A_458 = arith.constant 64 : index
    %swap3A_459 = tpu.vector_load %arg7[%swap3A_458] {strides = array<i32>} : memref<256xf32, #tpu.memory_space<vmem>>, vector<16xf32>,
    tpu.vector_store %arg7[%swap3A_458], %sub3A_457 {strides = array<i32>} : memref<256xf32, #tpu.memory_space<vmem>>, vector<16xf32>,
    %swap3A_460 = arith.constant 64 : index
    %swap3A_461 = tpu.vector_load %arg8[%swap3A_460] {strides = array<i32>} : memref<256xf32, #tpu.memory_space<vmem>>, vector<16xf32>,
    tpu.vector_store %arg8[%swap3A_460], %convert_element_type3A_453 {strides = array<i32>} : memref<256xf32, #tpu.memory_space<vmem>>, vector<16xf32>,
    %swap3A_462 = arith.constant 64 : index
    %swap3A_463 = tpu.vector_load %arg9[%swap3A_462] {strides = array<i32>} : memref<256xf32, #tpu.memory_space<vmem>>, vector<16xf32>,
    tpu.vector_store %arg9[%swap3A_462], %add3A_448 {strides = array<i32>} : memref<256xf32, #tpu.memory_space<vmem>>, vector<16xf32>,
    %get3A_464 = arith.constant 80 : index
    %get3A_465 = tpu.vector_load %arg5[%get3A_464] {strides = array<i32>} : memref<1024xf32, #tpu.memory_space<vmem>>, vector<16xf32>,
    %get3A_466 = arith.constant 80 : index
    %get3A_467 = tpu.vector_load %arg6[%get3A_466] {strides = array<i32>} : memref<1024xf32, #tpu.memory_space<vmem>>, vector<16xf32>,
    %get3A_468 = arith.constant 336 : index
    %get3A_469 = tpu.vector_load %arg5[%get3A_468] {strides = array<i32>} : memref<1024xf32, #tpu.memory_space<vmem>>, vector<16xf32>,
    %add3A_470 = arith.addf %get3A_465, %get3A_469 : vector<16xf32>
    %get3A_471 = arith.constant 336 : index
    %get3A_472 = tpu.vector_load %arg6[%get3A_471] {strides = array<i32>} : memref<1024xf32, #tpu.memory_space<vmem>>, vector<16xf32>,
    %add3A_473 = arith.addf %get3A_467, %get3A_472 : vector<16xf32>
    %get3A_474 = arith.constant 592 : index
    %get3A_475 = tpu.vector_load %arg5[%get3A_474] {strides = array<i32>} : memref<1024xf32, #tpu.memory_space<vmem>>, vector<16xf32>,
    %add3A_476 = arith.addf %add3A_470, %get3A_475 : vector<16xf32>
    %get3A_477 = arith.constant 592 : index
    %get3A_478 = tpu.vector_load %arg6[%get3A_477] {strides = array<i32>} : memref<1024xf32, #tpu.memory_space<vmem>>, vector<16xf32>,
    %add3A_479 = arith.addf %add3A_473, %get3A_478 : vector<16xf32>
    %get3A_480 = arith.constant 848 : index
    %get3A_481 = tpu.vector_load %arg5[%get3A_480] {strides = array<i32>} : memref<1024xf32, #tpu.memory_space<vmem>>, vector<16xf32>,
    %add3A_482 = arith.addf %add3A_476, %get3A_481 : vector<16xf32>
    %get3A_483 = arith.constant 848 : index
    %get3A_484 = tpu.vector_load %arg6[%get3A_483] {strides = array<i32>} : memref<1024xf32, #tpu.memory_space<vmem>>, vector<16xf32>,
    %add3A_485 = arith.addf %add3A_479, %get3A_484 : vector<16xf32>
    %mul3A_486 = arith.constant 2.44140625E-4 : f32
    %mul3A_487 = vector.broadcast %mul3A_486 : f32 to vector<16xf32>
    %mul3A_488 = arith.mulf %add3A_482, %mul3A_487 : vector<16xf32>
    %convert_element_type3A_489 = arith.fptosi %mul3A_488 : vector<16xf32> to vector<16xi32>
    %convert_element_type3A_490 = arith.sitofp %convert_element_type3A_489 : vector<16xi32> to vector<16xf32>
    %mul3A_491 = arith.constant 4.096000e+03 : f32
    %mul3A_492 = vector.broadcast %mul3A_491 : f32 to vector<16xf32>
    %mul3A_493 = arith.mulf %convert_element_type3A_490, %mul3A_492 : vector<16xf32>
    %sub3A_494 = arith.subf %add3A_482, %mul3A_493 : vector<16xf32>
    %swap3A_495 = arith.constant 80 : index
    %swap3A_496 = tpu.vector_load %arg7[%swap3A_495] {strides = array<i32>} : memref<256xf32, #tpu.memory_space<vmem>>, vector<16xf32>,
    tpu.vector_store %arg7[%swap3A_495], %sub3A_494 {strides = array<i32>} : memref<256xf32, #tpu.memory_space<vmem>>, vector<16xf32>,
    %swap3A_497 = arith.constant 80 : index
    %swap3A_498 = tpu.vector_load %arg8[%swap3A_497] {strides = array<i32>} : memref<256xf32, #tpu.memory_space<vmem>>, vector<16xf32>,
    tpu.vector_store %arg8[%swap3A_497], %convert_element_type3A_490 {strides = array<i32>} : memref<256xf32, #tpu.memory_space<vmem>>, vector<16xf32>,
    %swap3A_499 = arith.constant 80 : index
    %swap3A_500 = tpu.vector_load %arg9[%swap3A_499] {strides = array<i32>} : memref<256xf32, #tpu.memory_space<vmem>>, vector<16xf32>,
    tpu.vector_store %arg9[%swap3A_499], %add3A_485 {strides = array<i32>} : memref<256xf32, #tpu.memory_space<vmem>>, vector<16xf32>,
    %get3A_501 = arith.constant 96 : index
    %get3A_502 = tpu.vector_load %arg5[%get3A_501] {strides = array<i32>} : memref<1024xf32, #tpu.memory_space<vmem>>, vector<16xf32>,
    %get3A_503 = arith.constant 96 : index
    %get3A_504 = tpu.vector_load %arg6[%get3A_503] {strides = array<i32>} : memref<1024xf32, #tpu.memory_space<vmem>>, vector<16xf32>,
    %get3A_505 = arith.constant 352 : index
    %get3A_506 = tpu.vector_load %arg5[%get3A_505] {strides = array<i32>} : memref<1024xf32, #tpu.memory_space<vmem>>, vector<16xf32>,
    %add3A_507 = arith.addf %get3A_502, %get3A_506 : vector<16xf32>
    %get3A_508 = arith.constant 352 : index
    %get3A_509 = tpu.vector_load %arg6[%get3A_508] {strides = array<i32>} : memref<1024xf32, #tpu.memory_space<vmem>>, vector<16xf32>,
    %add3A_510 = arith.addf %get3A_504, %get3A_509 : vector<16xf32>
    %get3A_511 = arith.constant 608 : index
    %get3A_512 = tpu.vector_load %arg5[%get3A_511] {strides = array<i32>} : memref<1024xf32, #tpu.memory_space<vmem>>, vector<16xf32>,
    %add3A_513 = arith.addf %add3A_507, %get3A_512 : vector<16xf32>
    %get3A_514 = arith.constant 608 : index
    %get3A_515 = tpu.vector_load %arg6[%get3A_514] {strides = array<i32>} : memref<1024xf32, #tpu.memory_space<vmem>>, vector<16xf32>,
    %add3A_516 = arith.addf %add3A_510, %get3A_515 : vector<16xf32>
    %get3A_517 = arith.constant 864 : index
    %get3A_518 = tpu.vector_load %arg5[%get3A_517] {strides = array<i32>} : memref<1024xf32, #tpu.memory_space<vmem>>, vector<16xf32>,
    %add3A_519 = arith.addf %add3A_513, %get3A_518 : vector<16xf32>
    %get3A_520 = arith.constant 864 : index
    %get3A_521 = tpu.vector_load %arg6[%get3A_520] {strides = array<i32>} : memref<1024xf32, #tpu.memory_space<vmem>>, vector<16xf32>,
    %add3A_522 = arith.addf %add3A_516, %get3A_521 : vector<16xf32>
    %mul3A_523 = arith.constant 2.44140625E-4 : f32
    %mul3A_524 = vector.broadcast %mul3A_523 : f32 to vector<16xf32>
    %mul3A_525 = arith.mulf %add3A_519, %mul3A_524 : vector<16xf32>
    %convert_element_type3A_526 = arith.fptosi %mul3A_525 : vector<16xf32> to vector<16xi32>
    %convert_element_type3A_527 = arith.sitofp %convert_element_type3A_526 : vector<16xi32> to vector<16xf32>
    %mul3A_528 = arith.constant 4.096000e+03 : f32
    %mul3A_529 = vector.broadcast %mul3A_528 : f32 to vector<16xf32>
    %mul3A_530 = arith.mulf %convert_element_type3A_527, %mul3A_529 : vector<16xf32>
    %sub3A_531 = arith.subf %add3A_519, %mul3A_530 : vector<16xf32>
    %swap3A_532 = arith.constant 96 : index
    %swap3A_533 = tpu.vector_load %arg7[%swap3A_532] {strides = array<i32>} : memref<256xf32, #tpu.memory_space<vmem>>, vector<16xf32>,
    tpu.vector_store %arg7[%swap3A_532], %sub3A_531 {strides = array<i32>} : memref<256xf32, #tpu.memory_space<vmem>>, vector<16xf32>,
    %swap3A_534 = arith.constant 96 : index
    %swap3A_535 = tpu.vector_load %arg8[%swap3A_534] {strides = array<i32>} : memref<256xf32, #tpu.memory_space<vmem>>, vector<16xf32>,
    tpu.vector_store %arg8[%swap3A_534], %convert_element_type3A_527 {strides = array<i32>} : memref<256xf32, #tpu.memory_space<vmem>>, vector<16xf32>,
    %swap3A_536 = arith.constant 96 : index
    %swap3A_537 = tpu.vector_load %arg9[%swap3A_536] {strides = array<i32>} : memref<256xf32, #tpu.memory_space<vmem>>, vector<16xf32>,
    tpu.vector_store %arg9[%swap3A_536], %add3A_522 {strides = array<i32>} : memref<256xf32, #tpu.memory_space<vmem>>, vector<16xf32>,
    %get3A_538 = arith.constant 112 : index
    %get3A_539 = tpu.vector_load %arg5[%get3A_538] {strides = array<i32>} : memref<1024xf32, #tpu.memory_space<vmem>>, vector<16xf32>,
    %get3A_540 = arith.constant 112 : index
    %get3A_541 = tpu.vector_load %arg6[%get3A_540] {strides = array<i32>} : memref<1024xf32, #tpu.memory_space<vmem>>, vector<16xf32>,
    %get3A_542 = arith.constant 368 : index
    %get3A_543 = tpu.vector_load %arg5[%get3A_542] {strides = array<i32>} : memref<1024xf32, #tpu.memory_space<vmem>>, vector<16xf32>,
    %add3A_544 = arith.addf %get3A_539, %get3A_543 : vector<16xf32>
    %get3A_545 = arith.constant 368 : index
    %get3A_546 = tpu.vector_load %arg6[%get3A_545] {strides = array<i32>} : memref<1024xf32, #tpu.memory_space<vmem>>, vector<16xf32>,
    %add3A_547 = arith.addf %get3A_541, %get3A_546 : vector<16xf32>
    %get3A_548 = arith.constant 624 : index
    %get3A_549 = tpu.vector_load %arg5[%get3A_548] {strides = array<i32>} : memref<1024xf32, #tpu.memory_space<vmem>>, vector<16xf32>,
    %add3A_550 = arith.addf %add3A_544, %get3A_549 : vector<16xf32>
    %get3A_551 = arith.constant 624 : index
    %get3A_552 = tpu.vector_load %arg6[%get3A_551] {strides = array<i32>} : memref<1024xf32, #tpu.memory_space<vmem>>, vector<16xf32>,
    %add3A_553 = arith.addf %add3A_547, %get3A_552 : vector<16xf32>
    %get3A_554 = arith.constant 880 : index
    %get3A_555 = tpu.vector_load %arg5[%get3A_554] {strides = array<i32>} : memref<1024xf32, #tpu.memory_space<vmem>>, vector<16xf32>,
    %add3A_556 = arith.addf %add3A_550, %get3A_555 : vector<16xf32>
    %get3A_557 = arith.constant 880 : index
    %get3A_558 = tpu.vector_load %arg6[%get3A_557] {strides = array<i32>} : memref<1024xf32, #tpu.memory_space<vmem>>, vector<16xf32>,
    %add3A_559 = arith.addf %add3A_553, %get3A_558 : vector<16xf32>
    %mul3A_560 = arith.constant 2.44140625E-4 : f32
    %mul3A_561 = vector.broadcast %mul3A_560 : f32 to vector<16xf32>
    %mul3A_562 = arith.mulf %add3A_556, %mul3A_561 : vector<16xf32>
    %convert_element_type3A_563 = arith.fptosi %mul3A_562 : vector<16xf32> to vector<16xi32>
    %convert_element_type3A_564 = arith.sitofp %convert_element_type3A_563 : vector<16xi32> to vector<16xf32>
    %mul3A_565 = arith.constant 4.096000e+03 : f32
    %mul3A_566 = vector.broadcast %mul3A_565 : f32 to vector<16xf32>
    %mul3A_567 = arith.mulf %convert_element_type3A_564, %mul3A_566 : vector<16xf32>
    %sub3A_568 = arith.subf %add3A_556, %mul3A_567 : vector<16xf32>
    %swap3A_569 = arith.constant 112 : index
    %swap3A_570 = tpu.vector_load %arg7[%swap3A_569] {strides = array<i32>} : memref<256xf32, #tpu.memory_space<vmem>>, vector<16xf32>,
    tpu.vector_store %arg7[%swap3A_569], %sub3A_568 {strides = array<i32>} : memref<256xf32, #tpu.memory_space<vmem>>, vector<16xf32>,
    %swap3A_571 = arith.constant 112 : index
    %swap3A_572 = tpu.vector_load %arg8[%swap3A_571] {strides = array<i32>} : memref<256xf32, #tpu.memory_space<vmem>>, vector<16xf32>,
    tpu.vector_store %arg8[%swap3A_571], %convert_element_type3A_564 {strides = array<i32>} : memref<256xf32, #tpu.memory_space<vmem>>, vector<16xf32>,
    %swap3A_573 = arith.constant 112 : index
    %swap3A_574 = tpu.vector_load %arg9[%swap3A_573] {strides = array<i32>} : memref<256xf32, #tpu.memory_space<vmem>>, vector<16xf32>,
    tpu.vector_store %arg9[%swap3A_573], %add3A_559 {strides = array<i32>} : memref<256xf32, #tpu.memory_space<vmem>>, vector<16xf32>,
    %get3A_575 = arith.constant 128 : index
    %get3A_576 = tpu.vector_load %arg5[%get3A_575] {strides = array<i32>} : memref<1024xf32, #tpu.memory_space<vmem>>, vector<16xf32>,
    %get3A_577 = arith.constant 128 : index
    %get3A_578 = tpu.vector_load %arg6[%get3A_577] {strides = array<i32>} : memref<1024xf32, #tpu.memory_space<vmem>>, vector<16xf32>,
    %get3A_579 = arith.constant 384 : index
    %get3A_580 = tpu.vector_load %arg5[%get3A_579] {strides = array<i32>} : memref<1024xf32, #tpu.memory_space<vmem>>, vector<16xf32>,
    %add3A_581 = arith.addf %get3A_576, %get3A_580 : vector<16xf32>
    %get3A_582 = arith.constant 384 : index
    %get3A_583 = tpu.vector_load %arg6[%get3A_582] {strides = array<i32>} : memref<1024xf32, #tpu.memory_space<vmem>>, vector<16xf32>,
    %add3A_584 = arith.addf %get3A_578, %get3A_583 : vector<16xf32>
    %get3A_585 = arith.constant 640 : index
    %get3A_586 = tpu.vector_load %arg5[%get3A_585] {strides = array<i32>} : memref<1024xf32, #tpu.memory_space<vmem>>, vector<16xf32>,
    %add3A_587 = arith.addf %add3A_581, %get3A_586 : vector<16xf32>
    %get3A_588 = arith.constant 640 : index
    %get3A_589 = tpu.vector_load %arg6[%get3A_588] {strides = array<i32>} : memref<1024xf32, #tpu.memory_space<vmem>>, vector<16xf32>,
    %add3A_590 = arith.addf %add3A_584, %get3A_589 : vector<16xf32>
    %get3A_591 = arith.constant 896 : index
    %get3A_592 = tpu.vector_load %arg5[%get3A_591] {strides = array<i32>} : memref<1024xf32, #tpu.memory_space<vmem>>, vector<16xf32>,
    %add3A_593 = arith.addf %add3A_587, %get3A_592 : vector<16xf32>
    %get3A_594 = arith.constant 896 : index
    %get3A_595 = tpu.vector_load %arg6[%get3A_594] {strides = array<i32>} : memref<1024xf32, #tpu.memory_space<vmem>>, vector<16xf32>,
    %add3A_596 = arith.addf %add3A_590, %get3A_595 : vector<16xf32>
    %mul3A_597 = arith.constant 2.44140625E-4 : f32
    %mul3A_598 = vector.broadcast %mul3A_597 : f32 to vector<16xf32>
    %mul3A_599 = arith.mulf %add3A_593, %mul3A_598 : vector<16xf32>
    %convert_element_type3A_600 = arith.fptosi %mul3A_599 : vector<16xf32> to vector<16xi32>
    %convert_element_type3A_601 = arith.sitofp %convert_element_type3A_600 : vector<16xi32> to vector<16xf32>
    %mul3A_602 = arith.constant 4.096000e+03 : f32
    %mul3A_603 = vector.broadcast %mul3A_602 : f32 to vector<16xf32>
    %mul3A_604 = arith.mulf %convert_element_type3A_601, %mul3A_603 : vector<16xf32>
    %sub3A_605 = arith.subf %add3A_593, %mul3A_604 : vector<16xf32>
    %swap3A_606 = arith.constant 128 : index
    %swap3A_607 = tpu.vector_load %arg7[%swap3A_606] {strides = array<i32>} : memref<256xf32, #tpu.memory_space<vmem>>, vector<16xf32>,
    tpu.vector_store %arg7[%swap3A_606], %sub3A_605 {strides = array<i32>} : memref<256xf32, #tpu.memory_space<vmem>>, vector<16xf32>,
    %swap3A_608 = arith.constant 128 : index
    %swap3A_609 = tpu.vector_load %arg8[%swap3A_608] {strides = array<i32>} : memref<256xf32, #tpu.memory_space<vmem>>, vector<16xf32>,
    tpu.vector_store %arg8[%swap3A_608], %convert_element_type3A_601 {strides = array<i32>} : memref<256xf32, #tpu.memory_space<vmem>>, vector<16xf32>,
    %swap3A_610 = arith.constant 128 : index
    %swap3A_611 = tpu.vector_load %arg9[%swap3A_610] {strides = array<i32>} : memref<256xf32, #tpu.memory_space<vmem>>, vector<16xf32>,
    tpu.vector_store %arg9[%swap3A_610], %add3A_596 {strides = array<i32>} : memref<256xf32, #tpu.memory_space<vmem>>, vector<16xf32>,
    %get3A_612 = arith.constant 144 : index
    %get3A_613 = tpu.vector_load %arg5[%get3A_612] {strides = array<i32>} : memref<1024xf32, #tpu.memory_space<vmem>>, vector<16xf32>,
    %get3A_614 = arith.constant 144 : index
    %get3A_615 = tpu.vector_load %arg6[%get3A_614] {strides = array<i32>} : memref<1024xf32, #tpu.memory_space<vmem>>, vector<16xf32>,
    %get3A_616 = arith.constant 400 : index
    %get3A_617 = tpu.vector_load %arg5[%get3A_616] {strides = array<i32>} : memref<1024xf32, #tpu.memory_space<vmem>>, vector<16xf32>,
    %add3A_618 = arith.addf %get3A_613, %get3A_617 : vector<16xf32>
    %get3A_619 = arith.constant 400 : index
    %get3A_620 = tpu.vector_load %arg6[%get3A_619] {strides = array<i32>} : memref<1024xf32, #tpu.memory_space<vmem>>, vector<16xf32>,
    %add3A_621 = arith.addf %get3A_615, %get3A_620 : vector<16xf32>
    %get3A_622 = arith.constant 656 : index
    %get3A_623 = tpu.vector_load %arg5[%get3A_622] {strides = array<i32>} : memref<1024xf32, #tpu.memory_space<vmem>>, vector<16xf32>,
    %add3A_624 = arith.addf %add3A_618, %get3A_623 : vector<16xf32>
    %get3A_625 = arith.constant 656 : index
    %get3A_626 = tpu.vector_load %arg6[%get3A_625] {strides = array<i32>} : memref<1024xf32, #tpu.memory_space<vmem>>, vector<16xf32>,
    %add3A_627 = arith.addf %add3A_621, %get3A_626 : vector<16xf32>
    %get3A_628 = arith.constant 912 : index
    %get3A_629 = tpu.vector_load %arg5[%get3A_628] {strides = array<i32>} : memref<1024xf32, #tpu.memory_space<vmem>>, vector<16xf32>,
    %add3A_630 = arith.addf %add3A_624, %get3A_629 : vector<16xf32>
    %get3A_631 = arith.constant 912 : index
    %get3A_632 = tpu.vector_load %arg6[%get3A_631] {strides = array<i32>} : memref<1024xf32, #tpu.memory_space<vmem>>, vector<16xf32>,
    %add3A_633 = arith.addf %add3A_627, %get3A_632 : vector<16xf32>
    %mul3A_634 = arith.constant 2.44140625E-4 : f32
    %mul3A_635 = vector.broadcast %mul3A_634 : f32 to vector<16xf32>
    %mul3A_636 = arith.mulf %add3A_630, %mul3A_635 : vector<16xf32>
    %convert_element_type3A_637 = arith.fptosi %mul3A_636 : vector<16xf32> to vector<16xi32>
    %convert_element_type3A_638 = arith.sitofp %convert_element_type3A_637 : vector<16xi32> to vector<16xf32>
    %mul3A_639 = arith.constant 4.096000e+03 : f32
    %mul3A_640 = vector.broadcast %mul3A_639 : f32 to vector<16xf32>
    %mul3A_641 = arith.mulf %convert_element_type3A_638, %mul3A_640 : vector<16xf32>
    %sub3A_642 = arith.subf %add3A_630, %mul3A_641 : vector<16xf32>
    %swap3A_643 = arith.constant 144 : index
    %swap3A_644 = tpu.vector_load %arg7[%swap3A_643] {strides = array<i32>} : memref<256xf32, #tpu.memory_space<vmem>>, vector<16xf32>,
    tpu.vector_store %arg7[%swap3A_643], %sub3A_642 {strides = array<i32>} : memref<256xf32, #tpu.memory_space<vmem>>, vector<16xf32>,
    %swap3A_645 = arith.constant 144 : index
    %swap3A_646 = tpu.vector_load %arg8[%swap3A_645] {strides = array<i32>} : memref<256xf32, #tpu.memory_space<vmem>>, vector<16xf32>,
    tpu.vector_store %arg8[%swap3A_645], %convert_element_type3A_638 {strides = array<i32>} : memref<256xf32, #tpu.memory_space<vmem>>, vector<16xf32>,
    %swap3A_647 = arith.constant 144 : index
    %swap3A_648 = tpu.vector_load %arg9[%swap3A_647] {strides = array<i32>} : memref<256xf32, #tpu.memory_space<vmem>>, vector<16xf32>,
    tpu.vector_store %arg9[%swap3A_647], %add3A_633 {strides = array<i32>} : memref<256xf32, #tpu.memory_space<vmem>>, vector<16xf32>,
    %get3A_649 = arith.constant 160 : index
    %get3A_650 = tpu.vector_load %arg5[%get3A_649] {strides = array<i32>} : memref<1024xf32, #tpu.memory_space<vmem>>, vector<16xf32>,
    %get3A_651 = arith.constant 160 : index
    %get3A_652 = tpu.vector_load %arg6[%get3A_651] {strides = array<i32>} : memref<1024xf32, #tpu.memory_space<vmem>>, vector<16xf32>,
    %get3A_653 = arith.constant 416 : index
    %get3A_654 = tpu.vector_load %arg5[%get3A_653] {strides = array<i32>} : memref<1024xf32, #tpu.memory_space<vmem>>, vector<16xf32>,
    %add3A_655 = arith.addf %get3A_650, %get3A_654 : vector<16xf32>
    %get3A_656 = arith.constant 416 : index
    %get3A_657 = tpu.vector_load %arg6[%get3A_656] {strides = array<i32>} : memref<1024xf32, #tpu.memory_space<vmem>>, vector<16xf32>,
    %add3A_658 = arith.addf %get3A_652, %get3A_657 : vector<16xf32>
    %get3A_659 = arith.constant 672 : index
    %get3A_660 = tpu.vector_load %arg5[%get3A_659] {strides = array<i32>} : memref<1024xf32, #tpu.memory_space<vmem>>, vector<16xf32>,
    %add3A_661 = arith.addf %add3A_655, %get3A_660 : vector<16xf32>
    %get3A_662 = arith.constant 672 : index
    %get3A_663 = tpu.vector_load %arg6[%get3A_662] {strides = array<i32>} : memref<1024xf32, #tpu.memory_space<vmem>>, vector<16xf32>,
    %add3A_664 = arith.addf %add3A_658, %get3A_663 : vector<16xf32>
    %get3A_665 = arith.constant 928 : index
    %get3A_666 = tpu.vector_load %arg5[%get3A_665] {strides = array<i32>} : memref<1024xf32, #tpu.memory_space<vmem>>, vector<16xf32>,
    %add3A_667 = arith.addf %add3A_661, %get3A_666 : vector<16xf32>
    %get3A_668 = arith.constant 928 : index
    %get3A_669 = tpu.vector_load %arg6[%get3A_668] {strides = array<i32>} : memref<1024xf32, #tpu.memory_space<vmem>>, vector<16xf32>,
    %add3A_670 = arith.addf %add3A_664, %get3A_669 : vector<16xf32>
    %mul3A_671 = arith.constant 2.44140625E-4 : f32
    %mul3A_672 = vector.broadcast %mul3A_671 : f32 to vector<16xf32>
    %mul3A_673 = arith.mulf %add3A_667, %mul3A_672 : vector<16xf32>
    %convert_element_type3A_674 = arith.fptosi %mul3A_673 : vector<16xf32> to vector<16xi32>
    %convert_element_type3A_675 = arith.sitofp %convert_element_type3A_674 : vector<16xi32> to vector<16xf32>
    %mul3A_676 = arith.constant 4.096000e+03 : f32
    %mul3A_677 = vector.broadcast %mul3A_676 : f32 to vector<16xf32>
    %mul3A_678 = arith.mulf %convert_element_type3A_675, %mul3A_677 : vector<16xf32>
    %sub3A_679 = arith.subf %add3A_667, %mul3A_678 : vector<16xf32>
    %swap3A_680 = arith.constant 160 : index
    %swap3A_681 = tpu.vector_load %arg7[%swap3A_680] {strides = array<i32>} : memref<256xf32, #tpu.memory_space<vmem>>, vector<16xf32>,
    tpu.vector_store %arg7[%swap3A_680], %sub3A_679 {strides = array<i32>} : memref<256xf32, #tpu.memory_space<vmem>>, vector<16xf32>,
    %swap3A_682 = arith.constant 160 : index
    %swap3A_683 = tpu.vector_load %arg8[%swap3A_682] {strides = array<i32>} : memref<256xf32, #tpu.memory_space<vmem>>, vector<16xf32>,
    tpu.vector_store %arg8[%swap3A_682], %convert_element_type3A_675 {strides = array<i32>} : memref<256xf32, #tpu.memory_space<vmem>>, vector<16xf32>,
    %swap3A_684 = arith.constant 160 : index
    %swap3A_685 = tpu.vector_load %arg9[%swap3A_684] {strides = array<i32>} : memref<256xf32, #tpu.memory_space<vmem>>, vector<16xf32>,
    tpu.vector_store %arg9[%swap3A_684], %add3A_670 {strides = array<i32>} : memref<256xf32, #tpu.memory_space<vmem>>, vector<16xf32>,
    %get3A_686 = arith.constant 176 : index
    %get3A_687 = tpu.vector_load %arg5[%get3A_686] {strides = array<i32>} : memref<1024xf32, #tpu.memory_space<vmem>>, vector<16xf32>,
    %get3A_688 = arith.constant 176 : index
    %get3A_689 = tpu.vector_load %arg6[%get3A_688] {strides = array<i32>} : memref<1024xf32, #tpu.memory_space<vmem>>, vector<16xf32>,
    %get3A_690 = arith.constant 432 : index
    %get3A_691 = tpu.vector_load %arg5[%get3A_690] {strides = array<i32>} : memref<1024xf32, #tpu.memory_space<vmem>>, vector<16xf32>,
    %add3A_692 = arith.addf %get3A_687, %get3A_691 : vector<16xf32>
    %get3A_693 = arith.constant 432 : index
    %get3A_694 = tpu.vector_load %arg6[%get3A_693] {strides = array<i32>} : memref<1024xf32, #tpu.memory_space<vmem>>, vector<16xf32>,
    %add3A_695 = arith.addf %get3A_689, %get3A_694 : vector<16xf32>
    %get3A_696 = arith.constant 688 : index
    %get3A_697 = tpu.vector_load %arg5[%get3A_696] {strides = array<i32>} : memref<1024xf32, #tpu.memory_space<vmem>>, vector<16xf32>,
    %add3A_698 = arith.addf %add3A_692, %get3A_697 : vector<16xf32>
    %get3A_699 = arith.constant 688 : index
    %get3A_700 = tpu.vector_load %arg6[%get3A_699] {strides = array<i32>} : memref<1024xf32, #tpu.memory_space<vmem>>, vector<16xf32>,
    %add3A_701 = arith.addf %add3A_695, %get3A_700 : vector<16xf32>
    %get3A_702 = arith.constant 944 : index
    %get3A_703 = tpu.vector_load %arg5[%get3A_702] {strides = array<i32>} : memref<1024xf32, #tpu.memory_space<vmem>>, vector<16xf32>,
    %add3A_704 = arith.addf %add3A_698, %get3A_703 : vector<16xf32>
    %get3A_705 = arith.constant 944 : index
    %get3A_706 = tpu.vector_load %arg6[%get3A_705] {strides = array<i32>} : memref<1024xf32, #tpu.memory_space<vmem>>, vector<16xf32>,
    %add3A_707 = arith.addf %add3A_701, %get3A_706 : vector<16xf32>
    %mul3A_708 = arith.constant 2.44140625E-4 : f32
    %mul3A_709 = vector.broadcast %mul3A_708 : f32 to vector<16xf32>
    %mul3A_710 = arith.mulf %add3A_704, %mul3A_709 : vector<16xf32>
    %convert_element_type3A_711 = arith.fptosi %mul3A_710 : vector<16xf32> to vector<16xi32>
    %convert_element_type3A_712 = arith.sitofp %convert_element_type3A_711 : vector<16xi32> to vector<16xf32>
    %mul3A_713 = arith.constant 4.096000e+03 : f32
    %mul3A_714 = vector.broadcast %mul3A_713 : f32 to vector<16xf32>
    %mul3A_715 = arith.mulf %convert_element_type3A_712, %mul3A_714 : vector<16xf32>
    %sub3A_716 = arith.subf %add3A_704, %mul3A_715 : vector<16xf32>
    %swap3A_717 = arith.constant 176 : index
    %swap3A_718 = tpu.vector_load %arg7[%swap3A_717] {strides = array<i32>} : memref<256xf32, #tpu.memory_space<vmem>>, vector<16xf32>,
    tpu.vector_store %arg7[%swap3A_717], %sub3A_716 {strides = array<i32>} : memref<256xf32, #tpu.memory_space<vmem>>, vector<16xf32>,
    %swap3A_719 = arith.constant 176 : index
    %swap3A_720 = tpu.vector_load %arg8[%swap3A_719] {strides = array<i32>} : memref<256xf32, #tpu.memory_space<vmem>>, vector<16xf32>,
    tpu.vector_store %arg8[%swap3A_719], %convert_element_type3A_712 {strides = array<i32>} : memref<256xf32, #tpu.memory_space<vmem>>, vector<16xf32>,
    %swap3A_721 = arith.constant 176 : index
    %swap3A_722 = tpu.vector_load %arg9[%swap3A_721] {strides = array<i32>} : memref<256xf32, #tpu.memory_space<vmem>>, vector<16xf32>,
    tpu.vector_store %arg9[%swap3A_721], %add3A_707 {strides = array<i32>} : memref<256xf32, #tpu.memory_space<vmem>>, vector<16xf32>,
    %get3A_723 = arith.constant 192 : index
    %get3A_724 = tpu.vector_load %arg5[%get3A_723] {strides = array<i32>} : memref<1024xf32, #tpu.memory_space<vmem>>, vector<16xf32>,
    %get3A_725 = arith.constant 192 : index
    %get3A_726 = tpu.vector_load %arg6[%get3A_725] {strides = array<i32>} : memref<1024xf32, #tpu.memory_space<vmem>>, vector<16xf32>,
    %get3A_727 = arith.constant 448 : index
    %get3A_728 = tpu.vector_load %arg5[%get3A_727] {strides = array<i32>} : memref<1024xf32, #tpu.memory_space<vmem>>, vector<16xf32>,
    %add3A_729 = arith.addf %get3A_724, %get3A_728 : vector<16xf32>
    %get3A_730 = arith.constant 448 : index
    %get3A_731 = tpu.vector_load %arg6[%get3A_730] {strides = array<i32>} : memref<1024xf32, #tpu.memory_space<vmem>>, vector<16xf32>,
    %add3A_732 = arith.addf %get3A_726, %get3A_731 : vector<16xf32>
    %get3A_733 = arith.constant 704 : index
    %get3A_734 = tpu.vector_load %arg5[%get3A_733] {strides = array<i32>} : memref<1024xf32, #tpu.memory_space<vmem>>, vector<16xf32>,
    %add3A_735 = arith.addf %add3A_729, %get3A_734 : vector<16xf32>
    %get3A_736 = arith.constant 704 : index
    %get3A_737 = tpu.vector_load %arg6[%get3A_736] {strides = array<i32>} : memref<1024xf32, #tpu.memory_space<vmem>>, vector<16xf32>,
    %add3A_738 = arith.addf %add3A_732, %get3A_737 : vector<16xf32>
    %get3A_739 = arith.constant 960 : index
    %get3A_740 = tpu.vector_load %arg5[%get3A_739] {strides = array<i32>} : memref<1024xf32, #tpu.memory_space<vmem>>, vector<16xf32>,
    %add3A_741 = arith.addf %add3A_735, %get3A_740 : vector<16xf32>
    %get3A_742 = arith.constant 960 : index
    %get3A_743 = tpu.vector_load %arg6[%get3A_742] {strides = array<i32>} : memref<1024xf32, #tpu.memory_space<vmem>>, vector<16xf32>,
    %add3A_744 = arith.addf %add3A_738, %get3A_743 : vector<16xf32>
    %mul3A_745 = arith.constant 2.44140625E-4 : f32
    %mul3A_746 = vector.broadcast %mul3A_745 : f32 to vector<16xf32>
    %mul3A_747 = arith.mulf %add3A_741, %mul3A_746 : vector<16xf32>
    %convert_element_type3A_748 = arith.fptosi %mul3A_747 : vector<16xf32> to vector<16xi32>
    %convert_element_type3A_749 = arith.sitofp %convert_element_type3A_748 : vector<16xi32> to vector<16xf32>
    %mul3A_750 = arith.constant 4.096000e+03 : f32
    %mul3A_751 = vector.broadcast %mul3A_750 : f32 to vector<16xf32>
    %mul3A_752 = arith.mulf %convert_element_type3A_749, %mul3A_751 : vector<16xf32>
    %sub3A_753 = arith.subf %add3A_741, %mul3A_752 : vector<16xf32>
    %swap3A_754 = arith.constant 192 : index
    %swap3A_755 = tpu.vector_load %arg7[%swap3A_754] {strides = array<i32>} : memref<256xf32, #tpu.memory_space<vmem>>, vector<16xf32>,
    tpu.vector_store %arg7[%swap3A_754], %sub3A_753 {strides = array<i32>} : memref<256xf32, #tpu.memory_space<vmem>>, vector<16xf32>,
    %swap3A_756 = arith.constant 192 : index
    %swap3A_757 = tpu.vector_load %arg8[%swap3A_756] {strides = array<i32>} : memref<256xf32, #tpu.memory_space<vmem>>, vector<16xf32>,
    tpu.vector_store %arg8[%swap3A_756], %convert_element_type3A_749 {strides = array<i32>} : memref<256xf32, #tpu.memory_space<vmem>>, vector<16xf32>,
    %swap3A_758 = arith.constant 192 : index
    %swap3A_759 = tpu.vector_load %arg9[%swap3A_758] {strides = array<i32>} : memref<256xf32, #tpu.memory_space<vmem>>, vector<16xf32>,
    tpu.vector_store %arg9[%swap3A_758], %add3A_744 {strides = array<i32>} : memref<256xf32, #tpu.memory_space<vmem>>, vector<16xf32>,
    %get3A_760 = arith.constant 208 : index
    %get3A_761 = tpu.vector_load %arg5[%get3A_760] {strides = array<i32>} : memref<1024xf32, #tpu.memory_space<vmem>>, vector<16xf32>,
    %get3A_762 = arith.constant 208 : index
    %get3A_763 = tpu.vector_load %arg6[%get3A_762] {strides = array<i32>} : memref<1024xf32, #tpu.memory_space<vmem>>, vector<16xf32>,
    %get3A_764 = arith.constant 464 : index
    %get3A_765 = tpu.vector_load %arg5[%get3A_764] {strides = array<i32>} : memref<1024xf32, #tpu.memory_space<vmem>>, vector<16xf32>,
    %add3A_766 = arith.addf %get3A_761, %get3A_765 : vector<16xf32>
    %get3A_767 = arith.constant 464 : index
    %get3A_768 = tpu.vector_load %arg6[%get3A_767] {strides = array<i32>} : memref<1024xf32, #tpu.memory_space<vmem>>, vector<16xf32>,
    %add3A_769 = arith.addf %get3A_763, %get3A_768 : vector<16xf32>
    %get3A_770 = arith.constant 720 : index
    %get3A_771 = tpu.vector_load %arg5[%get3A_770] {strides = array<i32>} : memref<1024xf32, #tpu.memory_space<vmem>>, vector<16xf32>,
    %add3A_772 = arith.addf %add3A_766, %get3A_771 : vector<16xf32>
    %get3A_773 = arith.constant 720 : index
    %get3A_774 = tpu.vector_load %arg6[%get3A_773] {strides = array<i32>} : memref<1024xf32, #tpu.memory_space<vmem>>, vector<16xf32>,
    %add3A_775 = arith.addf %add3A_769, %get3A_774 : vector<16xf32>
    %get3A_776 = arith.constant 976 : index
    %get3A_777 = tpu.vector_load %arg5[%get3A_776] {strides = array<i32>} : memref<1024xf32, #tpu.memory_space<vmem>>, vector<16xf32>,
    %add3A_778 = arith.addf %add3A_772, %get3A_777 : vector<16xf32>
    %get3A_779 = arith.constant 976 : index
    %get3A_780 = tpu.vector_load %arg6[%get3A_779] {strides = array<i32>} : memref<1024xf32, #tpu.memory_space<vmem>>, vector<16xf32>,
    %add3A_781 = arith.addf %add3A_775, %get3A_780 : vector<16xf32>
    %mul3A_782 = arith.constant 2.44140625E-4 : f32
    %mul3A_783 = vector.broadcast %mul3A_782 : f32 to vector<16xf32>
    %mul3A_784 = arith.mulf %add3A_778, %mul3A_783 : vector<16xf32>
    %convert_element_type3A_785 = arith.fptosi %mul3A_784 : vector<16xf32> to vector<16xi32>
    %convert_element_type3A_786 = arith.sitofp %convert_element_type3A_785 : vector<16xi32> to vector<16xf32>
    %mul3A_787 = arith.constant 4.096000e+03 : f32
    %mul3A_788 = vector.broadcast %mul3A_787 : f32 to vector<16xf32>
    %mul3A_789 = arith.mulf %convert_element_type3A_786, %mul3A_788 : vector<16xf32>
    %sub3A_790 = arith.subf %add3A_778, %mul3A_789 : vector<16xf32>
    %swap3A_791 = arith.constant 208 : index
    %swap3A_792 = tpu.vector_load %arg7[%swap3A_791] {strides = array<i32>} : memref<256xf32, #tpu.memory_space<vmem>>, vector<16xf32>,
    tpu.vector_store %arg7[%swap3A_791], %sub3A_790 {strides = array<i32>} : memref<256xf32, #tpu.memory_space<vmem>>, vector<16xf32>,
    %swap3A_793 = arith.constant 208 : index
    %swap3A_794 = tpu.vector_load %arg8[%swap3A_793] {strides = array<i32>} : memref<256xf32, #tpu.memory_space<vmem>>, vector<16xf32>,
    tpu.vector_store %arg8[%swap3A_793], %convert_element_type3A_786 {strides = array<i32>} : memref<256xf32, #tpu.memory_space<vmem>>, vector<16xf32>,
    %swap3A_795 = arith.constant 208 : index
    %swap3A_796 = tpu.vector_load %arg9[%swap3A_795] {strides = array<i32>} : memref<256xf32, #tpu.memory_space<vmem>>, vector<16xf32>,
    tpu.vector_store %arg9[%swap3A_795], %add3A_781 {strides = array<i32>} : memref<256xf32, #tpu.memory_space<vmem>>, vector<16xf32>,
    %get3A_797 = arith.constant 224 : index
    %get3A_798 = tpu.vector_load %arg5[%get3A_797] {strides = array<i32>} : memref<1024xf32, #tpu.memory_space<vmem>>, vector<16xf32>,
    %get3A_799 = arith.constant 224 : index
    %get3A_800 = tpu.vector_load %arg6[%get3A_799] {strides = array<i32>} : memref<1024xf32, #tpu.memory_space<vmem>>, vector<16xf32>,
    %get3A_801 = arith.constant 480 : index
    %get3A_802 = tpu.vector_load %arg5[%get3A_801] {strides = array<i32>} : memref<1024xf32, #tpu.memory_space<vmem>>, vector<16xf32>,
    %add3A_803 = arith.addf %get3A_798, %get3A_802 : vector<16xf32>
    %get3A_804 = arith.constant 480 : index
    %get3A_805 = tpu.vector_load %arg6[%get3A_804] {strides = array<i32>} : memref<1024xf32, #tpu.memory_space<vmem>>, vector<16xf32>,
    %add3A_806 = arith.addf %get3A_800, %get3A_805 : vector<16xf32>
    %get3A_807 = arith.constant 736 : index
    %get3A_808 = tpu.vector_load %arg5[%get3A_807] {strides = array<i32>} : memref<1024xf32, #tpu.memory_space<vmem>>, vector<16xf32>,
    %add3A_809 = arith.addf %add3A_803, %get3A_808 : vector<16xf32>
    %get3A_810 = arith.constant 736 : index
    %get3A_811 = tpu.vector_load %arg6[%get3A_810] {strides = array<i32>} : memref<1024xf32, #tpu.memory_space<vmem>>, vector<16xf32>,
    %add3A_812 = arith.addf %add3A_806, %get3A_811 : vector<16xf32>
    %get3A_813 = arith.constant 992 : index
    %get3A_814 = tpu.vector_load %arg5[%get3A_813] {strides = array<i32>} : memref<1024xf32, #tpu.memory_space<vmem>>, vector<16xf32>,
    %add3A_815 = arith.addf %add3A_809, %get3A_814 : vector<16xf32>
    %get3A_816 = arith.constant 992 : index
    %get3A_817 = tpu.vector_load %arg6[%get3A_816] {strides = array<i32>} : memref<1024xf32, #tpu.memory_space<vmem>>, vector<16xf32>,
    %add3A_818 = arith.addf %add3A_812, %get3A_817 : vector<16xf32>
    %mul3A_819 = arith.constant 2.44140625E-4 : f32
    %mul3A_820 = vector.broadcast %mul3A_819 : f32 to vector<16xf32>
    %mul3A_821 = arith.mulf %add3A_815, %mul3A_820 : vector<16xf32>
    %convert_element_type3A_822 = arith.fptosi %mul3A_821 : vector<16xf32> to vector<16xi32>
    %convert_element_type3A_823 = arith.sitofp %convert_element_type3A_822 : vector<16xi32> to vector<16xf32>
    %mul3A_824 = arith.constant 4.096000e+03 : f32
    %mul3A_825 = vector.broadcast %mul3A_824 : f32 to vector<16xf32>
    %mul3A_826 = arith.mulf %convert_element_type3A_823, %mul3A_825 : vector<16xf32>
    %sub3A_827 = arith.subf %add3A_815, %mul3A_826 : vector<16xf32>
    %swap3A_828 = arith.constant 224 : index
    %swap3A_829 = tpu.vector_load %arg7[%swap3A_828] {strides = array<i32>} : memref<256xf32, #tpu.memory_space<vmem>>, vector<16xf32>,
    tpu.vector_store %arg7[%swap3A_828], %sub3A_827 {strides = array<i32>} : memref<256xf32, #tpu.memory_space<vmem>>, vector<16xf32>,
    %swap3A_830 = arith.constant 224 : index
    %swap3A_831 = tpu.vector_load %arg8[%swap3A_830] {strides = array<i32>} : memref<256xf32, #tpu.memory_space<vmem>>, vector<16xf32>,
    tpu.vector_store %arg8[%swap3A_830], %convert_element_type3A_823 {strides = array<i32>} : memref<256xf32, #tpu.memory_space<vmem>>, vector<16xf32>,
    %swap3A_832 = arith.constant 224 : index
    %swap3A_833 = tpu.vector_load %arg9[%swap3A_832] {strides = array<i32>} : memref<256xf32, #tpu.memory_space<vmem>>, vector<16xf32>,
    tpu.vector_store %arg9[%swap3A_832], %add3A_818 {strides = array<i32>} : memref<256xf32, #tpu.memory_space<vmem>>, vector<16xf32>,
    %get3A_834 = arith.constant 240 : index
    %get3A_835 = tpu.vector_load %arg5[%get3A_834] {strides = array<i32>} : memref<1024xf32, #tpu.memory_space<vmem>>, vector<16xf32>,
    %get3A_836 = arith.constant 240 : index
    %get3A_837 = tpu.vector_load %arg6[%get3A_836] {strides = array<i32>} : memref<1024xf32, #tpu.memory_space<vmem>>, vector<16xf32>,
    %get3A_838 = arith.constant 496 : index
    %get3A_839 = tpu.vector_load %arg5[%get3A_838] {strides = array<i32>} : memref<1024xf32, #tpu.memory_space<vmem>>, vector<16xf32>,
    %add3A_840 = arith.addf %get3A_835, %get3A_839 : vector<16xf32>
    %get3A_841 = arith.constant 496 : index
    %get3A_842 = tpu.vector_load %arg6[%get3A_841] {strides = array<i32>} : memref<1024xf32, #tpu.memory_space<vmem>>, vector<16xf32>,
    %add3A_843 = arith.addf %get3A_837, %get3A_842 : vector<16xf32>
    %get3A_844 = arith.constant 752 : index
    %get3A_845 = tpu.vector_load %arg5[%get3A_844] {strides = array<i32>} : memref<1024xf32, #tpu.memory_space<vmem>>, vector<16xf32>,
    %add3A_846 = arith.addf %add3A_840, %get3A_845 : vector<16xf32>
    %get3A_847 = arith.constant 752 : index
    %get3A_848 = tpu.vector_load %arg6[%get3A_847] {strides = array<i32>} : memref<1024xf32, #tpu.memory_space<vmem>>, vector<16xf32>,
    %add3A_849 = arith.addf %add3A_843, %get3A_848 : vector<16xf32>
    %get3A_850 = arith.constant 1008 : index
    %get3A_851 = tpu.vector_load %arg5[%get3A_850] {strides = array<i32>} : memref<1024xf32, #tpu.memory_space<vmem>>, vector<16xf32>,
    %add3A_852 = arith.addf %add3A_846, %get3A_851 : vector<16xf32>
    %get3A_853 = arith.constant 1008 : index
    %get3A_854 = tpu.vector_load %arg6[%get3A_853] {strides = array<i32>} : memref<1024xf32, #tpu.memory_space<vmem>>, vector<16xf32>,
    %add3A_855 = arith.addf %add3A_849, %get3A_854 : vector<16xf32>
    %mul3A_856 = arith.constant 2.44140625E-4 : f32
    %mul3A_857 = vector.broadcast %mul3A_856 : f32 to vector<16xf32>
    %mul3A_858 = arith.mulf %add3A_852, %mul3A_857 : vector<16xf32>
    %convert_element_type3A_859 = arith.fptosi %mul3A_858 : vector<16xf32> to vector<16xi32>
    %convert_element_type3A_860 = arith.sitofp %convert_element_type3A_859 : vector<16xi32> to vector<16xf32>
    %mul3A_861 = arith.constant 4.096000e+03 : f32
    %mul3A_862 = vector.broadcast %mul3A_861 : f32 to vector<16xf32>
    %mul3A_863 = arith.mulf %convert_element_type3A_860, %mul3A_862 : vector<16xf32>
    %sub3A_864 = arith.subf %add3A_852, %mul3A_863 : vector<16xf32>
    %swap3A_865 = arith.constant 240 : index
    %swap3A_866 = tpu.vector_load %arg7[%swap3A_865] {strides = array<i32>} : memref<256xf32, #tpu.memory_space<vmem>>, vector<16xf32>,
    tpu.vector_store %arg7[%swap3A_865], %sub3A_864 {strides = array<i32>} : memref<256xf32, #tpu.memory_space<vmem>>, vector<16xf32>,
    %swap3A_867 = arith.constant 240 : index
    %swap3A_868 = tpu.vector_load %arg8[%swap3A_867] {strides = array<i32>} : memref<256xf32, #tpu.memory_space<vmem>>, vector<16xf32>,
    tpu.vector_store %arg8[%swap3A_867], %convert_element_type3A_860 {strides = array<i32>} : memref<256xf32, #tpu.memory_space<vmem>>, vector<16xf32>,
    %swap3A_869 = arith.constant 240 : index
    %swap3A_870 = tpu.vector_load %arg9[%swap3A_869] {strides = array<i32>} : memref<256xf32, #tpu.memory_space<vmem>>, vector<16xf32>,
    tpu.vector_store %arg9[%swap3A_869], %add3A_855 {strides = array<i32>} : memref<256xf32, #tpu.memory_space<vmem>>, vector<16xf32>,
    %mul3A_871 = arith.constant 256 : i32
    %mul3A_872 = arith.muli %arg1, %mul3A_871 : i32
    "tpu.region"() ({
      %run_scoped3A = tpu.sem_alloc : memref<!tpu.dma_semaphore, #tpu.memory_space<semaphore_mem>>
      %dma_start3A = tpu.memref_slice %arg11[%mul3A_872] : memref<4096xf32, #tpu.memory_space<vmem_shared>> -> memref<256xf32, #tpu.memory_space<vmem_shared>>
      %dma_start3A_880 = tpu.memref_slice %arg11[%mul3A_872] : memref<4096xf32, #tpu.memory_space<vmem_shared>> -> memref<256xf32, #tpu.memory_space<vmem_shared>>
      tpu.enqueue_dma source(%arg7 : memref<256xf32, #tpu.memory_space<vmem>>) target(%dma_start3A_880 : memref<256xf32, #tpu.memory_space<vmem_shared>>) target_semaphore(%run_scoped3A : memref<!tpu.dma_semaphore, #tpu.memory_space<semaphore_mem>>)
      %dma_wait3A = tpu.memref_slice %arg11[%mul3A_872] : memref<4096xf32, #tpu.memory_space<vmem_shared>> -> memref<256xf32, #tpu.memory_space<vmem_shared>>
      %dma_wait3A_881 = tpu.memref_slice %arg11[%mul3A_872] : memref<4096xf32, #tpu.memory_space<vmem_shared>> -> memref<256xf32, #tpu.memory_space<vmem_shared>>
      tpu.wait_dma2 semaphore(%run_scoped3A : memref<!tpu.dma_semaphore, #tpu.memory_space<semaphore_mem>>) src(%arg7 : memref<256xf32, #tpu.memory_space<vmem>>) dst(%dma_wait3A_881 : memref<256xf32, #tpu.memory_space<vmem_shared>>)
      tpu.yield
    }) : () -> ()
    %mul3A_873 = arith.constant 256 : i32
    %mul3A_874 = arith.muli %arg1, %mul3A_873 : i32
    "tpu.region"() ({
      %run_scoped3A = tpu.sem_alloc : memref<!tpu.dma_semaphore, #tpu.memory_space<semaphore_mem>>
      %dma_start3A = tpu.memref_slice %arg12[%mul3A_874] : memref<4096xf32, #tpu.memory_space<vmem_shared>> -> memref<256xf32, #tpu.memory_space<vmem_shared>>
      %dma_start3A_880 = tpu.memref_slice %arg12[%mul3A_874] : memref<4096xf32, #tpu.memory_space<vmem_shared>> -> memref<256xf32, #tpu.memory_space<vmem_shared>>
      tpu.enqueue_dma source(%arg9 : memref<256xf32, #tpu.memory_space<vmem>>) target(%dma_start3A_880 : memref<256xf32, #tpu.memory_space<vmem_shared>>) target_semaphore(%run_scoped3A : memref<!tpu.dma_semaphore, #tpu.memory_space<semaphore_mem>>)
      %dma_wait3A = tpu.memref_slice %arg12[%mul3A_874] : memref<4096xf32, #tpu.memory_space<vmem_shared>> -> memref<256xf32, #tpu.memory_space<vmem_shared>>
      %dma_wait3A_881 = tpu.memref_slice %arg12[%mul3A_874] : memref<4096xf32, #tpu.memory_space<vmem_shared>> -> memref<256xf32, #tpu.memory_space<vmem_shared>>
      tpu.wait_dma2 semaphore(%run_scoped3A : memref<!tpu.dma_semaphore, #tpu.memory_space<semaphore_mem>>) src(%arg9 : memref<256xf32, #tpu.memory_space<vmem>>) dst(%dma_wait3A_881 : memref<256xf32, #tpu.memory_space<vmem_shared>>)
      tpu.yield
    }) : () -> ()
    %mul3A_875 = arith.constant 256 : i32
    %mul3A_876 = arith.muli %arg1, %mul3A_875 : i32
    "tpu.region"() ({
      %run_scoped3A = tpu.sem_alloc : memref<!tpu.dma_semaphore, #tpu.memory_space<semaphore_mem>>
      %dma_start3A = tpu.memref_slice %arg13[%mul3A_876] : memref<4096xf32, #tpu.memory_space<vmem_shared>> -> memref<256xf32, #tpu.memory_space<vmem_shared>>
      %dma_start3A_880 = tpu.memref_slice %arg13[%mul3A_876] : memref<4096xf32, #tpu.memory_space<vmem_shared>> -> memref<256xf32, #tpu.memory_space<vmem_shared>>
      tpu.enqueue_dma source(%arg8 : memref<256xf32, #tpu.memory_space<vmem>>) target(%dma_start3A_880 : memref<256xf32, #tpu.memory_space<vmem_shared>>) target_semaphore(%run_scoped3A : memref<!tpu.dma_semaphore, #tpu.memory_space<semaphore_mem>>)
      %dma_wait3A = tpu.memref_slice %arg13[%mul3A_876] : memref<4096xf32, #tpu.memory_space<vmem_shared>> -> memref<256xf32, #tpu.memory_space<vmem_shared>>
      %dma_wait3A_881 = tpu.memref_slice %arg13[%mul3A_876] : memref<4096xf32, #tpu.memory_space<vmem_shared>> -> memref<256xf32, #tpu.memory_space<vmem_shared>>
      tpu.wait_dma2 semaphore(%run_scoped3A : memref<!tpu.dma_semaphore, #tpu.memory_space<semaphore_mem>>) src(%arg8 : memref<256xf32, #tpu.memory_space<vmem>>) dst(%dma_wait3A_881 : memref<256xf32, #tpu.memory_space<vmem_shared>>)
      tpu.yield
    }) : () -> ()
    %barrier3A = arith.constant 0 : index
    tpu.barrier barrier_id(%barrier3A)
    %eq3A = arith.constant 0 : i32
    %eq3A_877 = arith.cmpi eq, %arg1, %eq3A : i32
    %convert_element_type3A_878 = arith.extui %eq3A_877 : i1 to i32
    %cond3A = arith.constant 0 : i32
    %cond3A_879 = arith.cmpi ne, %convert_element_type3A_878, %cond3A : i32
    scf.if %cond3A_879 {
      "tpu.region"() ({
        %run_scoped3A = tpu.sem_alloc : memref<!tpu.dma_semaphore, #tpu.memory_space<semaphore_mem>>
        %dma_start3A = arith.constant 0 : i32
        %dma_start3A_3204 = tpu.memref_slice %arg4[%dma_start3A] : memref<63488xf32, #tpu.memory_space<vmem>> -> memref<4096xf32, #tpu.memory_space<vmem>>
        %dma_start3A_3205 = arith.constant 0 : i32
        %dma_start3A_3206 = tpu.memref_slice %arg4[%dma_start3A_3205] : memref<63488xf32, #tpu.memory_space<vmem>> -> memref<4096xf32, #tpu.memory_space<vmem>>
        tpu.enqueue_dma source(%arg11 : memref<4096xf32, #tpu.memory_space<vmem_shared>>) target(%dma_start3A_3206 : memref<4096xf32, #tpu.memory_space<vmem>>) target_semaphore(%run_scoped3A : memref<!tpu.dma_semaphore, #tpu.memory_space<semaphore_mem>>)
        %dma_wait3A = arith.constant 0 : i32
        %dma_wait3A_3207 = tpu.memref_slice %arg4[%dma_wait3A] : memref<63488xf32, #tpu.memory_space<vmem>> -> memref<4096xf32, #tpu.memory_space<vmem>>
        %dma_wait3A_3208 = arith.constant 0 : i32
        %dma_wait3A_3209 = tpu.memref_slice %arg4[%dma_wait3A_3208] : memref<63488xf32, #tpu.memory_space<vmem>> -> memref<4096xf32, #tpu.memory_space<vmem>>
        tpu.wait_dma2 semaphore(%run_scoped3A : memref<!tpu.dma_semaphore, #tpu.memory_space<semaphore_mem>>) src(%arg11 : memref<4096xf32, #tpu.memory_space<vmem_shared>>) dst(%dma_wait3A_3209 : memref<4096xf32, #tpu.memory_space<vmem>>)
        tpu.yield
      }) : () -> ()
      "tpu.region"() ({
        %run_scoped3A = tpu.sem_alloc : memref<!tpu.dma_semaphore, #tpu.memory_space<semaphore_mem>>
        %dma_start3A = arith.constant 4096 : i32
        %dma_start3A_3204 = tpu.memref_slice %arg4[%dma_start3A] : memref<63488xf32, #tpu.memory_space<vmem>> -> memref<4096xf32, #tpu.memory_space<vmem>>
        %dma_start3A_3205 = arith.constant 4096 : i32
        %dma_start3A_3206 = tpu.memref_slice %arg4[%dma_start3A_3205] : memref<63488xf32, #tpu.memory_space<vmem>> -> memref<4096xf32, #tpu.memory_space<vmem>>
        tpu.enqueue_dma source(%arg12 : memref<4096xf32, #tpu.memory_space<vmem_shared>>) target(%dma_start3A_3206 : memref<4096xf32, #tpu.memory_space<vmem>>) target_semaphore(%run_scoped3A : memref<!tpu.dma_semaphore, #tpu.memory_space<semaphore_mem>>)
        %dma_wait3A = arith.constant 4096 : i32
        %dma_wait3A_3207 = tpu.memref_slice %arg4[%dma_wait3A] : memref<63488xf32, #tpu.memory_space<vmem>> -> memref<4096xf32, #tpu.memory_space<vmem>>
        %dma_wait3A_3208 = arith.constant 4096 : i32
        %dma_wait3A_3209 = tpu.memref_slice %arg4[%dma_wait3A_3208] : memref<63488xf32, #tpu.memory_space<vmem>> -> memref<4096xf32, #tpu.memory_space<vmem>>
        tpu.wait_dma2 semaphore(%run_scoped3A : memref<!tpu.dma_semaphore, #tpu.memory_space<semaphore_mem>>) src(%arg12 : memref<4096xf32, #tpu.memory_space<vmem_shared>>) dst(%dma_wait3A_3209 : memref<4096xf32, #tpu.memory_space<vmem>>)
        tpu.yield
      }) : () -> ()
      "tpu.region"() ({
        %run_scoped3A = tpu.sem_alloc : memref<!tpu.dma_semaphore, #tpu.memory_space<semaphore_mem>>
        %dma_start3A = arith.constant 8192 : i32
        %dma_start3A_3204 = tpu.memref_slice %arg4[%dma_start3A] : memref<63488xf32, #tpu.memory_space<vmem>> -> memref<4096xf32, #tpu.memory_space<vmem>>
        %dma_start3A_3205 = arith.constant 8192 : i32
        %dma_start3A_3206 = tpu.memref_slice %arg4[%dma_start3A_3205] : memref<63488xf32, #tpu.memory_space<vmem>> -> memref<4096xf32, #tpu.memory_space<vmem>>
        tpu.enqueue_dma source(%arg13 : memref<4096xf32, #tpu.memory_space<vmem_shared>>) target(%dma_start3A_3206 : memref<4096xf32, #tpu.memory_space<vmem>>) target_semaphore(%run_scoped3A : memref<!tpu.dma_semaphore, #tpu.memory_space<semaphore_mem>>)
        %dma_wait3A = arith.constant 8192 : i32
        %dma_wait3A_3207 = tpu.memref_slice %arg4[%dma_wait3A] : memref<63488xf32, #tpu.memory_space<vmem>> -> memref<4096xf32, #tpu.memory_space<vmem>>
        %dma_wait3A_3208 = arith.constant 8192 : i32
        %dma_wait3A_3209 = tpu.memref_slice %arg4[%dma_wait3A_3208] : memref<63488xf32, #tpu.memory_space<vmem>> -> memref<4096xf32, #tpu.memory_space<vmem>>
        tpu.wait_dma2 semaphore(%run_scoped3A : memref<!tpu.dma_semaphore, #tpu.memory_space<semaphore_mem>>) src(%arg13 : memref<4096xf32, #tpu.memory_space<vmem_shared>>) dst(%dma_wait3A_3209 : memref<4096xf32, #tpu.memory_space<vmem>>)
        tpu.yield
      }) : () -> ()
      %get3A_880 = arith.constant 0 : index
      %get3A_881 = tpu.vector_load %arg4[%get3A_880] {strides = array<i32>} : memref<63488xf32, #tpu.memory_space<vmem>>, vector<16xf32>,
      %add3A_882 = arith.addf %broadcast_in_dim3A_1, %get3A_881 : vector<16xf32>
      %get3A_883 = arith.constant 4096 : index
      %get3A_884 = tpu.vector_load %arg4[%get3A_883] {strides = array<i32>} : memref<63488xf32, #tpu.memory_space<vmem>>, vector<16xf32>,
      %add3A_885 = arith.addf %broadcast_in_dim3A_1, %get3A_884 : vector<16xf32>
      %get3A_886 = arith.constant 8192 : index
      %get3A_887 = tpu.vector_load %arg4[%get3A_886] {strides = array<i32>} : memref<63488xf32, #tpu.memory_space<vmem>>, vector<16xf32>,
      %add3A_888 = arith.addf %broadcast_in_dim3A_1, %get3A_887 : vector<16xf32>
      %get3A_889 = arith.constant 16 : index
      %get3A_890 = tpu.vector_load %arg4[%get3A_889] {strides = array<i32>} : memref<63488xf32, #tpu.memory_space<vmem>>, vector<16xf32>,
      %add3A_891 = arith.addf %add3A_882, %get3A_890 : vector<16xf32>
      %get3A_892 = arith.constant 4112 : index
      %get3A_893 = tpu.vector_load %arg4[%get3A_892] {strides = array<i32>} : memref<63488xf32, #tpu.memory_space<vmem>>, vector<16xf32>,
      %add3A_894 = arith.addf %add3A_885, %get3A_893 : vector<16xf32>
      %get3A_895 = arith.constant 8208 : index
      %get3A_896 = tpu.vector_load %arg4[%get3A_895] {strides = array<i32>} : memref<63488xf32, #tpu.memory_space<vmem>>, vector<16xf32>,
      %add3A_897 = arith.addf %add3A_888, %get3A_896 : vector<16xf32>
      %get3A_898 = arith.constant 32 : index
      %get3A_899 = tpu.vector_load %arg4[%get3A_898] {strides = array<i32>} : memref<63488xf32, #tpu.memory_space<vmem>>, vector<16xf32>,
      %add3A_900 = arith.addf %add3A_891, %get3A_899 : vector<16xf32>
      %get3A_901 = arith.constant 4128 : index
      %get3A_902 = tpu.vector_load %arg4[%get3A_901] {strides = array<i32>} : memref<63488xf32, #tpu.memory_space<vmem>>, vector<16xf32>,
      %add3A_903 = arith.addf %add3A_894, %get3A_902 : vector<16xf32>
      %get3A_904 = arith.constant 8224 : index
      %get3A_905 = tpu.vector_load %arg4[%get3A_904] {strides = array<i32>} : memref<63488xf32, #tpu.memory_space<vmem>>, vector<16xf32>,
      %add3A_906 = arith.addf %add3A_897, %get3A_905 : vector<16xf32>
      %get3A_907 = arith.constant 48 : index
      %get3A_908 = tpu.vector_load %arg4[%get3A_907] {strides = array<i32>} : memref<63488xf32, #tpu.memory_space<vmem>>, vector<16xf32>,
      %add3A_909 = arith.addf %add3A_900, %get3A_908 : vector<16xf32>
      %get3A_910 = arith.constant 4144 : index
      %get3A_911 = tpu.vector_load %arg4[%get3A_910] {strides = array<i32>} : memref<63488xf32, #tpu.memory_space<vmem>>, vector<16xf32>,
      %add3A_912 = arith.addf %add3A_903, %get3A_911 : vector<16xf32>
      %get3A_913 = arith.constant 8240 : index
      %get3A_914 = tpu.vector_load %arg4[%get3A_913] {strides = array<i32>} : memref<63488xf32, #tpu.memory_space<vmem>>, vector<16xf32>,
      %add3A_915 = arith.addf %add3A_906, %get3A_914 : vector<16xf32>
      %get3A_916 = arith.constant 64 : index
      %get3A_917 = tpu.vector_load %arg4[%get3A_916] {strides = array<i32>} : memref<63488xf32, #tpu.memory_space<vmem>>, vector<16xf32>,
      %add3A_918 = arith.addf %add3A_909, %get3A_917 : vector<16xf32>
      %get3A_919 = arith.constant 4160 : index
      %get3A_920 = tpu.vector_load %arg4[%get3A_919] {strides = array<i32>} : memref<63488xf32, #tpu.memory_space<vmem>>, vector<16xf32>,
      %add3A_921 = arith.addf %add3A_912, %get3A_920 : vector<16xf32>
      %get3A_922 = arith.constant 8256 : index
      %get3A_923 = tpu.vector_load %arg4[%get3A_922] {strides = array<i32>} : memref<63488xf32, #tpu.memory_space<vmem>>, vector<16xf32>,
      %add3A_924 = arith.addf %add3A_915, %get3A_923 : vector<16xf32>
      %get3A_925 = arith.constant 80 : index
      %get3A_926 = tpu.vector_load %arg4[%get3A_925] {strides = array<i32>} : memref<63488xf32, #tpu.memory_space<vmem>>, vector<16xf32>,
      %add3A_927 = arith.addf %add3A_918, %get3A_926 : vector<16xf32>
      %get3A_928 = arith.constant 4176 : index
      %get3A_929 = tpu.vector_load %arg4[%get3A_928] {strides = array<i32>} : memref<63488xf32, #tpu.memory_space<vmem>>, vector<16xf32>,
      %add3A_930 = arith.addf %add3A_921, %get3A_929 : vector<16xf32>
      %get3A_931 = arith.constant 8272 : index
      %get3A_932 = tpu.vector_load %arg4[%get3A_931] {strides = array<i32>} : memref<63488xf32, #tpu.memory_space<vmem>>, vector<16xf32>,
      %add3A_933 = arith.addf %add3A_924, %get3A_932 : vector<16xf32>
      %get3A_934 = arith.constant 96 : index
      %get3A_935 = tpu.vector_load %arg4[%get3A_934] {strides = array<i32>} : memref<63488xf32, #tpu.memory_space<vmem>>, vector<16xf32>,
      %add3A_936 = arith.addf %add3A_927, %get3A_935 : vector<16xf32>
      %get3A_937 = arith.constant 4192 : index
      %get3A_938 = tpu.vector_load %arg4[%get3A_937] {strides = array<i32>} : memref<63488xf32, #tpu.memory_space<vmem>>, vector<16xf32>,
      %add3A_939 = arith.addf %add3A_930, %get3A_938 : vector<16xf32>
      %get3A_940 = arith.constant 8288 : index
      %get3A_941 = tpu.vector_load %arg4[%get3A_940] {strides = array<i32>} : memref<63488xf32, #tpu.memory_space<vmem>>, vector<16xf32>,
      %add3A_942 = arith.addf %add3A_933, %get3A_941 : vector<16xf32>
      %get3A_943 = arith.constant 112 : index
      %get3A_944 = tpu.vector_load %arg4[%get3A_943] {strides = array<i32>} : memref<63488xf32, #tpu.memory_space<vmem>>, vector<16xf32>,
      %add3A_945 = arith.addf %add3A_936, %get3A_944 : vector<16xf32>
      %get3A_946 = arith.constant 4208 : index
      %get3A_947 = tpu.vector_load %arg4[%get3A_946] {strides = array<i32>} : memref<63488xf32, #tpu.memory_space<vmem>>, vector<16xf32>,
      %add3A_948 = arith.addf %add3A_939, %get3A_947 : vector<16xf32>
      %get3A_949 = arith.constant 8304 : index
      %get3A_950 = tpu.vector_load %arg4[%get3A_949] {strides = array<i32>} : memref<63488xf32, #tpu.memory_space<vmem>>, vector<16xf32>,
      %add3A_951 = arith.addf %add3A_942, %get3A_950 : vector<16xf32>
      %get3A_952 = arith.constant 128 : index
      %get3A_953 = tpu.vector_load %arg4[%get3A_952] {strides = array<i32>} : memref<63488xf32, #tpu.memory_space<vmem>>, vector<16xf32>,
      %add3A_954 = arith.addf %add3A_945, %get3A_953 : vector<16xf32>
      %get3A_955 = arith.constant 4224 : index
      %get3A_956 = tpu.vector_load %arg4[%get3A_955] {strides = array<i32>} : memref<63488xf32, #tpu.memory_space<vmem>>, vector<16xf32>,
      %add3A_957 = arith.addf %add3A_948, %get3A_956 : vector<16xf32>
      %get3A_958 = arith.constant 8320 : index
      %get3A_959 = tpu.vector_load %arg4[%get3A_958] {strides = array<i32>} : memref<63488xf32, #tpu.memory_space<vmem>>, vector<16xf32>,
      %add3A_960 = arith.addf %add3A_951, %get3A_959 : vector<16xf32>
      %get3A_961 = arith.constant 144 : index
      %get3A_962 = tpu.vector_load %arg4[%get3A_961] {strides = array<i32>} : memref<63488xf32, #tpu.memory_space<vmem>>, vector<16xf32>,
      %add3A_963 = arith.addf %add3A_954, %get3A_962 : vector<16xf32>
      %get3A_964 = arith.constant 4240 : index
      %get3A_965 = tpu.vector_load %arg4[%get3A_964] {strides = array<i32>} : memref<63488xf32, #tpu.memory_space<vmem>>, vector<16xf32>,
      %add3A_966 = arith.addf %add3A_957, %get3A_965 : vector<16xf32>
      %get3A_967 = arith.constant 8336 : index
      %get3A_968 = tpu.vector_load %arg4[%get3A_967] {strides = array<i32>} : memref<63488xf32, #tpu.memory_space<vmem>>, vector<16xf32>,
      %add3A_969 = arith.addf %add3A_960, %get3A_968 : vector<16xf32>
      %get3A_970 = arith.constant 160 : index
      %get3A_971 = tpu.vector_load %arg4[%get3A_970] {strides = array<i32>} : memref<63488xf32, #tpu.memory_space<vmem>>, vector<16xf32>,
      %add3A_972 = arith.addf %add3A_963, %get3A_971 : vector<16xf32>
      %get3A_973 = arith.constant 4256 : index
      %get3A_974 = tpu.vector_load %arg4[%get3A_973] {strides = array<i32>} : memref<63488xf32, #tpu.memory_space<vmem>>, vector<16xf32>,
      %add3A_975 = arith.addf %add3A_966, %get3A_974 : vector<16xf32>
      %get3A_976 = arith.constant 8352 : index
      %get3A_977 = tpu.vector_load %arg4[%get3A_976] {strides = array<i32>} : memref<63488xf32, #tpu.memory_space<vmem>>, vector<16xf32>,
      %add3A_978 = arith.addf %add3A_969, %get3A_977 : vector<16xf32>
      %get3A_979 = arith.constant 176 : index
      %get3A_980 = tpu.vector_load %arg4[%get3A_979] {strides = array<i32>} : memref<63488xf32, #tpu.memory_space<vmem>>, vector<16xf32>,
      %add3A_981 = arith.addf %add3A_972, %get3A_980 : vector<16xf32>
      %get3A_982 = arith.constant 4272 : index
      %get3A_983 = tpu.vector_load %arg4[%get3A_982] {strides = array<i32>} : memref<63488xf32, #tpu.memory_space<vmem>>, vector<16xf32>,
      %add3A_984 = arith.addf %add3A_975, %get3A_983 : vector<16xf32>
      %get3A_985 = arith.constant 8368 : index
      %get3A_986 = tpu.vector_load %arg4[%get3A_985] {strides = array<i32>} : memref<63488xf32, #tpu.memory_space<vmem>>, vector<16xf32>,
      %add3A_987 = arith.addf %add3A_978, %get3A_986 : vector<16xf32>
      %get3A_988 = arith.constant 192 : index
      %get3A_989 = tpu.vector_load %arg4[%get3A_988] {strides = array<i32>} : memref<63488xf32, #tpu.memory_space<vmem>>, vector<16xf32>,
      %add3A_990 = arith.addf %add3A_981, %get3A_989 : vector<16xf32>
      %get3A_991 = arith.constant 4288 : index
      %get3A_992 = tpu.vector_load %arg4[%get3A_991] {strides = array<i32>} : memref<63488xf32, #tpu.memory_space<vmem>>, vector<16xf32>,
      %add3A_993 = arith.addf %add3A_984, %get3A_992 : vector<16xf32>
      %get3A_994 = arith.constant 8384 : index
      %get3A_995 = tpu.vector_load %arg4[%get3A_994] {strides = array<i32>} : memref<63488xf32, #tpu.memory_space<vmem>>, vector<16xf32>,
      %add3A_996 = arith.addf %add3A_987, %get3A_995 : vector<16xf32>
      %get3A_997 = arith.constant 208 : index
      %get3A_998 = tpu.vector_load %arg4[%get3A_997] {strides = array<i32>} : memref<63488xf32, #tpu.memory_space<vmem>>, vector<16xf32>,
      %add3A_999 = arith.addf %add3A_990, %get3A_998 : vector<16xf32>
      %get3A_1000 = arith.constant 4304 : index
      %get3A_1001 = tpu.vector_load %arg4[%get3A_1000] {strides = array<i32>} : memref<63488xf32, #tpu.memory_space<vmem>>, vector<16xf32>,
      %add3A_1002 = arith.addf %add3A_993, %get3A_1001 : vector<16xf32>
      %get3A_1003 = arith.constant 8400 : index
      %get3A_1004 = tpu.vector_load %arg4[%get3A_1003] {strides = array<i32>} : memref<63488xf32, #tpu.memory_space<vmem>>, vector<16xf32>,
      %add3A_1005 = arith.addf %add3A_996, %get3A_1004 : vector<16xf32>
      %get3A_1006 = arith.constant 224 : index
      %get3A_1007 = tpu.vector_load %arg4[%get3A_1006] {strides = array<i32>} : memref<63488xf32, #tpu.memory_space<vmem>>, vector<16xf32>,
      %add3A_1008 = arith.addf %add3A_999, %get3A_1007 : vector<16xf32>
      %get3A_1009 = arith.constant 4320 : index
      %get3A_1010 = tpu.vector_load %arg4[%get3A_1009] {strides = array<i32>} : memref<63488xf32, #tpu.memory_space<vmem>>, vector<16xf32>,
      %add3A_1011 = arith.addf %add3A_1002, %get3A_1010 : vector<16xf32>
      %get3A_1012 = arith.constant 8416 : index
      %get3A_1013 = tpu.vector_load %arg4[%get3A_1012] {strides = array<i32>} : memref<63488xf32, #tpu.memory_space<vmem>>, vector<16xf32>,
      %add3A_1014 = arith.addf %add3A_1005, %get3A_1013 : vector<16xf32>
      %get3A_1015 = arith.constant 240 : index
      %get3A_1016 = tpu.vector_load %arg4[%get3A_1015] {strides = array<i32>} : memref<63488xf32, #tpu.memory_space<vmem>>, vector<16xf32>,
      %add3A_1017 = arith.addf %add3A_1008, %get3A_1016 : vector<16xf32>
      %get3A_1018 = arith.constant 4336 : index
      %get3A_1019 = tpu.vector_load %arg4[%get3A_1018] {strides = array<i32>} : memref<63488xf32, #tpu.memory_space<vmem>>, vector<16xf32>,
      %add3A_1020 = arith.addf %add3A_1011, %get3A_1019 : vector<16xf32>
      %get3A_1021 = arith.constant 8432 : index
      %get3A_1022 = tpu.vector_load %arg4[%get3A_1021] {strides = array<i32>} : memref<63488xf32, #tpu.memory_space<vmem>>, vector<16xf32>,
      %add3A_1023 = arith.addf %add3A_1014, %get3A_1022 : vector<16xf32>
      %get3A_1024 = arith.constant 256 : index
      %get3A_1025 = tpu.vector_load %arg4[%get3A_1024] {strides = array<i32>} : memref<63488xf32, #tpu.memory_space<vmem>>, vector<16xf32>,
      %add3A_1026 = arith.addf %add3A_1017, %get3A_1025 : vector<16xf32>
      %get3A_1027 = arith.constant 4352 : index
      %get3A_1028 = tpu.vector_load %arg4[%get3A_1027] {strides = array<i32>} : memref<63488xf32, #tpu.memory_space<vmem>>, vector<16xf32>,
      %add3A_1029 = arith.addf %add3A_1020, %get3A_1028 : vector<16xf32>
      %get3A_1030 = arith.constant 8448 : index
      %get3A_1031 = tpu.vector_load %arg4[%get3A_1030] {strides = array<i32>} : memref<63488xf32, #tpu.memory_space<vmem>>, vector<16xf32>,
      %add3A_1032 = arith.addf %add3A_1023, %get3A_1031 : vector<16xf32>
      %get3A_1033 = arith.constant 272 : index
      %get3A_1034 = tpu.vector_load %arg4[%get3A_1033] {strides = array<i32>} : memref<63488xf32, #tpu.memory_space<vmem>>, vector<16xf32>,
      %add3A_1035 = arith.addf %add3A_1026, %get3A_1034 : vector<16xf32>
      %get3A_1036 = arith.constant 4368 : index
      %get3A_1037 = tpu.vector_load %arg4[%get3A_1036] {strides = array<i32>} : memref<63488xf32, #tpu.memory_space<vmem>>, vector<16xf32>,
      %add3A_1038 = arith.addf %add3A_1029, %get3A_1037 : vector<16xf32>
      %get3A_1039 = arith.constant 8464 : index
      %get3A_1040 = tpu.vector_load %arg4[%get3A_1039] {strides = array<i32>} : memref<63488xf32, #tpu.memory_space<vmem>>, vector<16xf32>,
      %add3A_1041 = arith.addf %add3A_1032, %get3A_1040 : vector<16xf32>
      %get3A_1042 = arith.constant 288 : index
      %get3A_1043 = tpu.vector_load %arg4[%get3A_1042] {strides = array<i32>} : memref<63488xf32, #tpu.memory_space<vmem>>, vector<16xf32>,
      %add3A_1044 = arith.addf %add3A_1035, %get3A_1043 : vector<16xf32>
      %get3A_1045 = arith.constant 4384 : index
      %get3A_1046 = tpu.vector_load %arg4[%get3A_1045] {strides = array<i32>} : memref<63488xf32, #tpu.memory_space<vmem>>, vector<16xf32>,
      %add3A_1047 = arith.addf %add3A_1038, %get3A_1046 : vector<16xf32>
      %get3A_1048 = arith.constant 8480 : index
      %get3A_1049 = tpu.vector_load %arg4[%get3A_1048] {strides = array<i32>} : memref<63488xf32, #tpu.memory_space<vmem>>, vector<16xf32>,
      %add3A_1050 = arith.addf %add3A_1041, %get3A_1049 : vector<16xf32>
      %get3A_1051 = arith.constant 304 : index
      %get3A_1052 = tpu.vector_load %arg4[%get3A_1051] {strides = array<i32>} : memref<63488xf32, #tpu.memory_space<vmem>>, vector<16xf32>,
      %add3A_1053 = arith.addf %add3A_1044, %get3A_1052 : vector<16xf32>
      %get3A_1054 = arith.constant 4400 : index
      %get3A_1055 = tpu.vector_load %arg4[%get3A_1054] {strides = array<i32>} : memref<63488xf32, #tpu.memory_space<vmem>>, vector<16xf32>,
      %add3A_1056 = arith.addf %add3A_1047, %get3A_1055 : vector<16xf32>
      %get3A_1057 = arith.constant 8496 : index
      %get3A_1058 = tpu.vector_load %arg4[%get3A_1057] {strides = array<i32>} : memref<63488xf32, #tpu.memory_space<vmem>>, vector<16xf32>,
      %add3A_1059 = arith.addf %add3A_1050, %get3A_1058 : vector<16xf32>
      %get3A_1060 = arith.constant 320 : index
      %get3A_1061 = tpu.vector_load %arg4[%get3A_1060] {strides = array<i32>} : memref<63488xf32, #tpu.memory_space<vmem>>, vector<16xf32>,
      %add3A_1062 = arith.addf %add3A_1053, %get3A_1061 : vector<16xf32>
      %get3A_1063 = arith.constant 4416 : index
      %get3A_1064 = tpu.vector_load %arg4[%get3A_1063] {strides = array<i32>} : memref<63488xf32, #tpu.memory_space<vmem>>, vector<16xf32>,
      %add3A_1065 = arith.addf %add3A_1056, %get3A_1064 : vector<16xf32>
      %get3A_1066 = arith.constant 8512 : index
      %get3A_1067 = tpu.vector_load %arg4[%get3A_1066] {strides = array<i32>} : memref<63488xf32, #tpu.memory_space<vmem>>, vector<16xf32>,
      %add3A_1068 = arith.addf %add3A_1059, %get3A_1067 : vector<16xf32>
      %get3A_1069 = arith.constant 336 : index
      %get3A_1070 = tpu.vector_load %arg4[%get3A_1069] {strides = array<i32>} : memref<63488xf32, #tpu.memory_space<vmem>>, vector<16xf32>,
      %add3A_1071 = arith.addf %add3A_1062, %get3A_1070 : vector<16xf32>
      %get3A_1072 = arith.constant 4432 : index
      %get3A_1073 = tpu.vector_load %arg4[%get3A_1072] {strides = array<i32>} : memref<63488xf32, #tpu.memory_space<vmem>>, vector<16xf32>,
      %add3A_1074 = arith.addf %add3A_1065, %get3A_1073 : vector<16xf32>
      %get3A_1075 = arith.constant 8528 : index
      %get3A_1076 = tpu.vector_load %arg4[%get3A_1075] {strides = array<i32>} : memref<63488xf32, #tpu.memory_space<vmem>>, vector<16xf32>,
      %add3A_1077 = arith.addf %add3A_1068, %get3A_1076 : vector<16xf32>
      %get3A_1078 = arith.constant 352 : index
      %get3A_1079 = tpu.vector_load %arg4[%get3A_1078] {strides = array<i32>} : memref<63488xf32, #tpu.memory_space<vmem>>, vector<16xf32>,
      %add3A_1080 = arith.addf %add3A_1071, %get3A_1079 : vector<16xf32>
      %get3A_1081 = arith.constant 4448 : index
      %get3A_1082 = tpu.vector_load %arg4[%get3A_1081] {strides = array<i32>} : memref<63488xf32, #tpu.memory_space<vmem>>, vector<16xf32>,
      %add3A_1083 = arith.addf %add3A_1074, %get3A_1082 : vector<16xf32>
      %get3A_1084 = arith.constant 8544 : index
      %get3A_1085 = tpu.vector_load %arg4[%get3A_1084] {strides = array<i32>} : memref<63488xf32, #tpu.memory_space<vmem>>, vector<16xf32>,
      %add3A_1086 = arith.addf %add3A_1077, %get3A_1085 : vector<16xf32>
      %get3A_1087 = arith.constant 368 : index
      %get3A_1088 = tpu.vector_load %arg4[%get3A_1087] {strides = array<i32>} : memref<63488xf32, #tpu.memory_space<vmem>>, vector<16xf32>,
      %add3A_1089 = arith.addf %add3A_1080, %get3A_1088 : vector<16xf32>
      %get3A_1090 = arith.constant 4464 : index
      %get3A_1091 = tpu.vector_load %arg4[%get3A_1090] {strides = array<i32>} : memref<63488xf32, #tpu.memory_space<vmem>>, vector<16xf32>,
      %add3A_1092 = arith.addf %add3A_1083, %get3A_1091 : vector<16xf32>
      %get3A_1093 = arith.constant 8560 : index
      %get3A_1094 = tpu.vector_load %arg4[%get3A_1093] {strides = array<i32>} : memref<63488xf32, #tpu.memory_space<vmem>>, vector<16xf32>,
      %add3A_1095 = arith.addf %add3A_1086, %get3A_1094 : vector<16xf32>
      %get3A_1096 = arith.constant 384 : index
      %get3A_1097 = tpu.vector_load %arg4[%get3A_1096] {strides = array<i32>} : memref<63488xf32, #tpu.memory_space<vmem>>, vector<16xf32>,
      %add3A_1098 = arith.addf %add3A_1089, %get3A_1097 : vector<16xf32>
      %get3A_1099 = arith.constant 4480 : index
      %get3A_1100 = tpu.vector_load %arg4[%get3A_1099] {strides = array<i32>} : memref<63488xf32, #tpu.memory_space<vmem>>, vector<16xf32>,
      %add3A_1101 = arith.addf %add3A_1092, %get3A_1100 : vector<16xf32>
      %get3A_1102 = arith.constant 8576 : index
      %get3A_1103 = tpu.vector_load %arg4[%get3A_1102] {strides = array<i32>} : memref<63488xf32, #tpu.memory_space<vmem>>, vector<16xf32>,
      %add3A_1104 = arith.addf %add3A_1095, %get3A_1103 : vector<16xf32>
      %get3A_1105 = arith.constant 400 : index
      %get3A_1106 = tpu.vector_load %arg4[%get3A_1105] {strides = array<i32>} : memref<63488xf32, #tpu.memory_space<vmem>>, vector<16xf32>,
      %add3A_1107 = arith.addf %add3A_1098, %get3A_1106 : vector<16xf32>
      %get3A_1108 = arith.constant 4496 : index
      %get3A_1109 = tpu.vector_load %arg4[%get3A_1108] {strides = array<i32>} : memref<63488xf32, #tpu.memory_space<vmem>>, vector<16xf32>,
      %add3A_1110 = arith.addf %add3A_1101, %get3A_1109 : vector<16xf32>
      %get3A_1111 = arith.constant 8592 : index
      %get3A_1112 = tpu.vector_load %arg4[%get3A_1111] {strides = array<i32>} : memref<63488xf32, #tpu.memory_space<vmem>>, vector<16xf32>,
      %add3A_1113 = arith.addf %add3A_1104, %get3A_1112 : vector<16xf32>
      %get3A_1114 = arith.constant 416 : index
      %get3A_1115 = tpu.vector_load %arg4[%get3A_1114] {strides = array<i32>} : memref<63488xf32, #tpu.memory_space<vmem>>, vector<16xf32>,
      %add3A_1116 = arith.addf %add3A_1107, %get3A_1115 : vector<16xf32>
      %get3A_1117 = arith.constant 4512 : index
      %get3A_1118 = tpu.vector_load %arg4[%get3A_1117] {strides = array<i32>} : memref<63488xf32, #tpu.memory_space<vmem>>, vector<16xf32>,
      %add3A_1119 = arith.addf %add3A_1110, %get3A_1118 : vector<16xf32>
      %get3A_1120 = arith.constant 8608 : index
      %get3A_1121 = tpu.vector_load %arg4[%get3A_1120] {strides = array<i32>} : memref<63488xf32, #tpu.memory_space<vmem>>, vector<16xf32>,
      %add3A_1122 = arith.addf %add3A_1113, %get3A_1121 : vector<16xf32>
      %get3A_1123 = arith.constant 432 : index
      %get3A_1124 = tpu.vector_load %arg4[%get3A_1123] {strides = array<i32>} : memref<63488xf32, #tpu.memory_space<vmem>>, vector<16xf32>,
      %add3A_1125 = arith.addf %add3A_1116, %get3A_1124 : vector<16xf32>
      %get3A_1126 = arith.constant 4528 : index
      %get3A_1127 = tpu.vector_load %arg4[%get3A_1126] {strides = array<i32>} : memref<63488xf32, #tpu.memory_space<vmem>>, vector<16xf32>,
      %add3A_1128 = arith.addf %add3A_1119, %get3A_1127 : vector<16xf32>
      %get3A_1129 = arith.constant 8624 : index
      %get3A_1130 = tpu.vector_load %arg4[%get3A_1129] {strides = array<i32>} : memref<63488xf32, #tpu.memory_space<vmem>>, vector<16xf32>,
      %add3A_1131 = arith.addf %add3A_1122, %get3A_1130 : vector<16xf32>
      %get3A_1132 = arith.constant 448 : index
      %get3A_1133 = tpu.vector_load %arg4[%get3A_1132] {strides = array<i32>} : memref<63488xf32, #tpu.memory_space<vmem>>, vector<16xf32>,
      %add3A_1134 = arith.addf %add3A_1125, %get3A_1133 : vector<16xf32>
      %get3A_1135 = arith.constant 4544 : index
      %get3A_1136 = tpu.vector_load %arg4[%get3A_1135] {strides = array<i32>} : memref<63488xf32, #tpu.memory_space<vmem>>, vector<16xf32>,
      %add3A_1137 = arith.addf %add3A_1128, %get3A_1136 : vector<16xf32>
      %get3A_1138 = arith.constant 8640 : index
      %get3A_1139 = tpu.vector_load %arg4[%get3A_1138] {strides = array<i32>} : memref<63488xf32, #tpu.memory_space<vmem>>, vector<16xf32>,
      %add3A_1140 = arith.addf %add3A_1131, %get3A_1139 : vector<16xf32>
      %get3A_1141 = arith.constant 464 : index
      %get3A_1142 = tpu.vector_load %arg4[%get3A_1141] {strides = array<i32>} : memref<63488xf32, #tpu.memory_space<vmem>>, vector<16xf32>,
      %add3A_1143 = arith.addf %add3A_1134, %get3A_1142 : vector<16xf32>
      %get3A_1144 = arith.constant 4560 : index
      %get3A_1145 = tpu.vector_load %arg4[%get3A_1144] {strides = array<i32>} : memref<63488xf32, #tpu.memory_space<vmem>>, vector<16xf32>,
      %add3A_1146 = arith.addf %add3A_1137, %get3A_1145 : vector<16xf32>
      %get3A_1147 = arith.constant 8656 : index
      %get3A_1148 = tpu.vector_load %arg4[%get3A_1147] {strides = array<i32>} : memref<63488xf32, #tpu.memory_space<vmem>>, vector<16xf32>,
      %add3A_1149 = arith.addf %add3A_1140, %get3A_1148 : vector<16xf32>
      %get3A_1150 = arith.constant 480 : index
      %get3A_1151 = tpu.vector_load %arg4[%get3A_1150] {strides = array<i32>} : memref<63488xf32, #tpu.memory_space<vmem>>, vector<16xf32>,
      %add3A_1152 = arith.addf %add3A_1143, %get3A_1151 : vector<16xf32>
      %get3A_1153 = arith.constant 4576 : index
      %get3A_1154 = tpu.vector_load %arg4[%get3A_1153] {strides = array<i32>} : memref<63488xf32, #tpu.memory_space<vmem>>, vector<16xf32>,
      %add3A_1155 = arith.addf %add3A_1146, %get3A_1154 : vector<16xf32>
      %get3A_1156 = arith.constant 8672 : index
      %get3A_1157 = tpu.vector_load %arg4[%get3A_1156] {strides = array<i32>} : memref<63488xf32, #tpu.memory_space<vmem>>, vector<16xf32>,
      %add3A_1158 = arith.addf %add3A_1149, %get3A_1157 : vector<16xf32>
      %get3A_1159 = arith.constant 496 : index
      %get3A_1160 = tpu.vector_load %arg4[%get3A_1159] {strides = array<i32>} : memref<63488xf32, #tpu.memory_space<vmem>>, vector<16xf32>,
      %add3A_1161 = arith.addf %add3A_1152, %get3A_1160 : vector<16xf32>
      %get3A_1162 = arith.constant 4592 : index
      %get3A_1163 = tpu.vector_load %arg4[%get3A_1162] {strides = array<i32>} : memref<63488xf32, #tpu.memory_space<vmem>>, vector<16xf32>,
      %add3A_1164 = arith.addf %add3A_1155, %get3A_1163 : vector<16xf32>
      %get3A_1165 = arith.constant 8688 : index
      %get3A_1166 = tpu.vector_load %arg4[%get3A_1165] {strides = array<i32>} : memref<63488xf32, #tpu.memory_space<vmem>>, vector<16xf32>,
      %add3A_1167 = arith.addf %add3A_1158, %get3A_1166 : vector<16xf32>
      %get3A_1168 = arith.constant 512 : index
      %get3A_1169 = tpu.vector_load %arg4[%get3A_1168] {strides = array<i32>} : memref<63488xf32, #tpu.memory_space<vmem>>, vector<16xf32>,
      %add3A_1170 = arith.addf %add3A_1161, %get3A_1169 : vector<16xf32>
      %get3A_1171 = arith.constant 4608 : index
      %get3A_1172 = tpu.vector_load %arg4[%get3A_1171] {strides = array<i32>} : memref<63488xf32, #tpu.memory_space<vmem>>, vector<16xf32>,
      %add3A_1173 = arith.addf %add3A_1164, %get3A_1172 : vector<16xf32>
      %get3A_1174 = arith.constant 8704 : index
      %get3A_1175 = tpu.vector_load %arg4[%get3A_1174] {strides = array<i32>} : memref<63488xf32, #tpu.memory_space<vmem>>, vector<16xf32>,
      %add3A_1176 = arith.addf %add3A_1167, %get3A_1175 : vector<16xf32>
      %get3A_1177 = arith.constant 528 : index
      %get3A_1178 = tpu.vector_load %arg4[%get3A_1177] {strides = array<i32>} : memref<63488xf32, #tpu.memory_space<vmem>>, vector<16xf32>,
      %add3A_1179 = arith.addf %add3A_1170, %get3A_1178 : vector<16xf32>
      %get3A_1180 = arith.constant 4624 : index
      %get3A_1181 = tpu.vector_load %arg4[%get3A_1180] {strides = array<i32>} : memref<63488xf32, #tpu.memory_space<vmem>>, vector<16xf32>,
      %add3A_1182 = arith.addf %add3A_1173, %get3A_1181 : vector<16xf32>
      %get3A_1183 = arith.constant 8720 : index
      %get3A_1184 = tpu.vector_load %arg4[%get3A_1183] {strides = array<i32>} : memref<63488xf32, #tpu.memory_space<vmem>>, vector<16xf32>,
      %add3A_1185 = arith.addf %add3A_1176, %get3A_1184 : vector<16xf32>
      %get3A_1186 = arith.constant 544 : index
      %get3A_1187 = tpu.vector_load %arg4[%get3A_1186] {strides = array<i32>} : memref<63488xf32, #tpu.memory_space<vmem>>, vector<16xf32>,
      %add3A_1188 = arith.addf %add3A_1179, %get3A_1187 : vector<16xf32>
      %get3A_1189 = arith.constant 4640 : index
      %get3A_1190 = tpu.vector_load %arg4[%get3A_1189] {strides = array<i32>} : memref<63488xf32, #tpu.memory_space<vmem>>, vector<16xf32>,
      %add3A_1191 = arith.addf %add3A_1182, %get3A_1190 : vector<16xf32>
      %get3A_1192 = arith.constant 8736 : index
      %get3A_1193 = tpu.vector_load %arg4[%get3A_1192] {strides = array<i32>} : memref<63488xf32, #tpu.memory_space<vmem>>, vector<16xf32>,
      %add3A_1194 = arith.addf %add3A_1185, %get3A_1193 : vector<16xf32>
      %get3A_1195 = arith.constant 560 : index
      %get3A_1196 = tpu.vector_load %arg4[%get3A_1195] {strides = array<i32>} : memref<63488xf32, #tpu.memory_space<vmem>>, vector<16xf32>,
      %add3A_1197 = arith.addf %add3A_1188, %get3A_1196 : vector<16xf32>
      %get3A_1198 = arith.constant 4656 : index
      %get3A_1199 = tpu.vector_load %arg4[%get3A_1198] {strides = array<i32>} : memref<63488xf32, #tpu.memory_space<vmem>>, vector<16xf32>,
      %add3A_1200 = arith.addf %add3A_1191, %get3A_1199 : vector<16xf32>
      %get3A_1201 = arith.constant 8752 : index
      %get3A_1202 = tpu.vector_load %arg4[%get3A_1201] {strides = array<i32>} : memref<63488xf32, #tpu.memory_space<vmem>>, vector<16xf32>,
      %add3A_1203 = arith.addf %add3A_1194, %get3A_1202 : vector<16xf32>
      %get3A_1204 = arith.constant 576 : index
      %get3A_1205 = tpu.vector_load %arg4[%get3A_1204] {strides = array<i32>} : memref<63488xf32, #tpu.memory_space<vmem>>, vector<16xf32>,
      %add3A_1206 = arith.addf %add3A_1197, %get3A_1205 : vector<16xf32>
      %get3A_1207 = arith.constant 4672 : index
      %get3A_1208 = tpu.vector_load %arg4[%get3A_1207] {strides = array<i32>} : memref<63488xf32, #tpu.memory_space<vmem>>, vector<16xf32>,
      %add3A_1209 = arith.addf %add3A_1200, %get3A_1208 : vector<16xf32>
      %get3A_1210 = arith.constant 8768 : index
      %get3A_1211 = tpu.vector_load %arg4[%get3A_1210] {strides = array<i32>} : memref<63488xf32, #tpu.memory_space<vmem>>, vector<16xf32>,
      %add3A_1212 = arith.addf %add3A_1203, %get3A_1211 : vector<16xf32>
      %get3A_1213 = arith.constant 592 : index
      %get3A_1214 = tpu.vector_load %arg4[%get3A_1213] {strides = array<i32>} : memref<63488xf32, #tpu.memory_space<vmem>>, vector<16xf32>,
      %add3A_1215 = arith.addf %add3A_1206, %get3A_1214 : vector<16xf32>
      %get3A_1216 = arith.constant 4688 : index
      %get3A_1217 = tpu.vector_load %arg4[%get3A_1216] {strides = array<i32>} : memref<63488xf32, #tpu.memory_space<vmem>>, vector<16xf32>,
      %add3A_1218 = arith.addf %add3A_1209, %get3A_1217 : vector<16xf32>
      %get3A_1219 = arith.constant 8784 : index
      %get3A_1220 = tpu.vector_load %arg4[%get3A_1219] {strides = array<i32>} : memref<63488xf32, #tpu.memory_space<vmem>>, vector<16xf32>,
      %add3A_1221 = arith.addf %add3A_1212, %get3A_1220 : vector<16xf32>
      %get3A_1222 = arith.constant 608 : index
      %get3A_1223 = tpu.vector_load %arg4[%get3A_1222] {strides = array<i32>} : memref<63488xf32, #tpu.memory_space<vmem>>, vector<16xf32>,
      %add3A_1224 = arith.addf %add3A_1215, %get3A_1223 : vector<16xf32>
      %get3A_1225 = arith.constant 4704 : index
      %get3A_1226 = tpu.vector_load %arg4[%get3A_1225] {strides = array<i32>} : memref<63488xf32, #tpu.memory_space<vmem>>, vector<16xf32>,
      %add3A_1227 = arith.addf %add3A_1218, %get3A_1226 : vector<16xf32>
      %get3A_1228 = arith.constant 8800 : index
      %get3A_1229 = tpu.vector_load %arg4[%get3A_1228] {strides = array<i32>} : memref<63488xf32, #tpu.memory_space<vmem>>, vector<16xf32>,
      %add3A_1230 = arith.addf %add3A_1221, %get3A_1229 : vector<16xf32>
      %get3A_1231 = arith.constant 624 : index
      %get3A_1232 = tpu.vector_load %arg4[%get3A_1231] {strides = array<i32>} : memref<63488xf32, #tpu.memory_space<vmem>>, vector<16xf32>,
      %add3A_1233 = arith.addf %add3A_1224, %get3A_1232 : vector<16xf32>
      %get3A_1234 = arith.constant 4720 : index
      %get3A_1235 = tpu.vector_load %arg4[%get3A_1234] {strides = array<i32>} : memref<63488xf32, #tpu.memory_space<vmem>>, vector<16xf32>,
      %add3A_1236 = arith.addf %add3A_1227, %get3A_1235 : vector<16xf32>
      %get3A_1237 = arith.constant 8816 : index
      %get3A_1238 = tpu.vector_load %arg4[%get3A_1237] {strides = array<i32>} : memref<63488xf32, #tpu.memory_space<vmem>>, vector<16xf32>,
      %add3A_1239 = arith.addf %add3A_1230, %get3A_1238 : vector<16xf32>
      %get3A_1240 = arith.constant 640 : index
      %get3A_1241 = tpu.vector_load %arg4[%get3A_1240] {strides = array<i32>} : memref<63488xf32, #tpu.memory_space<vmem>>, vector<16xf32>,
      %add3A_1242 = arith.addf %add3A_1233, %get3A_1241 : vector<16xf32>
      %get3A_1243 = arith.constant 4736 : index
      %get3A_1244 = tpu.vector_load %arg4[%get3A_1243] {strides = array<i32>} : memref<63488xf32, #tpu.memory_space<vmem>>, vector<16xf32>,
      %add3A_1245 = arith.addf %add3A_1236, %get3A_1244 : vector<16xf32>
      %get3A_1246 = arith.constant 8832 : index
      %get3A_1247 = tpu.vector_load %arg4[%get3A_1246] {strides = array<i32>} : memref<63488xf32, #tpu.memory_space<vmem>>, vector<16xf32>,
      %add3A_1248 = arith.addf %add3A_1239, %get3A_1247 : vector<16xf32>
      %get3A_1249 = arith.constant 656 : index
      %get3A_1250 = tpu.vector_load %arg4[%get3A_1249] {strides = array<i32>} : memref<63488xf32, #tpu.memory_space<vmem>>, vector<16xf32>,
      %add3A_1251 = arith.addf %add3A_1242, %get3A_1250 : vector<16xf32>
      %get3A_1252 = arith.constant 4752 : index
      %get3A_1253 = tpu.vector_load %arg4[%get3A_1252] {strides = array<i32>} : memref<63488xf32, #tpu.memory_space<vmem>>, vector<16xf32>,
      %add3A_1254 = arith.addf %add3A_1245, %get3A_1253 : vector<16xf32>
      %get3A_1255 = arith.constant 8848 : index
      %get3A_1256 = tpu.vector_load %arg4[%get3A_1255] {strides = array<i32>} : memref<63488xf32, #tpu.memory_space<vmem>>, vector<16xf32>,
      %add3A_1257 = arith.addf %add3A_1248, %get3A_1256 : vector<16xf32>
      %get3A_1258 = arith.constant 672 : index
      %get3A_1259 = tpu.vector_load %arg4[%get3A_1258] {strides = array<i32>} : memref<63488xf32, #tpu.memory_space<vmem>>, vector<16xf32>,
      %add3A_1260 = arith.addf %add3A_1251, %get3A_1259 : vector<16xf32>
      %get3A_1261 = arith.constant 4768 : index
      %get3A_1262 = tpu.vector_load %arg4[%get3A_1261] {strides = array<i32>} : memref<63488xf32, #tpu.memory_space<vmem>>, vector<16xf32>,
      %add3A_1263 = arith.addf %add3A_1254, %get3A_1262 : vector<16xf32>
      %get3A_1264 = arith.constant 8864 : index
      %get3A_1265 = tpu.vector_load %arg4[%get3A_1264] {strides = array<i32>} : memref<63488xf32, #tpu.memory_space<vmem>>, vector<16xf32>,
      %add3A_1266 = arith.addf %add3A_1257, %get3A_1265 : vector<16xf32>
      %get3A_1267 = arith.constant 688 : index
      %get3A_1268 = tpu.vector_load %arg4[%get3A_1267] {strides = array<i32>} : memref<63488xf32, #tpu.memory_space<vmem>>, vector<16xf32>,
      %add3A_1269 = arith.addf %add3A_1260, %get3A_1268 : vector<16xf32>
      %get3A_1270 = arith.constant 4784 : index
      %get3A_1271 = tpu.vector_load %arg4[%get3A_1270] {strides = array<i32>} : memref<63488xf32, #tpu.memory_space<vmem>>, vector<16xf32>,
      %add3A_1272 = arith.addf %add3A_1263, %get3A_1271 : vector<16xf32>
      %get3A_1273 = arith.constant 8880 : index
      %get3A_1274 = tpu.vector_load %arg4[%get3A_1273] {strides = array<i32>} : memref<63488xf32, #tpu.memory_space<vmem>>, vector<16xf32>,
      %add3A_1275 = arith.addf %add3A_1266, %get3A_1274 : vector<16xf32>
      %get3A_1276 = arith.constant 704 : index
      %get3A_1277 = tpu.vector_load %arg4[%get3A_1276] {strides = array<i32>} : memref<63488xf32, #tpu.memory_space<vmem>>, vector<16xf32>,
      %add3A_1278 = arith.addf %add3A_1269, %get3A_1277 : vector<16xf32>
      %get3A_1279 = arith.constant 4800 : index
      %get3A_1280 = tpu.vector_load %arg4[%get3A_1279] {strides = array<i32>} : memref<63488xf32, #tpu.memory_space<vmem>>, vector<16xf32>,
      %add3A_1281 = arith.addf %add3A_1272, %get3A_1280 : vector<16xf32>
      %get3A_1282 = arith.constant 8896 : index
      %get3A_1283 = tpu.vector_load %arg4[%get3A_1282] {strides = array<i32>} : memref<63488xf32, #tpu.memory_space<vmem>>, vector<16xf32>,
      %add3A_1284 = arith.addf %add3A_1275, %get3A_1283 : vector<16xf32>
      %get3A_1285 = arith.constant 720 : index
      %get3A_1286 = tpu.vector_load %arg4[%get3A_1285] {strides = array<i32>} : memref<63488xf32, #tpu.memory_space<vmem>>, vector<16xf32>,
      %add3A_1287 = arith.addf %add3A_1278, %get3A_1286 : vector<16xf32>
      %get3A_1288 = arith.constant 4816 : index
      %get3A_1289 = tpu.vector_load %arg4[%get3A_1288] {strides = array<i32>} : memref<63488xf32, #tpu.memory_space<vmem>>, vector<16xf32>,
      %add3A_1290 = arith.addf %add3A_1281, %get3A_1289 : vector<16xf32>
      %get3A_1291 = arith.constant 8912 : index
      %get3A_1292 = tpu.vector_load %arg4[%get3A_1291] {strides = array<i32>} : memref<63488xf32, #tpu.memory_space<vmem>>, vector<16xf32>,
      %add3A_1293 = arith.addf %add3A_1284, %get3A_1292 : vector<16xf32>
      %get3A_1294 = arith.constant 736 : index
      %get3A_1295 = tpu.vector_load %arg4[%get3A_1294] {strides = array<i32>} : memref<63488xf32, #tpu.memory_space<vmem>>, vector<16xf32>,
      %add3A_1296 = arith.addf %add3A_1287, %get3A_1295 : vector<16xf32>
      %get3A_1297 = arith.constant 4832 : index
      %get3A_1298 = tpu.vector_load %arg4[%get3A_1297] {strides = array<i32>} : memref<63488xf32, #tpu.memory_space<vmem>>, vector<16xf32>,
      %add3A_1299 = arith.addf %add3A_1290, %get3A_1298 : vector<16xf32>
      %get3A_1300 = arith.constant 8928 : index
      %get3A_1301 = tpu.vector_load %arg4[%get3A_1300] {strides = array<i32>} : memref<63488xf32, #tpu.memory_space<vmem>>, vector<16xf32>,
      %add3A_1302 = arith.addf %add3A_1293, %get3A_1301 : vector<16xf32>
      %get3A_1303 = arith.constant 752 : index
      %get3A_1304 = tpu.vector_load %arg4[%get3A_1303] {strides = array<i32>} : memref<63488xf32, #tpu.memory_space<vmem>>, vector<16xf32>,
      %add3A_1305 = arith.addf %add3A_1296, %get3A_1304 : vector<16xf32>
      %get3A_1306 = arith.constant 4848 : index
      %get3A_1307 = tpu.vector_load %arg4[%get3A_1306] {strides = array<i32>} : memref<63488xf32, #tpu.memory_space<vmem>>, vector<16xf32>,
      %add3A_1308 = arith.addf %add3A_1299, %get3A_1307 : vector<16xf32>
      %get3A_1309 = arith.constant 8944 : index
      %get3A_1310 = tpu.vector_load %arg4[%get3A_1309] {strides = array<i32>} : memref<63488xf32, #tpu.memory_space<vmem>>, vector<16xf32>,
      %add3A_1311 = arith.addf %add3A_1302, %get3A_1310 : vector<16xf32>
      %get3A_1312 = arith.constant 768 : index
      %get3A_1313 = tpu.vector_load %arg4[%get3A_1312] {strides = array<i32>} : memref<63488xf32, #tpu.memory_space<vmem>>, vector<16xf32>,
      %add3A_1314 = arith.addf %add3A_1305, %get3A_1313 : vector<16xf32>
      %get3A_1315 = arith.constant 4864 : index
      %get3A_1316 = tpu.vector_load %arg4[%get3A_1315] {strides = array<i32>} : memref<63488xf32, #tpu.memory_space<vmem>>, vector<16xf32>,
      %add3A_1317 = arith.addf %add3A_1308, %get3A_1316 : vector<16xf32>
      %get3A_1318 = arith.constant 8960 : index
      %get3A_1319 = tpu.vector_load %arg4[%get3A_1318] {strides = array<i32>} : memref<63488xf32, #tpu.memory_space<vmem>>, vector<16xf32>,
      %add3A_1320 = arith.addf %add3A_1311, %get3A_1319 : vector<16xf32>
      %get3A_1321 = arith.constant 784 : index
      %get3A_1322 = tpu.vector_load %arg4[%get3A_1321] {strides = array<i32>} : memref<63488xf32, #tpu.memory_space<vmem>>, vector<16xf32>,
      %add3A_1323 = arith.addf %add3A_1314, %get3A_1322 : vector<16xf32>
      %get3A_1324 = arith.constant 4880 : index
      %get3A_1325 = tpu.vector_load %arg4[%get3A_1324] {strides = array<i32>} : memref<63488xf32, #tpu.memory_space<vmem>>, vector<16xf32>,
      %add3A_1326 = arith.addf %add3A_1317, %get3A_1325 : vector<16xf32>
      %get3A_1327 = arith.constant 8976 : index
      %get3A_1328 = tpu.vector_load %arg4[%get3A_1327] {strides = array<i32>} : memref<63488xf32, #tpu.memory_space<vmem>>, vector<16xf32>,
      %add3A_1329 = arith.addf %add3A_1320, %get3A_1328 : vector<16xf32>
      %get3A_1330 = arith.constant 800 : index
      %get3A_1331 = tpu.vector_load %arg4[%get3A_1330] {strides = array<i32>} : memref<63488xf32, #tpu.memory_space<vmem>>, vector<16xf32>,
      %add3A_1332 = arith.addf %add3A_1323, %get3A_1331 : vector<16xf32>
      %get3A_1333 = arith.constant 4896 : index
      %get3A_1334 = tpu.vector_load %arg4[%get3A_1333] {strides = array<i32>} : memref<63488xf32, #tpu.memory_space<vmem>>, vector<16xf32>,
      %add3A_1335 = arith.addf %add3A_1326, %get3A_1334 : vector<16xf32>
      %get3A_1336 = arith.constant 8992 : index
      %get3A_1337 = tpu.vector_load %arg4[%get3A_1336] {strides = array<i32>} : memref<63488xf32, #tpu.memory_space<vmem>>, vector<16xf32>,
      %add3A_1338 = arith.addf %add3A_1329, %get3A_1337 : vector<16xf32>
      %get3A_1339 = arith.constant 816 : index
      %get3A_1340 = tpu.vector_load %arg4[%get3A_1339] {strides = array<i32>} : memref<63488xf32, #tpu.memory_space<vmem>>, vector<16xf32>,
      %add3A_1341 = arith.addf %add3A_1332, %get3A_1340 : vector<16xf32>
      %get3A_1342 = arith.constant 4912 : index
      %get3A_1343 = tpu.vector_load %arg4[%get3A_1342] {strides = array<i32>} : memref<63488xf32, #tpu.memory_space<vmem>>, vector<16xf32>,
      %add3A_1344 = arith.addf %add3A_1335, %get3A_1343 : vector<16xf32>
      %get3A_1345 = arith.constant 9008 : index
      %get3A_1346 = tpu.vector_load %arg4[%get3A_1345] {strides = array<i32>} : memref<63488xf32, #tpu.memory_space<vmem>>, vector<16xf32>,
      %add3A_1347 = arith.addf %add3A_1338, %get3A_1346 : vector<16xf32>
      %get3A_1348 = arith.constant 832 : index
      %get3A_1349 = tpu.vector_load %arg4[%get3A_1348] {strides = array<i32>} : memref<63488xf32, #tpu.memory_space<vmem>>, vector<16xf32>,
      %add3A_1350 = arith.addf %add3A_1341, %get3A_1349 : vector<16xf32>
      %get3A_1351 = arith.constant 4928 : index
      %get3A_1352 = tpu.vector_load %arg4[%get3A_1351] {strides = array<i32>} : memref<63488xf32, #tpu.memory_space<vmem>>, vector<16xf32>,
      %add3A_1353 = arith.addf %add3A_1344, %get3A_1352 : vector<16xf32>
      %get3A_1354 = arith.constant 9024 : index
      %get3A_1355 = tpu.vector_load %arg4[%get3A_1354] {strides = array<i32>} : memref<63488xf32, #tpu.memory_space<vmem>>, vector<16xf32>,
      %add3A_1356 = arith.addf %add3A_1347, %get3A_1355 : vector<16xf32>
      %get3A_1357 = arith.constant 848 : index
      %get3A_1358 = tpu.vector_load %arg4[%get3A_1357] {strides = array<i32>} : memref<63488xf32, #tpu.memory_space<vmem>>, vector<16xf32>,
      %add3A_1359 = arith.addf %add3A_1350, %get3A_1358 : vector<16xf32>
      %get3A_1360 = arith.constant 4944 : index
      %get3A_1361 = tpu.vector_load %arg4[%get3A_1360] {strides = array<i32>} : memref<63488xf32, #tpu.memory_space<vmem>>, vector<16xf32>,
      %add3A_1362 = arith.addf %add3A_1353, %get3A_1361 : vector<16xf32>
      %get3A_1363 = arith.constant 9040 : index
      %get3A_1364 = tpu.vector_load %arg4[%get3A_1363] {strides = array<i32>} : memref<63488xf32, #tpu.memory_space<vmem>>, vector<16xf32>,
      %add3A_1365 = arith.addf %add3A_1356, %get3A_1364 : vector<16xf32>
      %get3A_1366 = arith.constant 864 : index
      %get3A_1367 = tpu.vector_load %arg4[%get3A_1366] {strides = array<i32>} : memref<63488xf32, #tpu.memory_space<vmem>>, vector<16xf32>,
      %add3A_1368 = arith.addf %add3A_1359, %get3A_1367 : vector<16xf32>
      %get3A_1369 = arith.constant 4960 : index
      %get3A_1370 = tpu.vector_load %arg4[%get3A_1369] {strides = array<i32>} : memref<63488xf32, #tpu.memory_space<vmem>>, vector<16xf32>,
      %add3A_1371 = arith.addf %add3A_1362, %get3A_1370 : vector<16xf32>
      %get3A_1372 = arith.constant 9056 : index
      %get3A_1373 = tpu.vector_load %arg4[%get3A_1372] {strides = array<i32>} : memref<63488xf32, #tpu.memory_space<vmem>>, vector<16xf32>,
      %add3A_1374 = arith.addf %add3A_1365, %get3A_1373 : vector<16xf32>
      %get3A_1375 = arith.constant 880 : index
      %get3A_1376 = tpu.vector_load %arg4[%get3A_1375] {strides = array<i32>} : memref<63488xf32, #tpu.memory_space<vmem>>, vector<16xf32>,
      %add3A_1377 = arith.addf %add3A_1368, %get3A_1376 : vector<16xf32>
      %get3A_1378 = arith.constant 4976 : index
      %get3A_1379 = tpu.vector_load %arg4[%get3A_1378] {strides = array<i32>} : memref<63488xf32, #tpu.memory_space<vmem>>, vector<16xf32>,
      %add3A_1380 = arith.addf %add3A_1371, %get3A_1379 : vector<16xf32>
      %get3A_1381 = arith.constant 9072 : index
      %get3A_1382 = tpu.vector_load %arg4[%get3A_1381] {strides = array<i32>} : memref<63488xf32, #tpu.memory_space<vmem>>, vector<16xf32>,
      %add3A_1383 = arith.addf %add3A_1374, %get3A_1382 : vector<16xf32>
      %get3A_1384 = arith.constant 896 : index
      %get3A_1385 = tpu.vector_load %arg4[%get3A_1384] {strides = array<i32>} : memref<63488xf32, #tpu.memory_space<vmem>>, vector<16xf32>,
      %add3A_1386 = arith.addf %add3A_1377, %get3A_1385 : vector<16xf32>
      %get3A_1387 = arith.constant 4992 : index
      %get3A_1388 = tpu.vector_load %arg4[%get3A_1387] {strides = array<i32>} : memref<63488xf32, #tpu.memory_space<vmem>>, vector<16xf32>,
      %add3A_1389 = arith.addf %add3A_1380, %get3A_1388 : vector<16xf32>
      %get3A_1390 = arith.constant 9088 : index
      %get3A_1391 = tpu.vector_load %arg4[%get3A_1390] {strides = array<i32>} : memref<63488xf32, #tpu.memory_space<vmem>>, vector<16xf32>,
      %add3A_1392 = arith.addf %add3A_1383, %get3A_1391 : vector<16xf32>
      %get3A_1393 = arith.constant 912 : index
      %get3A_1394 = tpu.vector_load %arg4[%get3A_1393] {strides = array<i32>} : memref<63488xf32, #tpu.memory_space<vmem>>, vector<16xf32>,
      %add3A_1395 = arith.addf %add3A_1386, %get3A_1394 : vector<16xf32>
      %get3A_1396 = arith.constant 5008 : index
      %get3A_1397 = tpu.vector_load %arg4[%get3A_1396] {strides = array<i32>} : memref<63488xf32, #tpu.memory_space<vmem>>, vector<16xf32>,
      %add3A_1398 = arith.addf %add3A_1389, %get3A_1397 : vector<16xf32>
      %get3A_1399 = arith.constant 9104 : index
      %get3A_1400 = tpu.vector_load %arg4[%get3A_1399] {strides = array<i32>} : memref<63488xf32, #tpu.memory_space<vmem>>, vector<16xf32>,
      %add3A_1401 = arith.addf %add3A_1392, %get3A_1400 : vector<16xf32>
      %get3A_1402 = arith.constant 928 : index
      %get3A_1403 = tpu.vector_load %arg4[%get3A_1402] {strides = array<i32>} : memref<63488xf32, #tpu.memory_space<vmem>>, vector<16xf32>,
      %add3A_1404 = arith.addf %add3A_1395, %get3A_1403 : vector<16xf32>
      %get3A_1405 = arith.constant 5024 : index
      %get3A_1406 = tpu.vector_load %arg4[%get3A_1405] {strides = array<i32>} : memref<63488xf32, #tpu.memory_space<vmem>>, vector<16xf32>,
      %add3A_1407 = arith.addf %add3A_1398, %get3A_1406 : vector<16xf32>
      %get3A_1408 = arith.constant 9120 : index
      %get3A_1409 = tpu.vector_load %arg4[%get3A_1408] {strides = array<i32>} : memref<63488xf32, #tpu.memory_space<vmem>>, vector<16xf32>,
      %add3A_1410 = arith.addf %add3A_1401, %get3A_1409 : vector<16xf32>
      %get3A_1411 = arith.constant 944 : index
      %get3A_1412 = tpu.vector_load %arg4[%get3A_1411] {strides = array<i32>} : memref<63488xf32, #tpu.memory_space<vmem>>, vector<16xf32>,
      %add3A_1413 = arith.addf %add3A_1404, %get3A_1412 : vector<16xf32>
      %get3A_1414 = arith.constant 5040 : index
      %get3A_1415 = tpu.vector_load %arg4[%get3A_1414] {strides = array<i32>} : memref<63488xf32, #tpu.memory_space<vmem>>, vector<16xf32>,
      %add3A_1416 = arith.addf %add3A_1407, %get3A_1415 : vector<16xf32>
      %get3A_1417 = arith.constant 9136 : index
      %get3A_1418 = tpu.vector_load %arg4[%get3A_1417] {strides = array<i32>} : memref<63488xf32, #tpu.memory_space<vmem>>, vector<16xf32>,
      %add3A_1419 = arith.addf %add3A_1410, %get3A_1418 : vector<16xf32>
      %get3A_1420 = arith.constant 960 : index
      %get3A_1421 = tpu.vector_load %arg4[%get3A_1420] {strides = array<i32>} : memref<63488xf32, #tpu.memory_space<vmem>>, vector<16xf32>,
      %add3A_1422 = arith.addf %add3A_1413, %get3A_1421 : vector<16xf32>
      %get3A_1423 = arith.constant 5056 : index
      %get3A_1424 = tpu.vector_load %arg4[%get3A_1423] {strides = array<i32>} : memref<63488xf32, #tpu.memory_space<vmem>>, vector<16xf32>,
      %add3A_1425 = arith.addf %add3A_1416, %get3A_1424 : vector<16xf32>
      %get3A_1426 = arith.constant 9152 : index
      %get3A_1427 = tpu.vector_load %arg4[%get3A_1426] {strides = array<i32>} : memref<63488xf32, #tpu.memory_space<vmem>>, vector<16xf32>,
      %add3A_1428 = arith.addf %add3A_1419, %get3A_1427 : vector<16xf32>
      %get3A_1429 = arith.constant 976 : index
      %get3A_1430 = tpu.vector_load %arg4[%get3A_1429] {strides = array<i32>} : memref<63488xf32, #tpu.memory_space<vmem>>, vector<16xf32>,
      %add3A_1431 = arith.addf %add3A_1422, %get3A_1430 : vector<16xf32>
      %get3A_1432 = arith.constant 5072 : index
      %get3A_1433 = tpu.vector_load %arg4[%get3A_1432] {strides = array<i32>} : memref<63488xf32, #tpu.memory_space<vmem>>, vector<16xf32>,
      %add3A_1434 = arith.addf %add3A_1425, %get3A_1433 : vector<16xf32>
      %get3A_1435 = arith.constant 9168 : index
      %get3A_1436 = tpu.vector_load %arg4[%get3A_1435] {strides = array<i32>} : memref<63488xf32, #tpu.memory_space<vmem>>, vector<16xf32>,
      %add3A_1437 = arith.addf %add3A_1428, %get3A_1436 : vector<16xf32>
      %get3A_1438 = arith.constant 992 : index
      %get3A_1439 = tpu.vector_load %arg4[%get3A_1438] {strides = array<i32>} : memref<63488xf32, #tpu.memory_space<vmem>>, vector<16xf32>,
      %add3A_1440 = arith.addf %add3A_1431, %get3A_1439 : vector<16xf32>
      %get3A_1441 = arith.constant 5088 : index
      %get3A_1442 = tpu.vector_load %arg4[%get3A_1441] {strides = array<i32>} : memref<63488xf32, #tpu.memory_space<vmem>>, vector<16xf32>,
      %add3A_1443 = arith.addf %add3A_1434, %get3A_1442 : vector<16xf32>
      %get3A_1444 = arith.constant 9184 : index
      %get3A_1445 = tpu.vector_load %arg4[%get3A_1444] {strides = array<i32>} : memref<63488xf32, #tpu.memory_space<vmem>>, vector<16xf32>,
      %add3A_1446 = arith.addf %add3A_1437, %get3A_1445 : vector<16xf32>
      %get3A_1447 = arith.constant 1008 : index
      %get3A_1448 = tpu.vector_load %arg4[%get3A_1447] {strides = array<i32>} : memref<63488xf32, #tpu.memory_space<vmem>>, vector<16xf32>,
      %add3A_1449 = arith.addf %add3A_1440, %get3A_1448 : vector<16xf32>
      %get3A_1450 = arith.constant 5104 : index
      %get3A_1451 = tpu.vector_load %arg4[%get3A_1450] {strides = array<i32>} : memref<63488xf32, #tpu.memory_space<vmem>>, vector<16xf32>,
      %add3A_1452 = arith.addf %add3A_1443, %get3A_1451 : vector<16xf32>
      %get3A_1453 = arith.constant 9200 : index
      %get3A_1454 = tpu.vector_load %arg4[%get3A_1453] {strides = array<i32>} : memref<63488xf32, #tpu.memory_space<vmem>>, vector<16xf32>,
      %add3A_1455 = arith.addf %add3A_1446, %get3A_1454 : vector<16xf32>
      %get3A_1456 = arith.constant 1024 : index
      %get3A_1457 = tpu.vector_load %arg4[%get3A_1456] {strides = array<i32>} : memref<63488xf32, #tpu.memory_space<vmem>>, vector<16xf32>,
      %add3A_1458 = arith.addf %add3A_1449, %get3A_1457 : vector<16xf32>
      %get3A_1459 = arith.constant 5120 : index
      %get3A_1460 = tpu.vector_load %arg4[%get3A_1459] {strides = array<i32>} : memref<63488xf32, #tpu.memory_space<vmem>>, vector<16xf32>,
      %add3A_1461 = arith.addf %add3A_1452, %get3A_1460 : vector<16xf32>
      %get3A_1462 = arith.constant 9216 : index
      %get3A_1463 = tpu.vector_load %arg4[%get3A_1462] {strides = array<i32>} : memref<63488xf32, #tpu.memory_space<vmem>>, vector<16xf32>,
      %add3A_1464 = arith.addf %add3A_1455, %get3A_1463 : vector<16xf32>
      %get3A_1465 = arith.constant 1040 : index
      %get3A_1466 = tpu.vector_load %arg4[%get3A_1465] {strides = array<i32>} : memref<63488xf32, #tpu.memory_space<vmem>>, vector<16xf32>,
      %add3A_1467 = arith.addf %add3A_1458, %get3A_1466 : vector<16xf32>
      %get3A_1468 = arith.constant 5136 : index
      %get3A_1469 = tpu.vector_load %arg4[%get3A_1468] {strides = array<i32>} : memref<63488xf32, #tpu.memory_space<vmem>>, vector<16xf32>,
      %add3A_1470 = arith.addf %add3A_1461, %get3A_1469 : vector<16xf32>
      %get3A_1471 = arith.constant 9232 : index
      %get3A_1472 = tpu.vector_load %arg4[%get3A_1471] {strides = array<i32>} : memref<63488xf32, #tpu.memory_space<vmem>>, vector<16xf32>,
      %add3A_1473 = arith.addf %add3A_1464, %get3A_1472 : vector<16xf32>
      %get3A_1474 = arith.constant 1056 : index
      %get3A_1475 = tpu.vector_load %arg4[%get3A_1474] {strides = array<i32>} : memref<63488xf32, #tpu.memory_space<vmem>>, vector<16xf32>,
      %add3A_1476 = arith.addf %add3A_1467, %get3A_1475 : vector<16xf32>
      %get3A_1477 = arith.constant 5152 : index
      %get3A_1478 = tpu.vector_load %arg4[%get3A_1477] {strides = array<i32>} : memref<63488xf32, #tpu.memory_space<vmem>>, vector<16xf32>,
      %add3A_1479 = arith.addf %add3A_1470, %get3A_1478 : vector<16xf32>
      %get3A_1480 = arith.constant 9248 : index
      %get3A_1481 = tpu.vector_load %arg4[%get3A_1480] {strides = array<i32>} : memref<63488xf32, #tpu.memory_space<vmem>>, vector<16xf32>,
      %add3A_1482 = arith.addf %add3A_1473, %get3A_1481 : vector<16xf32>
      %get3A_1483 = arith.constant 1072 : index
      %get3A_1484 = tpu.vector_load %arg4[%get3A_1483] {strides = array<i32>} : memref<63488xf32, #tpu.memory_space<vmem>>, vector<16xf32>,
      %add3A_1485 = arith.addf %add3A_1476, %get3A_1484 : vector<16xf32>
      %get3A_1486 = arith.constant 5168 : index
      %get3A_1487 = tpu.vector_load %arg4[%get3A_1486] {strides = array<i32>} : memref<63488xf32, #tpu.memory_space<vmem>>, vector<16xf32>,
      %add3A_1488 = arith.addf %add3A_1479, %get3A_1487 : vector<16xf32>
      %get3A_1489 = arith.constant 9264 : index
      %get3A_1490 = tpu.vector_load %arg4[%get3A_1489] {strides = array<i32>} : memref<63488xf32, #tpu.memory_space<vmem>>, vector<16xf32>,
      %add3A_1491 = arith.addf %add3A_1482, %get3A_1490 : vector<16xf32>
      %get3A_1492 = arith.constant 1088 : index
      %get3A_1493 = tpu.vector_load %arg4[%get3A_1492] {strides = array<i32>} : memref<63488xf32, #tpu.memory_space<vmem>>, vector<16xf32>,
      %add3A_1494 = arith.addf %add3A_1485, %get3A_1493 : vector<16xf32>
      %get3A_1495 = arith.constant 5184 : index
      %get3A_1496 = tpu.vector_load %arg4[%get3A_1495] {strides = array<i32>} : memref<63488xf32, #tpu.memory_space<vmem>>, vector<16xf32>,
      %add3A_1497 = arith.addf %add3A_1488, %get3A_1496 : vector<16xf32>
      %get3A_1498 = arith.constant 9280 : index
      %get3A_1499 = tpu.vector_load %arg4[%get3A_1498] {strides = array<i32>} : memref<63488xf32, #tpu.memory_space<vmem>>, vector<16xf32>,
      %add3A_1500 = arith.addf %add3A_1491, %get3A_1499 : vector<16xf32>
      %get3A_1501 = arith.constant 1104 : index
      %get3A_1502 = tpu.vector_load %arg4[%get3A_1501] {strides = array<i32>} : memref<63488xf32, #tpu.memory_space<vmem>>, vector<16xf32>,
      %add3A_1503 = arith.addf %add3A_1494, %get3A_1502 : vector<16xf32>
      %get3A_1504 = arith.constant 5200 : index
      %get3A_1505 = tpu.vector_load %arg4[%get3A_1504] {strides = array<i32>} : memref<63488xf32, #tpu.memory_space<vmem>>, vector<16xf32>,
      %add3A_1506 = arith.addf %add3A_1497, %get3A_1505 : vector<16xf32>
      %get3A_1507 = arith.constant 9296 : index
      %get3A_1508 = tpu.vector_load %arg4[%get3A_1507] {strides = array<i32>} : memref<63488xf32, #tpu.memory_space<vmem>>, vector<16xf32>,
      %add3A_1509 = arith.addf %add3A_1500, %get3A_1508 : vector<16xf32>
      %get3A_1510 = arith.constant 1120 : index
      %get3A_1511 = tpu.vector_load %arg4[%get3A_1510] {strides = array<i32>} : memref<63488xf32, #tpu.memory_space<vmem>>, vector<16xf32>,
      %add3A_1512 = arith.addf %add3A_1503, %get3A_1511 : vector<16xf32>
      %get3A_1513 = arith.constant 5216 : index
      %get3A_1514 = tpu.vector_load %arg4[%get3A_1513] {strides = array<i32>} : memref<63488xf32, #tpu.memory_space<vmem>>, vector<16xf32>,
      %add3A_1515 = arith.addf %add3A_1506, %get3A_1514 : vector<16xf32>
      %get3A_1516 = arith.constant 9312 : index
      %get3A_1517 = tpu.vector_load %arg4[%get3A_1516] {strides = array<i32>} : memref<63488xf32, #tpu.memory_space<vmem>>, vector<16xf32>,
      %add3A_1518 = arith.addf %add3A_1509, %get3A_1517 : vector<16xf32>
      %get3A_1519 = arith.constant 1136 : index
      %get3A_1520 = tpu.vector_load %arg4[%get3A_1519] {strides = array<i32>} : memref<63488xf32, #tpu.memory_space<vmem>>, vector<16xf32>,
      %add3A_1521 = arith.addf %add3A_1512, %get3A_1520 : vector<16xf32>
      %get3A_1522 = arith.constant 5232 : index
      %get3A_1523 = tpu.vector_load %arg4[%get3A_1522] {strides = array<i32>} : memref<63488xf32, #tpu.memory_space<vmem>>, vector<16xf32>,
      %add3A_1524 = arith.addf %add3A_1515, %get3A_1523 : vector<16xf32>
      %get3A_1525 = arith.constant 9328 : index
      %get3A_1526 = tpu.vector_load %arg4[%get3A_1525] {strides = array<i32>} : memref<63488xf32, #tpu.memory_space<vmem>>, vector<16xf32>,
      %add3A_1527 = arith.addf %add3A_1518, %get3A_1526 : vector<16xf32>
      %get3A_1528 = arith.constant 1152 : index
      %get3A_1529 = tpu.vector_load %arg4[%get3A_1528] {strides = array<i32>} : memref<63488xf32, #tpu.memory_space<vmem>>, vector<16xf32>,
      %add3A_1530 = arith.addf %add3A_1521, %get3A_1529 : vector<16xf32>
      %get3A_1531 = arith.constant 5248 : index
      %get3A_1532 = tpu.vector_load %arg4[%get3A_1531] {strides = array<i32>} : memref<63488xf32, #tpu.memory_space<vmem>>, vector<16xf32>,
      %add3A_1533 = arith.addf %add3A_1524, %get3A_1532 : vector<16xf32>
      %get3A_1534 = arith.constant 9344 : index
      %get3A_1535 = tpu.vector_load %arg4[%get3A_1534] {strides = array<i32>} : memref<63488xf32, #tpu.memory_space<vmem>>, vector<16xf32>,
      %add3A_1536 = arith.addf %add3A_1527, %get3A_1535 : vector<16xf32>
      %get3A_1537 = arith.constant 1168 : index
      %get3A_1538 = tpu.vector_load %arg4[%get3A_1537] {strides = array<i32>} : memref<63488xf32, #tpu.memory_space<vmem>>, vector<16xf32>,
      %add3A_1539 = arith.addf %add3A_1530, %get3A_1538 : vector<16xf32>
      %get3A_1540 = arith.constant 5264 : index
      %get3A_1541 = tpu.vector_load %arg4[%get3A_1540] {strides = array<i32>} : memref<63488xf32, #tpu.memory_space<vmem>>, vector<16xf32>,
      %add3A_1542 = arith.addf %add3A_1533, %get3A_1541 : vector<16xf32>
      %get3A_1543 = arith.constant 9360 : index
      %get3A_1544 = tpu.vector_load %arg4[%get3A_1543] {strides = array<i32>} : memref<63488xf32, #tpu.memory_space<vmem>>, vector<16xf32>,
      %add3A_1545 = arith.addf %add3A_1536, %get3A_1544 : vector<16xf32>
      %get3A_1546 = arith.constant 1184 : index
      %get3A_1547 = tpu.vector_load %arg4[%get3A_1546] {strides = array<i32>} : memref<63488xf32, #tpu.memory_space<vmem>>, vector<16xf32>,
      %add3A_1548 = arith.addf %add3A_1539, %get3A_1547 : vector<16xf32>
      %get3A_1549 = arith.constant 5280 : index
      %get3A_1550 = tpu.vector_load %arg4[%get3A_1549] {strides = array<i32>} : memref<63488xf32, #tpu.memory_space<vmem>>, vector<16xf32>,
      %add3A_1551 = arith.addf %add3A_1542, %get3A_1550 : vector<16xf32>
      %get3A_1552 = arith.constant 9376 : index
      %get3A_1553 = tpu.vector_load %arg4[%get3A_1552] {strides = array<i32>} : memref<63488xf32, #tpu.memory_space<vmem>>, vector<16xf32>,
      %add3A_1554 = arith.addf %add3A_1545, %get3A_1553 : vector<16xf32>
      %get3A_1555 = arith.constant 1200 : index
      %get3A_1556 = tpu.vector_load %arg4[%get3A_1555] {strides = array<i32>} : memref<63488xf32, #tpu.memory_space<vmem>>, vector<16xf32>,
      %add3A_1557 = arith.addf %add3A_1548, %get3A_1556 : vector<16xf32>
      %get3A_1558 = arith.constant 5296 : index
      %get3A_1559 = tpu.vector_load %arg4[%get3A_1558] {strides = array<i32>} : memref<63488xf32, #tpu.memory_space<vmem>>, vector<16xf32>,
      %add3A_1560 = arith.addf %add3A_1551, %get3A_1559 : vector<16xf32>
      %get3A_1561 = arith.constant 9392 : index
      %get3A_1562 = tpu.vector_load %arg4[%get3A_1561] {strides = array<i32>} : memref<63488xf32, #tpu.memory_space<vmem>>, vector<16xf32>,
      %add3A_1563 = arith.addf %add3A_1554, %get3A_1562 : vector<16xf32>
      %get3A_1564 = arith.constant 1216 : index
      %get3A_1565 = tpu.vector_load %arg4[%get3A_1564] {strides = array<i32>} : memref<63488xf32, #tpu.memory_space<vmem>>, vector<16xf32>,
      %add3A_1566 = arith.addf %add3A_1557, %get3A_1565 : vector<16xf32>
      %get3A_1567 = arith.constant 5312 : index
      %get3A_1568 = tpu.vector_load %arg4[%get3A_1567] {strides = array<i32>} : memref<63488xf32, #tpu.memory_space<vmem>>, vector<16xf32>,
      %add3A_1569 = arith.addf %add3A_1560, %get3A_1568 : vector<16xf32>
      %get3A_1570 = arith.constant 9408 : index
      %get3A_1571 = tpu.vector_load %arg4[%get3A_1570] {strides = array<i32>} : memref<63488xf32, #tpu.memory_space<vmem>>, vector<16xf32>,
      %add3A_1572 = arith.addf %add3A_1563, %get3A_1571 : vector<16xf32>
      %get3A_1573 = arith.constant 1232 : index
      %get3A_1574 = tpu.vector_load %arg4[%get3A_1573] {strides = array<i32>} : memref<63488xf32, #tpu.memory_space<vmem>>, vector<16xf32>,
      %add3A_1575 = arith.addf %add3A_1566, %get3A_1574 : vector<16xf32>
      %get3A_1576 = arith.constant 5328 : index
      %get3A_1577 = tpu.vector_load %arg4[%get3A_1576] {strides = array<i32>} : memref<63488xf32, #tpu.memory_space<vmem>>, vector<16xf32>,
      %add3A_1578 = arith.addf %add3A_1569, %get3A_1577 : vector<16xf32>
      %get3A_1579 = arith.constant 9424 : index
      %get3A_1580 = tpu.vector_load %arg4[%get3A_1579] {strides = array<i32>} : memref<63488xf32, #tpu.memory_space<vmem>>, vector<16xf32>,
      %add3A_1581 = arith.addf %add3A_1572, %get3A_1580 : vector<16xf32>
      %get3A_1582 = arith.constant 1248 : index
      %get3A_1583 = tpu.vector_load %arg4[%get3A_1582] {strides = array<i32>} : memref<63488xf32, #tpu.memory_space<vmem>>, vector<16xf32>,
      %add3A_1584 = arith.addf %add3A_1575, %get3A_1583 : vector<16xf32>
      %get3A_1585 = arith.constant 5344 : index
      %get3A_1586 = tpu.vector_load %arg4[%get3A_1585] {strides = array<i32>} : memref<63488xf32, #tpu.memory_space<vmem>>, vector<16xf32>,
      %add3A_1587 = arith.addf %add3A_1578, %get3A_1586 : vector<16xf32>
      %get3A_1588 = arith.constant 9440 : index
      %get3A_1589 = tpu.vector_load %arg4[%get3A_1588] {strides = array<i32>} : memref<63488xf32, #tpu.memory_space<vmem>>, vector<16xf32>,
      %add3A_1590 = arith.addf %add3A_1581, %get3A_1589 : vector<16xf32>
      %get3A_1591 = arith.constant 1264 : index
      %get3A_1592 = tpu.vector_load %arg4[%get3A_1591] {strides = array<i32>} : memref<63488xf32, #tpu.memory_space<vmem>>, vector<16xf32>,
      %add3A_1593 = arith.addf %add3A_1584, %get3A_1592 : vector<16xf32>
      %get3A_1594 = arith.constant 5360 : index
      %get3A_1595 = tpu.vector_load %arg4[%get3A_1594] {strides = array<i32>} : memref<63488xf32, #tpu.memory_space<vmem>>, vector<16xf32>,
      %add3A_1596 = arith.addf %add3A_1587, %get3A_1595 : vector<16xf32>
      %get3A_1597 = arith.constant 9456 : index
      %get3A_1598 = tpu.vector_load %arg4[%get3A_1597] {strides = array<i32>} : memref<63488xf32, #tpu.memory_space<vmem>>, vector<16xf32>,
      %add3A_1599 = arith.addf %add3A_1590, %get3A_1598 : vector<16xf32>
      %get3A_1600 = arith.constant 1280 : index
      %get3A_1601 = tpu.vector_load %arg4[%get3A_1600] {strides = array<i32>} : memref<63488xf32, #tpu.memory_space<vmem>>, vector<16xf32>,
      %add3A_1602 = arith.addf %add3A_1593, %get3A_1601 : vector<16xf32>
      %get3A_1603 = arith.constant 5376 : index
      %get3A_1604 = tpu.vector_load %arg4[%get3A_1603] {strides = array<i32>} : memref<63488xf32, #tpu.memory_space<vmem>>, vector<16xf32>,
      %add3A_1605 = arith.addf %add3A_1596, %get3A_1604 : vector<16xf32>
      %get3A_1606 = arith.constant 9472 : index
      %get3A_1607 = tpu.vector_load %arg4[%get3A_1606] {strides = array<i32>} : memref<63488xf32, #tpu.memory_space<vmem>>, vector<16xf32>,
      %add3A_1608 = arith.addf %add3A_1599, %get3A_1607 : vector<16xf32>
      %get3A_1609 = arith.constant 1296 : index
      %get3A_1610 = tpu.vector_load %arg4[%get3A_1609] {strides = array<i32>} : memref<63488xf32, #tpu.memory_space<vmem>>, vector<16xf32>,
      %add3A_1611 = arith.addf %add3A_1602, %get3A_1610 : vector<16xf32>
      %get3A_1612 = arith.constant 5392 : index
      %get3A_1613 = tpu.vector_load %arg4[%get3A_1612] {strides = array<i32>} : memref<63488xf32, #tpu.memory_space<vmem>>, vector<16xf32>,
      %add3A_1614 = arith.addf %add3A_1605, %get3A_1613 : vector<16xf32>
      %get3A_1615 = arith.constant 9488 : index
      %get3A_1616 = tpu.vector_load %arg4[%get3A_1615] {strides = array<i32>} : memref<63488xf32, #tpu.memory_space<vmem>>, vector<16xf32>,
      %add3A_1617 = arith.addf %add3A_1608, %get3A_1616 : vector<16xf32>
      %get3A_1618 = arith.constant 1312 : index
      %get3A_1619 = tpu.vector_load %arg4[%get3A_1618] {strides = array<i32>} : memref<63488xf32, #tpu.memory_space<vmem>>, vector<16xf32>,
      %add3A_1620 = arith.addf %add3A_1611, %get3A_1619 : vector<16xf32>
      %get3A_1621 = arith.constant 5408 : index
      %get3A_1622 = tpu.vector_load %arg4[%get3A_1621] {strides = array<i32>} : memref<63488xf32, #tpu.memory_space<vmem>>, vector<16xf32>,
      %add3A_1623 = arith.addf %add3A_1614, %get3A_1622 : vector<16xf32>
      %get3A_1624 = arith.constant 9504 : index
      %get3A_1625 = tpu.vector_load %arg4[%get3A_1624] {strides = array<i32>} : memref<63488xf32, #tpu.memory_space<vmem>>, vector<16xf32>,
      %add3A_1626 = arith.addf %add3A_1617, %get3A_1625 : vector<16xf32>
      %get3A_1627 = arith.constant 1328 : index
      %get3A_1628 = tpu.vector_load %arg4[%get3A_1627] {strides = array<i32>} : memref<63488xf32, #tpu.memory_space<vmem>>, vector<16xf32>,
      %add3A_1629 = arith.addf %add3A_1620, %get3A_1628 : vector<16xf32>
      %get3A_1630 = arith.constant 5424 : index
      %get3A_1631 = tpu.vector_load %arg4[%get3A_1630] {strides = array<i32>} : memref<63488xf32, #tpu.memory_space<vmem>>, vector<16xf32>,
      %add3A_1632 = arith.addf %add3A_1623, %get3A_1631 : vector<16xf32>
      %get3A_1633 = arith.constant 9520 : index
      %get3A_1634 = tpu.vector_load %arg4[%get3A_1633] {strides = array<i32>} : memref<63488xf32, #tpu.memory_space<vmem>>, vector<16xf32>,
      %add3A_1635 = arith.addf %add3A_1626, %get3A_1634 : vector<16xf32>
      %get3A_1636 = arith.constant 1344 : index
      %get3A_1637 = tpu.vector_load %arg4[%get3A_1636] {strides = array<i32>} : memref<63488xf32, #tpu.memory_space<vmem>>, vector<16xf32>,
      %add3A_1638 = arith.addf %add3A_1629, %get3A_1637 : vector<16xf32>
      %get3A_1639 = arith.constant 5440 : index
      %get3A_1640 = tpu.vector_load %arg4[%get3A_1639] {strides = array<i32>} : memref<63488xf32, #tpu.memory_space<vmem>>, vector<16xf32>,
      %add3A_1641 = arith.addf %add3A_1632, %get3A_1640 : vector<16xf32>
      %get3A_1642 = arith.constant 9536 : index
      %get3A_1643 = tpu.vector_load %arg4[%get3A_1642] {strides = array<i32>} : memref<63488xf32, #tpu.memory_space<vmem>>, vector<16xf32>,
      %add3A_1644 = arith.addf %add3A_1635, %get3A_1643 : vector<16xf32>
      %get3A_1645 = arith.constant 1360 : index
      %get3A_1646 = tpu.vector_load %arg4[%get3A_1645] {strides = array<i32>} : memref<63488xf32, #tpu.memory_space<vmem>>, vector<16xf32>,
      %add3A_1647 = arith.addf %add3A_1638, %get3A_1646 : vector<16xf32>
      %get3A_1648 = arith.constant 5456 : index
      %get3A_1649 = tpu.vector_load %arg4[%get3A_1648] {strides = array<i32>} : memref<63488xf32, #tpu.memory_space<vmem>>, vector<16xf32>,
      %add3A_1650 = arith.addf %add3A_1641, %get3A_1649 : vector<16xf32>
      %get3A_1651 = arith.constant 9552 : index
      %get3A_1652 = tpu.vector_load %arg4[%get3A_1651] {strides = array<i32>} : memref<63488xf32, #tpu.memory_space<vmem>>, vector<16xf32>,
      %add3A_1653 = arith.addf %add3A_1644, %get3A_1652 : vector<16xf32>
      %get3A_1654 = arith.constant 1376 : index
      %get3A_1655 = tpu.vector_load %arg4[%get3A_1654] {strides = array<i32>} : memref<63488xf32, #tpu.memory_space<vmem>>, vector<16xf32>,
      %add3A_1656 = arith.addf %add3A_1647, %get3A_1655 : vector<16xf32>
      %get3A_1657 = arith.constant 5472 : index
      %get3A_1658 = tpu.vector_load %arg4[%get3A_1657] {strides = array<i32>} : memref<63488xf32, #tpu.memory_space<vmem>>, vector<16xf32>,
      %add3A_1659 = arith.addf %add3A_1650, %get3A_1658 : vector<16xf32>
      %get3A_1660 = arith.constant 9568 : index
      %get3A_1661 = tpu.vector_load %arg4[%get3A_1660] {strides = array<i32>} : memref<63488xf32, #tpu.memory_space<vmem>>, vector<16xf32>,
      %add3A_1662 = arith.addf %add3A_1653, %get3A_1661 : vector<16xf32>
      %get3A_1663 = arith.constant 1392 : index
      %get3A_1664 = tpu.vector_load %arg4[%get3A_1663] {strides = array<i32>} : memref<63488xf32, #tpu.memory_space<vmem>>, vector<16xf32>,
      %add3A_1665 = arith.addf %add3A_1656, %get3A_1664 : vector<16xf32>
      %get3A_1666 = arith.constant 5488 : index
      %get3A_1667 = tpu.vector_load %arg4[%get3A_1666] {strides = array<i32>} : memref<63488xf32, #tpu.memory_space<vmem>>, vector<16xf32>,
      %add3A_1668 = arith.addf %add3A_1659, %get3A_1667 : vector<16xf32>
      %get3A_1669 = arith.constant 9584 : index
      %get3A_1670 = tpu.vector_load %arg4[%get3A_1669] {strides = array<i32>} : memref<63488xf32, #tpu.memory_space<vmem>>, vector<16xf32>,
      %add3A_1671 = arith.addf %add3A_1662, %get3A_1670 : vector<16xf32>
      %get3A_1672 = arith.constant 1408 : index
      %get3A_1673 = tpu.vector_load %arg4[%get3A_1672] {strides = array<i32>} : memref<63488xf32, #tpu.memory_space<vmem>>, vector<16xf32>,
      %add3A_1674 = arith.addf %add3A_1665, %get3A_1673 : vector<16xf32>
      %get3A_1675 = arith.constant 5504 : index
      %get3A_1676 = tpu.vector_load %arg4[%get3A_1675] {strides = array<i32>} : memref<63488xf32, #tpu.memory_space<vmem>>, vector<16xf32>,
      %add3A_1677 = arith.addf %add3A_1668, %get3A_1676 : vector<16xf32>
      %get3A_1678 = arith.constant 9600 : index
      %get3A_1679 = tpu.vector_load %arg4[%get3A_1678] {strides = array<i32>} : memref<63488xf32, #tpu.memory_space<vmem>>, vector<16xf32>,
      %add3A_1680 = arith.addf %add3A_1671, %get3A_1679 : vector<16xf32>
      %get3A_1681 = arith.constant 1424 : index
      %get3A_1682 = tpu.vector_load %arg4[%get3A_1681] {strides = array<i32>} : memref<63488xf32, #tpu.memory_space<vmem>>, vector<16xf32>,
      %add3A_1683 = arith.addf %add3A_1674, %get3A_1682 : vector<16xf32>
      %get3A_1684 = arith.constant 5520 : index
      %get3A_1685 = tpu.vector_load %arg4[%get3A_1684] {strides = array<i32>} : memref<63488xf32, #tpu.memory_space<vmem>>, vector<16xf32>,
      %add3A_1686 = arith.addf %add3A_1677, %get3A_1685 : vector<16xf32>
      %get3A_1687 = arith.constant 9616 : index
      %get3A_1688 = tpu.vector_load %arg4[%get3A_1687] {strides = array<i32>} : memref<63488xf32, #tpu.memory_space<vmem>>, vector<16xf32>,
      %add3A_1689 = arith.addf %add3A_1680, %get3A_1688 : vector<16xf32>
      %get3A_1690 = arith.constant 1440 : index
      %get3A_1691 = tpu.vector_load %arg4[%get3A_1690] {strides = array<i32>} : memref<63488xf32, #tpu.memory_space<vmem>>, vector<16xf32>,
      %add3A_1692 = arith.addf %add3A_1683, %get3A_1691 : vector<16xf32>
      %get3A_1693 = arith.constant 5536 : index
      %get3A_1694 = tpu.vector_load %arg4[%get3A_1693] {strides = array<i32>} : memref<63488xf32, #tpu.memory_space<vmem>>, vector<16xf32>,
      %add3A_1695 = arith.addf %add3A_1686, %get3A_1694 : vector<16xf32>
      %get3A_1696 = arith.constant 9632 : index
      %get3A_1697 = tpu.vector_load %arg4[%get3A_1696] {strides = array<i32>} : memref<63488xf32, #tpu.memory_space<vmem>>, vector<16xf32>,
      %add3A_1698 = arith.addf %add3A_1689, %get3A_1697 : vector<16xf32>
      %get3A_1699 = arith.constant 1456 : index
      %get3A_1700 = tpu.vector_load %arg4[%get3A_1699] {strides = array<i32>} : memref<63488xf32, #tpu.memory_space<vmem>>, vector<16xf32>,
      %add3A_1701 = arith.addf %add3A_1692, %get3A_1700 : vector<16xf32>
      %get3A_1702 = arith.constant 5552 : index
      %get3A_1703 = tpu.vector_load %arg4[%get3A_1702] {strides = array<i32>} : memref<63488xf32, #tpu.memory_space<vmem>>, vector<16xf32>,
      %add3A_1704 = arith.addf %add3A_1695, %get3A_1703 : vector<16xf32>
      %get3A_1705 = arith.constant 9648 : index
      %get3A_1706 = tpu.vector_load %arg4[%get3A_1705] {strides = array<i32>} : memref<63488xf32, #tpu.memory_space<vmem>>, vector<16xf32>,
      %add3A_1707 = arith.addf %add3A_1698, %get3A_1706 : vector<16xf32>
      %get3A_1708 = arith.constant 1472 : index
      %get3A_1709 = tpu.vector_load %arg4[%get3A_1708] {strides = array<i32>} : memref<63488xf32, #tpu.memory_space<vmem>>, vector<16xf32>,
      %add3A_1710 = arith.addf %add3A_1701, %get3A_1709 : vector<16xf32>
      %get3A_1711 = arith.constant 5568 : index
      %get3A_1712 = tpu.vector_load %arg4[%get3A_1711] {strides = array<i32>} : memref<63488xf32, #tpu.memory_space<vmem>>, vector<16xf32>,
      %add3A_1713 = arith.addf %add3A_1704, %get3A_1712 : vector<16xf32>
      %get3A_1714 = arith.constant 9664 : index
      %get3A_1715 = tpu.vector_load %arg4[%get3A_1714] {strides = array<i32>} : memref<63488xf32, #tpu.memory_space<vmem>>, vector<16xf32>,
      %add3A_1716 = arith.addf %add3A_1707, %get3A_1715 : vector<16xf32>
      %get3A_1717 = arith.constant 1488 : index
      %get3A_1718 = tpu.vector_load %arg4[%get3A_1717] {strides = array<i32>} : memref<63488xf32, #tpu.memory_space<vmem>>, vector<16xf32>,
      %add3A_1719 = arith.addf %add3A_1710, %get3A_1718 : vector<16xf32>
      %get3A_1720 = arith.constant 5584 : index
      %get3A_1721 = tpu.vector_load %arg4[%get3A_1720] {strides = array<i32>} : memref<63488xf32, #tpu.memory_space<vmem>>, vector<16xf32>,
      %add3A_1722 = arith.addf %add3A_1713, %get3A_1721 : vector<16xf32>
      %get3A_1723 = arith.constant 9680 : index
      %get3A_1724 = tpu.vector_load %arg4[%get3A_1723] {strides = array<i32>} : memref<63488xf32, #tpu.memory_space<vmem>>, vector<16xf32>,
      %add3A_1725 = arith.addf %add3A_1716, %get3A_1724 : vector<16xf32>
      %get3A_1726 = arith.constant 1504 : index
      %get3A_1727 = tpu.vector_load %arg4[%get3A_1726] {strides = array<i32>} : memref<63488xf32, #tpu.memory_space<vmem>>, vector<16xf32>,
      %add3A_1728 = arith.addf %add3A_1719, %get3A_1727 : vector<16xf32>
      %get3A_1729 = arith.constant 5600 : index
      %get3A_1730 = tpu.vector_load %arg4[%get3A_1729] {strides = array<i32>} : memref<63488xf32, #tpu.memory_space<vmem>>, vector<16xf32>,
      %add3A_1731 = arith.addf %add3A_1722, %get3A_1730 : vector<16xf32>
      %get3A_1732 = arith.constant 9696 : index
      %get3A_1733 = tpu.vector_load %arg4[%get3A_1732] {strides = array<i32>} : memref<63488xf32, #tpu.memory_space<vmem>>, vector<16xf32>,
      %add3A_1734 = arith.addf %add3A_1725, %get3A_1733 : vector<16xf32>
      %get3A_1735 = arith.constant 1520 : index
      %get3A_1736 = tpu.vector_load %arg4[%get3A_1735] {strides = array<i32>} : memref<63488xf32, #tpu.memory_space<vmem>>, vector<16xf32>,
      %add3A_1737 = arith.addf %add3A_1728, %get3A_1736 : vector<16xf32>
      %get3A_1738 = arith.constant 5616 : index
      %get3A_1739 = tpu.vector_load %arg4[%get3A_1738] {strides = array<i32>} : memref<63488xf32, #tpu.memory_space<vmem>>, vector<16xf32>,
      %add3A_1740 = arith.addf %add3A_1731, %get3A_1739 : vector<16xf32>
      %get3A_1741 = arith.constant 9712 : index
      %get3A_1742 = tpu.vector_load %arg4[%get3A_1741] {strides = array<i32>} : memref<63488xf32, #tpu.memory_space<vmem>>, vector<16xf32>,
      %add3A_1743 = arith.addf %add3A_1734, %get3A_1742 : vector<16xf32>
      %get3A_1744 = arith.constant 1536 : index
      %get3A_1745 = tpu.vector_load %arg4[%get3A_1744] {strides = array<i32>} : memref<63488xf32, #tpu.memory_space<vmem>>, vector<16xf32>,
      %add3A_1746 = arith.addf %add3A_1737, %get3A_1745 : vector<16xf32>
      %get3A_1747 = arith.constant 5632 : index
      %get3A_1748 = tpu.vector_load %arg4[%get3A_1747] {strides = array<i32>} : memref<63488xf32, #tpu.memory_space<vmem>>, vector<16xf32>,
      %add3A_1749 = arith.addf %add3A_1740, %get3A_1748 : vector<16xf32>
      %get3A_1750 = arith.constant 9728 : index
      %get3A_1751 = tpu.vector_load %arg4[%get3A_1750] {strides = array<i32>} : memref<63488xf32, #tpu.memory_space<vmem>>, vector<16xf32>,
      %add3A_1752 = arith.addf %add3A_1743, %get3A_1751 : vector<16xf32>
      %get3A_1753 = arith.constant 1552 : index
      %get3A_1754 = tpu.vector_load %arg4[%get3A_1753] {strides = array<i32>} : memref<63488xf32, #tpu.memory_space<vmem>>, vector<16xf32>,
      %add3A_1755 = arith.addf %add3A_1746, %get3A_1754 : vector<16xf32>
      %get3A_1756 = arith.constant 5648 : index
      %get3A_1757 = tpu.vector_load %arg4[%get3A_1756] {strides = array<i32>} : memref<63488xf32, #tpu.memory_space<vmem>>, vector<16xf32>,
      %add3A_1758 = arith.addf %add3A_1749, %get3A_1757 : vector<16xf32>
      %get3A_1759 = arith.constant 9744 : index
      %get3A_1760 = tpu.vector_load %arg4[%get3A_1759] {strides = array<i32>} : memref<63488xf32, #tpu.memory_space<vmem>>, vector<16xf32>,
      %add3A_1761 = arith.addf %add3A_1752, %get3A_1760 : vector<16xf32>
      %get3A_1762 = arith.constant 1568 : index
      %get3A_1763 = tpu.vector_load %arg4[%get3A_1762] {strides = array<i32>} : memref<63488xf32, #tpu.memory_space<vmem>>, vector<16xf32>,
      %add3A_1764 = arith.addf %add3A_1755, %get3A_1763 : vector<16xf32>
      %get3A_1765 = arith.constant 5664 : index
      %get3A_1766 = tpu.vector_load %arg4[%get3A_1765] {strides = array<i32>} : memref<63488xf32, #tpu.memory_space<vmem>>, vector<16xf32>,
      %add3A_1767 = arith.addf %add3A_1758, %get3A_1766 : vector<16xf32>
      %get3A_1768 = arith.constant 9760 : index
      %get3A_1769 = tpu.vector_load %arg4[%get3A_1768] {strides = array<i32>} : memref<63488xf32, #tpu.memory_space<vmem>>, vector<16xf32>,
      %add3A_1770 = arith.addf %add3A_1761, %get3A_1769 : vector<16xf32>
      %get3A_1771 = arith.constant 1584 : index
      %get3A_1772 = tpu.vector_load %arg4[%get3A_1771] {strides = array<i32>} : memref<63488xf32, #tpu.memory_space<vmem>>, vector<16xf32>,
      %add3A_1773 = arith.addf %add3A_1764, %get3A_1772 : vector<16xf32>
      %get3A_1774 = arith.constant 5680 : index
      %get3A_1775 = tpu.vector_load %arg4[%get3A_1774] {strides = array<i32>} : memref<63488xf32, #tpu.memory_space<vmem>>, vector<16xf32>,
      %add3A_1776 = arith.addf %add3A_1767, %get3A_1775 : vector<16xf32>
      %get3A_1777 = arith.constant 9776 : index
      %get3A_1778 = tpu.vector_load %arg4[%get3A_1777] {strides = array<i32>} : memref<63488xf32, #tpu.memory_space<vmem>>, vector<16xf32>,
      %add3A_1779 = arith.addf %add3A_1770, %get3A_1778 : vector<16xf32>
      %get3A_1780 = arith.constant 1600 : index
      %get3A_1781 = tpu.vector_load %arg4[%get3A_1780] {strides = array<i32>} : memref<63488xf32, #tpu.memory_space<vmem>>, vector<16xf32>,
      %add3A_1782 = arith.addf %add3A_1773, %get3A_1781 : vector<16xf32>
      %get3A_1783 = arith.constant 5696 : index
      %get3A_1784 = tpu.vector_load %arg4[%get3A_1783] {strides = array<i32>} : memref<63488xf32, #tpu.memory_space<vmem>>, vector<16xf32>,
      %add3A_1785 = arith.addf %add3A_1776, %get3A_1784 : vector<16xf32>
      %get3A_1786 = arith.constant 9792 : index
      %get3A_1787 = tpu.vector_load %arg4[%get3A_1786] {strides = array<i32>} : memref<63488xf32, #tpu.memory_space<vmem>>, vector<16xf32>,
      %add3A_1788 = arith.addf %add3A_1779, %get3A_1787 : vector<16xf32>
      %get3A_1789 = arith.constant 1616 : index
      %get3A_1790 = tpu.vector_load %arg4[%get3A_1789] {strides = array<i32>} : memref<63488xf32, #tpu.memory_space<vmem>>, vector<16xf32>,
      %add3A_1791 = arith.addf %add3A_1782, %get3A_1790 : vector<16xf32>
      %get3A_1792 = arith.constant 5712 : index
      %get3A_1793 = tpu.vector_load %arg4[%get3A_1792] {strides = array<i32>} : memref<63488xf32, #tpu.memory_space<vmem>>, vector<16xf32>,
      %add3A_1794 = arith.addf %add3A_1785, %get3A_1793 : vector<16xf32>
      %get3A_1795 = arith.constant 9808 : index
      %get3A_1796 = tpu.vector_load %arg4[%get3A_1795] {strides = array<i32>} : memref<63488xf32, #tpu.memory_space<vmem>>, vector<16xf32>,
      %add3A_1797 = arith.addf %add3A_1788, %get3A_1796 : vector<16xf32>
      %get3A_1798 = arith.constant 1632 : index
      %get3A_1799 = tpu.vector_load %arg4[%get3A_1798] {strides = array<i32>} : memref<63488xf32, #tpu.memory_space<vmem>>, vector<16xf32>,
      %add3A_1800 = arith.addf %add3A_1791, %get3A_1799 : vector<16xf32>
      %get3A_1801 = arith.constant 5728 : index
      %get3A_1802 = tpu.vector_load %arg4[%get3A_1801] {strides = array<i32>} : memref<63488xf32, #tpu.memory_space<vmem>>, vector<16xf32>,
      %add3A_1803 = arith.addf %add3A_1794, %get3A_1802 : vector<16xf32>
      %get3A_1804 = arith.constant 9824 : index
      %get3A_1805 = tpu.vector_load %arg4[%get3A_1804] {strides = array<i32>} : memref<63488xf32, #tpu.memory_space<vmem>>, vector<16xf32>,
      %add3A_1806 = arith.addf %add3A_1797, %get3A_1805 : vector<16xf32>
      %get3A_1807 = arith.constant 1648 : index
      %get3A_1808 = tpu.vector_load %arg4[%get3A_1807] {strides = array<i32>} : memref<63488xf32, #tpu.memory_space<vmem>>, vector<16xf32>,
      %add3A_1809 = arith.addf %add3A_1800, %get3A_1808 : vector<16xf32>
      %get3A_1810 = arith.constant 5744 : index
      %get3A_1811 = tpu.vector_load %arg4[%get3A_1810] {strides = array<i32>} : memref<63488xf32, #tpu.memory_space<vmem>>, vector<16xf32>,
      %add3A_1812 = arith.addf %add3A_1803, %get3A_1811 : vector<16xf32>
      %get3A_1813 = arith.constant 9840 : index
      %get3A_1814 = tpu.vector_load %arg4[%get3A_1813] {strides = array<i32>} : memref<63488xf32, #tpu.memory_space<vmem>>, vector<16xf32>,
      %add3A_1815 = arith.addf %add3A_1806, %get3A_1814 : vector<16xf32>
      %get3A_1816 = arith.constant 1664 : index
      %get3A_1817 = tpu.vector_load %arg4[%get3A_1816] {strides = array<i32>} : memref<63488xf32, #tpu.memory_space<vmem>>, vector<16xf32>,
      %add3A_1818 = arith.addf %add3A_1809, %get3A_1817 : vector<16xf32>
      %get3A_1819 = arith.constant 5760 : index
      %get3A_1820 = tpu.vector_load %arg4[%get3A_1819] {strides = array<i32>} : memref<63488xf32, #tpu.memory_space<vmem>>, vector<16xf32>,
      %add3A_1821 = arith.addf %add3A_1812, %get3A_1820 : vector<16xf32>
      %get3A_1822 = arith.constant 9856 : index
      %get3A_1823 = tpu.vector_load %arg4[%get3A_1822] {strides = array<i32>} : memref<63488xf32, #tpu.memory_space<vmem>>, vector<16xf32>,
      %add3A_1824 = arith.addf %add3A_1815, %get3A_1823 : vector<16xf32>
      %get3A_1825 = arith.constant 1680 : index
      %get3A_1826 = tpu.vector_load %arg4[%get3A_1825] {strides = array<i32>} : memref<63488xf32, #tpu.memory_space<vmem>>, vector<16xf32>,
      %add3A_1827 = arith.addf %add3A_1818, %get3A_1826 : vector<16xf32>
      %get3A_1828 = arith.constant 5776 : index
      %get3A_1829 = tpu.vector_load %arg4[%get3A_1828] {strides = array<i32>} : memref<63488xf32, #tpu.memory_space<vmem>>, vector<16xf32>,
      %add3A_1830 = arith.addf %add3A_1821, %get3A_1829 : vector<16xf32>
      %get3A_1831 = arith.constant 9872 : index
      %get3A_1832 = tpu.vector_load %arg4[%get3A_1831] {strides = array<i32>} : memref<63488xf32, #tpu.memory_space<vmem>>, vector<16xf32>,
      %add3A_1833 = arith.addf %add3A_1824, %get3A_1832 : vector<16xf32>
      %get3A_1834 = arith.constant 1696 : index
      %get3A_1835 = tpu.vector_load %arg4[%get3A_1834] {strides = array<i32>} : memref<63488xf32, #tpu.memory_space<vmem>>, vector<16xf32>,
      %add3A_1836 = arith.addf %add3A_1827, %get3A_1835 : vector<16xf32>
      %get3A_1837 = arith.constant 5792 : index
      %get3A_1838 = tpu.vector_load %arg4[%get3A_1837] {strides = array<i32>} : memref<63488xf32, #tpu.memory_space<vmem>>, vector<16xf32>,
      %add3A_1839 = arith.addf %add3A_1830, %get3A_1838 : vector<16xf32>
      %get3A_1840 = arith.constant 9888 : index
      %get3A_1841 = tpu.vector_load %arg4[%get3A_1840] {strides = array<i32>} : memref<63488xf32, #tpu.memory_space<vmem>>, vector<16xf32>,
      %add3A_1842 = arith.addf %add3A_1833, %get3A_1841 : vector<16xf32>
      %get3A_1843 = arith.constant 1712 : index
      %get3A_1844 = tpu.vector_load %arg4[%get3A_1843] {strides = array<i32>} : memref<63488xf32, #tpu.memory_space<vmem>>, vector<16xf32>,
      %add3A_1845 = arith.addf %add3A_1836, %get3A_1844 : vector<16xf32>
      %get3A_1846 = arith.constant 5808 : index
      %get3A_1847 = tpu.vector_load %arg4[%get3A_1846] {strides = array<i32>} : memref<63488xf32, #tpu.memory_space<vmem>>, vector<16xf32>,
      %add3A_1848 = arith.addf %add3A_1839, %get3A_1847 : vector<16xf32>
      %get3A_1849 = arith.constant 9904 : index
      %get3A_1850 = tpu.vector_load %arg4[%get3A_1849] {strides = array<i32>} : memref<63488xf32, #tpu.memory_space<vmem>>, vector<16xf32>,
      %add3A_1851 = arith.addf %add3A_1842, %get3A_1850 : vector<16xf32>
      %get3A_1852 = arith.constant 1728 : index
      %get3A_1853 = tpu.vector_load %arg4[%get3A_1852] {strides = array<i32>} : memref<63488xf32, #tpu.memory_space<vmem>>, vector<16xf32>,
      %add3A_1854 = arith.addf %add3A_1845, %get3A_1853 : vector<16xf32>
      %get3A_1855 = arith.constant 5824 : index
      %get3A_1856 = tpu.vector_load %arg4[%get3A_1855] {strides = array<i32>} : memref<63488xf32, #tpu.memory_space<vmem>>, vector<16xf32>,
      %add3A_1857 = arith.addf %add3A_1848, %get3A_1856 : vector<16xf32>
      %get3A_1858 = arith.constant 9920 : index
      %get3A_1859 = tpu.vector_load %arg4[%get3A_1858] {strides = array<i32>} : memref<63488xf32, #tpu.memory_space<vmem>>, vector<16xf32>,
      %add3A_1860 = arith.addf %add3A_1851, %get3A_1859 : vector<16xf32>
      %get3A_1861 = arith.constant 1744 : index
      %get3A_1862 = tpu.vector_load %arg4[%get3A_1861] {strides = array<i32>} : memref<63488xf32, #tpu.memory_space<vmem>>, vector<16xf32>,
      %add3A_1863 = arith.addf %add3A_1854, %get3A_1862 : vector<16xf32>
      %get3A_1864 = arith.constant 5840 : index
      %get3A_1865 = tpu.vector_load %arg4[%get3A_1864] {strides = array<i32>} : memref<63488xf32, #tpu.memory_space<vmem>>, vector<16xf32>,
      %add3A_1866 = arith.addf %add3A_1857, %get3A_1865 : vector<16xf32>
      %get3A_1867 = arith.constant 9936 : index
      %get3A_1868 = tpu.vector_load %arg4[%get3A_1867] {strides = array<i32>} : memref<63488xf32, #tpu.memory_space<vmem>>, vector<16xf32>,
      %add3A_1869 = arith.addf %add3A_1860, %get3A_1868 : vector<16xf32>
      %get3A_1870 = arith.constant 1760 : index
      %get3A_1871 = tpu.vector_load %arg4[%get3A_1870] {strides = array<i32>} : memref<63488xf32, #tpu.memory_space<vmem>>, vector<16xf32>,
      %add3A_1872 = arith.addf %add3A_1863, %get3A_1871 : vector<16xf32>
      %get3A_1873 = arith.constant 5856 : index
      %get3A_1874 = tpu.vector_load %arg4[%get3A_1873] {strides = array<i32>} : memref<63488xf32, #tpu.memory_space<vmem>>, vector<16xf32>,
      %add3A_1875 = arith.addf %add3A_1866, %get3A_1874 : vector<16xf32>
      %get3A_1876 = arith.constant 9952 : index
      %get3A_1877 = tpu.vector_load %arg4[%get3A_1876] {strides = array<i32>} : memref<63488xf32, #tpu.memory_space<vmem>>, vector<16xf32>,
      %add3A_1878 = arith.addf %add3A_1869, %get3A_1877 : vector<16xf32>
      %get3A_1879 = arith.constant 1776 : index
      %get3A_1880 = tpu.vector_load %arg4[%get3A_1879] {strides = array<i32>} : memref<63488xf32, #tpu.memory_space<vmem>>, vector<16xf32>,
      %add3A_1881 = arith.addf %add3A_1872, %get3A_1880 : vector<16xf32>
      %get3A_1882 = arith.constant 5872 : index
      %get3A_1883 = tpu.vector_load %arg4[%get3A_1882] {strides = array<i32>} : memref<63488xf32, #tpu.memory_space<vmem>>, vector<16xf32>,
      %add3A_1884 = arith.addf %add3A_1875, %get3A_1883 : vector<16xf32>
      %get3A_1885 = arith.constant 9968 : index
      %get3A_1886 = tpu.vector_load %arg4[%get3A_1885] {strides = array<i32>} : memref<63488xf32, #tpu.memory_space<vmem>>, vector<16xf32>,
      %add3A_1887 = arith.addf %add3A_1878, %get3A_1886 : vector<16xf32>
      %get3A_1888 = arith.constant 1792 : index
      %get3A_1889 = tpu.vector_load %arg4[%get3A_1888] {strides = array<i32>} : memref<63488xf32, #tpu.memory_space<vmem>>, vector<16xf32>,
      %add3A_1890 = arith.addf %add3A_1881, %get3A_1889 : vector<16xf32>
      %get3A_1891 = arith.constant 5888 : index
      %get3A_1892 = tpu.vector_load %arg4[%get3A_1891] {strides = array<i32>} : memref<63488xf32, #tpu.memory_space<vmem>>, vector<16xf32>,
      %add3A_1893 = arith.addf %add3A_1884, %get3A_1892 : vector<16xf32>
      %get3A_1894 = arith.constant 9984 : index
      %get3A_1895 = tpu.vector_load %arg4[%get3A_1894] {strides = array<i32>} : memref<63488xf32, #tpu.memory_space<vmem>>, vector<16xf32>,
      %add3A_1896 = arith.addf %add3A_1887, %get3A_1895 : vector<16xf32>
      %get3A_1897 = arith.constant 1808 : index
      %get3A_1898 = tpu.vector_load %arg4[%get3A_1897] {strides = array<i32>} : memref<63488xf32, #tpu.memory_space<vmem>>, vector<16xf32>,
      %add3A_1899 = arith.addf %add3A_1890, %get3A_1898 : vector<16xf32>
      %get3A_1900 = arith.constant 5904 : index
      %get3A_1901 = tpu.vector_load %arg4[%get3A_1900] {strides = array<i32>} : memref<63488xf32, #tpu.memory_space<vmem>>, vector<16xf32>,
      %add3A_1902 = arith.addf %add3A_1893, %get3A_1901 : vector<16xf32>
      %get3A_1903 = arith.constant 10000 : index
      %get3A_1904 = tpu.vector_load %arg4[%get3A_1903] {strides = array<i32>} : memref<63488xf32, #tpu.memory_space<vmem>>, vector<16xf32>,
      %add3A_1905 = arith.addf %add3A_1896, %get3A_1904 : vector<16xf32>
      %get3A_1906 = arith.constant 1824 : index
      %get3A_1907 = tpu.vector_load %arg4[%get3A_1906] {strides = array<i32>} : memref<63488xf32, #tpu.memory_space<vmem>>, vector<16xf32>,
      %add3A_1908 = arith.addf %add3A_1899, %get3A_1907 : vector<16xf32>
      %get3A_1909 = arith.constant 5920 : index
      %get3A_1910 = tpu.vector_load %arg4[%get3A_1909] {strides = array<i32>} : memref<63488xf32, #tpu.memory_space<vmem>>, vector<16xf32>,
      %add3A_1911 = arith.addf %add3A_1902, %get3A_1910 : vector<16xf32>
      %get3A_1912 = arith.constant 10016 : index
      %get3A_1913 = tpu.vector_load %arg4[%get3A_1912] {strides = array<i32>} : memref<63488xf32, #tpu.memory_space<vmem>>, vector<16xf32>,
      %add3A_1914 = arith.addf %add3A_1905, %get3A_1913 : vector<16xf32>
      %get3A_1915 = arith.constant 1840 : index
      %get3A_1916 = tpu.vector_load %arg4[%get3A_1915] {strides = array<i32>} : memref<63488xf32, #tpu.memory_space<vmem>>, vector<16xf32>,
      %add3A_1917 = arith.addf %add3A_1908, %get3A_1916 : vector<16xf32>
      %get3A_1918 = arith.constant 5936 : index
      %get3A_1919 = tpu.vector_load %arg4[%get3A_1918] {strides = array<i32>} : memref<63488xf32, #tpu.memory_space<vmem>>, vector<16xf32>,
      %add3A_1920 = arith.addf %add3A_1911, %get3A_1919 : vector<16xf32>
      %get3A_1921 = arith.constant 10032 : index
      %get3A_1922 = tpu.vector_load %arg4[%get3A_1921] {strides = array<i32>} : memref<63488xf32, #tpu.memory_space<vmem>>, vector<16xf32>,
      %add3A_1923 = arith.addf %add3A_1914, %get3A_1922 : vector<16xf32>
      %get3A_1924 = arith.constant 1856 : index
      %get3A_1925 = tpu.vector_load %arg4[%get3A_1924] {strides = array<i32>} : memref<63488xf32, #tpu.memory_space<vmem>>, vector<16xf32>,
      %add3A_1926 = arith.addf %add3A_1917, %get3A_1925 : vector<16xf32>
      %get3A_1927 = arith.constant 5952 : index
      %get3A_1928 = tpu.vector_load %arg4[%get3A_1927] {strides = array<i32>} : memref<63488xf32, #tpu.memory_space<vmem>>, vector<16xf32>,
      %add3A_1929 = arith.addf %add3A_1920, %get3A_1928 : vector<16xf32>
      %get3A_1930 = arith.constant 10048 : index
      %get3A_1931 = tpu.vector_load %arg4[%get3A_1930] {strides = array<i32>} : memref<63488xf32, #tpu.memory_space<vmem>>, vector<16xf32>,
      %add3A_1932 = arith.addf %add3A_1923, %get3A_1931 : vector<16xf32>
      %get3A_1933 = arith.constant 1872 : index
      %get3A_1934 = tpu.vector_load %arg4[%get3A_1933] {strides = array<i32>} : memref<63488xf32, #tpu.memory_space<vmem>>, vector<16xf32>,
      %add3A_1935 = arith.addf %add3A_1926, %get3A_1934 : vector<16xf32>
      %get3A_1936 = arith.constant 5968 : index
      %get3A_1937 = tpu.vector_load %arg4[%get3A_1936] {strides = array<i32>} : memref<63488xf32, #tpu.memory_space<vmem>>, vector<16xf32>,
      %add3A_1938 = arith.addf %add3A_1929, %get3A_1937 : vector<16xf32>
      %get3A_1939 = arith.constant 10064 : index
      %get3A_1940 = tpu.vector_load %arg4[%get3A_1939] {strides = array<i32>} : memref<63488xf32, #tpu.memory_space<vmem>>, vector<16xf32>,
      %add3A_1941 = arith.addf %add3A_1932, %get3A_1940 : vector<16xf32>
      %get3A_1942 = arith.constant 1888 : index
      %get3A_1943 = tpu.vector_load %arg4[%get3A_1942] {strides = array<i32>} : memref<63488xf32, #tpu.memory_space<vmem>>, vector<16xf32>,
      %add3A_1944 = arith.addf %add3A_1935, %get3A_1943 : vector<16xf32>
      %get3A_1945 = arith.constant 5984 : index
      %get3A_1946 = tpu.vector_load %arg4[%get3A_1945] {strides = array<i32>} : memref<63488xf32, #tpu.memory_space<vmem>>, vector<16xf32>,
      %add3A_1947 = arith.addf %add3A_1938, %get3A_1946 : vector<16xf32>
      %get3A_1948 = arith.constant 10080 : index
      %get3A_1949 = tpu.vector_load %arg4[%get3A_1948] {strides = array<i32>} : memref<63488xf32, #tpu.memory_space<vmem>>, vector<16xf32>,
      %add3A_1950 = arith.addf %add3A_1941, %get3A_1949 : vector<16xf32>
      %get3A_1951 = arith.constant 1904 : index
      %get3A_1952 = tpu.vector_load %arg4[%get3A_1951] {strides = array<i32>} : memref<63488xf32, #tpu.memory_space<vmem>>, vector<16xf32>,
      %add3A_1953 = arith.addf %add3A_1944, %get3A_1952 : vector<16xf32>
      %get3A_1954 = arith.constant 6000 : index
      %get3A_1955 = tpu.vector_load %arg4[%get3A_1954] {strides = array<i32>} : memref<63488xf32, #tpu.memory_space<vmem>>, vector<16xf32>,
      %add3A_1956 = arith.addf %add3A_1947, %get3A_1955 : vector<16xf32>
      %get3A_1957 = arith.constant 10096 : index
      %get3A_1958 = tpu.vector_load %arg4[%get3A_1957] {strides = array<i32>} : memref<63488xf32, #tpu.memory_space<vmem>>, vector<16xf32>,
      %add3A_1959 = arith.addf %add3A_1950, %get3A_1958 : vector<16xf32>
      %get3A_1960 = arith.constant 1920 : index
      %get3A_1961 = tpu.vector_load %arg4[%get3A_1960] {strides = array<i32>} : memref<63488xf32, #tpu.memory_space<vmem>>, vector<16xf32>,
      %add3A_1962 = arith.addf %add3A_1953, %get3A_1961 : vector<16xf32>
      %get3A_1963 = arith.constant 6016 : index
      %get3A_1964 = tpu.vector_load %arg4[%get3A_1963] {strides = array<i32>} : memref<63488xf32, #tpu.memory_space<vmem>>, vector<16xf32>,
      %add3A_1965 = arith.addf %add3A_1956, %get3A_1964 : vector<16xf32>
      %get3A_1966 = arith.constant 10112 : index
      %get3A_1967 = tpu.vector_load %arg4[%get3A_1966] {strides = array<i32>} : memref<63488xf32, #tpu.memory_space<vmem>>, vector<16xf32>,
      %add3A_1968 = arith.addf %add3A_1959, %get3A_1967 : vector<16xf32>
      %get3A_1969 = arith.constant 1936 : index
      %get3A_1970 = tpu.vector_load %arg4[%get3A_1969] {strides = array<i32>} : memref<63488xf32, #tpu.memory_space<vmem>>, vector<16xf32>,
      %add3A_1971 = arith.addf %add3A_1962, %get3A_1970 : vector<16xf32>
      %get3A_1972 = arith.constant 6032 : index
      %get3A_1973 = tpu.vector_load %arg4[%get3A_1972] {strides = array<i32>} : memref<63488xf32, #tpu.memory_space<vmem>>, vector<16xf32>,
      %add3A_1974 = arith.addf %add3A_1965, %get3A_1973 : vector<16xf32>
      %get3A_1975 = arith.constant 10128 : index
      %get3A_1976 = tpu.vector_load %arg4[%get3A_1975] {strides = array<i32>} : memref<63488xf32, #tpu.memory_space<vmem>>, vector<16xf32>,
      %add3A_1977 = arith.addf %add3A_1968, %get3A_1976 : vector<16xf32>
      %get3A_1978 = arith.constant 1952 : index
      %get3A_1979 = tpu.vector_load %arg4[%get3A_1978] {strides = array<i32>} : memref<63488xf32, #tpu.memory_space<vmem>>, vector<16xf32>,
      %add3A_1980 = arith.addf %add3A_1971, %get3A_1979 : vector<16xf32>
      %get3A_1981 = arith.constant 6048 : index
      %get3A_1982 = tpu.vector_load %arg4[%get3A_1981] {strides = array<i32>} : memref<63488xf32, #tpu.memory_space<vmem>>, vector<16xf32>,
      %add3A_1983 = arith.addf %add3A_1974, %get3A_1982 : vector<16xf32>
      %get3A_1984 = arith.constant 10144 : index
      %get3A_1985 = tpu.vector_load %arg4[%get3A_1984] {strides = array<i32>} : memref<63488xf32, #tpu.memory_space<vmem>>, vector<16xf32>,
      %add3A_1986 = arith.addf %add3A_1977, %get3A_1985 : vector<16xf32>
      %get3A_1987 = arith.constant 1968 : index
      %get3A_1988 = tpu.vector_load %arg4[%get3A_1987] {strides = array<i32>} : memref<63488xf32, #tpu.memory_space<vmem>>, vector<16xf32>,
      %add3A_1989 = arith.addf %add3A_1980, %get3A_1988 : vector<16xf32>
      %get3A_1990 = arith.constant 6064 : index
      %get3A_1991 = tpu.vector_load %arg4[%get3A_1990] {strides = array<i32>} : memref<63488xf32, #tpu.memory_space<vmem>>, vector<16xf32>,
      %add3A_1992 = arith.addf %add3A_1983, %get3A_1991 : vector<16xf32>
      %get3A_1993 = arith.constant 10160 : index
      %get3A_1994 = tpu.vector_load %arg4[%get3A_1993] {strides = array<i32>} : memref<63488xf32, #tpu.memory_space<vmem>>, vector<16xf32>,
      %add3A_1995 = arith.addf %add3A_1986, %get3A_1994 : vector<16xf32>
      %get3A_1996 = arith.constant 1984 : index
      %get3A_1997 = tpu.vector_load %arg4[%get3A_1996] {strides = array<i32>} : memref<63488xf32, #tpu.memory_space<vmem>>, vector<16xf32>,
      %add3A_1998 = arith.addf %add3A_1989, %get3A_1997 : vector<16xf32>
      %get3A_1999 = arith.constant 6080 : index
      %get3A_2000 = tpu.vector_load %arg4[%get3A_1999] {strides = array<i32>} : memref<63488xf32, #tpu.memory_space<vmem>>, vector<16xf32>,
      %add3A_2001 = arith.addf %add3A_1992, %get3A_2000 : vector<16xf32>
      %get3A_2002 = arith.constant 10176 : index
      %get3A_2003 = tpu.vector_load %arg4[%get3A_2002] {strides = array<i32>} : memref<63488xf32, #tpu.memory_space<vmem>>, vector<16xf32>,
      %add3A_2004 = arith.addf %add3A_1995, %get3A_2003 : vector<16xf32>
      %get3A_2005 = arith.constant 2000 : index
      %get3A_2006 = tpu.vector_load %arg4[%get3A_2005] {strides = array<i32>} : memref<63488xf32, #tpu.memory_space<vmem>>, vector<16xf32>,
      %add3A_2007 = arith.addf %add3A_1998, %get3A_2006 : vector<16xf32>
      %get3A_2008 = arith.constant 6096 : index
      %get3A_2009 = tpu.vector_load %arg4[%get3A_2008] {strides = array<i32>} : memref<63488xf32, #tpu.memory_space<vmem>>, vector<16xf32>,
      %add3A_2010 = arith.addf %add3A_2001, %get3A_2009 : vector<16xf32>
      %get3A_2011 = arith.constant 10192 : index
      %get3A_2012 = tpu.vector_load %arg4[%get3A_2011] {strides = array<i32>} : memref<63488xf32, #tpu.memory_space<vmem>>, vector<16xf32>,
      %add3A_2013 = arith.addf %add3A_2004, %get3A_2012 : vector<16xf32>
      %get3A_2014 = arith.constant 2016 : index
      %get3A_2015 = tpu.vector_load %arg4[%get3A_2014] {strides = array<i32>} : memref<63488xf32, #tpu.memory_space<vmem>>, vector<16xf32>,
      %add3A_2016 = arith.addf %add3A_2007, %get3A_2015 : vector<16xf32>
      %get3A_2017 = arith.constant 6112 : index
      %get3A_2018 = tpu.vector_load %arg4[%get3A_2017] {strides = array<i32>} : memref<63488xf32, #tpu.memory_space<vmem>>, vector<16xf32>,
      %add3A_2019 = arith.addf %add3A_2010, %get3A_2018 : vector<16xf32>
      %get3A_2020 = arith.constant 10208 : index
      %get3A_2021 = tpu.vector_load %arg4[%get3A_2020] {strides = array<i32>} : memref<63488xf32, #tpu.memory_space<vmem>>, vector<16xf32>,
      %add3A_2022 = arith.addf %add3A_2013, %get3A_2021 : vector<16xf32>
      %get3A_2023 = arith.constant 2032 : index
      %get3A_2024 = tpu.vector_load %arg4[%get3A_2023] {strides = array<i32>} : memref<63488xf32, #tpu.memory_space<vmem>>, vector<16xf32>,
      %add3A_2025 = arith.addf %add3A_2016, %get3A_2024 : vector<16xf32>
      %get3A_2026 = arith.constant 6128 : index
      %get3A_2027 = tpu.vector_load %arg4[%get3A_2026] {strides = array<i32>} : memref<63488xf32, #tpu.memory_space<vmem>>, vector<16xf32>,
      %add3A_2028 = arith.addf %add3A_2019, %get3A_2027 : vector<16xf32>
      %get3A_2029 = arith.constant 10224 : index
      %get3A_2030 = tpu.vector_load %arg4[%get3A_2029] {strides = array<i32>} : memref<63488xf32, #tpu.memory_space<vmem>>, vector<16xf32>,
      %add3A_2031 = arith.addf %add3A_2022, %get3A_2030 : vector<16xf32>
      %get3A_2032 = arith.constant 2048 : index
      %get3A_2033 = tpu.vector_load %arg4[%get3A_2032] {strides = array<i32>} : memref<63488xf32, #tpu.memory_space<vmem>>, vector<16xf32>,
      %add3A_2034 = arith.addf %add3A_2025, %get3A_2033 : vector<16xf32>
      %get3A_2035 = arith.constant 6144 : index
      %get3A_2036 = tpu.vector_load %arg4[%get3A_2035] {strides = array<i32>} : memref<63488xf32, #tpu.memory_space<vmem>>, vector<16xf32>,
      %add3A_2037 = arith.addf %add3A_2028, %get3A_2036 : vector<16xf32>
      %get3A_2038 = arith.constant 10240 : index
      %get3A_2039 = tpu.vector_load %arg4[%get3A_2038] {strides = array<i32>} : memref<63488xf32, #tpu.memory_space<vmem>>, vector<16xf32>,
      %add3A_2040 = arith.addf %add3A_2031, %get3A_2039 : vector<16xf32>
      %get3A_2041 = arith.constant 2064 : index
      %get3A_2042 = tpu.vector_load %arg4[%get3A_2041] {strides = array<i32>} : memref<63488xf32, #tpu.memory_space<vmem>>, vector<16xf32>,
      %add3A_2043 = arith.addf %add3A_2034, %get3A_2042 : vector<16xf32>
      %get3A_2044 = arith.constant 6160 : index
      %get3A_2045 = tpu.vector_load %arg4[%get3A_2044] {strides = array<i32>} : memref<63488xf32, #tpu.memory_space<vmem>>, vector<16xf32>,
      %add3A_2046 = arith.addf %add3A_2037, %get3A_2045 : vector<16xf32>
      %get3A_2047 = arith.constant 10256 : index
      %get3A_2048 = tpu.vector_load %arg4[%get3A_2047] {strides = array<i32>} : memref<63488xf32, #tpu.memory_space<vmem>>, vector<16xf32>,
      %add3A_2049 = arith.addf %add3A_2040, %get3A_2048 : vector<16xf32>
      %get3A_2050 = arith.constant 2080 : index
      %get3A_2051 = tpu.vector_load %arg4[%get3A_2050] {strides = array<i32>} : memref<63488xf32, #tpu.memory_space<vmem>>, vector<16xf32>,
      %add3A_2052 = arith.addf %add3A_2043, %get3A_2051 : vector<16xf32>
      %get3A_2053 = arith.constant 6176 : index
      %get3A_2054 = tpu.vector_load %arg4[%get3A_2053] {strides = array<i32>} : memref<63488xf32, #tpu.memory_space<vmem>>, vector<16xf32>,
      %add3A_2055 = arith.addf %add3A_2046, %get3A_2054 : vector<16xf32>
      %get3A_2056 = arith.constant 10272 : index
      %get3A_2057 = tpu.vector_load %arg4[%get3A_2056] {strides = array<i32>} : memref<63488xf32, #tpu.memory_space<vmem>>, vector<16xf32>,
      %add3A_2058 = arith.addf %add3A_2049, %get3A_2057 : vector<16xf32>
      %get3A_2059 = arith.constant 2096 : index
      %get3A_2060 = tpu.vector_load %arg4[%get3A_2059] {strides = array<i32>} : memref<63488xf32, #tpu.memory_space<vmem>>, vector<16xf32>,
      %add3A_2061 = arith.addf %add3A_2052, %get3A_2060 : vector<16xf32>
      %get3A_2062 = arith.constant 6192 : index
      %get3A_2063 = tpu.vector_load %arg4[%get3A_2062] {strides = array<i32>} : memref<63488xf32, #tpu.memory_space<vmem>>, vector<16xf32>,
      %add3A_2064 = arith.addf %add3A_2055, %get3A_2063 : vector<16xf32>
      %get3A_2065 = arith.constant 10288 : index
      %get3A_2066 = tpu.vector_load %arg4[%get3A_2065] {strides = array<i32>} : memref<63488xf32, #tpu.memory_space<vmem>>, vector<16xf32>,
      %add3A_2067 = arith.addf %add3A_2058, %get3A_2066 : vector<16xf32>
      %get3A_2068 = arith.constant 2112 : index
      %get3A_2069 = tpu.vector_load %arg4[%get3A_2068] {strides = array<i32>} : memref<63488xf32, #tpu.memory_space<vmem>>, vector<16xf32>,
      %add3A_2070 = arith.addf %add3A_2061, %get3A_2069 : vector<16xf32>
      %get3A_2071 = arith.constant 6208 : index
      %get3A_2072 = tpu.vector_load %arg4[%get3A_2071] {strides = array<i32>} : memref<63488xf32, #tpu.memory_space<vmem>>, vector<16xf32>,
      %add3A_2073 = arith.addf %add3A_2064, %get3A_2072 : vector<16xf32>
      %get3A_2074 = arith.constant 10304 : index
      %get3A_2075 = tpu.vector_load %arg4[%get3A_2074] {strides = array<i32>} : memref<63488xf32, #tpu.memory_space<vmem>>, vector<16xf32>,
      %add3A_2076 = arith.addf %add3A_2067, %get3A_2075 : vector<16xf32>
      %get3A_2077 = arith.constant 2128 : index
      %get3A_2078 = tpu.vector_load %arg4[%get3A_2077] {strides = array<i32>} : memref<63488xf32, #tpu.memory_space<vmem>>, vector<16xf32>,
      %add3A_2079 = arith.addf %add3A_2070, %get3A_2078 : vector<16xf32>
      %get3A_2080 = arith.constant 6224 : index
      %get3A_2081 = tpu.vector_load %arg4[%get3A_2080] {strides = array<i32>} : memref<63488xf32, #tpu.memory_space<vmem>>, vector<16xf32>,
      %add3A_2082 = arith.addf %add3A_2073, %get3A_2081 : vector<16xf32>
      %get3A_2083 = arith.constant 10320 : index
      %get3A_2084 = tpu.vector_load %arg4[%get3A_2083] {strides = array<i32>} : memref<63488xf32, #tpu.memory_space<vmem>>, vector<16xf32>,
      %add3A_2085 = arith.addf %add3A_2076, %get3A_2084 : vector<16xf32>
      %get3A_2086 = arith.constant 2144 : index
      %get3A_2087 = tpu.vector_load %arg4[%get3A_2086] {strides = array<i32>} : memref<63488xf32, #tpu.memory_space<vmem>>, vector<16xf32>,
      %add3A_2088 = arith.addf %add3A_2079, %get3A_2087 : vector<16xf32>
      %get3A_2089 = arith.constant 6240 : index
      %get3A_2090 = tpu.vector_load %arg4[%get3A_2089] {strides = array<i32>} : memref<63488xf32, #tpu.memory_space<vmem>>, vector<16xf32>,
      %add3A_2091 = arith.addf %add3A_2082, %get3A_2090 : vector<16xf32>
      %get3A_2092 = arith.constant 10336 : index
      %get3A_2093 = tpu.vector_load %arg4[%get3A_2092] {strides = array<i32>} : memref<63488xf32, #tpu.memory_space<vmem>>, vector<16xf32>,
      %add3A_2094 = arith.addf %add3A_2085, %get3A_2093 : vector<16xf32>
      %get3A_2095 = arith.constant 2160 : index
      %get3A_2096 = tpu.vector_load %arg4[%get3A_2095] {strides = array<i32>} : memref<63488xf32, #tpu.memory_space<vmem>>, vector<16xf32>,
      %add3A_2097 = arith.addf %add3A_2088, %get3A_2096 : vector<16xf32>
      %get3A_2098 = arith.constant 6256 : index
      %get3A_2099 = tpu.vector_load %arg4[%get3A_2098] {strides = array<i32>} : memref<63488xf32, #tpu.memory_space<vmem>>, vector<16xf32>,
      %add3A_2100 = arith.addf %add3A_2091, %get3A_2099 : vector<16xf32>
      %get3A_2101 = arith.constant 10352 : index
      %get3A_2102 = tpu.vector_load %arg4[%get3A_2101] {strides = array<i32>} : memref<63488xf32, #tpu.memory_space<vmem>>, vector<16xf32>,
      %add3A_2103 = arith.addf %add3A_2094, %get3A_2102 : vector<16xf32>
      %get3A_2104 = arith.constant 2176 : index
      %get3A_2105 = tpu.vector_load %arg4[%get3A_2104] {strides = array<i32>} : memref<63488xf32, #tpu.memory_space<vmem>>, vector<16xf32>,
      %add3A_2106 = arith.addf %add3A_2097, %get3A_2105 : vector<16xf32>
      %get3A_2107 = arith.constant 6272 : index
      %get3A_2108 = tpu.vector_load %arg4[%get3A_2107] {strides = array<i32>} : memref<63488xf32, #tpu.memory_space<vmem>>, vector<16xf32>,
      %add3A_2109 = arith.addf %add3A_2100, %get3A_2108 : vector<16xf32>
      %get3A_2110 = arith.constant 10368 : index
      %get3A_2111 = tpu.vector_load %arg4[%get3A_2110] {strides = array<i32>} : memref<63488xf32, #tpu.memory_space<vmem>>, vector<16xf32>,
      %add3A_2112 = arith.addf %add3A_2103, %get3A_2111 : vector<16xf32>
      %get3A_2113 = arith.constant 2192 : index
      %get3A_2114 = tpu.vector_load %arg4[%get3A_2113] {strides = array<i32>} : memref<63488xf32, #tpu.memory_space<vmem>>, vector<16xf32>,
      %add3A_2115 = arith.addf %add3A_2106, %get3A_2114 : vector<16xf32>
      %get3A_2116 = arith.constant 6288 : index
      %get3A_2117 = tpu.vector_load %arg4[%get3A_2116] {strides = array<i32>} : memref<63488xf32, #tpu.memory_space<vmem>>, vector<16xf32>,
      %add3A_2118 = arith.addf %add3A_2109, %get3A_2117 : vector<16xf32>
      %get3A_2119 = arith.constant 10384 : index
      %get3A_2120 = tpu.vector_load %arg4[%get3A_2119] {strides = array<i32>} : memref<63488xf32, #tpu.memory_space<vmem>>, vector<16xf32>,
      %add3A_2121 = arith.addf %add3A_2112, %get3A_2120 : vector<16xf32>
      %get3A_2122 = arith.constant 2208 : index
      %get3A_2123 = tpu.vector_load %arg4[%get3A_2122] {strides = array<i32>} : memref<63488xf32, #tpu.memory_space<vmem>>, vector<16xf32>,
      %add3A_2124 = arith.addf %add3A_2115, %get3A_2123 : vector<16xf32>
      %get3A_2125 = arith.constant 6304 : index
      %get3A_2126 = tpu.vector_load %arg4[%get3A_2125] {strides = array<i32>} : memref<63488xf32, #tpu.memory_space<vmem>>, vector<16xf32>,
      %add3A_2127 = arith.addf %add3A_2118, %get3A_2126 : vector<16xf32>
      %get3A_2128 = arith.constant 10400 : index
      %get3A_2129 = tpu.vector_load %arg4[%get3A_2128] {strides = array<i32>} : memref<63488xf32, #tpu.memory_space<vmem>>, vector<16xf32>,
      %add3A_2130 = arith.addf %add3A_2121, %get3A_2129 : vector<16xf32>
      %get3A_2131 = arith.constant 2224 : index
      %get3A_2132 = tpu.vector_load %arg4[%get3A_2131] {strides = array<i32>} : memref<63488xf32, #tpu.memory_space<vmem>>, vector<16xf32>,
      %add3A_2133 = arith.addf %add3A_2124, %get3A_2132 : vector<16xf32>
      %get3A_2134 = arith.constant 6320 : index
      %get3A_2135 = tpu.vector_load %arg4[%get3A_2134] {strides = array<i32>} : memref<63488xf32, #tpu.memory_space<vmem>>, vector<16xf32>,
      %add3A_2136 = arith.addf %add3A_2127, %get3A_2135 : vector<16xf32>
      %get3A_2137 = arith.constant 10416 : index
      %get3A_2138 = tpu.vector_load %arg4[%get3A_2137] {strides = array<i32>} : memref<63488xf32, #tpu.memory_space<vmem>>, vector<16xf32>,
      %add3A_2139 = arith.addf %add3A_2130, %get3A_2138 : vector<16xf32>
      %get3A_2140 = arith.constant 2240 : index
      %get3A_2141 = tpu.vector_load %arg4[%get3A_2140] {strides = array<i32>} : memref<63488xf32, #tpu.memory_space<vmem>>, vector<16xf32>,
      %add3A_2142 = arith.addf %add3A_2133, %get3A_2141 : vector<16xf32>
      %get3A_2143 = arith.constant 6336 : index
      %get3A_2144 = tpu.vector_load %arg4[%get3A_2143] {strides = array<i32>} : memref<63488xf32, #tpu.memory_space<vmem>>, vector<16xf32>,
      %add3A_2145 = arith.addf %add3A_2136, %get3A_2144 : vector<16xf32>
      %get3A_2146 = arith.constant 10432 : index
      %get3A_2147 = tpu.vector_load %arg4[%get3A_2146] {strides = array<i32>} : memref<63488xf32, #tpu.memory_space<vmem>>, vector<16xf32>,
      %add3A_2148 = arith.addf %add3A_2139, %get3A_2147 : vector<16xf32>
      %get3A_2149 = arith.constant 2256 : index
      %get3A_2150 = tpu.vector_load %arg4[%get3A_2149] {strides = array<i32>} : memref<63488xf32, #tpu.memory_space<vmem>>, vector<16xf32>,
      %add3A_2151 = arith.addf %add3A_2142, %get3A_2150 : vector<16xf32>
      %get3A_2152 = arith.constant 6352 : index
      %get3A_2153 = tpu.vector_load %arg4[%get3A_2152] {strides = array<i32>} : memref<63488xf32, #tpu.memory_space<vmem>>, vector<16xf32>,
      %add3A_2154 = arith.addf %add3A_2145, %get3A_2153 : vector<16xf32>
      %get3A_2155 = arith.constant 10448 : index
      %get3A_2156 = tpu.vector_load %arg4[%get3A_2155] {strides = array<i32>} : memref<63488xf32, #tpu.memory_space<vmem>>, vector<16xf32>,
      %add3A_2157 = arith.addf %add3A_2148, %get3A_2156 : vector<16xf32>
      %get3A_2158 = arith.constant 2272 : index
      %get3A_2159 = tpu.vector_load %arg4[%get3A_2158] {strides = array<i32>} : memref<63488xf32, #tpu.memory_space<vmem>>, vector<16xf32>,
      %add3A_2160 = arith.addf %add3A_2151, %get3A_2159 : vector<16xf32>
      %get3A_2161 = arith.constant 6368 : index
      %get3A_2162 = tpu.vector_load %arg4[%get3A_2161] {strides = array<i32>} : memref<63488xf32, #tpu.memory_space<vmem>>, vector<16xf32>,
      %add3A_2163 = arith.addf %add3A_2154, %get3A_2162 : vector<16xf32>
      %get3A_2164 = arith.constant 10464 : index
      %get3A_2165 = tpu.vector_load %arg4[%get3A_2164] {strides = array<i32>} : memref<63488xf32, #tpu.memory_space<vmem>>, vector<16xf32>,
      %add3A_2166 = arith.addf %add3A_2157, %get3A_2165 : vector<16xf32>
      %get3A_2167 = arith.constant 2288 : index
      %get3A_2168 = tpu.vector_load %arg4[%get3A_2167] {strides = array<i32>} : memref<63488xf32, #tpu.memory_space<vmem>>, vector<16xf32>,
      %add3A_2169 = arith.addf %add3A_2160, %get3A_2168 : vector<16xf32>
      %get3A_2170 = arith.constant 6384 : index
      %get3A_2171 = tpu.vector_load %arg4[%get3A_2170] {strides = array<i32>} : memref<63488xf32, #tpu.memory_space<vmem>>, vector<16xf32>,
      %add3A_2172 = arith.addf %add3A_2163, %get3A_2171 : vector<16xf32>
      %get3A_2173 = arith.constant 10480 : index
      %get3A_2174 = tpu.vector_load %arg4[%get3A_2173] {strides = array<i32>} : memref<63488xf32, #tpu.memory_space<vmem>>, vector<16xf32>,
      %add3A_2175 = arith.addf %add3A_2166, %get3A_2174 : vector<16xf32>
      %get3A_2176 = arith.constant 2304 : index
      %get3A_2177 = tpu.vector_load %arg4[%get3A_2176] {strides = array<i32>} : memref<63488xf32, #tpu.memory_space<vmem>>, vector<16xf32>,
      %add3A_2178 = arith.addf %add3A_2169, %get3A_2177 : vector<16xf32>
      %get3A_2179 = arith.constant 6400 : index
      %get3A_2180 = tpu.vector_load %arg4[%get3A_2179] {strides = array<i32>} : memref<63488xf32, #tpu.memory_space<vmem>>, vector<16xf32>,
      %add3A_2181 = arith.addf %add3A_2172, %get3A_2180 : vector<16xf32>
      %get3A_2182 = arith.constant 10496 : index
      %get3A_2183 = tpu.vector_load %arg4[%get3A_2182] {strides = array<i32>} : memref<63488xf32, #tpu.memory_space<vmem>>, vector<16xf32>,
      %add3A_2184 = arith.addf %add3A_2175, %get3A_2183 : vector<16xf32>
      %get3A_2185 = arith.constant 2320 : index
      %get3A_2186 = tpu.vector_load %arg4[%get3A_2185] {strides = array<i32>} : memref<63488xf32, #tpu.memory_space<vmem>>, vector<16xf32>,
      %add3A_2187 = arith.addf %add3A_2178, %get3A_2186 : vector<16xf32>
      %get3A_2188 = arith.constant 6416 : index
      %get3A_2189 = tpu.vector_load %arg4[%get3A_2188] {strides = array<i32>} : memref<63488xf32, #tpu.memory_space<vmem>>, vector<16xf32>,
      %add3A_2190 = arith.addf %add3A_2181, %get3A_2189 : vector<16xf32>
      %get3A_2191 = arith.constant 10512 : index
      %get3A_2192 = tpu.vector_load %arg4[%get3A_2191] {strides = array<i32>} : memref<63488xf32, #tpu.memory_space<vmem>>, vector<16xf32>,
      %add3A_2193 = arith.addf %add3A_2184, %get3A_2192 : vector<16xf32>
      %get3A_2194 = arith.constant 2336 : index
      %get3A_2195 = tpu.vector_load %arg4[%get3A_2194] {strides = array<i32>} : memref<63488xf32, #tpu.memory_space<vmem>>, vector<16xf32>,
      %add3A_2196 = arith.addf %add3A_2187, %get3A_2195 : vector<16xf32>
      %get3A_2197 = arith.constant 6432 : index
      %get3A_2198 = tpu.vector_load %arg4[%get3A_2197] {strides = array<i32>} : memref<63488xf32, #tpu.memory_space<vmem>>, vector<16xf32>,
      %add3A_2199 = arith.addf %add3A_2190, %get3A_2198 : vector<16xf32>
      %get3A_2200 = arith.constant 10528 : index
      %get3A_2201 = tpu.vector_load %arg4[%get3A_2200] {strides = array<i32>} : memref<63488xf32, #tpu.memory_space<vmem>>, vector<16xf32>,
      %add3A_2202 = arith.addf %add3A_2193, %get3A_2201 : vector<16xf32>
      %get3A_2203 = arith.constant 2352 : index
      %get3A_2204 = tpu.vector_load %arg4[%get3A_2203] {strides = array<i32>} : memref<63488xf32, #tpu.memory_space<vmem>>, vector<16xf32>,
      %add3A_2205 = arith.addf %add3A_2196, %get3A_2204 : vector<16xf32>
      %get3A_2206 = arith.constant 6448 : index
      %get3A_2207 = tpu.vector_load %arg4[%get3A_2206] {strides = array<i32>} : memref<63488xf32, #tpu.memory_space<vmem>>, vector<16xf32>,
      %add3A_2208 = arith.addf %add3A_2199, %get3A_2207 : vector<16xf32>
      %get3A_2209 = arith.constant 10544 : index
      %get3A_2210 = tpu.vector_load %arg4[%get3A_2209] {strides = array<i32>} : memref<63488xf32, #tpu.memory_space<vmem>>, vector<16xf32>,
      %add3A_2211 = arith.addf %add3A_2202, %get3A_2210 : vector<16xf32>
      %get3A_2212 = arith.constant 2368 : index
      %get3A_2213 = tpu.vector_load %arg4[%get3A_2212] {strides = array<i32>} : memref<63488xf32, #tpu.memory_space<vmem>>, vector<16xf32>,
      %add3A_2214 = arith.addf %add3A_2205, %get3A_2213 : vector<16xf32>
      %get3A_2215 = arith.constant 6464 : index
      %get3A_2216 = tpu.vector_load %arg4[%get3A_2215] {strides = array<i32>} : memref<63488xf32, #tpu.memory_space<vmem>>, vector<16xf32>,
      %add3A_2217 = arith.addf %add3A_2208, %get3A_2216 : vector<16xf32>
      %get3A_2218 = arith.constant 10560 : index
      %get3A_2219 = tpu.vector_load %arg4[%get3A_2218] {strides = array<i32>} : memref<63488xf32, #tpu.memory_space<vmem>>, vector<16xf32>,
      %add3A_2220 = arith.addf %add3A_2211, %get3A_2219 : vector<16xf32>
      %get3A_2221 = arith.constant 2384 : index
      %get3A_2222 = tpu.vector_load %arg4[%get3A_2221] {strides = array<i32>} : memref<63488xf32, #tpu.memory_space<vmem>>, vector<16xf32>,
      %add3A_2223 = arith.addf %add3A_2214, %get3A_2222 : vector<16xf32>
      %get3A_2224 = arith.constant 6480 : index
      %get3A_2225 = tpu.vector_load %arg4[%get3A_2224] {strides = array<i32>} : memref<63488xf32, #tpu.memory_space<vmem>>, vector<16xf32>,
      %add3A_2226 = arith.addf %add3A_2217, %get3A_2225 : vector<16xf32>
      %get3A_2227 = arith.constant 10576 : index
      %get3A_2228 = tpu.vector_load %arg4[%get3A_2227] {strides = array<i32>} : memref<63488xf32, #tpu.memory_space<vmem>>, vector<16xf32>,
      %add3A_2229 = arith.addf %add3A_2220, %get3A_2228 : vector<16xf32>
      %get3A_2230 = arith.constant 2400 : index
      %get3A_2231 = tpu.vector_load %arg4[%get3A_2230] {strides = array<i32>} : memref<63488xf32, #tpu.memory_space<vmem>>, vector<16xf32>,
      %add3A_2232 = arith.addf %add3A_2223, %get3A_2231 : vector<16xf32>
      %get3A_2233 = arith.constant 6496 : index
      %get3A_2234 = tpu.vector_load %arg4[%get3A_2233] {strides = array<i32>} : memref<63488xf32, #tpu.memory_space<vmem>>, vector<16xf32>,
      %add3A_2235 = arith.addf %add3A_2226, %get3A_2234 : vector<16xf32>
      %get3A_2236 = arith.constant 10592 : index
      %get3A_2237 = tpu.vector_load %arg4[%get3A_2236] {strides = array<i32>} : memref<63488xf32, #tpu.memory_space<vmem>>, vector<16xf32>,
      %add3A_2238 = arith.addf %add3A_2229, %get3A_2237 : vector<16xf32>
      %get3A_2239 = arith.constant 2416 : index
      %get3A_2240 = tpu.vector_load %arg4[%get3A_2239] {strides = array<i32>} : memref<63488xf32, #tpu.memory_space<vmem>>, vector<16xf32>,
      %add3A_2241 = arith.addf %add3A_2232, %get3A_2240 : vector<16xf32>
      %get3A_2242 = arith.constant 6512 : index
      %get3A_2243 = tpu.vector_load %arg4[%get3A_2242] {strides = array<i32>} : memref<63488xf32, #tpu.memory_space<vmem>>, vector<16xf32>,
      %add3A_2244 = arith.addf %add3A_2235, %get3A_2243 : vector<16xf32>
      %get3A_2245 = arith.constant 10608 : index
      %get3A_2246 = tpu.vector_load %arg4[%get3A_2245] {strides = array<i32>} : memref<63488xf32, #tpu.memory_space<vmem>>, vector<16xf32>,
      %add3A_2247 = arith.addf %add3A_2238, %get3A_2246 : vector<16xf32>
      %get3A_2248 = arith.constant 2432 : index
      %get3A_2249 = tpu.vector_load %arg4[%get3A_2248] {strides = array<i32>} : memref<63488xf32, #tpu.memory_space<vmem>>, vector<16xf32>,
      %add3A_2250 = arith.addf %add3A_2241, %get3A_2249 : vector<16xf32>
      %get3A_2251 = arith.constant 6528 : index
      %get3A_2252 = tpu.vector_load %arg4[%get3A_2251] {strides = array<i32>} : memref<63488xf32, #tpu.memory_space<vmem>>, vector<16xf32>,
      %add3A_2253 = arith.addf %add3A_2244, %get3A_2252 : vector<16xf32>
      %get3A_2254 = arith.constant 10624 : index
      %get3A_2255 = tpu.vector_load %arg4[%get3A_2254] {strides = array<i32>} : memref<63488xf32, #tpu.memory_space<vmem>>, vector<16xf32>,
      %add3A_2256 = arith.addf %add3A_2247, %get3A_2255 : vector<16xf32>
      %get3A_2257 = arith.constant 2448 : index
      %get3A_2258 = tpu.vector_load %arg4[%get3A_2257] {strides = array<i32>} : memref<63488xf32, #tpu.memory_space<vmem>>, vector<16xf32>,
      %add3A_2259 = arith.addf %add3A_2250, %get3A_2258 : vector<16xf32>
      %get3A_2260 = arith.constant 6544 : index
      %get3A_2261 = tpu.vector_load %arg4[%get3A_2260] {strides = array<i32>} : memref<63488xf32, #tpu.memory_space<vmem>>, vector<16xf32>,
      %add3A_2262 = arith.addf %add3A_2253, %get3A_2261 : vector<16xf32>
      %get3A_2263 = arith.constant 10640 : index
      %get3A_2264 = tpu.vector_load %arg4[%get3A_2263] {strides = array<i32>} : memref<63488xf32, #tpu.memory_space<vmem>>, vector<16xf32>,
      %add3A_2265 = arith.addf %add3A_2256, %get3A_2264 : vector<16xf32>
      %get3A_2266 = arith.constant 2464 : index
      %get3A_2267 = tpu.vector_load %arg4[%get3A_2266] {strides = array<i32>} : memref<63488xf32, #tpu.memory_space<vmem>>, vector<16xf32>,
      %add3A_2268 = arith.addf %add3A_2259, %get3A_2267 : vector<16xf32>
      %get3A_2269 = arith.constant 6560 : index
      %get3A_2270 = tpu.vector_load %arg4[%get3A_2269] {strides = array<i32>} : memref<63488xf32, #tpu.memory_space<vmem>>, vector<16xf32>,
      %add3A_2271 = arith.addf %add3A_2262, %get3A_2270 : vector<16xf32>
      %get3A_2272 = arith.constant 10656 : index
      %get3A_2273 = tpu.vector_load %arg4[%get3A_2272] {strides = array<i32>} : memref<63488xf32, #tpu.memory_space<vmem>>, vector<16xf32>,
      %add3A_2274 = arith.addf %add3A_2265, %get3A_2273 : vector<16xf32>
      %get3A_2275 = arith.constant 2480 : index
      %get3A_2276 = tpu.vector_load %arg4[%get3A_2275] {strides = array<i32>} : memref<63488xf32, #tpu.memory_space<vmem>>, vector<16xf32>,
      %add3A_2277 = arith.addf %add3A_2268, %get3A_2276 : vector<16xf32>
      %get3A_2278 = arith.constant 6576 : index
      %get3A_2279 = tpu.vector_load %arg4[%get3A_2278] {strides = array<i32>} : memref<63488xf32, #tpu.memory_space<vmem>>, vector<16xf32>,
      %add3A_2280 = arith.addf %add3A_2271, %get3A_2279 : vector<16xf32>
      %get3A_2281 = arith.constant 10672 : index
      %get3A_2282 = tpu.vector_load %arg4[%get3A_2281] {strides = array<i32>} : memref<63488xf32, #tpu.memory_space<vmem>>, vector<16xf32>,
      %add3A_2283 = arith.addf %add3A_2274, %get3A_2282 : vector<16xf32>
      %get3A_2284 = arith.constant 2496 : index
      %get3A_2285 = tpu.vector_load %arg4[%get3A_2284] {strides = array<i32>} : memref<63488xf32, #tpu.memory_space<vmem>>, vector<16xf32>,
      %add3A_2286 = arith.addf %add3A_2277, %get3A_2285 : vector<16xf32>
      %get3A_2287 = arith.constant 6592 : index
      %get3A_2288 = tpu.vector_load %arg4[%get3A_2287] {strides = array<i32>} : memref<63488xf32, #tpu.memory_space<vmem>>, vector<16xf32>,
      %add3A_2289 = arith.addf %add3A_2280, %get3A_2288 : vector<16xf32>
      %get3A_2290 = arith.constant 10688 : index
      %get3A_2291 = tpu.vector_load %arg4[%get3A_2290] {strides = array<i32>} : memref<63488xf32, #tpu.memory_space<vmem>>, vector<16xf32>,
      %add3A_2292 = arith.addf %add3A_2283, %get3A_2291 : vector<16xf32>
      %get3A_2293 = arith.constant 2512 : index
      %get3A_2294 = tpu.vector_load %arg4[%get3A_2293] {strides = array<i32>} : memref<63488xf32, #tpu.memory_space<vmem>>, vector<16xf32>,
      %add3A_2295 = arith.addf %add3A_2286, %get3A_2294 : vector<16xf32>
      %get3A_2296 = arith.constant 6608 : index
      %get3A_2297 = tpu.vector_load %arg4[%get3A_2296] {strides = array<i32>} : memref<63488xf32, #tpu.memory_space<vmem>>, vector<16xf32>,
      %add3A_2298 = arith.addf %add3A_2289, %get3A_2297 : vector<16xf32>
      %get3A_2299 = arith.constant 10704 : index
      %get3A_2300 = tpu.vector_load %arg4[%get3A_2299] {strides = array<i32>} : memref<63488xf32, #tpu.memory_space<vmem>>, vector<16xf32>,
      %add3A_2301 = arith.addf %add3A_2292, %get3A_2300 : vector<16xf32>
      %get3A_2302 = arith.constant 2528 : index
      %get3A_2303 = tpu.vector_load %arg4[%get3A_2302] {strides = array<i32>} : memref<63488xf32, #tpu.memory_space<vmem>>, vector<16xf32>,
      %add3A_2304 = arith.addf %add3A_2295, %get3A_2303 : vector<16xf32>
      %get3A_2305 = arith.constant 6624 : index
      %get3A_2306 = tpu.vector_load %arg4[%get3A_2305] {strides = array<i32>} : memref<63488xf32, #tpu.memory_space<vmem>>, vector<16xf32>,
      %add3A_2307 = arith.addf %add3A_2298, %get3A_2306 : vector<16xf32>
      %get3A_2308 = arith.constant 10720 : index
      %get3A_2309 = tpu.vector_load %arg4[%get3A_2308] {strides = array<i32>} : memref<63488xf32, #tpu.memory_space<vmem>>, vector<16xf32>,
      %add3A_2310 = arith.addf %add3A_2301, %get3A_2309 : vector<16xf32>
      %get3A_2311 = arith.constant 2544 : index
      %get3A_2312 = tpu.vector_load %arg4[%get3A_2311] {strides = array<i32>} : memref<63488xf32, #tpu.memory_space<vmem>>, vector<16xf32>,
      %add3A_2313 = arith.addf %add3A_2304, %get3A_2312 : vector<16xf32>
      %get3A_2314 = arith.constant 6640 : index
      %get3A_2315 = tpu.vector_load %arg4[%get3A_2314] {strides = array<i32>} : memref<63488xf32, #tpu.memory_space<vmem>>, vector<16xf32>,
      %add3A_2316 = arith.addf %add3A_2307, %get3A_2315 : vector<16xf32>
      %get3A_2317 = arith.constant 10736 : index
      %get3A_2318 = tpu.vector_load %arg4[%get3A_2317] {strides = array<i32>} : memref<63488xf32, #tpu.memory_space<vmem>>, vector<16xf32>,
      %add3A_2319 = arith.addf %add3A_2310, %get3A_2318 : vector<16xf32>
      %get3A_2320 = arith.constant 2560 : index
      %get3A_2321 = tpu.vector_load %arg4[%get3A_2320] {strides = array<i32>} : memref<63488xf32, #tpu.memory_space<vmem>>, vector<16xf32>,
      %add3A_2322 = arith.addf %add3A_2313, %get3A_2321 : vector<16xf32>
      %get3A_2323 = arith.constant 6656 : index
      %get3A_2324 = tpu.vector_load %arg4[%get3A_2323] {strides = array<i32>} : memref<63488xf32, #tpu.memory_space<vmem>>, vector<16xf32>,
      %add3A_2325 = arith.addf %add3A_2316, %get3A_2324 : vector<16xf32>
      %get3A_2326 = arith.constant 10752 : index
      %get3A_2327 = tpu.vector_load %arg4[%get3A_2326] {strides = array<i32>} : memref<63488xf32, #tpu.memory_space<vmem>>, vector<16xf32>,
      %add3A_2328 = arith.addf %add3A_2319, %get3A_2327 : vector<16xf32>
      %get3A_2329 = arith.constant 2576 : index
      %get3A_2330 = tpu.vector_load %arg4[%get3A_2329] {strides = array<i32>} : memref<63488xf32, #tpu.memory_space<vmem>>, vector<16xf32>,
      %add3A_2331 = arith.addf %add3A_2322, %get3A_2330 : vector<16xf32>
      %get3A_2332 = arith.constant 6672 : index
      %get3A_2333 = tpu.vector_load %arg4[%get3A_2332] {strides = array<i32>} : memref<63488xf32, #tpu.memory_space<vmem>>, vector<16xf32>,
      %add3A_2334 = arith.addf %add3A_2325, %get3A_2333 : vector<16xf32>
      %get3A_2335 = arith.constant 10768 : index
      %get3A_2336 = tpu.vector_load %arg4[%get3A_2335] {strides = array<i32>} : memref<63488xf32, #tpu.memory_space<vmem>>, vector<16xf32>,
      %add3A_2337 = arith.addf %add3A_2328, %get3A_2336 : vector<16xf32>
      %get3A_2338 = arith.constant 2592 : index
      %get3A_2339 = tpu.vector_load %arg4[%get3A_2338] {strides = array<i32>} : memref<63488xf32, #tpu.memory_space<vmem>>, vector<16xf32>,
      %add3A_2340 = arith.addf %add3A_2331, %get3A_2339 : vector<16xf32>
      %get3A_2341 = arith.constant 6688 : index
      %get3A_2342 = tpu.vector_load %arg4[%get3A_2341] {strides = array<i32>} : memref<63488xf32, #tpu.memory_space<vmem>>, vector<16xf32>,
      %add3A_2343 = arith.addf %add3A_2334, %get3A_2342 : vector<16xf32>
      %get3A_2344 = arith.constant 10784 : index
      %get3A_2345 = tpu.vector_load %arg4[%get3A_2344] {strides = array<i32>} : memref<63488xf32, #tpu.memory_space<vmem>>, vector<16xf32>,
      %add3A_2346 = arith.addf %add3A_2337, %get3A_2345 : vector<16xf32>
      %get3A_2347 = arith.constant 2608 : index
      %get3A_2348 = tpu.vector_load %arg4[%get3A_2347] {strides = array<i32>} : memref<63488xf32, #tpu.memory_space<vmem>>, vector<16xf32>,
      %add3A_2349 = arith.addf %add3A_2340, %get3A_2348 : vector<16xf32>
      %get3A_2350 = arith.constant 6704 : index
      %get3A_2351 = tpu.vector_load %arg4[%get3A_2350] {strides = array<i32>} : memref<63488xf32, #tpu.memory_space<vmem>>, vector<16xf32>,
      %add3A_2352 = arith.addf %add3A_2343, %get3A_2351 : vector<16xf32>
      %get3A_2353 = arith.constant 10800 : index
      %get3A_2354 = tpu.vector_load %arg4[%get3A_2353] {strides = array<i32>} : memref<63488xf32, #tpu.memory_space<vmem>>, vector<16xf32>,
      %add3A_2355 = arith.addf %add3A_2346, %get3A_2354 : vector<16xf32>
      %get3A_2356 = arith.constant 2624 : index
      %get3A_2357 = tpu.vector_load %arg4[%get3A_2356] {strides = array<i32>} : memref<63488xf32, #tpu.memory_space<vmem>>, vector<16xf32>,
      %add3A_2358 = arith.addf %add3A_2349, %get3A_2357 : vector<16xf32>
      %get3A_2359 = arith.constant 6720 : index
      %get3A_2360 = tpu.vector_load %arg4[%get3A_2359] {strides = array<i32>} : memref<63488xf32, #tpu.memory_space<vmem>>, vector<16xf32>,
      %add3A_2361 = arith.addf %add3A_2352, %get3A_2360 : vector<16xf32>
      %get3A_2362 = arith.constant 10816 : index
      %get3A_2363 = tpu.vector_load %arg4[%get3A_2362] {strides = array<i32>} : memref<63488xf32, #tpu.memory_space<vmem>>, vector<16xf32>,
      %add3A_2364 = arith.addf %add3A_2355, %get3A_2363 : vector<16xf32>
      %get3A_2365 = arith.constant 2640 : index
      %get3A_2366 = tpu.vector_load %arg4[%get3A_2365] {strides = array<i32>} : memref<63488xf32, #tpu.memory_space<vmem>>, vector<16xf32>,
      %add3A_2367 = arith.addf %add3A_2358, %get3A_2366 : vector<16xf32>
      %get3A_2368 = arith.constant 6736 : index
      %get3A_2369 = tpu.vector_load %arg4[%get3A_2368] {strides = array<i32>} : memref<63488xf32, #tpu.memory_space<vmem>>, vector<16xf32>,
      %add3A_2370 = arith.addf %add3A_2361, %get3A_2369 : vector<16xf32>
      %get3A_2371 = arith.constant 10832 : index
      %get3A_2372 = tpu.vector_load %arg4[%get3A_2371] {strides = array<i32>} : memref<63488xf32, #tpu.memory_space<vmem>>, vector<16xf32>,
      %add3A_2373 = arith.addf %add3A_2364, %get3A_2372 : vector<16xf32>
      %get3A_2374 = arith.constant 2656 : index
      %get3A_2375 = tpu.vector_load %arg4[%get3A_2374] {strides = array<i32>} : memref<63488xf32, #tpu.memory_space<vmem>>, vector<16xf32>,
      %add3A_2376 = arith.addf %add3A_2367, %get3A_2375 : vector<16xf32>
      %get3A_2377 = arith.constant 6752 : index
      %get3A_2378 = tpu.vector_load %arg4[%get3A_2377] {strides = array<i32>} : memref<63488xf32, #tpu.memory_space<vmem>>, vector<16xf32>,
      %add3A_2379 = arith.addf %add3A_2370, %get3A_2378 : vector<16xf32>
      %get3A_2380 = arith.constant 10848 : index
      %get3A_2381 = tpu.vector_load %arg4[%get3A_2380] {strides = array<i32>} : memref<63488xf32, #tpu.memory_space<vmem>>, vector<16xf32>,
      %add3A_2382 = arith.addf %add3A_2373, %get3A_2381 : vector<16xf32>
      %get3A_2383 = arith.constant 2672 : index
      %get3A_2384 = tpu.vector_load %arg4[%get3A_2383] {strides = array<i32>} : memref<63488xf32, #tpu.memory_space<vmem>>, vector<16xf32>,
      %add3A_2385 = arith.addf %add3A_2376, %get3A_2384 : vector<16xf32>
      %get3A_2386 = arith.constant 6768 : index
      %get3A_2387 = tpu.vector_load %arg4[%get3A_2386] {strides = array<i32>} : memref<63488xf32, #tpu.memory_space<vmem>>, vector<16xf32>,
      %add3A_2388 = arith.addf %add3A_2379, %get3A_2387 : vector<16xf32>
      %get3A_2389 = arith.constant 10864 : index
      %get3A_2390 = tpu.vector_load %arg4[%get3A_2389] {strides = array<i32>} : memref<63488xf32, #tpu.memory_space<vmem>>, vector<16xf32>,
      %add3A_2391 = arith.addf %add3A_2382, %get3A_2390 : vector<16xf32>
      %get3A_2392 = arith.constant 2688 : index
      %get3A_2393 = tpu.vector_load %arg4[%get3A_2392] {strides = array<i32>} : memref<63488xf32, #tpu.memory_space<vmem>>, vector<16xf32>,
      %add3A_2394 = arith.addf %add3A_2385, %get3A_2393 : vector<16xf32>
      %get3A_2395 = arith.constant 6784 : index
      %get3A_2396 = tpu.vector_load %arg4[%get3A_2395] {strides = array<i32>} : memref<63488xf32, #tpu.memory_space<vmem>>, vector<16xf32>,
      %add3A_2397 = arith.addf %add3A_2388, %get3A_2396 : vector<16xf32>
      %get3A_2398 = arith.constant 10880 : index
      %get3A_2399 = tpu.vector_load %arg4[%get3A_2398] {strides = array<i32>} : memref<63488xf32, #tpu.memory_space<vmem>>, vector<16xf32>,
      %add3A_2400 = arith.addf %add3A_2391, %get3A_2399 : vector<16xf32>
      %get3A_2401 = arith.constant 2704 : index
      %get3A_2402 = tpu.vector_load %arg4[%get3A_2401] {strides = array<i32>} : memref<63488xf32, #tpu.memory_space<vmem>>, vector<16xf32>,
      %add3A_2403 = arith.addf %add3A_2394, %get3A_2402 : vector<16xf32>
      %get3A_2404 = arith.constant 6800 : index
      %get3A_2405 = tpu.vector_load %arg4[%get3A_2404] {strides = array<i32>} : memref<63488xf32, #tpu.memory_space<vmem>>, vector<16xf32>,
      %add3A_2406 = arith.addf %add3A_2397, %get3A_2405 : vector<16xf32>
      %get3A_2407 = arith.constant 10896 : index
      %get3A_2408 = tpu.vector_load %arg4[%get3A_2407] {strides = array<i32>} : memref<63488xf32, #tpu.memory_space<vmem>>, vector<16xf32>,
      %add3A_2409 = arith.addf %add3A_2400, %get3A_2408 : vector<16xf32>
      %get3A_2410 = arith.constant 2720 : index
      %get3A_2411 = tpu.vector_load %arg4[%get3A_2410] {strides = array<i32>} : memref<63488xf32, #tpu.memory_space<vmem>>, vector<16xf32>,
      %add3A_2412 = arith.addf %add3A_2403, %get3A_2411 : vector<16xf32>
      %get3A_2413 = arith.constant 6816 : index
      %get3A_2414 = tpu.vector_load %arg4[%get3A_2413] {strides = array<i32>} : memref<63488xf32, #tpu.memory_space<vmem>>, vector<16xf32>,
      %add3A_2415 = arith.addf %add3A_2406, %get3A_2414 : vector<16xf32>
      %get3A_2416 = arith.constant 10912 : index
      %get3A_2417 = tpu.vector_load %arg4[%get3A_2416] {strides = array<i32>} : memref<63488xf32, #tpu.memory_space<vmem>>, vector<16xf32>,
      %add3A_2418 = arith.addf %add3A_2409, %get3A_2417 : vector<16xf32>
      %get3A_2419 = arith.constant 2736 : index
      %get3A_2420 = tpu.vector_load %arg4[%get3A_2419] {strides = array<i32>} : memref<63488xf32, #tpu.memory_space<vmem>>, vector<16xf32>,
      %add3A_2421 = arith.addf %add3A_2412, %get3A_2420 : vector<16xf32>
      %get3A_2422 = arith.constant 6832 : index
      %get3A_2423 = tpu.vector_load %arg4[%get3A_2422] {strides = array<i32>} : memref<63488xf32, #tpu.memory_space<vmem>>, vector<16xf32>,
      %add3A_2424 = arith.addf %add3A_2415, %get3A_2423 : vector<16xf32>
      %get3A_2425 = arith.constant 10928 : index
      %get3A_2426 = tpu.vector_load %arg4[%get3A_2425] {strides = array<i32>} : memref<63488xf32, #tpu.memory_space<vmem>>, vector<16xf32>,
      %add3A_2427 = arith.addf %add3A_2418, %get3A_2426 : vector<16xf32>
      %get3A_2428 = arith.constant 2752 : index
      %get3A_2429 = tpu.vector_load %arg4[%get3A_2428] {strides = array<i32>} : memref<63488xf32, #tpu.memory_space<vmem>>, vector<16xf32>,
      %add3A_2430 = arith.addf %add3A_2421, %get3A_2429 : vector<16xf32>
      %get3A_2431 = arith.constant 6848 : index
      %get3A_2432 = tpu.vector_load %arg4[%get3A_2431] {strides = array<i32>} : memref<63488xf32, #tpu.memory_space<vmem>>, vector<16xf32>,
      %add3A_2433 = arith.addf %add3A_2424, %get3A_2432 : vector<16xf32>
      %get3A_2434 = arith.constant 10944 : index
      %get3A_2435 = tpu.vector_load %arg4[%get3A_2434] {strides = array<i32>} : memref<63488xf32, #tpu.memory_space<vmem>>, vector<16xf32>,
      %add3A_2436 = arith.addf %add3A_2427, %get3A_2435 : vector<16xf32>
      %get3A_2437 = arith.constant 2768 : index
      %get3A_2438 = tpu.vector_load %arg4[%get3A_2437] {strides = array<i32>} : memref<63488xf32, #tpu.memory_space<vmem>>, vector<16xf32>,
      %add3A_2439 = arith.addf %add3A_2430, %get3A_2438 : vector<16xf32>
      %get3A_2440 = arith.constant 6864 : index
      %get3A_2441 = tpu.vector_load %arg4[%get3A_2440] {strides = array<i32>} : memref<63488xf32, #tpu.memory_space<vmem>>, vector<16xf32>,
      %add3A_2442 = arith.addf %add3A_2433, %get3A_2441 : vector<16xf32>
      %get3A_2443 = arith.constant 10960 : index
      %get3A_2444 = tpu.vector_load %arg4[%get3A_2443] {strides = array<i32>} : memref<63488xf32, #tpu.memory_space<vmem>>, vector<16xf32>,
      %add3A_2445 = arith.addf %add3A_2436, %get3A_2444 : vector<16xf32>
      %get3A_2446 = arith.constant 2784 : index
      %get3A_2447 = tpu.vector_load %arg4[%get3A_2446] {strides = array<i32>} : memref<63488xf32, #tpu.memory_space<vmem>>, vector<16xf32>,
      %add3A_2448 = arith.addf %add3A_2439, %get3A_2447 : vector<16xf32>
      %get3A_2449 = arith.constant 6880 : index
      %get3A_2450 = tpu.vector_load %arg4[%get3A_2449] {strides = array<i32>} : memref<63488xf32, #tpu.memory_space<vmem>>, vector<16xf32>,
      %add3A_2451 = arith.addf %add3A_2442, %get3A_2450 : vector<16xf32>
      %get3A_2452 = arith.constant 10976 : index
      %get3A_2453 = tpu.vector_load %arg4[%get3A_2452] {strides = array<i32>} : memref<63488xf32, #tpu.memory_space<vmem>>, vector<16xf32>,
      %add3A_2454 = arith.addf %add3A_2445, %get3A_2453 : vector<16xf32>
      %get3A_2455 = arith.constant 2800 : index
      %get3A_2456 = tpu.vector_load %arg4[%get3A_2455] {strides = array<i32>} : memref<63488xf32, #tpu.memory_space<vmem>>, vector<16xf32>,
      %add3A_2457 = arith.addf %add3A_2448, %get3A_2456 : vector<16xf32>
      %get3A_2458 = arith.constant 6896 : index
      %get3A_2459 = tpu.vector_load %arg4[%get3A_2458] {strides = array<i32>} : memref<63488xf32, #tpu.memory_space<vmem>>, vector<16xf32>,
      %add3A_2460 = arith.addf %add3A_2451, %get3A_2459 : vector<16xf32>
      %get3A_2461 = arith.constant 10992 : index
      %get3A_2462 = tpu.vector_load %arg4[%get3A_2461] {strides = array<i32>} : memref<63488xf32, #tpu.memory_space<vmem>>, vector<16xf32>,
      %add3A_2463 = arith.addf %add3A_2454, %get3A_2462 : vector<16xf32>
      %get3A_2464 = arith.constant 2816 : index
      %get3A_2465 = tpu.vector_load %arg4[%get3A_2464] {strides = array<i32>} : memref<63488xf32, #tpu.memory_space<vmem>>, vector<16xf32>,
      %add3A_2466 = arith.addf %add3A_2457, %get3A_2465 : vector<16xf32>
      %get3A_2467 = arith.constant 6912 : index
      %get3A_2468 = tpu.vector_load %arg4[%get3A_2467] {strides = array<i32>} : memref<63488xf32, #tpu.memory_space<vmem>>, vector<16xf32>,
      %add3A_2469 = arith.addf %add3A_2460, %get3A_2468 : vector<16xf32>
      %get3A_2470 = arith.constant 11008 : index
      %get3A_2471 = tpu.vector_load %arg4[%get3A_2470] {strides = array<i32>} : memref<63488xf32, #tpu.memory_space<vmem>>, vector<16xf32>,
      %add3A_2472 = arith.addf %add3A_2463, %get3A_2471 : vector<16xf32>
      %get3A_2473 = arith.constant 2832 : index
      %get3A_2474 = tpu.vector_load %arg4[%get3A_2473] {strides = array<i32>} : memref<63488xf32, #tpu.memory_space<vmem>>, vector<16xf32>,
      %add3A_2475 = arith.addf %add3A_2466, %get3A_2474 : vector<16xf32>
      %get3A_2476 = arith.constant 6928 : index
      %get3A_2477 = tpu.vector_load %arg4[%get3A_2476] {strides = array<i32>} : memref<63488xf32, #tpu.memory_space<vmem>>, vector<16xf32>,
      %add3A_2478 = arith.addf %add3A_2469, %get3A_2477 : vector<16xf32>
      %get3A_2479 = arith.constant 11024 : index
      %get3A_2480 = tpu.vector_load %arg4[%get3A_2479] {strides = array<i32>} : memref<63488xf32, #tpu.memory_space<vmem>>, vector<16xf32>,
      %add3A_2481 = arith.addf %add3A_2472, %get3A_2480 : vector<16xf32>
      %get3A_2482 = arith.constant 2848 : index
      %get3A_2483 = tpu.vector_load %arg4[%get3A_2482] {strides = array<i32>} : memref<63488xf32, #tpu.memory_space<vmem>>, vector<16xf32>,
      %add3A_2484 = arith.addf %add3A_2475, %get3A_2483 : vector<16xf32>
      %get3A_2485 = arith.constant 6944 : index
      %get3A_2486 = tpu.vector_load %arg4[%get3A_2485] {strides = array<i32>} : memref<63488xf32, #tpu.memory_space<vmem>>, vector<16xf32>,
      %add3A_2487 = arith.addf %add3A_2478, %get3A_2486 : vector<16xf32>
      %get3A_2488 = arith.constant 11040 : index
      %get3A_2489 = tpu.vector_load %arg4[%get3A_2488] {strides = array<i32>} : memref<63488xf32, #tpu.memory_space<vmem>>, vector<16xf32>,
      %add3A_2490 = arith.addf %add3A_2481, %get3A_2489 : vector<16xf32>
      %get3A_2491 = arith.constant 2864 : index
      %get3A_2492 = tpu.vector_load %arg4[%get3A_2491] {strides = array<i32>} : memref<63488xf32, #tpu.memory_space<vmem>>, vector<16xf32>,
      %add3A_2493 = arith.addf %add3A_2484, %get3A_2492 : vector<16xf32>
      %get3A_2494 = arith.constant 6960 : index
      %get3A_2495 = tpu.vector_load %arg4[%get3A_2494] {strides = array<i32>} : memref<63488xf32, #tpu.memory_space<vmem>>, vector<16xf32>,
      %add3A_2496 = arith.addf %add3A_2487, %get3A_2495 : vector<16xf32>
      %get3A_2497 = arith.constant 11056 : index
      %get3A_2498 = tpu.vector_load %arg4[%get3A_2497] {strides = array<i32>} : memref<63488xf32, #tpu.memory_space<vmem>>, vector<16xf32>,
      %add3A_2499 = arith.addf %add3A_2490, %get3A_2498 : vector<16xf32>
      %get3A_2500 = arith.constant 2880 : index
      %get3A_2501 = tpu.vector_load %arg4[%get3A_2500] {strides = array<i32>} : memref<63488xf32, #tpu.memory_space<vmem>>, vector<16xf32>,
      %add3A_2502 = arith.addf %add3A_2493, %get3A_2501 : vector<16xf32>
      %get3A_2503 = arith.constant 6976 : index
      %get3A_2504 = tpu.vector_load %arg4[%get3A_2503] {strides = array<i32>} : memref<63488xf32, #tpu.memory_space<vmem>>, vector<16xf32>,
      %add3A_2505 = arith.addf %add3A_2496, %get3A_2504 : vector<16xf32>
      %get3A_2506 = arith.constant 11072 : index
      %get3A_2507 = tpu.vector_load %arg4[%get3A_2506] {strides = array<i32>} : memref<63488xf32, #tpu.memory_space<vmem>>, vector<16xf32>,
      %add3A_2508 = arith.addf %add3A_2499, %get3A_2507 : vector<16xf32>
      %get3A_2509 = arith.constant 2896 : index
      %get3A_2510 = tpu.vector_load %arg4[%get3A_2509] {strides = array<i32>} : memref<63488xf32, #tpu.memory_space<vmem>>, vector<16xf32>,
      %add3A_2511 = arith.addf %add3A_2502, %get3A_2510 : vector<16xf32>
      %get3A_2512 = arith.constant 6992 : index
      %get3A_2513 = tpu.vector_load %arg4[%get3A_2512] {strides = array<i32>} : memref<63488xf32, #tpu.memory_space<vmem>>, vector<16xf32>,
      %add3A_2514 = arith.addf %add3A_2505, %get3A_2513 : vector<16xf32>
      %get3A_2515 = arith.constant 11088 : index
      %get3A_2516 = tpu.vector_load %arg4[%get3A_2515] {strides = array<i32>} : memref<63488xf32, #tpu.memory_space<vmem>>, vector<16xf32>,
      %add3A_2517 = arith.addf %add3A_2508, %get3A_2516 : vector<16xf32>
      %get3A_2518 = arith.constant 2912 : index
      %get3A_2519 = tpu.vector_load %arg4[%get3A_2518] {strides = array<i32>} : memref<63488xf32, #tpu.memory_space<vmem>>, vector<16xf32>,
      %add3A_2520 = arith.addf %add3A_2511, %get3A_2519 : vector<16xf32>
      %get3A_2521 = arith.constant 7008 : index
      %get3A_2522 = tpu.vector_load %arg4[%get3A_2521] {strides = array<i32>} : memref<63488xf32, #tpu.memory_space<vmem>>, vector<16xf32>,
      %add3A_2523 = arith.addf %add3A_2514, %get3A_2522 : vector<16xf32>
      %get3A_2524 = arith.constant 11104 : index
      %get3A_2525 = tpu.vector_load %arg4[%get3A_2524] {strides = array<i32>} : memref<63488xf32, #tpu.memory_space<vmem>>, vector<16xf32>,
      %add3A_2526 = arith.addf %add3A_2517, %get3A_2525 : vector<16xf32>
      %get3A_2527 = arith.constant 2928 : index
      %get3A_2528 = tpu.vector_load %arg4[%get3A_2527] {strides = array<i32>} : memref<63488xf32, #tpu.memory_space<vmem>>, vector<16xf32>,
      %add3A_2529 = arith.addf %add3A_2520, %get3A_2528 : vector<16xf32>
      %get3A_2530 = arith.constant 7024 : index
      %get3A_2531 = tpu.vector_load %arg4[%get3A_2530] {strides = array<i32>} : memref<63488xf32, #tpu.memory_space<vmem>>, vector<16xf32>,
      %add3A_2532 = arith.addf %add3A_2523, %get3A_2531 : vector<16xf32>
      %get3A_2533 = arith.constant 11120 : index
      %get3A_2534 = tpu.vector_load %arg4[%get3A_2533] {strides = array<i32>} : memref<63488xf32, #tpu.memory_space<vmem>>, vector<16xf32>,
      %add3A_2535 = arith.addf %add3A_2526, %get3A_2534 : vector<16xf32>
      %get3A_2536 = arith.constant 2944 : index
      %get3A_2537 = tpu.vector_load %arg4[%get3A_2536] {strides = array<i32>} : memref<63488xf32, #tpu.memory_space<vmem>>, vector<16xf32>,
      %add3A_2538 = arith.addf %add3A_2529, %get3A_2537 : vector<16xf32>
      %get3A_2539 = arith.constant 7040 : index
      %get3A_2540 = tpu.vector_load %arg4[%get3A_2539] {strides = array<i32>} : memref<63488xf32, #tpu.memory_space<vmem>>, vector<16xf32>,
      %add3A_2541 = arith.addf %add3A_2532, %get3A_2540 : vector<16xf32>
      %get3A_2542 = arith.constant 11136 : index
      %get3A_2543 = tpu.vector_load %arg4[%get3A_2542] {strides = array<i32>} : memref<63488xf32, #tpu.memory_space<vmem>>, vector<16xf32>,
      %add3A_2544 = arith.addf %add3A_2535, %get3A_2543 : vector<16xf32>
      %get3A_2545 = arith.constant 2960 : index
      %get3A_2546 = tpu.vector_load %arg4[%get3A_2545] {strides = array<i32>} : memref<63488xf32, #tpu.memory_space<vmem>>, vector<16xf32>,
      %add3A_2547 = arith.addf %add3A_2538, %get3A_2546 : vector<16xf32>
      %get3A_2548 = arith.constant 7056 : index
      %get3A_2549 = tpu.vector_load %arg4[%get3A_2548] {strides = array<i32>} : memref<63488xf32, #tpu.memory_space<vmem>>, vector<16xf32>,
      %add3A_2550 = arith.addf %add3A_2541, %get3A_2549 : vector<16xf32>
      %get3A_2551 = arith.constant 11152 : index
      %get3A_2552 = tpu.vector_load %arg4[%get3A_2551] {strides = array<i32>} : memref<63488xf32, #tpu.memory_space<vmem>>, vector<16xf32>,
      %add3A_2553 = arith.addf %add3A_2544, %get3A_2552 : vector<16xf32>
      %get3A_2554 = arith.constant 2976 : index
      %get3A_2555 = tpu.vector_load %arg4[%get3A_2554] {strides = array<i32>} : memref<63488xf32, #tpu.memory_space<vmem>>, vector<16xf32>,
      %add3A_2556 = arith.addf %add3A_2547, %get3A_2555 : vector<16xf32>
      %get3A_2557 = arith.constant 7072 : index
      %get3A_2558 = tpu.vector_load %arg4[%get3A_2557] {strides = array<i32>} : memref<63488xf32, #tpu.memory_space<vmem>>, vector<16xf32>,
      %add3A_2559 = arith.addf %add3A_2550, %get3A_2558 : vector<16xf32>
      %get3A_2560 = arith.constant 11168 : index
      %get3A_2561 = tpu.vector_load %arg4[%get3A_2560] {strides = array<i32>} : memref<63488xf32, #tpu.memory_space<vmem>>, vector<16xf32>,
      %add3A_2562 = arith.addf %add3A_2553, %get3A_2561 : vector<16xf32>
      %get3A_2563 = arith.constant 2992 : index
      %get3A_2564 = tpu.vector_load %arg4[%get3A_2563] {strides = array<i32>} : memref<63488xf32, #tpu.memory_space<vmem>>, vector<16xf32>,
      %add3A_2565 = arith.addf %add3A_2556, %get3A_2564 : vector<16xf32>
      %get3A_2566 = arith.constant 7088 : index
      %get3A_2567 = tpu.vector_load %arg4[%get3A_2566] {strides = array<i32>} : memref<63488xf32, #tpu.memory_space<vmem>>, vector<16xf32>,
      %add3A_2568 = arith.addf %add3A_2559, %get3A_2567 : vector<16xf32>
      %get3A_2569 = arith.constant 11184 : index
      %get3A_2570 = tpu.vector_load %arg4[%get3A_2569] {strides = array<i32>} : memref<63488xf32, #tpu.memory_space<vmem>>, vector<16xf32>,
      %add3A_2571 = arith.addf %add3A_2562, %get3A_2570 : vector<16xf32>
      %get3A_2572 = arith.constant 3008 : index
      %get3A_2573 = tpu.vector_load %arg4[%get3A_2572] {strides = array<i32>} : memref<63488xf32, #tpu.memory_space<vmem>>, vector<16xf32>,
      %add3A_2574 = arith.addf %add3A_2565, %get3A_2573 : vector<16xf32>
      %get3A_2575 = arith.constant 7104 : index
      %get3A_2576 = tpu.vector_load %arg4[%get3A_2575] {strides = array<i32>} : memref<63488xf32, #tpu.memory_space<vmem>>, vector<16xf32>,
      %add3A_2577 = arith.addf %add3A_2568, %get3A_2576 : vector<16xf32>
      %get3A_2578 = arith.constant 11200 : index
      %get3A_2579 = tpu.vector_load %arg4[%get3A_2578] {strides = array<i32>} : memref<63488xf32, #tpu.memory_space<vmem>>, vector<16xf32>,
      %add3A_2580 = arith.addf %add3A_2571, %get3A_2579 : vector<16xf32>
      %get3A_2581 = arith.constant 3024 : index
      %get3A_2582 = tpu.vector_load %arg4[%get3A_2581] {strides = array<i32>} : memref<63488xf32, #tpu.memory_space<vmem>>, vector<16xf32>,
      %add3A_2583 = arith.addf %add3A_2574, %get3A_2582 : vector<16xf32>
      %get3A_2584 = arith.constant 7120 : index
      %get3A_2585 = tpu.vector_load %arg4[%get3A_2584] {strides = array<i32>} : memref<63488xf32, #tpu.memory_space<vmem>>, vector<16xf32>,
      %add3A_2586 = arith.addf %add3A_2577, %get3A_2585 : vector<16xf32>
      %get3A_2587 = arith.constant 11216 : index
      %get3A_2588 = tpu.vector_load %arg4[%get3A_2587] {strides = array<i32>} : memref<63488xf32, #tpu.memory_space<vmem>>, vector<16xf32>,
      %add3A_2589 = arith.addf %add3A_2580, %get3A_2588 : vector<16xf32>
      %get3A_2590 = arith.constant 3040 : index
      %get3A_2591 = tpu.vector_load %arg4[%get3A_2590] {strides = array<i32>} : memref<63488xf32, #tpu.memory_space<vmem>>, vector<16xf32>,
      %add3A_2592 = arith.addf %add3A_2583, %get3A_2591 : vector<16xf32>
      %get3A_2593 = arith.constant 7136 : index
      %get3A_2594 = tpu.vector_load %arg4[%get3A_2593] {strides = array<i32>} : memref<63488xf32, #tpu.memory_space<vmem>>, vector<16xf32>,
      %add3A_2595 = arith.addf %add3A_2586, %get3A_2594 : vector<16xf32>
      %get3A_2596 = arith.constant 11232 : index
      %get3A_2597 = tpu.vector_load %arg4[%get3A_2596] {strides = array<i32>} : memref<63488xf32, #tpu.memory_space<vmem>>, vector<16xf32>,
      %add3A_2598 = arith.addf %add3A_2589, %get3A_2597 : vector<16xf32>
      %get3A_2599 = arith.constant 3056 : index
      %get3A_2600 = tpu.vector_load %arg4[%get3A_2599] {strides = array<i32>} : memref<63488xf32, #tpu.memory_space<vmem>>, vector<16xf32>,
      %add3A_2601 = arith.addf %add3A_2592, %get3A_2600 : vector<16xf32>
      %get3A_2602 = arith.constant 7152 : index
      %get3A_2603 = tpu.vector_load %arg4[%get3A_2602] {strides = array<i32>} : memref<63488xf32, #tpu.memory_space<vmem>>, vector<16xf32>,
      %add3A_2604 = arith.addf %add3A_2595, %get3A_2603 : vector<16xf32>
      %get3A_2605 = arith.constant 11248 : index
      %get3A_2606 = tpu.vector_load %arg4[%get3A_2605] {strides = array<i32>} : memref<63488xf32, #tpu.memory_space<vmem>>, vector<16xf32>,
      %add3A_2607 = arith.addf %add3A_2598, %get3A_2606 : vector<16xf32>
      %get3A_2608 = arith.constant 3072 : index
      %get3A_2609 = tpu.vector_load %arg4[%get3A_2608] {strides = array<i32>} : memref<63488xf32, #tpu.memory_space<vmem>>, vector<16xf32>,
      %add3A_2610 = arith.addf %add3A_2601, %get3A_2609 : vector<16xf32>
      %get3A_2611 = arith.constant 7168 : index
      %get3A_2612 = tpu.vector_load %arg4[%get3A_2611] {strides = array<i32>} : memref<63488xf32, #tpu.memory_space<vmem>>, vector<16xf32>,
      %add3A_2613 = arith.addf %add3A_2604, %get3A_2612 : vector<16xf32>
      %get3A_2614 = arith.constant 11264 : index
      %get3A_2615 = tpu.vector_load %arg4[%get3A_2614] {strides = array<i32>} : memref<63488xf32, #tpu.memory_space<vmem>>, vector<16xf32>,
      %add3A_2616 = arith.addf %add3A_2607, %get3A_2615 : vector<16xf32>
      %get3A_2617 = arith.constant 3088 : index
      %get3A_2618 = tpu.vector_load %arg4[%get3A_2617] {strides = array<i32>} : memref<63488xf32, #tpu.memory_space<vmem>>, vector<16xf32>,
      %add3A_2619 = arith.addf %add3A_2610, %get3A_2618 : vector<16xf32>
      %get3A_2620 = arith.constant 7184 : index
      %get3A_2621 = tpu.vector_load %arg4[%get3A_2620] {strides = array<i32>} : memref<63488xf32, #tpu.memory_space<vmem>>, vector<16xf32>,
      %add3A_2622 = arith.addf %add3A_2613, %get3A_2621 : vector<16xf32>
      %get3A_2623 = arith.constant 11280 : index
      %get3A_2624 = tpu.vector_load %arg4[%get3A_2623] {strides = array<i32>} : memref<63488xf32, #tpu.memory_space<vmem>>, vector<16xf32>,
      %add3A_2625 = arith.addf %add3A_2616, %get3A_2624 : vector<16xf32>
      %get3A_2626 = arith.constant 3104 : index
      %get3A_2627 = tpu.vector_load %arg4[%get3A_2626] {strides = array<i32>} : memref<63488xf32, #tpu.memory_space<vmem>>, vector<16xf32>,
      %add3A_2628 = arith.addf %add3A_2619, %get3A_2627 : vector<16xf32>
      %get3A_2629 = arith.constant 7200 : index
      %get3A_2630 = tpu.vector_load %arg4[%get3A_2629] {strides = array<i32>} : memref<63488xf32, #tpu.memory_space<vmem>>, vector<16xf32>,
      %add3A_2631 = arith.addf %add3A_2622, %get3A_2630 : vector<16xf32>
      %get3A_2632 = arith.constant 11296 : index
      %get3A_2633 = tpu.vector_load %arg4[%get3A_2632] {strides = array<i32>} : memref<63488xf32, #tpu.memory_space<vmem>>, vector<16xf32>,
      %add3A_2634 = arith.addf %add3A_2625, %get3A_2633 : vector<16xf32>
      %get3A_2635 = arith.constant 3120 : index
      %get3A_2636 = tpu.vector_load %arg4[%get3A_2635] {strides = array<i32>} : memref<63488xf32, #tpu.memory_space<vmem>>, vector<16xf32>,
      %add3A_2637 = arith.addf %add3A_2628, %get3A_2636 : vector<16xf32>
      %get3A_2638 = arith.constant 7216 : index
      %get3A_2639 = tpu.vector_load %arg4[%get3A_2638] {strides = array<i32>} : memref<63488xf32, #tpu.memory_space<vmem>>, vector<16xf32>,
      %add3A_2640 = arith.addf %add3A_2631, %get3A_2639 : vector<16xf32>
      %get3A_2641 = arith.constant 11312 : index
      %get3A_2642 = tpu.vector_load %arg4[%get3A_2641] {strides = array<i32>} : memref<63488xf32, #tpu.memory_space<vmem>>, vector<16xf32>,
      %add3A_2643 = arith.addf %add3A_2634, %get3A_2642 : vector<16xf32>
      %get3A_2644 = arith.constant 3136 : index
      %get3A_2645 = tpu.vector_load %arg4[%get3A_2644] {strides = array<i32>} : memref<63488xf32, #tpu.memory_space<vmem>>, vector<16xf32>,
      %add3A_2646 = arith.addf %add3A_2637, %get3A_2645 : vector<16xf32>
      %get3A_2647 = arith.constant 7232 : index
      %get3A_2648 = tpu.vector_load %arg4[%get3A_2647] {strides = array<i32>} : memref<63488xf32, #tpu.memory_space<vmem>>, vector<16xf32>,
      %add3A_2649 = arith.addf %add3A_2640, %get3A_2648 : vector<16xf32>
      %get3A_2650 = arith.constant 11328 : index
      %get3A_2651 = tpu.vector_load %arg4[%get3A_2650] {strides = array<i32>} : memref<63488xf32, #tpu.memory_space<vmem>>, vector<16xf32>,
      %add3A_2652 = arith.addf %add3A_2643, %get3A_2651 : vector<16xf32>
      %get3A_2653 = arith.constant 3152 : index
      %get3A_2654 = tpu.vector_load %arg4[%get3A_2653] {strides = array<i32>} : memref<63488xf32, #tpu.memory_space<vmem>>, vector<16xf32>,
      %add3A_2655 = arith.addf %add3A_2646, %get3A_2654 : vector<16xf32>
      %get3A_2656 = arith.constant 7248 : index
      %get3A_2657 = tpu.vector_load %arg4[%get3A_2656] {strides = array<i32>} : memref<63488xf32, #tpu.memory_space<vmem>>, vector<16xf32>,
      %add3A_2658 = arith.addf %add3A_2649, %get3A_2657 : vector<16xf32>
      %get3A_2659 = arith.constant 11344 : index
      %get3A_2660 = tpu.vector_load %arg4[%get3A_2659] {strides = array<i32>} : memref<63488xf32, #tpu.memory_space<vmem>>, vector<16xf32>,
      %add3A_2661 = arith.addf %add3A_2652, %get3A_2660 : vector<16xf32>
      %get3A_2662 = arith.constant 3168 : index
      %get3A_2663 = tpu.vector_load %arg4[%get3A_2662] {strides = array<i32>} : memref<63488xf32, #tpu.memory_space<vmem>>, vector<16xf32>,
      %add3A_2664 = arith.addf %add3A_2655, %get3A_2663 : vector<16xf32>
      %get3A_2665 = arith.constant 7264 : index
      %get3A_2666 = tpu.vector_load %arg4[%get3A_2665] {strides = array<i32>} : memref<63488xf32, #tpu.memory_space<vmem>>, vector<16xf32>,
      %add3A_2667 = arith.addf %add3A_2658, %get3A_2666 : vector<16xf32>
      %get3A_2668 = arith.constant 11360 : index
      %get3A_2669 = tpu.vector_load %arg4[%get3A_2668] {strides = array<i32>} : memref<63488xf32, #tpu.memory_space<vmem>>, vector<16xf32>,
      %add3A_2670 = arith.addf %add3A_2661, %get3A_2669 : vector<16xf32>
      %get3A_2671 = arith.constant 3184 : index
      %get3A_2672 = tpu.vector_load %arg4[%get3A_2671] {strides = array<i32>} : memref<63488xf32, #tpu.memory_space<vmem>>, vector<16xf32>,
      %add3A_2673 = arith.addf %add3A_2664, %get3A_2672 : vector<16xf32>
      %get3A_2674 = arith.constant 7280 : index
      %get3A_2675 = tpu.vector_load %arg4[%get3A_2674] {strides = array<i32>} : memref<63488xf32, #tpu.memory_space<vmem>>, vector<16xf32>,
      %add3A_2676 = arith.addf %add3A_2667, %get3A_2675 : vector<16xf32>
      %get3A_2677 = arith.constant 11376 : index
      %get3A_2678 = tpu.vector_load %arg4[%get3A_2677] {strides = array<i32>} : memref<63488xf32, #tpu.memory_space<vmem>>, vector<16xf32>,
      %add3A_2679 = arith.addf %add3A_2670, %get3A_2678 : vector<16xf32>
      %get3A_2680 = arith.constant 3200 : index
      %get3A_2681 = tpu.vector_load %arg4[%get3A_2680] {strides = array<i32>} : memref<63488xf32, #tpu.memory_space<vmem>>, vector<16xf32>,
      %add3A_2682 = arith.addf %add3A_2673, %get3A_2681 : vector<16xf32>
      %get3A_2683 = arith.constant 7296 : index
      %get3A_2684 = tpu.vector_load %arg4[%get3A_2683] {strides = array<i32>} : memref<63488xf32, #tpu.memory_space<vmem>>, vector<16xf32>,
      %add3A_2685 = arith.addf %add3A_2676, %get3A_2684 : vector<16xf32>
      %get3A_2686 = arith.constant 11392 : index
      %get3A_2687 = tpu.vector_load %arg4[%get3A_2686] {strides = array<i32>} : memref<63488xf32, #tpu.memory_space<vmem>>, vector<16xf32>,
      %add3A_2688 = arith.addf %add3A_2679, %get3A_2687 : vector<16xf32>
      %get3A_2689 = arith.constant 3216 : index
      %get3A_2690 = tpu.vector_load %arg4[%get3A_2689] {strides = array<i32>} : memref<63488xf32, #tpu.memory_space<vmem>>, vector<16xf32>,
      %add3A_2691 = arith.addf %add3A_2682, %get3A_2690 : vector<16xf32>
      %get3A_2692 = arith.constant 7312 : index
      %get3A_2693 = tpu.vector_load %arg4[%get3A_2692] {strides = array<i32>} : memref<63488xf32, #tpu.memory_space<vmem>>, vector<16xf32>,
      %add3A_2694 = arith.addf %add3A_2685, %get3A_2693 : vector<16xf32>
      %get3A_2695 = arith.constant 11408 : index
      %get3A_2696 = tpu.vector_load %arg4[%get3A_2695] {strides = array<i32>} : memref<63488xf32, #tpu.memory_space<vmem>>, vector<16xf32>,
      %add3A_2697 = arith.addf %add3A_2688, %get3A_2696 : vector<16xf32>
      %get3A_2698 = arith.constant 3232 : index
      %get3A_2699 = tpu.vector_load %arg4[%get3A_2698] {strides = array<i32>} : memref<63488xf32, #tpu.memory_space<vmem>>, vector<16xf32>,
      %add3A_2700 = arith.addf %add3A_2691, %get3A_2699 : vector<16xf32>
      %get3A_2701 = arith.constant 7328 : index
      %get3A_2702 = tpu.vector_load %arg4[%get3A_2701] {strides = array<i32>} : memref<63488xf32, #tpu.memory_space<vmem>>, vector<16xf32>,
      %add3A_2703 = arith.addf %add3A_2694, %get3A_2702 : vector<16xf32>
      %get3A_2704 = arith.constant 11424 : index
      %get3A_2705 = tpu.vector_load %arg4[%get3A_2704] {strides = array<i32>} : memref<63488xf32, #tpu.memory_space<vmem>>, vector<16xf32>,
      %add3A_2706 = arith.addf %add3A_2697, %get3A_2705 : vector<16xf32>
      %get3A_2707 = arith.constant 3248 : index
      %get3A_2708 = tpu.vector_load %arg4[%get3A_2707] {strides = array<i32>} : memref<63488xf32, #tpu.memory_space<vmem>>, vector<16xf32>,
      %add3A_2709 = arith.addf %add3A_2700, %get3A_2708 : vector<16xf32>
      %get3A_2710 = arith.constant 7344 : index
      %get3A_2711 = tpu.vector_load %arg4[%get3A_2710] {strides = array<i32>} : memref<63488xf32, #tpu.memory_space<vmem>>, vector<16xf32>,
      %add3A_2712 = arith.addf %add3A_2703, %get3A_2711 : vector<16xf32>
      %get3A_2713 = arith.constant 11440 : index
      %get3A_2714 = tpu.vector_load %arg4[%get3A_2713] {strides = array<i32>} : memref<63488xf32, #tpu.memory_space<vmem>>, vector<16xf32>,
      %add3A_2715 = arith.addf %add3A_2706, %get3A_2714 : vector<16xf32>
      %get3A_2716 = arith.constant 3264 : index
      %get3A_2717 = tpu.vector_load %arg4[%get3A_2716] {strides = array<i32>} : memref<63488xf32, #tpu.memory_space<vmem>>, vector<16xf32>,
      %add3A_2718 = arith.addf %add3A_2709, %get3A_2717 : vector<16xf32>
      %get3A_2719 = arith.constant 7360 : index
      %get3A_2720 = tpu.vector_load %arg4[%get3A_2719] {strides = array<i32>} : memref<63488xf32, #tpu.memory_space<vmem>>, vector<16xf32>,
      %add3A_2721 = arith.addf %add3A_2712, %get3A_2720 : vector<16xf32>
      %get3A_2722 = arith.constant 11456 : index
      %get3A_2723 = tpu.vector_load %arg4[%get3A_2722] {strides = array<i32>} : memref<63488xf32, #tpu.memory_space<vmem>>, vector<16xf32>,
      %add3A_2724 = arith.addf %add3A_2715, %get3A_2723 : vector<16xf32>
      %get3A_2725 = arith.constant 3280 : index
      %get3A_2726 = tpu.vector_load %arg4[%get3A_2725] {strides = array<i32>} : memref<63488xf32, #tpu.memory_space<vmem>>, vector<16xf32>,
      %add3A_2727 = arith.addf %add3A_2718, %get3A_2726 : vector<16xf32>
      %get3A_2728 = arith.constant 7376 : index
      %get3A_2729 = tpu.vector_load %arg4[%get3A_2728] {strides = array<i32>} : memref<63488xf32, #tpu.memory_space<vmem>>, vector<16xf32>,
      %add3A_2730 = arith.addf %add3A_2721, %get3A_2729 : vector<16xf32>
      %get3A_2731 = arith.constant 11472 : index
      %get3A_2732 = tpu.vector_load %arg4[%get3A_2731] {strides = array<i32>} : memref<63488xf32, #tpu.memory_space<vmem>>, vector<16xf32>,
      %add3A_2733 = arith.addf %add3A_2724, %get3A_2732 : vector<16xf32>
      %get3A_2734 = arith.constant 3296 : index
      %get3A_2735 = tpu.vector_load %arg4[%get3A_2734] {strides = array<i32>} : memref<63488xf32, #tpu.memory_space<vmem>>, vector<16xf32>,
      %add3A_2736 = arith.addf %add3A_2727, %get3A_2735 : vector<16xf32>
      %get3A_2737 = arith.constant 7392 : index
      %get3A_2738 = tpu.vector_load %arg4[%get3A_2737] {strides = array<i32>} : memref<63488xf32, #tpu.memory_space<vmem>>, vector<16xf32>,
      %add3A_2739 = arith.addf %add3A_2730, %get3A_2738 : vector<16xf32>
      %get3A_2740 = arith.constant 11488 : index
      %get3A_2741 = tpu.vector_load %arg4[%get3A_2740] {strides = array<i32>} : memref<63488xf32, #tpu.memory_space<vmem>>, vector<16xf32>,
      %add3A_2742 = arith.addf %add3A_2733, %get3A_2741 : vector<16xf32>
      %get3A_2743 = arith.constant 3312 : index
      %get3A_2744 = tpu.vector_load %arg4[%get3A_2743] {strides = array<i32>} : memref<63488xf32, #tpu.memory_space<vmem>>, vector<16xf32>,
      %add3A_2745 = arith.addf %add3A_2736, %get3A_2744 : vector<16xf32>
      %get3A_2746 = arith.constant 7408 : index
      %get3A_2747 = tpu.vector_load %arg4[%get3A_2746] {strides = array<i32>} : memref<63488xf32, #tpu.memory_space<vmem>>, vector<16xf32>,
      %add3A_2748 = arith.addf %add3A_2739, %get3A_2747 : vector<16xf32>
      %get3A_2749 = arith.constant 11504 : index
      %get3A_2750 = tpu.vector_load %arg4[%get3A_2749] {strides = array<i32>} : memref<63488xf32, #tpu.memory_space<vmem>>, vector<16xf32>,
      %add3A_2751 = arith.addf %add3A_2742, %get3A_2750 : vector<16xf32>
      %get3A_2752 = arith.constant 3328 : index
      %get3A_2753 = tpu.vector_load %arg4[%get3A_2752] {strides = array<i32>} : memref<63488xf32, #tpu.memory_space<vmem>>, vector<16xf32>,
      %add3A_2754 = arith.addf %add3A_2745, %get3A_2753 : vector<16xf32>
      %get3A_2755 = arith.constant 7424 : index
      %get3A_2756 = tpu.vector_load %arg4[%get3A_2755] {strides = array<i32>} : memref<63488xf32, #tpu.memory_space<vmem>>, vector<16xf32>,
      %add3A_2757 = arith.addf %add3A_2748, %get3A_2756 : vector<16xf32>
      %get3A_2758 = arith.constant 11520 : index
      %get3A_2759 = tpu.vector_load %arg4[%get3A_2758] {strides = array<i32>} : memref<63488xf32, #tpu.memory_space<vmem>>, vector<16xf32>,
      %add3A_2760 = arith.addf %add3A_2751, %get3A_2759 : vector<16xf32>
      %get3A_2761 = arith.constant 3344 : index
      %get3A_2762 = tpu.vector_load %arg4[%get3A_2761] {strides = array<i32>} : memref<63488xf32, #tpu.memory_space<vmem>>, vector<16xf32>,
      %add3A_2763 = arith.addf %add3A_2754, %get3A_2762 : vector<16xf32>
      %get3A_2764 = arith.constant 7440 : index
      %get3A_2765 = tpu.vector_load %arg4[%get3A_2764] {strides = array<i32>} : memref<63488xf32, #tpu.memory_space<vmem>>, vector<16xf32>,
      %add3A_2766 = arith.addf %add3A_2757, %get3A_2765 : vector<16xf32>
      %get3A_2767 = arith.constant 11536 : index
      %get3A_2768 = tpu.vector_load %arg4[%get3A_2767] {strides = array<i32>} : memref<63488xf32, #tpu.memory_space<vmem>>, vector<16xf32>,
      %add3A_2769 = arith.addf %add3A_2760, %get3A_2768 : vector<16xf32>
      %get3A_2770 = arith.constant 3360 : index
      %get3A_2771 = tpu.vector_load %arg4[%get3A_2770] {strides = array<i32>} : memref<63488xf32, #tpu.memory_space<vmem>>, vector<16xf32>,
      %add3A_2772 = arith.addf %add3A_2763, %get3A_2771 : vector<16xf32>
      %get3A_2773 = arith.constant 7456 : index
      %get3A_2774 = tpu.vector_load %arg4[%get3A_2773] {strides = array<i32>} : memref<63488xf32, #tpu.memory_space<vmem>>, vector<16xf32>,
      %add3A_2775 = arith.addf %add3A_2766, %get3A_2774 : vector<16xf32>
      %get3A_2776 = arith.constant 11552 : index
      %get3A_2777 = tpu.vector_load %arg4[%get3A_2776] {strides = array<i32>} : memref<63488xf32, #tpu.memory_space<vmem>>, vector<16xf32>,
      %add3A_2778 = arith.addf %add3A_2769, %get3A_2777 : vector<16xf32>
      %get3A_2779 = arith.constant 3376 : index
      %get3A_2780 = tpu.vector_load %arg4[%get3A_2779] {strides = array<i32>} : memref<63488xf32, #tpu.memory_space<vmem>>, vector<16xf32>,
      %add3A_2781 = arith.addf %add3A_2772, %get3A_2780 : vector<16xf32>
      %get3A_2782 = arith.constant 7472 : index
      %get3A_2783 = tpu.vector_load %arg4[%get3A_2782] {strides = array<i32>} : memref<63488xf32, #tpu.memory_space<vmem>>, vector<16xf32>,
      %add3A_2784 = arith.addf %add3A_2775, %get3A_2783 : vector<16xf32>
      %get3A_2785 = arith.constant 11568 : index
      %get3A_2786 = tpu.vector_load %arg4[%get3A_2785] {strides = array<i32>} : memref<63488xf32, #tpu.memory_space<vmem>>, vector<16xf32>,
      %add3A_2787 = arith.addf %add3A_2778, %get3A_2786 : vector<16xf32>
      %get3A_2788 = arith.constant 3392 : index
      %get3A_2789 = tpu.vector_load %arg4[%get3A_2788] {strides = array<i32>} : memref<63488xf32, #tpu.memory_space<vmem>>, vector<16xf32>,
      %add3A_2790 = arith.addf %add3A_2781, %get3A_2789 : vector<16xf32>
      %get3A_2791 = arith.constant 7488 : index
      %get3A_2792 = tpu.vector_load %arg4[%get3A_2791] {strides = array<i32>} : memref<63488xf32, #tpu.memory_space<vmem>>, vector<16xf32>,
      %add3A_2793 = arith.addf %add3A_2784, %get3A_2792 : vector<16xf32>
      %get3A_2794 = arith.constant 11584 : index
      %get3A_2795 = tpu.vector_load %arg4[%get3A_2794] {strides = array<i32>} : memref<63488xf32, #tpu.memory_space<vmem>>, vector<16xf32>,
      %add3A_2796 = arith.addf %add3A_2787, %get3A_2795 : vector<16xf32>
      %get3A_2797 = arith.constant 3408 : index
      %get3A_2798 = tpu.vector_load %arg4[%get3A_2797] {strides = array<i32>} : memref<63488xf32, #tpu.memory_space<vmem>>, vector<16xf32>,
      %add3A_2799 = arith.addf %add3A_2790, %get3A_2798 : vector<16xf32>
      %get3A_2800 = arith.constant 7504 : index
      %get3A_2801 = tpu.vector_load %arg4[%get3A_2800] {strides = array<i32>} : memref<63488xf32, #tpu.memory_space<vmem>>, vector<16xf32>,
      %add3A_2802 = arith.addf %add3A_2793, %get3A_2801 : vector<16xf32>
      %get3A_2803 = arith.constant 11600 : index
      %get3A_2804 = tpu.vector_load %arg4[%get3A_2803] {strides = array<i32>} : memref<63488xf32, #tpu.memory_space<vmem>>, vector<16xf32>,
      %add3A_2805 = arith.addf %add3A_2796, %get3A_2804 : vector<16xf32>
      %get3A_2806 = arith.constant 3424 : index
      %get3A_2807 = tpu.vector_load %arg4[%get3A_2806] {strides = array<i32>} : memref<63488xf32, #tpu.memory_space<vmem>>, vector<16xf32>,
      %add3A_2808 = arith.addf %add3A_2799, %get3A_2807 : vector<16xf32>
      %get3A_2809 = arith.constant 7520 : index
      %get3A_2810 = tpu.vector_load %arg4[%get3A_2809] {strides = array<i32>} : memref<63488xf32, #tpu.memory_space<vmem>>, vector<16xf32>,
      %add3A_2811 = arith.addf %add3A_2802, %get3A_2810 : vector<16xf32>
      %get3A_2812 = arith.constant 11616 : index
      %get3A_2813 = tpu.vector_load %arg4[%get3A_2812] {strides = array<i32>} : memref<63488xf32, #tpu.memory_space<vmem>>, vector<16xf32>,
      %add3A_2814 = arith.addf %add3A_2805, %get3A_2813 : vector<16xf32>
      %get3A_2815 = arith.constant 3440 : index
      %get3A_2816 = tpu.vector_load %arg4[%get3A_2815] {strides = array<i32>} : memref<63488xf32, #tpu.memory_space<vmem>>, vector<16xf32>,
      %add3A_2817 = arith.addf %add3A_2808, %get3A_2816 : vector<16xf32>
      %get3A_2818 = arith.constant 7536 : index
      %get3A_2819 = tpu.vector_load %arg4[%get3A_2818] {strides = array<i32>} : memref<63488xf32, #tpu.memory_space<vmem>>, vector<16xf32>,
      %add3A_2820 = arith.addf %add3A_2811, %get3A_2819 : vector<16xf32>
      %get3A_2821 = arith.constant 11632 : index
      %get3A_2822 = tpu.vector_load %arg4[%get3A_2821] {strides = array<i32>} : memref<63488xf32, #tpu.memory_space<vmem>>, vector<16xf32>,
      %add3A_2823 = arith.addf %add3A_2814, %get3A_2822 : vector<16xf32>
      %get3A_2824 = arith.constant 3456 : index
      %get3A_2825 = tpu.vector_load %arg4[%get3A_2824] {strides = array<i32>} : memref<63488xf32, #tpu.memory_space<vmem>>, vector<16xf32>,
      %add3A_2826 = arith.addf %add3A_2817, %get3A_2825 : vector<16xf32>
      %get3A_2827 = arith.constant 7552 : index
      %get3A_2828 = tpu.vector_load %arg4[%get3A_2827] {strides = array<i32>} : memref<63488xf32, #tpu.memory_space<vmem>>, vector<16xf32>,
      %add3A_2829 = arith.addf %add3A_2820, %get3A_2828 : vector<16xf32>
      %get3A_2830 = arith.constant 11648 : index
      %get3A_2831 = tpu.vector_load %arg4[%get3A_2830] {strides = array<i32>} : memref<63488xf32, #tpu.memory_space<vmem>>, vector<16xf32>,
      %add3A_2832 = arith.addf %add3A_2823, %get3A_2831 : vector<16xf32>
      %get3A_2833 = arith.constant 3472 : index
      %get3A_2834 = tpu.vector_load %arg4[%get3A_2833] {strides = array<i32>} : memref<63488xf32, #tpu.memory_space<vmem>>, vector<16xf32>,
      %add3A_2835 = arith.addf %add3A_2826, %get3A_2834 : vector<16xf32>
      %get3A_2836 = arith.constant 7568 : index
      %get3A_2837 = tpu.vector_load %arg4[%get3A_2836] {strides = array<i32>} : memref<63488xf32, #tpu.memory_space<vmem>>, vector<16xf32>,
      %add3A_2838 = arith.addf %add3A_2829, %get3A_2837 : vector<16xf32>
      %get3A_2839 = arith.constant 11664 : index
      %get3A_2840 = tpu.vector_load %arg4[%get3A_2839] {strides = array<i32>} : memref<63488xf32, #tpu.memory_space<vmem>>, vector<16xf32>,
      %add3A_2841 = arith.addf %add3A_2832, %get3A_2840 : vector<16xf32>
      %get3A_2842 = arith.constant 3488 : index
      %get3A_2843 = tpu.vector_load %arg4[%get3A_2842] {strides = array<i32>} : memref<63488xf32, #tpu.memory_space<vmem>>, vector<16xf32>,
      %add3A_2844 = arith.addf %add3A_2835, %get3A_2843 : vector<16xf32>
      %get3A_2845 = arith.constant 7584 : index
      %get3A_2846 = tpu.vector_load %arg4[%get3A_2845] {strides = array<i32>} : memref<63488xf32, #tpu.memory_space<vmem>>, vector<16xf32>,
      %add3A_2847 = arith.addf %add3A_2838, %get3A_2846 : vector<16xf32>
      %get3A_2848 = arith.constant 11680 : index
      %get3A_2849 = tpu.vector_load %arg4[%get3A_2848] {strides = array<i32>} : memref<63488xf32, #tpu.memory_space<vmem>>, vector<16xf32>,
      %add3A_2850 = arith.addf %add3A_2841, %get3A_2849 : vector<16xf32>
      %get3A_2851 = arith.constant 3504 : index
      %get3A_2852 = tpu.vector_load %arg4[%get3A_2851] {strides = array<i32>} : memref<63488xf32, #tpu.memory_space<vmem>>, vector<16xf32>,
      %add3A_2853 = arith.addf %add3A_2844, %get3A_2852 : vector<16xf32>
      %get3A_2854 = arith.constant 7600 : index
      %get3A_2855 = tpu.vector_load %arg4[%get3A_2854] {strides = array<i32>} : memref<63488xf32, #tpu.memory_space<vmem>>, vector<16xf32>,
      %add3A_2856 = arith.addf %add3A_2847, %get3A_2855 : vector<16xf32>
      %get3A_2857 = arith.constant 11696 : index
      %get3A_2858 = tpu.vector_load %arg4[%get3A_2857] {strides = array<i32>} : memref<63488xf32, #tpu.memory_space<vmem>>, vector<16xf32>,
      %add3A_2859 = arith.addf %add3A_2850, %get3A_2858 : vector<16xf32>
      %get3A_2860 = arith.constant 3520 : index
      %get3A_2861 = tpu.vector_load %arg4[%get3A_2860] {strides = array<i32>} : memref<63488xf32, #tpu.memory_space<vmem>>, vector<16xf32>,
      %add3A_2862 = arith.addf %add3A_2853, %get3A_2861 : vector<16xf32>
      %get3A_2863 = arith.constant 7616 : index
      %get3A_2864 = tpu.vector_load %arg4[%get3A_2863] {strides = array<i32>} : memref<63488xf32, #tpu.memory_space<vmem>>, vector<16xf32>,
      %add3A_2865 = arith.addf %add3A_2856, %get3A_2864 : vector<16xf32>
      %get3A_2866 = arith.constant 11712 : index
      %get3A_2867 = tpu.vector_load %arg4[%get3A_2866] {strides = array<i32>} : memref<63488xf32, #tpu.memory_space<vmem>>, vector<16xf32>,
      %add3A_2868 = arith.addf %add3A_2859, %get3A_2867 : vector<16xf32>
      %get3A_2869 = arith.constant 3536 : index
      %get3A_2870 = tpu.vector_load %arg4[%get3A_2869] {strides = array<i32>} : memref<63488xf32, #tpu.memory_space<vmem>>, vector<16xf32>,
      %add3A_2871 = arith.addf %add3A_2862, %get3A_2870 : vector<16xf32>
      %get3A_2872 = arith.constant 7632 : index
      %get3A_2873 = tpu.vector_load %arg4[%get3A_2872] {strides = array<i32>} : memref<63488xf32, #tpu.memory_space<vmem>>, vector<16xf32>,
      %add3A_2874 = arith.addf %add3A_2865, %get3A_2873 : vector<16xf32>
      %get3A_2875 = arith.constant 11728 : index
      %get3A_2876 = tpu.vector_load %arg4[%get3A_2875] {strides = array<i32>} : memref<63488xf32, #tpu.memory_space<vmem>>, vector<16xf32>,
      %add3A_2877 = arith.addf %add3A_2868, %get3A_2876 : vector<16xf32>
      %get3A_2878 = arith.constant 3552 : index
      %get3A_2879 = tpu.vector_load %arg4[%get3A_2878] {strides = array<i32>} : memref<63488xf32, #tpu.memory_space<vmem>>, vector<16xf32>,
      %add3A_2880 = arith.addf %add3A_2871, %get3A_2879 : vector<16xf32>
      %get3A_2881 = arith.constant 7648 : index
      %get3A_2882 = tpu.vector_load %arg4[%get3A_2881] {strides = array<i32>} : memref<63488xf32, #tpu.memory_space<vmem>>, vector<16xf32>,
      %add3A_2883 = arith.addf %add3A_2874, %get3A_2882 : vector<16xf32>
      %get3A_2884 = arith.constant 11744 : index
      %get3A_2885 = tpu.vector_load %arg4[%get3A_2884] {strides = array<i32>} : memref<63488xf32, #tpu.memory_space<vmem>>, vector<16xf32>,
      %add3A_2886 = arith.addf %add3A_2877, %get3A_2885 : vector<16xf32>
      %get3A_2887 = arith.constant 3568 : index
      %get3A_2888 = tpu.vector_load %arg4[%get3A_2887] {strides = array<i32>} : memref<63488xf32, #tpu.memory_space<vmem>>, vector<16xf32>,
      %add3A_2889 = arith.addf %add3A_2880, %get3A_2888 : vector<16xf32>
      %get3A_2890 = arith.constant 7664 : index
      %get3A_2891 = tpu.vector_load %arg4[%get3A_2890] {strides = array<i32>} : memref<63488xf32, #tpu.memory_space<vmem>>, vector<16xf32>,
      %add3A_2892 = arith.addf %add3A_2883, %get3A_2891 : vector<16xf32>
      %get3A_2893 = arith.constant 11760 : index
      %get3A_2894 = tpu.vector_load %arg4[%get3A_2893] {strides = array<i32>} : memref<63488xf32, #tpu.memory_space<vmem>>, vector<16xf32>,
      %add3A_2895 = arith.addf %add3A_2886, %get3A_2894 : vector<16xf32>
      %get3A_2896 = arith.constant 3584 : index
      %get3A_2897 = tpu.vector_load %arg4[%get3A_2896] {strides = array<i32>} : memref<63488xf32, #tpu.memory_space<vmem>>, vector<16xf32>,
      %add3A_2898 = arith.addf %add3A_2889, %get3A_2897 : vector<16xf32>
      %get3A_2899 = arith.constant 7680 : index
      %get3A_2900 = tpu.vector_load %arg4[%get3A_2899] {strides = array<i32>} : memref<63488xf32, #tpu.memory_space<vmem>>, vector<16xf32>,
      %add3A_2901 = arith.addf %add3A_2892, %get3A_2900 : vector<16xf32>
      %get3A_2902 = arith.constant 11776 : index
      %get3A_2903 = tpu.vector_load %arg4[%get3A_2902] {strides = array<i32>} : memref<63488xf32, #tpu.memory_space<vmem>>, vector<16xf32>,
      %add3A_2904 = arith.addf %add3A_2895, %get3A_2903 : vector<16xf32>
      %get3A_2905 = arith.constant 3600 : index
      %get3A_2906 = tpu.vector_load %arg4[%get3A_2905] {strides = array<i32>} : memref<63488xf32, #tpu.memory_space<vmem>>, vector<16xf32>,
      %add3A_2907 = arith.addf %add3A_2898, %get3A_2906 : vector<16xf32>
      %get3A_2908 = arith.constant 7696 : index
      %get3A_2909 = tpu.vector_load %arg4[%get3A_2908] {strides = array<i32>} : memref<63488xf32, #tpu.memory_space<vmem>>, vector<16xf32>,
      %add3A_2910 = arith.addf %add3A_2901, %get3A_2909 : vector<16xf32>
      %get3A_2911 = arith.constant 11792 : index
      %get3A_2912 = tpu.vector_load %arg4[%get3A_2911] {strides = array<i32>} : memref<63488xf32, #tpu.memory_space<vmem>>, vector<16xf32>,
      %add3A_2913 = arith.addf %add3A_2904, %get3A_2912 : vector<16xf32>
      %get3A_2914 = arith.constant 3616 : index
      %get3A_2915 = tpu.vector_load %arg4[%get3A_2914] {strides = array<i32>} : memref<63488xf32, #tpu.memory_space<vmem>>, vector<16xf32>,
      %add3A_2916 = arith.addf %add3A_2907, %get3A_2915 : vector<16xf32>
      %get3A_2917 = arith.constant 7712 : index
      %get3A_2918 = tpu.vector_load %arg4[%get3A_2917] {strides = array<i32>} : memref<63488xf32, #tpu.memory_space<vmem>>, vector<16xf32>,
      %add3A_2919 = arith.addf %add3A_2910, %get3A_2918 : vector<16xf32>
      %get3A_2920 = arith.constant 11808 : index
      %get3A_2921 = tpu.vector_load %arg4[%get3A_2920] {strides = array<i32>} : memref<63488xf32, #tpu.memory_space<vmem>>, vector<16xf32>,
      %add3A_2922 = arith.addf %add3A_2913, %get3A_2921 : vector<16xf32>
      %get3A_2923 = arith.constant 3632 : index
      %get3A_2924 = tpu.vector_load %arg4[%get3A_2923] {strides = array<i32>} : memref<63488xf32, #tpu.memory_space<vmem>>, vector<16xf32>,
      %add3A_2925 = arith.addf %add3A_2916, %get3A_2924 : vector<16xf32>
      %get3A_2926 = arith.constant 7728 : index
      %get3A_2927 = tpu.vector_load %arg4[%get3A_2926] {strides = array<i32>} : memref<63488xf32, #tpu.memory_space<vmem>>, vector<16xf32>,
      %add3A_2928 = arith.addf %add3A_2919, %get3A_2927 : vector<16xf32>
      %get3A_2929 = arith.constant 11824 : index
      %get3A_2930 = tpu.vector_load %arg4[%get3A_2929] {strides = array<i32>} : memref<63488xf32, #tpu.memory_space<vmem>>, vector<16xf32>,
      %add3A_2931 = arith.addf %add3A_2922, %get3A_2930 : vector<16xf32>
      %get3A_2932 = arith.constant 3648 : index
      %get3A_2933 = tpu.vector_load %arg4[%get3A_2932] {strides = array<i32>} : memref<63488xf32, #tpu.memory_space<vmem>>, vector<16xf32>,
      %add3A_2934 = arith.addf %add3A_2925, %get3A_2933 : vector<16xf32>
      %get3A_2935 = arith.constant 7744 : index
      %get3A_2936 = tpu.vector_load %arg4[%get3A_2935] {strides = array<i32>} : memref<63488xf32, #tpu.memory_space<vmem>>, vector<16xf32>,
      %add3A_2937 = arith.addf %add3A_2928, %get3A_2936 : vector<16xf32>
      %get3A_2938 = arith.constant 11840 : index
      %get3A_2939 = tpu.vector_load %arg4[%get3A_2938] {strides = array<i32>} : memref<63488xf32, #tpu.memory_space<vmem>>, vector<16xf32>,
      %add3A_2940 = arith.addf %add3A_2931, %get3A_2939 : vector<16xf32>
      %get3A_2941 = arith.constant 3664 : index
      %get3A_2942 = tpu.vector_load %arg4[%get3A_2941] {strides = array<i32>} : memref<63488xf32, #tpu.memory_space<vmem>>, vector<16xf32>,
      %add3A_2943 = arith.addf %add3A_2934, %get3A_2942 : vector<16xf32>
      %get3A_2944 = arith.constant 7760 : index
      %get3A_2945 = tpu.vector_load %arg4[%get3A_2944] {strides = array<i32>} : memref<63488xf32, #tpu.memory_space<vmem>>, vector<16xf32>,
      %add3A_2946 = arith.addf %add3A_2937, %get3A_2945 : vector<16xf32>
      %get3A_2947 = arith.constant 11856 : index
      %get3A_2948 = tpu.vector_load %arg4[%get3A_2947] {strides = array<i32>} : memref<63488xf32, #tpu.memory_space<vmem>>, vector<16xf32>,
      %add3A_2949 = arith.addf %add3A_2940, %get3A_2948 : vector<16xf32>
      %get3A_2950 = arith.constant 3680 : index
      %get3A_2951 = tpu.vector_load %arg4[%get3A_2950] {strides = array<i32>} : memref<63488xf32, #tpu.memory_space<vmem>>, vector<16xf32>,
      %add3A_2952 = arith.addf %add3A_2943, %get3A_2951 : vector<16xf32>
      %get3A_2953 = arith.constant 7776 : index
      %get3A_2954 = tpu.vector_load %arg4[%get3A_2953] {strides = array<i32>} : memref<63488xf32, #tpu.memory_space<vmem>>, vector<16xf32>,
      %add3A_2955 = arith.addf %add3A_2946, %get3A_2954 : vector<16xf32>
      %get3A_2956 = arith.constant 11872 : index
      %get3A_2957 = tpu.vector_load %arg4[%get3A_2956] {strides = array<i32>} : memref<63488xf32, #tpu.memory_space<vmem>>, vector<16xf32>,
      %add3A_2958 = arith.addf %add3A_2949, %get3A_2957 : vector<16xf32>
      %get3A_2959 = arith.constant 3696 : index
      %get3A_2960 = tpu.vector_load %arg4[%get3A_2959] {strides = array<i32>} : memref<63488xf32, #tpu.memory_space<vmem>>, vector<16xf32>,
      %add3A_2961 = arith.addf %add3A_2952, %get3A_2960 : vector<16xf32>
      %get3A_2962 = arith.constant 7792 : index
      %get3A_2963 = tpu.vector_load %arg4[%get3A_2962] {strides = array<i32>} : memref<63488xf32, #tpu.memory_space<vmem>>, vector<16xf32>,
      %add3A_2964 = arith.addf %add3A_2955, %get3A_2963 : vector<16xf32>
      %get3A_2965 = arith.constant 11888 : index
      %get3A_2966 = tpu.vector_load %arg4[%get3A_2965] {strides = array<i32>} : memref<63488xf32, #tpu.memory_space<vmem>>, vector<16xf32>,
      %add3A_2967 = arith.addf %add3A_2958, %get3A_2966 : vector<16xf32>
      %get3A_2968 = arith.constant 3712 : index
      %get3A_2969 = tpu.vector_load %arg4[%get3A_2968] {strides = array<i32>} : memref<63488xf32, #tpu.memory_space<vmem>>, vector<16xf32>,
      %add3A_2970 = arith.addf %add3A_2961, %get3A_2969 : vector<16xf32>
      %get3A_2971 = arith.constant 7808 : index
      %get3A_2972 = tpu.vector_load %arg4[%get3A_2971] {strides = array<i32>} : memref<63488xf32, #tpu.memory_space<vmem>>, vector<16xf32>,
      %add3A_2973 = arith.addf %add3A_2964, %get3A_2972 : vector<16xf32>
      %get3A_2974 = arith.constant 11904 : index
      %get3A_2975 = tpu.vector_load %arg4[%get3A_2974] {strides = array<i32>} : memref<63488xf32, #tpu.memory_space<vmem>>, vector<16xf32>,
      %add3A_2976 = arith.addf %add3A_2967, %get3A_2975 : vector<16xf32>
      %get3A_2977 = arith.constant 3728 : index
      %get3A_2978 = tpu.vector_load %arg4[%get3A_2977] {strides = array<i32>} : memref<63488xf32, #tpu.memory_space<vmem>>, vector<16xf32>,
      %add3A_2979 = arith.addf %add3A_2970, %get3A_2978 : vector<16xf32>
      %get3A_2980 = arith.constant 7824 : index
      %get3A_2981 = tpu.vector_load %arg4[%get3A_2980] {strides = array<i32>} : memref<63488xf32, #tpu.memory_space<vmem>>, vector<16xf32>,
      %add3A_2982 = arith.addf %add3A_2973, %get3A_2981 : vector<16xf32>
      %get3A_2983 = arith.constant 11920 : index
      %get3A_2984 = tpu.vector_load %arg4[%get3A_2983] {strides = array<i32>} : memref<63488xf32, #tpu.memory_space<vmem>>, vector<16xf32>,
      %add3A_2985 = arith.addf %add3A_2976, %get3A_2984 : vector<16xf32>
      %get3A_2986 = arith.constant 3744 : index
      %get3A_2987 = tpu.vector_load %arg4[%get3A_2986] {strides = array<i32>} : memref<63488xf32, #tpu.memory_space<vmem>>, vector<16xf32>,
      %add3A_2988 = arith.addf %add3A_2979, %get3A_2987 : vector<16xf32>
      %get3A_2989 = arith.constant 7840 : index
      %get3A_2990 = tpu.vector_load %arg4[%get3A_2989] {strides = array<i32>} : memref<63488xf32, #tpu.memory_space<vmem>>, vector<16xf32>,
      %add3A_2991 = arith.addf %add3A_2982, %get3A_2990 : vector<16xf32>
      %get3A_2992 = arith.constant 11936 : index
      %get3A_2993 = tpu.vector_load %arg4[%get3A_2992] {strides = array<i32>} : memref<63488xf32, #tpu.memory_space<vmem>>, vector<16xf32>,
      %add3A_2994 = arith.addf %add3A_2985, %get3A_2993 : vector<16xf32>
      %get3A_2995 = arith.constant 3760 : index
      %get3A_2996 = tpu.vector_load %arg4[%get3A_2995] {strides = array<i32>} : memref<63488xf32, #tpu.memory_space<vmem>>, vector<16xf32>,
      %add3A_2997 = arith.addf %add3A_2988, %get3A_2996 : vector<16xf32>
      %get3A_2998 = arith.constant 7856 : index
      %get3A_2999 = tpu.vector_load %arg4[%get3A_2998] {strides = array<i32>} : memref<63488xf32, #tpu.memory_space<vmem>>, vector<16xf32>,
      %add3A_3000 = arith.addf %add3A_2991, %get3A_2999 : vector<16xf32>
      %get3A_3001 = arith.constant 11952 : index
      %get3A_3002 = tpu.vector_load %arg4[%get3A_3001] {strides = array<i32>} : memref<63488xf32, #tpu.memory_space<vmem>>, vector<16xf32>,
      %add3A_3003 = arith.addf %add3A_2994, %get3A_3002 : vector<16xf32>
      %get3A_3004 = arith.constant 3776 : index
      %get3A_3005 = tpu.vector_load %arg4[%get3A_3004] {strides = array<i32>} : memref<63488xf32, #tpu.memory_space<vmem>>, vector<16xf32>,
      %add3A_3006 = arith.addf %add3A_2997, %get3A_3005 : vector<16xf32>
      %get3A_3007 = arith.constant 7872 : index
      %get3A_3008 = tpu.vector_load %arg4[%get3A_3007] {strides = array<i32>} : memref<63488xf32, #tpu.memory_space<vmem>>, vector<16xf32>,
      %add3A_3009 = arith.addf %add3A_3000, %get3A_3008 : vector<16xf32>
      %get3A_3010 = arith.constant 11968 : index
      %get3A_3011 = tpu.vector_load %arg4[%get3A_3010] {strides = array<i32>} : memref<63488xf32, #tpu.memory_space<vmem>>, vector<16xf32>,
      %add3A_3012 = arith.addf %add3A_3003, %get3A_3011 : vector<16xf32>
      %get3A_3013 = arith.constant 3792 : index
      %get3A_3014 = tpu.vector_load %arg4[%get3A_3013] {strides = array<i32>} : memref<63488xf32, #tpu.memory_space<vmem>>, vector<16xf32>,
      %add3A_3015 = arith.addf %add3A_3006, %get3A_3014 : vector<16xf32>
      %get3A_3016 = arith.constant 7888 : index
      %get3A_3017 = tpu.vector_load %arg4[%get3A_3016] {strides = array<i32>} : memref<63488xf32, #tpu.memory_space<vmem>>, vector<16xf32>,
      %add3A_3018 = arith.addf %add3A_3009, %get3A_3017 : vector<16xf32>
      %get3A_3019 = arith.constant 11984 : index
      %get3A_3020 = tpu.vector_load %arg4[%get3A_3019] {strides = array<i32>} : memref<63488xf32, #tpu.memory_space<vmem>>, vector<16xf32>,
      %add3A_3021 = arith.addf %add3A_3012, %get3A_3020 : vector<16xf32>
      %get3A_3022 = arith.constant 3808 : index
      %get3A_3023 = tpu.vector_load %arg4[%get3A_3022] {strides = array<i32>} : memref<63488xf32, #tpu.memory_space<vmem>>, vector<16xf32>,
      %add3A_3024 = arith.addf %add3A_3015, %get3A_3023 : vector<16xf32>
      %get3A_3025 = arith.constant 7904 : index
      %get3A_3026 = tpu.vector_load %arg4[%get3A_3025] {strides = array<i32>} : memref<63488xf32, #tpu.memory_space<vmem>>, vector<16xf32>,
      %add3A_3027 = arith.addf %add3A_3018, %get3A_3026 : vector<16xf32>
      %get3A_3028 = arith.constant 12000 : index
      %get3A_3029 = tpu.vector_load %arg4[%get3A_3028] {strides = array<i32>} : memref<63488xf32, #tpu.memory_space<vmem>>, vector<16xf32>,
      %add3A_3030 = arith.addf %add3A_3021, %get3A_3029 : vector<16xf32>
      %get3A_3031 = arith.constant 3824 : index
      %get3A_3032 = tpu.vector_load %arg4[%get3A_3031] {strides = array<i32>} : memref<63488xf32, #tpu.memory_space<vmem>>, vector<16xf32>,
      %add3A_3033 = arith.addf %add3A_3024, %get3A_3032 : vector<16xf32>
      %get3A_3034 = arith.constant 7920 : index
      %get3A_3035 = tpu.vector_load %arg4[%get3A_3034] {strides = array<i32>} : memref<63488xf32, #tpu.memory_space<vmem>>, vector<16xf32>,
      %add3A_3036 = arith.addf %add3A_3027, %get3A_3035 : vector<16xf32>
      %get3A_3037 = arith.constant 12016 : index
      %get3A_3038 = tpu.vector_load %arg4[%get3A_3037] {strides = array<i32>} : memref<63488xf32, #tpu.memory_space<vmem>>, vector<16xf32>,
      %add3A_3039 = arith.addf %add3A_3030, %get3A_3038 : vector<16xf32>
      %get3A_3040 = arith.constant 3840 : index
      %get3A_3041 = tpu.vector_load %arg4[%get3A_3040] {strides = array<i32>} : memref<63488xf32, #tpu.memory_space<vmem>>, vector<16xf32>,
      %add3A_3042 = arith.addf %add3A_3033, %get3A_3041 : vector<16xf32>
      %get3A_3043 = arith.constant 7936 : index
      %get3A_3044 = tpu.vector_load %arg4[%get3A_3043] {strides = array<i32>} : memref<63488xf32, #tpu.memory_space<vmem>>, vector<16xf32>,
      %add3A_3045 = arith.addf %add3A_3036, %get3A_3044 : vector<16xf32>
      %get3A_3046 = arith.constant 12032 : index
      %get3A_3047 = tpu.vector_load %arg4[%get3A_3046] {strides = array<i32>} : memref<63488xf32, #tpu.memory_space<vmem>>, vector<16xf32>,
      %add3A_3048 = arith.addf %add3A_3039, %get3A_3047 : vector<16xf32>
      %get3A_3049 = arith.constant 3856 : index
      %get3A_3050 = tpu.vector_load %arg4[%get3A_3049] {strides = array<i32>} : memref<63488xf32, #tpu.memory_space<vmem>>, vector<16xf32>,
      %add3A_3051 = arith.addf %add3A_3042, %get3A_3050 : vector<16xf32>
      %get3A_3052 = arith.constant 7952 : index
      %get3A_3053 = tpu.vector_load %arg4[%get3A_3052] {strides = array<i32>} : memref<63488xf32, #tpu.memory_space<vmem>>, vector<16xf32>,
      %add3A_3054 = arith.addf %add3A_3045, %get3A_3053 : vector<16xf32>
      %get3A_3055 = arith.constant 12048 : index
      %get3A_3056 = tpu.vector_load %arg4[%get3A_3055] {strides = array<i32>} : memref<63488xf32, #tpu.memory_space<vmem>>, vector<16xf32>,
      %add3A_3057 = arith.addf %add3A_3048, %get3A_3056 : vector<16xf32>
      %get3A_3058 = arith.constant 3872 : index
      %get3A_3059 = tpu.vector_load %arg4[%get3A_3058] {strides = array<i32>} : memref<63488xf32, #tpu.memory_space<vmem>>, vector<16xf32>,
      %add3A_3060 = arith.addf %add3A_3051, %get3A_3059 : vector<16xf32>
      %get3A_3061 = arith.constant 7968 : index
      %get3A_3062 = tpu.vector_load %arg4[%get3A_3061] {strides = array<i32>} : memref<63488xf32, #tpu.memory_space<vmem>>, vector<16xf32>,
      %add3A_3063 = arith.addf %add3A_3054, %get3A_3062 : vector<16xf32>
      %get3A_3064 = arith.constant 12064 : index
      %get3A_3065 = tpu.vector_load %arg4[%get3A_3064] {strides = array<i32>} : memref<63488xf32, #tpu.memory_space<vmem>>, vector<16xf32>,
      %add3A_3066 = arith.addf %add3A_3057, %get3A_3065 : vector<16xf32>
      %get3A_3067 = arith.constant 3888 : index
      %get3A_3068 = tpu.vector_load %arg4[%get3A_3067] {strides = array<i32>} : memref<63488xf32, #tpu.memory_space<vmem>>, vector<16xf32>,
      %add3A_3069 = arith.addf %add3A_3060, %get3A_3068 : vector<16xf32>
      %get3A_3070 = arith.constant 7984 : index
      %get3A_3071 = tpu.vector_load %arg4[%get3A_3070] {strides = array<i32>} : memref<63488xf32, #tpu.memory_space<vmem>>, vector<16xf32>,
      %add3A_3072 = arith.addf %add3A_3063, %get3A_3071 : vector<16xf32>
      %get3A_3073 = arith.constant 12080 : index
      %get3A_3074 = tpu.vector_load %arg4[%get3A_3073] {strides = array<i32>} : memref<63488xf32, #tpu.memory_space<vmem>>, vector<16xf32>,
      %add3A_3075 = arith.addf %add3A_3066, %get3A_3074 : vector<16xf32>
      %get3A_3076 = arith.constant 3904 : index
      %get3A_3077 = tpu.vector_load %arg4[%get3A_3076] {strides = array<i32>} : memref<63488xf32, #tpu.memory_space<vmem>>, vector<16xf32>,
      %add3A_3078 = arith.addf %add3A_3069, %get3A_3077 : vector<16xf32>
      %get3A_3079 = arith.constant 8000 : index
      %get3A_3080 = tpu.vector_load %arg4[%get3A_3079] {strides = array<i32>} : memref<63488xf32, #tpu.memory_space<vmem>>, vector<16xf32>,
      %add3A_3081 = arith.addf %add3A_3072, %get3A_3080 : vector<16xf32>
      %get3A_3082 = arith.constant 12096 : index
      %get3A_3083 = tpu.vector_load %arg4[%get3A_3082] {strides = array<i32>} : memref<63488xf32, #tpu.memory_space<vmem>>, vector<16xf32>,
      %add3A_3084 = arith.addf %add3A_3075, %get3A_3083 : vector<16xf32>
      %get3A_3085 = arith.constant 3920 : index
      %get3A_3086 = tpu.vector_load %arg4[%get3A_3085] {strides = array<i32>} : memref<63488xf32, #tpu.memory_space<vmem>>, vector<16xf32>,
      %add3A_3087 = arith.addf %add3A_3078, %get3A_3086 : vector<16xf32>
      %get3A_3088 = arith.constant 8016 : index
      %get3A_3089 = tpu.vector_load %arg4[%get3A_3088] {strides = array<i32>} : memref<63488xf32, #tpu.memory_space<vmem>>, vector<16xf32>,
      %add3A_3090 = arith.addf %add3A_3081, %get3A_3089 : vector<16xf32>
      %get3A_3091 = arith.constant 12112 : index
      %get3A_3092 = tpu.vector_load %arg4[%get3A_3091] {strides = array<i32>} : memref<63488xf32, #tpu.memory_space<vmem>>, vector<16xf32>,
      %add3A_3093 = arith.addf %add3A_3084, %get3A_3092 : vector<16xf32>
      %get3A_3094 = arith.constant 3936 : index
      %get3A_3095 = tpu.vector_load %arg4[%get3A_3094] {strides = array<i32>} : memref<63488xf32, #tpu.memory_space<vmem>>, vector<16xf32>,
      %add3A_3096 = arith.addf %add3A_3087, %get3A_3095 : vector<16xf32>
      %get3A_3097 = arith.constant 8032 : index
      %get3A_3098 = tpu.vector_load %arg4[%get3A_3097] {strides = array<i32>} : memref<63488xf32, #tpu.memory_space<vmem>>, vector<16xf32>,
      %add3A_3099 = arith.addf %add3A_3090, %get3A_3098 : vector<16xf32>
      %get3A_3100 = arith.constant 12128 : index
      %get3A_3101 = tpu.vector_load %arg4[%get3A_3100] {strides = array<i32>} : memref<63488xf32, #tpu.memory_space<vmem>>, vector<16xf32>,
      %add3A_3102 = arith.addf %add3A_3093, %get3A_3101 : vector<16xf32>
      %get3A_3103 = arith.constant 3952 : index
      %get3A_3104 = tpu.vector_load %arg4[%get3A_3103] {strides = array<i32>} : memref<63488xf32, #tpu.memory_space<vmem>>, vector<16xf32>,
      %add3A_3105 = arith.addf %add3A_3096, %get3A_3104 : vector<16xf32>
      %get3A_3106 = arith.constant 8048 : index
      %get3A_3107 = tpu.vector_load %arg4[%get3A_3106] {strides = array<i32>} : memref<63488xf32, #tpu.memory_space<vmem>>, vector<16xf32>,
      %add3A_3108 = arith.addf %add3A_3099, %get3A_3107 : vector<16xf32>
      %get3A_3109 = arith.constant 12144 : index
      %get3A_3110 = tpu.vector_load %arg4[%get3A_3109] {strides = array<i32>} : memref<63488xf32, #tpu.memory_space<vmem>>, vector<16xf32>,
      %add3A_3111 = arith.addf %add3A_3102, %get3A_3110 : vector<16xf32>
      %get3A_3112 = arith.constant 3968 : index
      %get3A_3113 = tpu.vector_load %arg4[%get3A_3112] {strides = array<i32>} : memref<63488xf32, #tpu.memory_space<vmem>>, vector<16xf32>,
      %add3A_3114 = arith.addf %add3A_3105, %get3A_3113 : vector<16xf32>
      %get3A_3115 = arith.constant 8064 : index
      %get3A_3116 = tpu.vector_load %arg4[%get3A_3115] {strides = array<i32>} : memref<63488xf32, #tpu.memory_space<vmem>>, vector<16xf32>,
      %add3A_3117 = arith.addf %add3A_3108, %get3A_3116 : vector<16xf32>
      %get3A_3118 = arith.constant 12160 : index
      %get3A_3119 = tpu.vector_load %arg4[%get3A_3118] {strides = array<i32>} : memref<63488xf32, #tpu.memory_space<vmem>>, vector<16xf32>,
      %add3A_3120 = arith.addf %add3A_3111, %get3A_3119 : vector<16xf32>
      %get3A_3121 = arith.constant 3984 : index
      %get3A_3122 = tpu.vector_load %arg4[%get3A_3121] {strides = array<i32>} : memref<63488xf32, #tpu.memory_space<vmem>>, vector<16xf32>,
      %add3A_3123 = arith.addf %add3A_3114, %get3A_3122 : vector<16xf32>
      %get3A_3124 = arith.constant 8080 : index
      %get3A_3125 = tpu.vector_load %arg4[%get3A_3124] {strides = array<i32>} : memref<63488xf32, #tpu.memory_space<vmem>>, vector<16xf32>,
      %add3A_3126 = arith.addf %add3A_3117, %get3A_3125 : vector<16xf32>
      %get3A_3127 = arith.constant 12176 : index
      %get3A_3128 = tpu.vector_load %arg4[%get3A_3127] {strides = array<i32>} : memref<63488xf32, #tpu.memory_space<vmem>>, vector<16xf32>,
      %add3A_3129 = arith.addf %add3A_3120, %get3A_3128 : vector<16xf32>
      %get3A_3130 = arith.constant 4000 : index
      %get3A_3131 = tpu.vector_load %arg4[%get3A_3130] {strides = array<i32>} : memref<63488xf32, #tpu.memory_space<vmem>>, vector<16xf32>,
      %add3A_3132 = arith.addf %add3A_3123, %get3A_3131 : vector<16xf32>
      %get3A_3133 = arith.constant 8096 : index
      %get3A_3134 = tpu.vector_load %arg4[%get3A_3133] {strides = array<i32>} : memref<63488xf32, #tpu.memory_space<vmem>>, vector<16xf32>,
      %add3A_3135 = arith.addf %add3A_3126, %get3A_3134 : vector<16xf32>
      %get3A_3136 = arith.constant 12192 : index
      %get3A_3137 = tpu.vector_load %arg4[%get3A_3136] {strides = array<i32>} : memref<63488xf32, #tpu.memory_space<vmem>>, vector<16xf32>,
      %add3A_3138 = arith.addf %add3A_3129, %get3A_3137 : vector<16xf32>
      %get3A_3139 = arith.constant 4016 : index
      %get3A_3140 = tpu.vector_load %arg4[%get3A_3139] {strides = array<i32>} : memref<63488xf32, #tpu.memory_space<vmem>>, vector<16xf32>,
      %add3A_3141 = arith.addf %add3A_3132, %get3A_3140 : vector<16xf32>
      %get3A_3142 = arith.constant 8112 : index
      %get3A_3143 = tpu.vector_load %arg4[%get3A_3142] {strides = array<i32>} : memref<63488xf32, #tpu.memory_space<vmem>>, vector<16xf32>,
      %add3A_3144 = arith.addf %add3A_3135, %get3A_3143 : vector<16xf32>
      %get3A_3145 = arith.constant 12208 : index
      %get3A_3146 = tpu.vector_load %arg4[%get3A_3145] {strides = array<i32>} : memref<63488xf32, #tpu.memory_space<vmem>>, vector<16xf32>,
      %add3A_3147 = arith.addf %add3A_3138, %get3A_3146 : vector<16xf32>
      %get3A_3148 = arith.constant 4032 : index
      %get3A_3149 = tpu.vector_load %arg4[%get3A_3148] {strides = array<i32>} : memref<63488xf32, #tpu.memory_space<vmem>>, vector<16xf32>,
      %add3A_3150 = arith.addf %add3A_3141, %get3A_3149 : vector<16xf32>
      %get3A_3151 = arith.constant 8128 : index
      %get3A_3152 = tpu.vector_load %arg4[%get3A_3151] {strides = array<i32>} : memref<63488xf32, #tpu.memory_space<vmem>>, vector<16xf32>,
      %add3A_3153 = arith.addf %add3A_3144, %get3A_3152 : vector<16xf32>
      %get3A_3154 = arith.constant 12224 : index
      %get3A_3155 = tpu.vector_load %arg4[%get3A_3154] {strides = array<i32>} : memref<63488xf32, #tpu.memory_space<vmem>>, vector<16xf32>,
      %add3A_3156 = arith.addf %add3A_3147, %get3A_3155 : vector<16xf32>
      %get3A_3157 = arith.constant 4048 : index
      %get3A_3158 = tpu.vector_load %arg4[%get3A_3157] {strides = array<i32>} : memref<63488xf32, #tpu.memory_space<vmem>>, vector<16xf32>,
      %add3A_3159 = arith.addf %add3A_3150, %get3A_3158 : vector<16xf32>
      %get3A_3160 = arith.constant 8144 : index
      %get3A_3161 = tpu.vector_load %arg4[%get3A_3160] {strides = array<i32>} : memref<63488xf32, #tpu.memory_space<vmem>>, vector<16xf32>,
      %add3A_3162 = arith.addf %add3A_3153, %get3A_3161 : vector<16xf32>
      %get3A_3163 = arith.constant 12240 : index
      %get3A_3164 = tpu.vector_load %arg4[%get3A_3163] {strides = array<i32>} : memref<63488xf32, #tpu.memory_space<vmem>>, vector<16xf32>,
      %add3A_3165 = arith.addf %add3A_3156, %get3A_3164 : vector<16xf32>
      %get3A_3166 = arith.constant 4064 : index
      %get3A_3167 = tpu.vector_load %arg4[%get3A_3166] {strides = array<i32>} : memref<63488xf32, #tpu.memory_space<vmem>>, vector<16xf32>,
      %add3A_3168 = arith.addf %add3A_3159, %get3A_3167 : vector<16xf32>
      %get3A_3169 = arith.constant 8160 : index
      %get3A_3170 = tpu.vector_load %arg4[%get3A_3169] {strides = array<i32>} : memref<63488xf32, #tpu.memory_space<vmem>>, vector<16xf32>,
      %add3A_3171 = arith.addf %add3A_3162, %get3A_3170 : vector<16xf32>
      %get3A_3172 = arith.constant 12256 : index
      %get3A_3173 = tpu.vector_load %arg4[%get3A_3172] {strides = array<i32>} : memref<63488xf32, #tpu.memory_space<vmem>>, vector<16xf32>,
      %add3A_3174 = arith.addf %add3A_3165, %get3A_3173 : vector<16xf32>
      %get3A_3175 = arith.constant 4080 : index
      %get3A_3176 = tpu.vector_load %arg4[%get3A_3175] {strides = array<i32>} : memref<63488xf32, #tpu.memory_space<vmem>>, vector<16xf32>,
      %add3A_3177 = arith.addf %add3A_3168, %get3A_3176 : vector<16xf32>
      %get3A_3178 = arith.constant 8176 : index
      %get3A_3179 = tpu.vector_load %arg4[%get3A_3178] {strides = array<i32>} : memref<63488xf32, #tpu.memory_space<vmem>>, vector<16xf32>,
      %add3A_3180 = arith.addf %add3A_3171, %get3A_3179 : vector<16xf32>
      %get3A_3181 = arith.constant 12272 : index
      %get3A_3182 = tpu.vector_load %arg4[%get3A_3181] {strides = array<i32>} : memref<63488xf32, #tpu.memory_space<vmem>>, vector<16xf32>,
      %add3A_3183 = arith.addf %add3A_3174, %get3A_3182 : vector<16xf32>
      %max3A = arith.constant 1.000000e+00 : f32
      %max3A_3184 = vector.broadcast %max3A : f32 to vector<16xf32>
      %max3A_3185 = arith.maximumf %add3A_3177, %max3A_3184 : vector<16xf32>
      %div3A = arith.divf %add3A_3180, %max3A_3185 : vector<16xf32>
      %div3A_3186 = arith.divf %add3A_3183, %max3A_3185 : vector<16xf32>
      %sub3A_3187 = arith.subf %div3A, %div3A_3186 : vector<16xf32>
      %abs3A = math.absf %sub3A_3187 : vector<16xf32>
      %mul3A_3188 = arith.constant 9.99999997E-7 : f32
      %mul3A_3189 = vector.broadcast %mul3A_3188 : f32 to vector<16xf32>
      %mul3A_3190 = arith.mulf %add3A_3177, %mul3A_3189 : vector<16xf32>
      %mul3A_3191 = arith.mulf %abs3A, %mul3A_3190 : vector<16xf32>
      %gt3A = arith.constant 0.000000e+00 : f32
      %gt3A_3192 = vector.broadcast %gt3A : f32 to vector<16xf32>
      %gt3A_3193 = arith.cmpf ogt, %add3A_3177, %gt3A_3192 : vector<16xf32>
      %gt3A_3194 = arith.constant 0 : i32
      %gt3A_3195 = vector.broadcast %gt3A_3194 : i32 to vector<16xi32>
      %gt3A_3196 = arith.cmpi sgt, %iota3A, %gt3A_3195 : vector<16xi32>
      %and3A = arith.andi %gt3A_3193, %gt3A_3196 : vector<16xi1>
      %jit3A = arith.constant 0.000000e+00 : f32
      %broadcast_in_dim3A_3197 = vector.broadcast %jit3A : f32 to vector<16xf32>
      %select_n3A = arith.select %and3A, %mul3A_3191, %broadcast_in_dim3A_3197 : vector<16xi1>, vector<16xf32>
      %reduce_sum3A = arith.constant true
      %reduce_sum3A_3198 = vector.broadcast %reduce_sum3A : i1 to vector<16xi1>
      %reduce_sum3A_3199 = tpu.scan <sum>, %select_n3A masked %reduce_sum3A_3198 : vector<16xf32>, vector<16xi1> -> vector<16xf32>
      %reduce_sum3A_3200 = vector.extract %reduce_sum3A_3199[15] : f32 from vector<16xf32>
      %broadcast_in_dim3A_3201 = vector.broadcast %reduce_sum3A_3200 : f32 to vector<16xf32>
      %swap3A_3202 = arith.constant 0 : index
      %swap3A_3203 = tpu.vector_load %arg10[%swap3A_3202] {strides = array<i32>} : memref<16xf32, #tpu.memory_space<vmem>>, vector<16xf32>,
      tpu.vector_store %arg10[%swap3A_3202], %broadcast_in_dim3A_3201 {strides = array<i32>} : memref<16xf32, #tpu.memory_space<vmem>>, vector<16xf32>,
      "tpu.region"() ({
        %run_scoped3A = tpu.sem_alloc : memref<!tpu.dma_semaphore, #tpu.memory_space<semaphore_mem>>
        tpu.enqueue_dma source(%arg10 : memref<16xf32, #tpu.memory_space<vmem>>) target(%arg3 : memref<16xf32, #tpu.memory_space<hbm>>) target_semaphore(%run_scoped3A : memref<!tpu.dma_semaphore, #tpu.memory_space<semaphore_mem>>)
        tpu.wait_dma2 semaphore(%run_scoped3A : memref<!tpu.dma_semaphore, #tpu.memory_space<semaphore_mem>>) src(%arg10 : memref<16xf32, #tpu.memory_space<vmem>>) dst(%arg3 : memref<16xf32, #tpu.memory_space<hbm>>)
        tpu.yield
      }) : () -> ()
    } else {
    }
    return
  }
}

module attributes {stable_mosaic.version = 14 : i64} {
  func.func @_tc_body(%arg0: i32, %arg1: memref<100x32768xf32, #tpu.memory_space<vmem>>, %arg2: memref<32768xi32, #tpu.memory_space<vmem>>, %arg3: memref<32768xf32, #tpu.memory_space<vmem>>) attributes {dimension_semantics = [#tpu.dimension_semantics<arbitrary>], iteration_bounds = array<i64: 31>, scalar_prefetch = 0 : i64, scratch_operands = 0 : i64, tpu.core_type = #tpu.core_type<tc>, window_params = [{transform_indices = @transform_0, window_bounds = array<i64: 100, 32768>}, {transform_indices = @transform_1, window_bounds = array<i64: 32768>}, {transform_indices = @transform_2, window_bounds = array<i64: 32768>}]} {
    %get3A = arith.constant 0 : index
    %get3A_0 = arith.constant 0 : index
    %get3A_1 = vector.load %arg1[%get3A, %get3A_0] : memref<100x32768xf32, #tpu.memory_space<vmem>>, vector<100x32768xf32>
    %get3A_2 = arith.constant 0 : index
    %get3A_3 = vector.load %arg2[%get3A_2] : memref<32768xi32, #tpu.memory_space<vmem>>, vector<32768xi32>
    %reduce_max3A = arith.constant dense<0xFF800000> : vector<32768xf32>
    %reduce_max3A_4 = vector.multi_reduction <maximumf>, %get3A_1, %reduce_max3A [0] : vector<100x32768xf32> to vector<32768xf32>
    %broadcast_in_dim3A = vector.shape_cast %reduce_max3A_4 : vector<32768xf32> to vector<1x32768xf32>
    %sub3A = vector.broadcast %broadcast_in_dim3A : vector<1x32768xf32> to vector<100x32768xf32>
    %sub3A_5 = arith.subf %get3A_1, %sub3A : vector<100x32768xf32>
    %exp3A = math.exp %sub3A_5 : vector<100x32768xf32>
    %reduce_sum3A = arith.constant dense<0.000000e+00> : vector<32768xf32>
    %reduce_sum3A_6 = vector.multi_reduction <add>, %exp3A, %reduce_sum3A [0] : vector<100x32768xf32> to vector<32768xf32>
    %iota3A = tpu.iota {dimensions = array<i32: 0>} : vector<100x32768xi32>
    %broadcast_in_dim3A_7 = vector.shape_cast %get3A_3 : vector<32768xi32> to vector<1x32768xi32>
    %eq3A = vector.broadcast %broadcast_in_dim3A_7 : vector<1x32768xi32> to vector<100x32768xi32>
    %eq3A_8 = arith.cmpi eq, %iota3A, %eq3A : vector<100x32768xi32>
    %broadcast_in_dim3A_9 = vector.shape_cast %reduce_max3A_4 : vector<32768xf32> to vector<1x32768xf32>
    %eq3A_10 = vector.broadcast %broadcast_in_dim3A_9 : vector<1x32768xf32> to vector<100x32768xf32>
    %eq3A_11 = arith.cmpf oeq, %get3A_1, %eq3A_10 : vector<100x32768xf32>
    %and3A = arith.andi %eq3A_8, %eq3A_11 : vector<100x32768xi1>
    %jit3A = arith.constant 1.000000e+00 : f32
    %jit3A_12 = arith.constant 0.000000e+00 : f32
    %broadcast_in_dim3A_13 = vector.broadcast %jit3A : f32 to vector<100x32768xf32>
    %broadcast_in_dim3A_14 = vector.broadcast %jit3A_12 : f32 to vector<100x32768xf32>
    %select_n3A = arith.select %and3A, %broadcast_in_dim3A_13, %broadcast_in_dim3A_14 : vector<100x32768xi1>, vector<100x32768xf32>
    %reduce_sum3A_15 = arith.constant dense<0.000000e+00> : vector<32768xf32>
    %reduce_sum3A_16 = vector.multi_reduction <add>, %select_n3A, %reduce_sum3A_15 [0] : vector<100x32768xf32> to vector<32768xf32>
    %div3A = arith.constant 1.000000e+00 : f32
    %div3A_17 = vector.broadcast %div3A : f32 to vector<32768xf32>
    %div3A_18 = arith.divf %div3A_17, %reduce_sum3A_6 : vector<32768xf32>
    %gt3A = arith.constant 5.000000e-01 : f32
    %gt3A_19 = vector.broadcast %gt3A : f32 to vector<32768xf32>
    %gt3A_20 = arith.cmpf ogt, %reduce_sum3A_16, %gt3A_19 : vector<32768xf32>
    %neg3A = arith.constant 0.000000e+00 : f32
    %neg3A_21 = vector.broadcast %neg3A : f32 to vector<32768xf32>
    %neg3A_22 = arith.subf %neg3A_21, %div3A_18 : vector<32768xf32>
    %select_n3A_23 = arith.select %gt3A_20, %neg3A_22, %div3A_18 : vector<32768xi1>, vector<32768xf32>
    %mul3A = arith.constant 32768 : i32
    %mul3A_24 = arith.muli %arg0, %mul3A : i32
    %iota3A_25 = tpu.iota {dimensions = array<i32: 1>} : vector<1x32768xi32>
    %iota3A_26 = vector.shape_cast %iota3A_25 : vector<1x32768xi32> to vector<32768xi32>
    %add3A = vector.broadcast %mul3A_24 : i32 to vector<32768xi32>
    %add3A_27 = arith.addi %add3A, %iota3A_26 : vector<32768xi32>
    %lt3A = arith.constant 1000000 : i32
    %lt3A_28 = vector.broadcast %lt3A : i32 to vector<32768xi32>
    %lt3A_29 = arith.cmpi slt, %add3A_27, %lt3A_28 : vector<32768xi32>
    %jit3A_30 = arith.constant 0.000000e+00 : f32
    %broadcast_in_dim3A_31 = vector.broadcast %jit3A_30 : f32 to vector<32768xf32>
    %select_n3A_32 = arith.select %lt3A_29, %select_n3A_23, %broadcast_in_dim3A_31 : vector<32768xi1>, vector<32768xf32>
    %swap3A = arith.constant 0 : index
    %swap3A_33 = vector.load %arg3[%swap3A] : memref<32768xf32, #tpu.memory_space<vmem>>, vector<32768xf32>
    tpu.vector_store %arg3[%swap3A], %select_n3A_32 {strides = array<i32>} : memref<32768xf32, #tpu.memory_space<vmem>>, vector<32768xf32>,
    return
  }
  func.func @transform_0(%arg0: i32) -> (i32, i32) {
    %c0_i32 = arith.constant 0 : i32
    %c0_i32_0 = arith.constant 0 : i32
    return %c0_i32, %arg0 : i32, i32
  }
  func.func @transform_1(%arg0: i32) -> i32 {
    %c0_i32 = arith.constant 0 : i32
    return %arg0 : i32
  }
  func.func @transform_2(%arg0: i32) -> i32 {
    %c0_i32 = arith.constant 0 : i32
    return %arg0 : i32
  }
}

</mosaic_0001>

<sc_bundles>
// kernel: kernel.4.cloned.1.call-start
scs
__scs_entry_jumppad:
0x0: {  	(pc) =	sbr.rel $0x88, $3  }
0x1: {  	(tag) =	ssettag $0x0;
	lr =	simm.s32 $0x1  }
0x2: {  	[smem:$0x3F9F] =	sst lr;
	_ =	strace $0xD0000000  }
0x3: {  	_ = 	snop  }
0x4: {  	_ = 	snop  }
0x5: {  	_ = 	snop  }
0x6: {  	_ = 	snop  }
0x7: {  	_ = 	snop  }
__scs_overlays_trampoline_lowered:
0x8: {  	[smem:$0x3FAE] =	sst s0  }
0x9: {  	[smem:$0x3FAF] =	sst s1  }
0xa: {  	[smem:$0x3FB0] =	sst s2  }
0xb: {  	[smem:$0x3FB1] =	sst s3  }
0xc: {  	[smem:$0x3FB2] =	sst s4  }
0xd: {  	[smem:$0x3FB3] =	sst s5  }
0xe: {  	[smem:$0x3FB4] =	sst s6  }
0xf: {  	[smem:$0x3FB5] =	sst s7  }
0x10: {  	[smem:$0x3FB6] =	sst s8  }
0x11: {  	[smem:$0x3FB7] =	sst s9;
	s0 =	simm.s32 @!p0 $0x0  }
0x12: {  	s1 =	sld [smem:$0x3F9D];
	s0 =	simm.s32 @p0 $0x1  }
0x13: {  	[smem:$0x3FB8] =	sst s0;
	s0 =	simm.s32 @!p1 $0x0  }
0x14: {  	s2 =	sld [smem:$0x3F9C];
	s0 =	simm.s32 @p1 $0x1  }
0x15: {  	[smem:$0x3FB9] =	sst s0;
	s0 =	simm.s32 @!p2 $0x0  }
0x16: {  	s3 =	sld [smem:$0x3FDB];
	s0 =	simm.s32 @p2 $0x1  }
0x17: {  	s4 =	simm.s32 $0x1BF5;
	[smem:$0x3FBB] =	sst s0  }
0x18: {  	s0 =	sld [smem:$0x3F9E];
	_ =	swait.ge [sflag:s4], $0x0  }
0x19: {  	s7 =	sld [smem:$0x3F9F]  }
0x1a: {  	s8 =	sadd.s32 $0xFFFFE003, lr  }
0x1b: {  	s9 =	sadd.s32 $0xFFFFFEF7, lr;
	s5 =	simm.s32 $0xFFFFFFFF;
	p2 =	slt.u32 s8, $0xFFFFF086  }
0x1c: {  	p1 =	slt.u32 s9, $0xF7A;
	s5 =	simm.s32 @!p2 $0x0  }
0x1d: {  	s5 =	simm.s32 @p1 $0x1;
	p0 =	seq.s32 s7, s2  }
0x1e: {  	s7 =	smul.u32 @!p0 $0xF7A, s2;
	p2 =	seq.s32 @!p0 s5, $0x0  }
0x1f: {  	s9 =	smul.u32 $0xF7A, s1;
	s8 =	simm.s32 @!p0 $0x1BF5;
	p2 =	por !p2, p0  }
0x20: {  	[sflag:s8] =	ssyncset.s32 @!p0 $0xFFFFF086;
	s6 =	sadd.s32 @!p0 s3, s7;
	s7 =	simm.s32 @!p0 $0x108  }
0x21: {  	s3 =	sadd.s32 s3, s9;
	s6 =	sadd.s32 @!p0 $0x88, s6;
	s7 =	simm.s32 @p2 $0x1082  }
0x22: {  	[simem:s7], [sflag:s8] =	dma.local @!p0 [hbm:s6], $0xF7A  }
0x23: {  	s9 =	sor.u32 $0xD0000000, s2;
	s6 =	simm.s32 $0x108;
	_ =	swait.ge @!p0 [sflag:s8], $0x0  }
0x24: {  	s3 =	sadd.s32 $0x88, s3;
	s6 =	simm.s32 @!p1 $0x1082;
	[sflag:s4] =	ssyncset.s32 $0xFFFFF086  }
0x25: {  	[simem:s6], [sflag:s4] =	dma.local [hbm:s3], $0xF7A  }
0x26: {  	[smem:$0x3F9F] =	sst s1;
	(tag) =	ssettag s2;
	_ =	strace s9  }
0x27: {  	s1 =	sld [smem:$0x3FAF]  }
0x28: {  	s2 =	sld [smem:$0x3FB0]  }
0x29: {  	s4 =	sld [smem:$0x3FB2]  }
0x2a: {  	p0 =	seq.s32 s5, $0x0;
	s5 =	sld [smem:$0x3FB3]  }
0x2b: {  	s6 =	sld [smem:$0x3FB4]  }
0x2c: {  	s7 =	sld [smem:$0x3FB5]  }
0x2d: {  	s3 =	simm.s32 $0x108;
	s8 =	sld [smem:$0x3FB6]  }
0x2e: {  	s3 =	simm.s32 @!p0 $0x1082;
	s9 =	sld [smem:$0x3FB7]  }
0x2f: {  	lr =	sadd.s32 s0, s3;
	s0 =	sld [smem:$0x3FAE]  }
0x30: {  	s3 =	sld [smem:$0x3FB1]  }
0x31: {  	[smem:$0x3FBA] =	sst s10  }
0x32: {  	s10 =	sld [smem:$0x3FB8];
	_ =	sdelay $0x3  }
0x33: {  	p0 =	seq.s32 s10, $0x1;
	s10 =	sld [smem:$0x3FBA];
	_ =	sdelay $0x3  }
0x34: {  	[smem:$0x3FBA] =	sst s10  }
0x35: {  	s10 =	sld [smem:$0x3FB9];
	_ =	sdelay $0x3  }
0x36: {  	p1 =	seq.s32 s10, $0x1;
	s10 =	sld [smem:$0x3FBA];
	_ =	sdelay $0x3  }
0x37: {  	[smem:$0x3FBA] =	sst s10  }
0x38: {  	s10 =	sld [smem:$0x3FBB]  }
0x39: {  	_ = 	snop;
	(pc) =	sbr.ind lr, $3  }
0x3a: {  	_ = 	snop  }
0x3b: {  	_ = 	snop  }
0x3c: {  	p2 =	seq.s32 s10, $0x1;
	s10 =	sld [smem:$0x3FBA]  }
0x3d: {  	_ =	shalt  }
0x3e: {  	_ =	shalt  }
0x3f: {  	_ =	shalt  }
0x40: {  	_ =	shalt  }
0x41: {  	_ =	shalt  }
0x42: {  	_ =	shalt  }
0x43: {  	_ =	shalt  }
0x44: {  	_ =	shalt  }
0x45: {  	_ =	shalt  }
0x46: {  	_ =	shalt  }
0x47: {  	_ =	shalt  }
0x48: {  	_ =	shalt  }
0x49: {  	_ =	shalt  }
0x4a: {  	_ =	shalt  }
0x4b: {  	_ =	shalt  }
0x4c: {  	_ =	shalt  }
0x4d: {  	_ =	shalt  }
0x4e: {  	_ =	shalt  }
0x4f: {  	_ =	shalt  }
0x50: {  	_ =	shalt  }
0x51: {  	_ =	shalt  }
0x52: {  	_ =	shalt  }
0x53: {  	_ =	shalt  }
0x54: {  	_ =	shalt  }
0x55: {  	_ =	shalt  }
0x56: {  	_ =	shalt  }
0x57: {  	_ =	shalt  }
0x58: {  	_ =	shalt  }
0x59: {  	_ =	shalt  }
0x5a: {  	_ =	shalt  }
0x5b: {  	_ =	shalt  }
0x5c: {  	_ =	shalt  }
0x5d: {  	_ =	shalt  }
0x5e: {  	_ =	shalt  }
0x5f: {  	_ =	shalt  }
0x60: {  	_ =	shalt  }
0x61: {  	_ =	shalt  }
0x62: {  	_ =	shalt  }
0x63: {  	_ =	shalt  }
0x64: {  	_ =	shalt  }
0x65: {  	_ =	shalt  }
0x66: {  	_ =	shalt  }
0x67: {  	_ =	shalt  }
0x68: {  	_ =	shalt  }
0x69: {  	_ =	shalt  }
0x6a: {  	_ =	shalt  }
0x6b: {  	_ =	shalt  }
0x6c: {  	_ =	shalt  }
0x6d: {  	_ =	shalt  }
0x6e: {  	_ =	shalt  }
0x6f: {  	_ =	shalt  }
0x70: {  	_ =	shalt  }
0x71: {  	_ =	shalt  }
0x72: {  	_ =	shalt  }
0x73: {  	_ =	shalt  }
0x74: {  	_ =	shalt  }
0x75: {  	_ =	shalt  }
0x76: {  	_ =	shalt  }
0x77: {  	_ =	shalt  }
0x78: {  	_ =	shalt  }
0x79: {  	_ =	shalt  }
0x7a: {  	_ =	shalt  }
0x7b: {  	_ =	shalt  }
0x7c: {  	_ =	shalt  }
0x7d: {  	_ =	shalt  }
0x7e: {  	_ =	shalt  }
0x7f: {  	_ =	shalt  }
0x80: {  	_ =	shalt  }
0x81: {  	_ =	shalt  }
0x82: {  	_ =	shalt  }
0x83: {  	_ =	shalt  }
0x84: {  	_ =	shalt  }
0x85: {  	_ =	shalt  }
0x86: {  	_ =	shalt  }
0x87: {  	_ =	shalt  }
.Lfunc_end0:
.L_simem_size_0:
called_computation_lowered:
.L_overlay_start_0:
0x88: {  	s0 =	sld [smem:$0x3FD9]  }
0x89: {  	s1 =	sld [smem:$0x3FFE];
	_ =	sdelay $0x3  }
0x8a: {  	s0 =	sadd.s32 s1, s0  }
0x8b: {  	[smem:$0x3FC6] =	sst s0  }
0x8c: {  	_ = 	snop  }
0x8d: {  	s0 =	sld [smem:$0x3FD0];
	(tm) =	ssettm $0x1  }
0x8e: {  	s16 =	sld [smem:$0x3FFB];
	_ =	sdelay $0x3  }
0x8f: {  	_ =	strace s16  }
0x90: {  	s1 =	sld [smem:$0x3FFC];
	_ =	sdelay $0x3  }
0x91: {  	_ =	strace s1  }
0x92: {  	s1 =	sld [smem:$0x3FFD];
	_ =	sdelay $0x3  }
0x93: {  	_ =	strace s1  }
0x94: {  	_ =	strace $0x8FFFFFFF  }
0x95: {  	s17 =	sld [smem:$0x3FDB];
	_ =	sdelay $0x1  }
0x96: {  	s2 =	simm.s32 $_scs_section_size  }
0x97: {  	s3 =	simm.s32 $_size__tile_overlayer_lowered;
	s4 =	simm.s32 $_tile_overlayer_lowered  }
0x98: {  	s20 =	simm.s32 $0x1BFF;
	s19 =	sshll.u32 s4, $0x1;
	s1 =	sadd.s32 s2, s17  }
0x99: {  	s5 =	simm.s32 $0x0;
	s18 =	sshll.u32 s3, $0x1;
	s3 =	sadd.s32 s19, s1  }
0x9a: {  	[timem:s5], [sflag:s20] =	dma.local [hbm:s3], s18  }
0x9b: {  	_ =	swait.ge [sflag:s20], s18  }
0x9c: {  	s2 =	ssub.s32 $0x0, s18;
	[sflag:s20] =	ssyncset.done $0x0  }
0x9d: {  	[sflag:s20] =	ssyncadd.s32 s2;
	_ =	sdelay $0x1  }
0x9e: {  	s21 =	simm.s32 $0x1B8B  }
0x9f: {  	_ =	swait.ge [sflag:s21], $0x1  }
0xa0: {  	[sflag:s21] =	ssyncset.done $0x0  }
0xa1: {  	s23 =	simm.s32 $0x1B8E;
	s22 =	sld [smem:$0x3FFE];
	[sflag:s21] =	ssyncadd.s32 $0xFFFFFFFF  }
0xa2: {  	s24 =	simm.s32 $execute0_lowered;
	[smem:$0x3FD2] =	sst s23  }
0xa3: {  	s3 =	sshll.u32 s24, $0x1;
	_ =	strace $0x80000046;
	[dreg:$0x1] =	wrdreg $0xFFFFFFFF  }
0xa4: {  	s25 =	simm.s32 $_size_execute0_lowered;
	s1 =	sadd.s32 s1, s3;
	[dreg:$0x0] =	wrdreg $0x0  }
0xa5: {  	s3 =	sshll.u32 s25, $0x1;
	[dreg:$0x2] =	wrdreg s1  }
0xa6: {  	[dreg:$0x3] =	wrdreg s3  }
0xa7: {  	[dreg:$0x4] =	wrdreg $0xC0  }
0xa8: {  	_ =	task [dreg:s5], $0x5FFFF  }
0xa9: {  	[dreg:$0x1] =	wrdreg $0xFFFFFFFF  }
0xaa: {  	[dreg:$0x0] =	wrdreg $0x60  }
0xab: {  	[dreg:$0x2] =	wrdreg s22  }
0xac: {  	[dreg:$0x3] =	wrdreg s0  }
0xad: {  	[dreg:$0x4] =	wrdreg $0x103800  }
0xae: {  	[dreg:$0x5] =	wrdreg $0x104800  }
0xaf: {  	[dreg:$0x6] =	wrdreg $0x105800  }
0xb0: {  	[dreg:$0x7] =	wrdreg $0x9  }
0xb1: {  	_ =	task.clear_ibuf [dreg:s5], $0x8FFFF;
	_ =	strace $0x90000046  }
0xb2: {  	s26 =	simm.s32 $0x9;
	_ =	strace $0x80000048  }
0xb3: {  	_ =	swait.ge [sflag:s26], $0x1  }
0xb4: {  	[sflag:s26] =	ssyncadd.s32 $0xFFFFFFFF  }
0xb5: {  	_ =	strace $0x90000048  }
0xb6: {  	_ =	sfence  }
0xb7: {  	s28 =	sld [smem:$0x0];
	_ =	sdelay $0x1  }
0xb8: {  	s29 =	srdreg.scid  }
0xb9: {  	s30 =	sshll.u32 s29, $0xD;
	s31 =	sshrl.u32 s29, $0x2  }
0xba: {  	s2 =	sand.u32 $0x4000, s30;
	s1 =	sand.u32 $0x1, s29;
	s0 =	sadd.s32 s31, s28  }
0xbb: {  	s1 =	sor.u32 s2, s1;
	s0 =	sshll.u32 s0, $0x11  }
0xbc: {  	s0 =	sor.u32 s0, s1  }
0xbd: {  	s0 =	sadd.s32 $0x8F2B, s0  }
0xbe: {  	[sflag:s0] =	ssyncadd.remote.s32 $0x1  }
0xbf: {  	_ =	sfence.sel $0xFFFF  }
0xc0: {  	[dreg:$0x0] =	wrdreg $0xFFFFFFFF;
	(pc) =	sbr.abs _section_cstart, $3  }
0xc1: {  	[dreg:$0x1] =	wrdreg $0xFFFFFFFF  }
0xc2: {  	_ =	task.clear_ibuf [dreg:s5], $0x2FFFF;
	_ =	strace $0x9FFFFFFF  }
0xc3: {  	(tm) =	ssettm $0x7FFFFFFF  }
tec
execute0_lowered:
.L_overlay_start_1:
0x0: {  	(tag) =	ssettag $0x1  }
0x1: {  	s2 =	rddreg [dreg:$0x0]  }
0x2: {  	s1 =	rddreg [dreg:$0x1]  }
0x3: {  	s6 =	rddreg [dreg:$0x2]  }
0x4: {  	s5 =	rddreg [dreg:$0x3];
	s3 =	stileid.u32  }
0x5: {  	s4 =	rddreg [dreg:$0x4];
	s7 =	smul.u32 $0x1F00, s3  }
0x6: {  	s0 =	rddreg [dreg:$0x5];
	s8 =	simm.s32 $0x0  }
0x7: {  	[smem:$0x7FF] =	sst s8;
	s2 =	sadd.s32 s7, s2  }
0x8: {  	s31 =	simm.s32 $0x1;
	_ =	strace $0x80000047;
	s2 =	sadd.s32 $0x800, s2  }
0x9: {  	[tilespmem:s8], [sflag:$0x1] =	stream.linear.gather [hbm4b:s2+s8], $0xF800, $0x38;
	[tilespmem:$0x10680] =	vst v63  }
0xa: {  	_ =	swait.ge [sflag:s31], $0xF800  }
0xb: {  	[sflag:s31] =	ssyncset.done $0x0  }
0xc: {  	v0 =	vimm.f32 $0.0e+00;
	[sflag:s31] =	ssyncadd.s32 $0xFFFF0800  }
0xd: {  	[tilespmem:$0xF800] =	vst v0  }
0xe: {  	[tilespmem:$0xFC00] =	vst v0  }
0xf: {  	[tilespmem:$0xF810] =	vst v0  }
0x10: {  	[tilespmem:$0xFC10] =	vst v0  }
0x11: {  	[tilespmem:$0xF820] =	vst v0  }
0x12: {  	[tilespmem:$0xFC20] =	vst v0  }
0x13: {  	[tilespmem:$0xF830] =	vst v0  }
0x14: {  	[tilespmem:$0xFC30] =	vst v0  }
0x15: {  	[tilespmem:$0xF840] =	vst v0  }
0x16: {  	[tilespmem:$0xFC40] =	vst v0  }
0x17: {  	[tilespmem:$0xF850] =	vst v0  }
0x18: {  	[tilespmem:$0xFC50] =	vst v0  }
0x19: {  	[tilespmem:$0xF860] =	vst v0  }
0x1a: {  	[tilespmem:$0xFC60] =	vst v0  }
0x1b: {  	[tilespmem:$0xF870] =	vst v0  }
0x1c: {  	[tilespmem:$0xFC70] =	vst v0  }
0x1d: {  	[tilespmem:$0xF880] =	vst v0  }
0x1e: {  	[tilespmem:$0xFC80] =	vst v0  }
0x1f: {  	[tilespmem:$0xF890] =	vst v0  }
0x20: {  	[tilespmem:$0xFC90] =	vst v0  }
0x21: {  	[tilespmem:$0xF8A0] =	vst v0  }
0x22: {  	[tilespmem:$0xFCA0] =	vst v0  }
0x23: {  	[tilespmem:$0xF8B0] =	vst v0  }
0x24: {  	[tilespmem:$0xFCB0] =	vst v0  }
0x25: {  	[tilespmem:$0xF8C0] =	vst v0  }
0x26: {  	[tilespmem:$0xFCC0] =	vst v0  }
0x27: {  	[tilespmem:$0xF8D0] =	vst v0  }
0x28: {  	[tilespmem:$0xFCD0] =	vst v0  }
0x29: {  	[tilespmem:$0xF8E0] =	vst v0  }
0x2a: {  	[tilespmem:$0xFCE0] =	vst v0  }
0x2b: {  	[tilespmem:$0xF8F0] =	vst v0  }
0x2c: {  	[tilespmem:$0xFCF0] =	vst v0  }
0x2d: {  	[tilespmem:$0xF900] =	vst v0  }
0x2e: {  	[tilespmem:$0xFD00] =	vst v0  }
0x2f: {  	[tilespmem:$0xF910] =	vst v0  }
0x30: {  	[tilespmem:$0xFD10] =	vst v0  }
0x31: {  	[tilespmem:$0xF920] =	vst v0  }
0x32: {  	[tilespmem:$0xFD20] =	vst v0  }
0x33: {  	[tilespmem:$0xF930] =	vst v0  }
0x34: {  	[tilespmem:$0xFD30] =	vst v0  }
0x35: {  	[tilespmem:$0xF940] =	vst v0  }
0x36: {  	[tilespmem:$0xFD40] =	vst v0  }
0x37: {  	[tilespmem:$0xF950] =	vst v0  }
0x38: {  	[tilespmem:$0xFD50] =	vst v0  }
0x39: {  	[tilespmem:$0xF960] =	vst v0  }
0x3a: {  	[tilespmem:$0xFD60] =	vst v0  }
0x3b: {  	[tilespmem:$0xF970] =	vst v0  }
0x3c: {  	[tilespmem:$0xFD70] =	vst v0  }
0x3d: {  	[tilespmem:$0xF980] =	vst v0  }
0x3e: {  	[tilespmem:$0xFD80] =	vst v0  }
0x3f: {  	[tilespmem:$0xF990] =	vst v0  }
0x40: {  	[tilespmem:$0xFD90] =	vst v0  }
0x41: {  	[tilespmem:$0xF9A0] =	vst v0  }
0x42: {  	[tilespmem:$0xFDA0] =	vst v0  }
0x43: {  	[tilespmem:$0xF9B0] =	vst v0  }
0x44: {  	[tilespmem:$0xFDB0] =	vst v0  }
0x45: {  	[tilespmem:$0xF9C0] =	vst v0  }
0x46: {  	[tilespmem:$0xFDC0] =	vst v0  }
0x47: {  	[tilespmem:$0xF9D0] =	vst v0  }
0x48: {  	[tilespmem:$0xFDD0] =	vst v0  }
0x49: {  	[tilespmem:$0xF9E0] =	vst v0  }
0x4a: {  	[tilespmem:$0xFDE0] =	vst v0  }
0x4b: {  	[tilespmem:$0xF9F0] =	vst v0  }
0x4c: {  	[tilespmem:$0xFDF0] =	vst v0  }
0x4d: {  	[tilespmem:$0xFA00] =	vst v0  }
0x4e: {  	[tilespmem:$0xFE00] =	vst v0  }
0x4f: {  	[tilespmem:$0xFA10] =	vst v0  }
0x50: {  	[tilespmem:$0xFE10] =	vst v0  }
0x51: {  	[tilespmem:$0xFA20] =	vst v0  }
0x52: {  	[tilespmem:$0xFE20] =	vst v0  }
0x53: {  	[tilespmem:$0xFA30] =	vst v0  }
0x54: {  	[tilespmem:$0xFE30] =	vst v0  }
0x55: {  	[tilespmem:$0xFA40] =	vst v0  }
0x56: {  	[tilespmem:$0xFE40] =	vst v0  }
0x57: {  	[tilespmem:$0xFA50] =	vst v0  }
0x58: {  	[tilespmem:$0xFE50] =	vst v0  }
0x59: {  	[tilespmem:$0xFA60] =	vst v0  }
0x5a: {  	[tilespmem:$0xFE60] =	vst v0  }
0x5b: {  	[tilespmem:$0xFA70] =	vst v0  }
0x5c: {  	[tilespmem:$0xFE70] =	vst v0  }
0x5d: {  	[tilespmem:$0xFA80] =	vst v0  }
0x5e: {  	[tilespmem:$0xFE80] =	vst v0  }
0x5f: {  	[tilespmem:$0xFA90] =	vst v0  }
0x60: {  	[tilespmem:$0xFE90] =	vst v0  }
0x61: {  	[tilespmem:$0xFAA0] =	vst v0  }
0x62: {  	[tilespmem:$0xFEA0] =	vst v0  }
0x63: {  	[tilespmem:$0xFAB0] =	vst v0  }
0x64: {  	[tilespmem:$0xFEB0] =	vst v0  }
0x65: {  	[tilespmem:$0xFAC0] =	vst v0  }
0x66: {  	[tilespmem:$0xFEC0] =	vst v0  }
0x67: {  	[tilespmem:$0xFAD0] =	vst v0  }
0x68: {  	[tilespmem:$0xFED0] =	vst v0  }
0x69: {  	[tilespmem:$0xFAE0] =	vst v0  }
0x6a: {  	[tilespmem:$0xFEE0] =	vst v0  }
0x6b: {  	[tilespmem:$0xFAF0] =	vst v0  }
0x6c: {  	[tilespmem:$0xFEF0] =	vst v0  }
0x6d: {  	[tilespmem:$0xFB00] =	vst v0  }
0x6e: {  	[tilespmem:$0xFF00] =	vst v0  }
0x6f: {  	[tilespmem:$0xFB10] =	vst v0  }
0x70: {  	[tilespmem:$0xFF10] =	vst v0  }
0x71: {  	[tilespmem:$0xFB20] =	vst v0  }
0x72: {  	[tilespmem:$0xFF20] =	vst v0  }
0x73: {  	[tilespmem:$0xFB30] =	vst v0  }
0x74: {  	[tilespmem:$0xFF30] =	vst v0  }
0x75: {  	[tilespmem:$0xFB40] =	vst v0  }
0x76: {  	[tilespmem:$0xFF40] =	vst v0  }
0x77: {  	[tilespmem:$0xFB50] =	vst v0  }
0x78: {  	[tilespmem:$0xFF50] =	vst v0  }
0x79: {  	[tilespmem:$0xFB60] =	vst v0  }
0x7a: {  	[tilespmem:$0xFF60] =	vst v0  }
0x7b: {  	[tilespmem:$0xFB70] =	vst v0  }
0x7c: {  	[tilespmem:$0xFF70] =	vst v0  }
0x7d: {  	[tilespmem:$0xFB80] =	vst v0  }
0x7e: {  	[tilespmem:$0xFF80] =	vst v0  }
0x7f: {  	[tilespmem:$0xFB90] =	vst v0  }
0x80: {  	[tilespmem:$0xFF90] =	vst v0  }
0x81: {  	[tilespmem:$0xFBA0] =	vst v0  }
0x82: {  	[tilespmem:$0xFFA0] =	vst v0  }
0x83: {  	[tilespmem:$0xFBB0] =	vst v0  }
0x84: {  	[tilespmem:$0xFFB0] =	vst v0  }
0x85: {  	[tilespmem:$0xFBC0] =	vst v0  }
0x86: {  	[tilespmem:$0xFFC0] =	vst v0  }
0x87: {  	[tilespmem:$0xFBD0] =	vst v0  }
0x88: {  	[tilespmem:$0xFFD0] =	vst v0  }
0x89: {  	[tilespmem:$0xFBE0] =	vst v0  }
0x8a: {  	[tilespmem:$0xFFE0] =	vst v0  }
0x8b: {  	[tilespmem:$0xFBF0] =	vst v0  }
0x8c: {  	s10 =	simm.s32 $0x40;
	[tilespmem:$0xFFF0] =	vst v0  }
0x8d: {  	v0 =	vld [tilespmem:s10+$0x0];
	_ =	sdelay $0x4  }
0x8e: {  	v1 =	vand.u32 $0x7FFFFFFF, v0  }
0x8f: {  	v2 =	vmul.f32 $1.500000000e+01, v1;
	_ =	sdelay $0x1  }
0x90: {  	v2 =	vtrunc.f32 v2  }
0x91: {  	v3 =	vlaneseq.u32;
	v2 =	vcvt.f32.s32 v2  }
0x92: {  	v5 =	vmul.u32 $0x10, v3  }
0x93: {  	vm0 =	vgt.f32 v0, $0.0e+00;
	vm2 =	vlt.f32 v0, $0.0e+00;
	vm1 =	vlt.s32 v2, $0xE  }
0x94: {  	v3 =	vor.u32 $0x1, v5;
	vm0 =	vmor vm0, vm2;
	v0 =	vnsel vm1, $0xE, v2  }
0x95: {  	v2 =	vadd.s32 v3, v0  }
0x96: {  	v4 =	vld [tilespmem:s10+$0xFFFFFFC0];
	_ =	sdelay $0x1  }
0x97: {  	v0 =	vimm.f32 $1.000000000e+00  }
0x98: {  	s2 =	simm.s32 $0xF800;
	v6 =	vsel vm2, $0x45800800, v0  }
0x99: {  	s7 =	simm.s32 $0xFC00;
	[tilespmem:v2+s2+$0x0] =	vst.idx.add.f32.msk vm0, v6  }
0x9a: {  	v6 =	vand.u32 $0x7FFFFFFF, v4;
	[tilespmem:v2+s7+$0x0] =	vst.idx.add.f32.msk vm0, v1  }
0x9b: {  	v1 =	vmul.f32 $1.500000000e+01, v6;
	v2 =	vld [tilespmem:s10+$0x10];
	_ =	sdelay $0x1  }
0x9c: {  	s11 =	simm.s32 $0xC0;
	v1 =	vtrunc.f32 v1  }
0x9d: {  	v7 =	vld [tilespmem:s11+$0x0];
	v1 =	vcvt.f32.s32 v1  }
0x9e: {  	vm1 =	vlt.f32 v4, $0.0e+00  }
0x9f: {  	vm0 =	vgt.f32 v4, $0.0e+00;
	vm2 =	vlt.s32 v1, $0xE;
	v8 =	vand.u32 $0x7FFFFFFF, v2  }
0xa0: {  	vm0 =	vmor vm0, vm1;
	v1 =	vnsel vm2, $0xE, v1;
	v4 =	vmul.f32 $1.500000000e+01, v8  }
0xa1: {  	v1 =	vadd.s32 v3, v1  }
0xa2: {  	v9 =	vand.u32 $0x7FFFFFFF, v7;
	v4 =	vtrunc.f32 v4  }
0xa3: {  	v11 =	vmul.f32 $1.500000000e+01, v9;
	v10 =	vcvt.f32.s32 v4  }
0xa4: {  	v12 =	vsel vm1, $0x45800800, v0;
	vm1 =	vgt.f32 v2, $0.0e+00;
	vm2 =	vlt.f32 v2, $0.0e+00  }
0xa5: {  	v2 =	vtrunc.f32 v11;
	vm1 =	vmor vm1, vm2;
	vm3 =	vlt.s32 v10, $0xE  }
0xa6: {  	v2 =	vcvt.f32.s32 v2;
	v4 =	vor.u32 $0x101, v5;
	[tilespmem:v1+s2+$0x0] =	vst.idx.add.f32.msk vm0, v12;
	v10 =	vnsel vm3, $0xE, v10  }
0xa7: {  	[tilespmem:v1+s7+$0x0] =	vst.idx.add.f32.msk vm0, v6;
	v1 =	vadd.s32 v4, v10  }
0xa8: {  	vm4 =	vlt.f32 v7, $0.0e+00;
	v6 =	vld [tilespmem:s11+$0xFFFFFFC0];
	vm0 =	vgt.f32 v7, $0.0e+00;
	vm3 =	vlt.s32 v2, $0xE  }
0xa9: {  	v2 =	vnsel vm3, $0xE, v2;
	vm0 =	vmor vm0, vm4  }
0xaa: {  	v2 =	vadd.s32 v3, v2  }
0xab: {  	v7 =	vld [tilespmem:s10+$0xFFFFFFD0];
	v10 =	vsel vm2, $0x45800800, v0  }
0xac: {  	[tilespmem:v1+s2+$0x0] =	vst.idx.add.f32.msk vm1, v10  }
0xad: {  	v10 =	vand.u32 $0x7FFFFFFF, v6;
	[tilespmem:v1+s7+$0x0] =	vst.idx.add.f32.msk vm1, v8  }
0xae: {  	v12 =	vsel vm4, $0x45800800, v0;
	v8 =	vmul.f32 $1.500000000e+01, v10;
	v11 =	vld [tilespmem:s10+$0x20]  }
0xaf: {  	[tilespmem:v2+s2+$0x0] =	vst.idx.add.f32.msk vm0, v12  }
0xb0: {  	vm2 =	vgt.f32 v6, $0.0e+00;
	vm3 =	vlt.f32 v6, $0.0e+00;
	[tilespmem:v2+s7+$0x0] =	vst.idx.add.f32.msk vm0, v9;
	v8 =	vtrunc.f32 v8  }
0xb1: {  	vm2 =	vmor vm2, vm3;
	v1 =	vand.u32 $0x7FFFFFFF, v7;
	v9 =	vld [tilespmem:s11+$0x10];
	v8 =	vcvt.f32.s32 v8  }
0xb2: {  	v15 =	vsel vm3, $0x45800800, v0;
	vm1 =	vlt.f32 v7, $0.0e+00;
	v13 =	vmul.f32 $1.500000000e+01, v1  }
0xb3: {  	vm0 =	vgt.f32 v7, $0.0e+00;
	vm4 =	vlt.s32 v8, $0xE;
	v6 =	vand.u32 $0x7FFFFFFF, v11  }
0xb4: {  	v2 =	vtrunc.f32 v13;
	v8 =	vnsel vm4, $0xE, v8;
	v12 =	vmul.f32 $1.500000000e+01, v6  }
0xb5: {  	vm0 =	vmor vm0, vm1;
	v7 =	vcvt.f32.s32 v2;
	v8 =	vadd.s32 v3, v8  }
0xb6: {  	v2 =	vor.u32 $0x201, v5;
	v13 =	vand.u32 $0x7FFFFFFF, v9;
	v12 =	vtrunc.f32 v12  }
0xb7: {  	s8 =	simm.s32 $0x140;
	vm4 =	vlt.s32 v7, $0xE;
	v14 =	vmul.f32 $1.500000000e+01, v13;
	v12 =	vcvt.f32.s32 v12  }
0xb8: {  	v16 =	vld [tilespmem:s8+$0x0];
	vm3 =	vgt.f32 v11, $0.0e+00;
	v7 =	vnsel vm4, $0xE, v7;
	vm4 =	vlt.f32 v11, $0.0e+00  }
0xb9: {  	v7 =	vadd.s32 v4, v7;
	v11 =	vtrunc.f32 v14;
	vm5 =	vlt.s32 v12, $0xE  }
0xba: {  	vm3 =	vmor vm3, vm4;
	v11 =	vcvt.f32.s32 v11;
	[tilespmem:v8+s2+$0x0] =	vst.idx.add.f32.msk vm2, v15;
	v12 =	vnsel vm5, $0xE, v12  }
0xbb: {  	v14 =	vsel vm1, $0x45800800, v0;
	[tilespmem:v8+s7+$0x0] =	vst.idx.add.f32.msk vm2, v10;
	v8 =	vadd.s32 v2, v12  }
0xbc: {  	vm1 =	vgt.f32 v9, $0.0e+00;
	vm2 =	vlt.f32 v9, $0.0e+00;
	vm5 =	vlt.s32 v11, $0xE;
	v9 =	vld [tilespmem:s8+$0xFFFFFFC0]  }
0xbd: {  	v10 =	vld [tilespmem:s11+$0xFFFFFFD0];
	v12 =	vand.u32 $0x7FFFFFFF, v16;
	vm1 =	vmor vm1, vm2;
	v11 =	vnsel vm5, $0xE, v11  }
0xbe: {  	[tilespmem:v7+s2+$0x0] =	vst.idx.add.f32.msk vm0, v14;
	v14 =	vmul.f32 $1.500000000e+01, v12;
	v11 =	vadd.s32 v4, v11  }
0xbf: {  	[tilespmem:v7+s7+$0x0] =	vst.idx.add.f32.msk vm0, v1;
	v1 =	vsel vm4, $0x45800800, v0  }
0xc0: {  	vm4 =	vlt.f32 v16, $0.0e+00;
	v7 =	vtrunc.f32 v14;
	[tilespmem:v8+s2+$0x0] =	vst.idx.add.f32.msk vm3, v1  }
0xc1: {  	v14 =	vand.u32 $0x7FFFFFFF, v9;
	v1 =	vor.u32 $0x301, v5;
	[tilespmem:v8+s7+$0x0] =	vst.idx.add.f32.msk vm3, v6;
	v6 =	vcvt.f32.s32 v7  }
0xc2: {  	v5 =	vand.u32 $0x7FFFFFFF, v10;
	vm0 =	vgt.f32 v10, $0.0e+00;
	v8 =	vsel vm2, $0x45800800, v0;
	v7 =	vld [tilespmem:s10+$0x30]  }
0xc3: {  	vm2 =	vgt.f32 v16, $0.0e+00;
	[tilespmem:v11+s2+$0x0] =	vst.idx.add.f32.msk vm1, v8;
	v8 =	vmul.f32 $1.500000000e+01, v14;
	vm3 =	vlt.s32 v6, $0xE  }
0xc4: {  	[tilespmem:v11+s7+$0x0] =	vst.idx.add.f32.msk vm1, v13;
	vm1 =	vmor vm2, vm4;
	vm2 =	vlt.f32 v10, $0.0e+00;
	v6 =	vnsel vm3, $0xE, v6  }
0xc5: {  	v10 =	vmul.f32 $1.500000000e+01, v5;
	v11 =	vld [tilespmem:s11+$0x20];
	vm0 =	vmor vm0, vm2;
	v6 =	vadd.s32 v3, v6  }
0xc6: {  	v13 =	vld [tilespmem:s10+$0xFFFFFFE0];
	v15 =	vsel vm2, $0x45800800, v0;
	v16 =	vtrunc.f32 v8;
	vm2 =	vgt.f32 v9, $0.0e+00  }
0xc7: {  	vm3 =	vlt.f32 v9, $0.0e+00;
	v10 =	vtrunc.f32 v10;
	v16 =	vcvt.f32.s32 v16  }
0xc8: {  	v9 =	vsel vm4, $0x45800800, v0;
	vm2 =	vmor vm2, vm3;
	v10 =	vcvt.f32.s32 v10  }
0xc9: {  	v8 =	vand.u32 $0x7FFFFFFF, v7;
	vm5 =	vlt.s32 v16, $0xE;
	vm4 =	vlt.f32 v7, $0.0e+00  }
0xca: {  	v17 =	vmul.f32 $1.500000000e+01, v8;
	v16 =	vnsel vm5, $0xE, v16;
	v18 =	vand.u32 $0x7FFFFFFF, v11;
	[tilespmem:v6+s2+$0x0] =	vst.idx.add.f32.msk vm1, v9  }
0xcb: {  	v19 =	vand.u32 $0x7FFFFFFF, v13;
	v9 =	vadd.s32 v3, v16;
	v16 =	vmul.f32 $1.500000000e+01, v18;
	[tilespmem:v6+s7+$0x0] =	vst.idx.add.f32.msk vm1, v12  }
0xcc: {  	vm6 =	vlt.f32 v11, $0.0e+00;
	v12 =	vtrunc.f32 v17;
	vm1 =	vlt.s32 v10, $0xE;
	v17 =	vld [tilespmem:s8+$0x10]  }
0xcd: {  	v6 =	vmul.f32 $1.500000000e+01, v19;
	v10 =	vnsel vm1, $0xE, v10;
	v16 =	vtrunc.f32 v16  }
0xce: {  	v12 =	vcvt.f32.s32 v12;
	v20 =	vadd.s32 v4, v10;
	v10 =	vcvt.f32.s32 v16  }
0xcf: {  	vm1 =	vgt.f32 v7, $0.0e+00;
	v7 =	vsel vm3, $0x45800800, v0;
	vm3 =	vgt.f32 v11, $0.0e+00  }
0xd0: {  	v6 =	vtrunc.f32 v6;
	vm5 =	vlt.s32 v12, $0xE;
	[tilespmem:v9+s2+$0x0] =	vst.idx.add.f32.msk vm2, v7;
	vm7 =	vlt.s32 v10, $0xE  }
0xd1: {  	s9 =	simm.s32 $0x1C0;
	[tilespmem:v9+s7+$0x0] =	vst.idx.add.f32.msk vm2, v14;
	vm2 =	vmor vm3, vm6;
	v7 =	vnsel vm7, $0xE, v10;
	v14 =	vand.u32 $0x7FFFFFFF, v17  }
0xd2: {  	v16 =	vld [tilespmem:s9+$0x0];
	v9 =	vnsel vm5, $0xE, v12;
	v7 =	vadd.s32 v2, v7;
	v12 =	vmul.f32 $1.500000000e+01, v14  }
0xd3: {  	vm1 =	vmor vm1, vm4;
	v6 =	vcvt.f32.s32 v6;
	vm3 =	vgt.f32 v13, $0.0e+00;
	[tilespmem:v20+s2+$0x0] =	vst.idx.add.f32.msk vm0, v15  }
0xd4: {  	v10 =	vsel vm4, $0x45800800, v0;
	vm4 =	vlt.f32 v13, $0.0e+00;
	[tilespmem:v20+s7+$0x0] =	vst.idx.add.f32.msk vm0, v5;
	v5 =	vtrunc.f32 v12  }
0xd5: {  	v11 =	vld [tilespmem:s8+$0xFFFFFFD0];
	v15 =	vsel vm4, $0x45800800, v0;
	vm0 =	vmor vm3, vm4;
	v5 =	vcvt.f32.s32 v5  }
0xd6: {  	vm3 =	vgt.f32 v17, $0.0e+00;
	v13 =	vld [tilespmem:s11+$0xFFFFFFE0];
	v12 =	vsel vm6, $0x45800800, v0;
	vm6 =	vlt.s32 v6, $0xE  }
0xd7: {  	vm4 =	vlt.f32 v17, $0.0e+00;
	v6 =	vnsel vm6, $0xE, v6;
	[tilespmem:v7+s2+$0x0] =	vst.idx.add.f32.msk vm2, v12;
	vm5 =	vlt.s32 v5, $0xE  }
0xd8: {  	v6 =	vadd.s32 v2, v6;
	[tilespmem:v7+s7+$0x0] =	vst.idx.add.f32.msk vm2, v18;
	vm2 =	vmor vm3, vm4;
	v5 =	vnsel vm5, $0xE, v5  }
0xd9: {  	v9 =	vadd.s32 v1, v9;
	v20 =	vand.u32 $0x7FFFFFFF, v16;
	v18 =	vld [tilespmem:s9+$0xFFFFFFC0];
	v5 =	vadd.s32 v4, v5  }
0xda: {  	vm7 =	vlt.f32 v16, $0.0e+00;
	v12 =	vmul.f32 $1.500000000e+01, v20;
	v7 =	vand.u32 $0x7FFFFFFF, v11  }
0xdb: {  	vm3 =	vgt.f32 v11, $0.0e+00;
	vm5 =	vlt.f32 v11, $0.0e+00;
	v11 =	vmul.f32 $1.500000000e+01, v7  }
0xdc: {  	v23 =	vsel vm4, $0x45800800, v0;
	v17 =	vld [tilespmem:s11+$0x30];
	v24 =	vtrunc.f32 v12;
	vm3 =	vmor vm3, vm5  }
0xdd: {  	v21 =	vsel vm5, $0x45800800, v0;
	v24 =	vcvt.f32.s32 v24;
	v11 =	vtrunc.f32 v11;
	[tilespmem:v6+s2+$0x0] =	vst.idx.add.f32.msk vm0, v15  }
0xde: {  	v22 =	vcvt.f32.s32 v11;
	v11 =	vand.u32 $0x7FFFFFFF, v13;
	[tilespmem:v5+s2+$0x0] =	vst.idx.add.f32.msk vm2, v23;
	v23 =	vand.u32 $0x7FFFFFFF, v18  }
0xdf: {  	vm5 =	vlt.s32 v24, $0xE;
	vm6 =	vgt.f32 v18, $0.0e+00;
	[tilespmem:v5+s7+$0x0] =	vst.idx.add.f32.msk vm2, v14;
	v14 =	vmul.f32 $1.500000000e+01, v23  }
0xe0: {  	vm10 =	vlt.f32 v18, $0.0e+00;
	[tilespmem:v6+s7+$0x0] =	vst.idx.add.f32.msk vm0, v19;
	v19 =	vsel vm7, $0x45800800, v0;
	vm2 =	vgt.f32 v16, $0.0e+00  }
0xe1: {  	v16 =	vnsel vm5, $0xE, v24;
	v26 =	vld [tilespmem:s8+$0x20];
	vm8 =	vmor vm2, vm7;
	v14 =	vtrunc.f32 v14  }
0xe2: {  	v12 =	vand.u32 $0x7FFFFFFF, v17;
	v16 =	vadd.s32 v3, v16;
	v14 =	vcvt.f32.s32 v14  }
0xe3: {  	vm6 =	vmor vm6, vm10;
	vm0 =	vlt.s32 v22, $0xE;
	v25 =	vmul.f32 $1.500000000e+01, v12  }
0xe4: {  	v22 =	vnsel vm0, $0xE, v22;
	v5 =	vmul.f32 $1.500000000e+01, v11;
	vm11 =	vlt.s32 v14, $0xE  }
0xe5: {  	vm5 =	vlt.f32 v17, $0.0e+00;
	v25 =	vtrunc.f32 v25;
	v14 =	vnsel vm11, $0xE, v14  }
0xe6: {  	[tilespmem:v9+s2+$0x0] =	vst.idx.add.f32.msk vm1, v10;
	vm2 =	vgt.f32 v17, $0.0e+00;
	v17 =	vand.u32 $0x7FFFFFFF, v26;
	v6 =	vadd.s32 v3, v14  }
0xe7: {  	v57 =	vcvt.f32.s32 v25;
	v18 =	vmul.f32 $1.500000000e+01, v17;
	[tilespmem:v16+s2+$0x0] =	vst.idx.add.f32.msk vm8, v19;
	v19 =	vadd.s32 v4, v22  }
0xe8: {  	vm4 =	vgt.f32 v13, $0.0e+00;
	v58 =	vsel vm10, $0x45800800, v0;
	vm2 =	vmor vm2, vm5;
	[tilespmem:v16+s7+$0x0] =	vst.idx.add.f32.msk vm8, v20  }
0xe9: {  	v5 =	vtrunc.f32 v5;
	vm9 =	vlt.s32 v57, $0xE;
	v14 =	vtrunc.f32 v18;
	v18 =	vld [tilespmem:s10+$0xFFFFFFF0]  }
0xea: {  	vm0 =	vgt.f32 v26, $0.0e+00;
	vm7 =	vlt.f32 v26, $0.0e+00;
	v20 =	vld [tilespmem:s9+$0x10];
	v14 =	vcvt.f32.s32 v14  }
0xeb: {  	v15 =	vnsel vm9, $0xE, v57;
	vm15 =	vmor vm0, vm7;
	vm0 =	vlt.f32 v13, $0.0e+00;
	[tilespmem:v6+s2+$0x0] =	vst.idx.add.f32.msk vm6, v58  }
0xec: {  	v59 =	vsel vm7, $0x45800800, v0;
	v16 =	vcvt.f32.s32 v5;
	s10 =	simm.s32 $0x240;
	vm14 =	vlt.s32 v14, $0xE;
	[tilespmem:v19+s2+$0x0] =	vst.idx.add.f32.msk vm3, v21  }
0xed: {  	vm4 =	vmor vm4, vm0;
	v21 =	vld [tilespmem:s10+$0x0];
	v5 =	vnsel vm14, $0xE, v14;
	v14 =	vadd.s32 v1, v15  }
0xee: {  	v15 =	vsel vm5, $0x45800800, v0;
	vm5 =	vlt.s32 v16, $0xE;
	[tilespmem:v6+s7+$0x0] =	vst.idx.add.f32.msk vm6, v23;
	v13 =	vadd.s32 v2, v5  }
0xef: {  	v22 =	vsel vm0, $0x45800800, v0;
	v5 =	vand.u32 $0x7FFFFFFF, v18;
	v6 =	vnsel vm5, $0xE, v16;
	v16 =	vld [tilespmem:s9+$0xFFFFFFD0]  }
0xf0: {  	[tilespmem:v19+s7+$0x0] =	vst.idx.add.f32.msk vm3, v7;
	vm0 =	vgt.f32 v18, $0.0e+00;
	v23 =	vadd.s32 v2, v6;
	v6 =	vmul.f32 $1.500000000e+01, v5  }
0xf1: {  	v19 =	vld [tilespmem:s10+$0xFFFFFFC0];
	vm5 =	vlt.f32 v18, $0.0e+00;
	v18 =	vand.u32 $0x7FFFFFFF, v20;
	vm7 =	vlt.f32 v20, $0.0e+00  }
0xf2: {  	[tilespmem:v9+s7+$0x0] =	vst.idx.add.f32.msk vm1, v8;
	vm0 =	vmor vm0, vm5;
	v60 =	vmul.f32 $1.500000000e+01, v18;
	v6 =	vtrunc.f32 v6  }
0xf3: {  	v8 =	vsel vm7, $0x45800800, v0;
	vm1 =	vgt.f32 v21, $0.0e+00;
	v61 =	vcvt.f32.s32 v6;
	[tilespmem:v13+s2+$0x0] =	vst.idx.add.f32.msk vm15, v59  }
0xf4: {  	v6 =	vsel vm5, $0x45800800, v0;
	v62 =	vand.u32 $0x7FFFFFFF, v16;
	[tilespmem:v13+s7+$0x0] =	vst.idx.add.f32.msk vm15, v17;
	v13 =	vtrunc.f32 v60  }
0xf5: {  	vm5 =	vgt.f32 v16, $0.0e+00;
	vm6 =	vlt.f32 v16, $0.0e+00;
	v13 =	vcvt.f32.s32 v13  }
0xf6: {  	v10 =	vand.u32 $0x7FFFFFFF, v19;
	v7 =	vmul.f32 $1.500000000e+01, v62;
	vm3 =	vmor vm5, vm6;
	v17 =	vld [tilespmem:s8+$0x30]  }
0xf7: {  	v16 =	vld [tilespmem:s8+$0xFFFFFFE0];
	v63 =	vsel vm6, $0x45800800, v0;
	vm5 =	vgt.f32 v20, $0.0e+00;
	vm6 =	vlt.s32 v13, $0xE  }
0xf8: {  	[tilespmem:v14+s2+$0x0] =	vst.idx.add.f32.msk vm2, v15;
	v20 =	vand.u32 $0x7FFFFFFF, v21;
	vm12 =	vmor vm5, vm7;
	v13 =	vnsel vm6, $0xE, v13  }
0xf9: {  	[tilespmem:v14+s7+$0x0] =	vst.idx.add.f32.msk vm2, v12;
	vm2 =	vgt.f32 v19, $0.0e+00;
	v27 =	vmul.f32 $1.500000000e+01, v20;
	v13 =	vadd.s32 v4, v13  }
0xfa: {  	vm5 =	vlt.s32 v61, $0xE;
	vm7 =	vlt.f32 v21, $0.0e+00;
	v7 =	vtrunc.f32 v7  }
0xfb: {  	v29 =	vcvt.f32.s32 v7;
	v27 =	vtrunc.f32 v27;
	v28 =	vand.u32 $0x7FFFFFFF, v17  }
0xfc: {  	v7 =	vand.u32 $0x7FFFFFFF, v16;
	v27 =	vcvt.f32.s32 v27;
	v30 =	vmul.f32 $1.500000000e+01, v28  }
0xfd: {  	vm1 =	vmor vm1, vm7;
	vm6 =	vgt.f32 v16, $0.0e+00;
	v15 =	vmul.f32 $1.500000000e+01, v7  }
0xfe: {  	vm13 =	vlt.s32 v27, $0xE;
	v30 =	vtrunc.f32 v30;
	[tilespmem:v13+s2+$0x0] =	vst.idx.add.f32.msk vm12, v8;
	v8 =	vmul.f32 $1.500000000e+01, v10  }
0xff: {  	vm15 =	vgt.f32 v17, $0.0e+00;
	v9 =	vcvt.f32.s32 v30;
	[tilespmem:v13+s7+$0x0] =	vst.idx.add.f32.msk vm12, v18;
	v13 =	vnsel vm13, $0xE, v27  }
0x100: {  	vm12 =	vlt.f32 v17, $0.0e+00;
	v18 =	vsel vm7, $0x45800800, v0;
	v17 =	vld [tilespmem:s9+$0x20];
	v8 =	vtrunc.f32 v8  }
0x101: {  	vm14 =	vlt.s32 v9, $0xE;
	v13 =	vadd.s32 v3, v13;
	v8 =	vcvt.f32.s32 v8  }
0x102: {  	[tilespmem:v23+s2+$0x0] =	vst.idx.add.f32.msk vm4, v22;
	vm13 =	vmor vm15, vm12;
	vm15 =	vlt.s32 v29, $0xE;
	v9 =	vnsel vm14, $0xE, v9  }
0x103: {  	[tilespmem:v23+s7+$0x0] =	vst.idx.add.f32.msk vm4, v11;
	vm14 =	vlt.f32 v19, $0.0e+00;
	v9 =	vadd.s32 v1, v9;
	vm4 =	vlt.s32 v8, $0xE  }
0x104: {  	v12 =	vld [tilespmem:s11+$0xFFFFFFF0];
	vm2 =	vmor vm2, vm14;
	v11 =	vsel vm14, $0x45800800, v0;
	v8 =	vnsel vm4, $0xE, v8  }
0x105: {  	v14 =	vand.u32 $0x7FFFFFFF, v17;
	v19 =	vadd.s32 v3, v8;
	v8 =	vnsel vm15, $0xE, v29  }
0x106: {  	vm4 =	vlt.f32 v16, $0.0e+00;
	[tilespmem:v13+s2+$0x0] =	vst.idx.add.f32.msk vm1, v18;
	v18 =	vmul.f32 $1.500000000e+01, v14;
	v21 =	vadd.s32 v4, v8  }
0x107: {  	[tilespmem:v13+s7+$0x0] =	vst.idx.add.f32.msk vm1, v20;
	v8 =	vtrunc.f32 v15;
	v13 =	vsel vm12, $0x45800800, v0;
	vm1 =	vmor vm6, vm4  }
0x108: {  	v16 =	vcvt.f32.s32 v8;
	[tilespmem:v9+s2+$0x0] =	vst.idx.add.f32.msk vm13, v13;
	v13 =	vsel vm4, $0x45800800, v0;
	v15 =	vtrunc.f32 v18  }
0x109: {  	v8 =	vand.u32 $0x7FFFFFFF, v12;
	vm4 =	vgt.f32 v17, $0.0e+00;
	[tilespmem:v9+s7+$0x0] =	vst.idx.add.f32.msk vm13, v28;
	v15 =	vcvt.f32.s32 v15  }
0x10a: {  	v18 =	vld [tilespmem:s10+$0x10];
	v9 =	vnsel vm5, $0xE, v61;
	vm5 =	vlt.f32 v17, $0.0e+00;
	vm6 =	vlt.s32 v16, $0xE  }
0x10b: {  	vm4 =	vmor vm4, vm5;
	[tilespmem:v19+s2+$0x0] =	vst.idx.add.f32.msk vm2, v11;
	v11 =	vnsel vm6, $0xE, v16;
	vm7 =	vlt.s32 v15, $0xE  }
0x10c: {  	vm6 =	vlt.f32 v12, $0.0e+00;
	[tilespmem:v19+s7+$0x0] =	vst.idx.add.f32.msk vm2, v10;
	v16 =	vadd.s32 v2, v11;
	v10 =	vnsel vm7, $0xE, v15  }
0x10d: {  	v11 =	vmul.f32 $1.500000000e+01, v8;
	vm2 =	vgt.f32 v12, $0.0e+00;
	v20 =	vld [tilespmem:s10+$0xFFFFFFD0];
	v19 =	vadd.s32 v2, v10  }
0x10e: {  	vm0 =	vmmov vm0;
	[tilespmem:v21+s2+$0x0] =	vst.idx.add.f32.msk vm3, v63;
	vm2 =	vmor vm2, vm6  }
0x10f: {  	[tilespmem:v21+s7+$0x0] =	vst.idx.add.f32.msk vm3, v62;
	v10 =	vadd.s32 v1, v9;
	v17 =	vand.u32 $0x7FFFFFFF, v18;
	v9 =	vtrunc.f32 v11  }
0x110: {  	s12 =	simm.s32 $0x2C0;
	s11 =	simm.s32 $0x20;
	v12 =	vld [tilespmem:s9+$0xFFFFFFE0];
	v11 =	vsel vm6, $0x45800800, v0;
	v21 =	vmul.f32 $1.500000000e+01, v17;
	v9 =	vcvt.f32.s32 v9  }
.LBB2_1:
0x111: {  	v22 =	vld [tilespmem:s12+$0x0];
	v23 =	vsel vm5, $0x45800800, v0;
	vm5 =	vmmov vm0;
	vm0 =	vmmov vm2  }
0x112: {  	v15 =	vand.u32 $0x7FFFFFFF, v20;
	vm2 =	vgt.f32 v20, $0.0e+00;
	v21 =	vtrunc.f32 v21;
	[tilespmem:v19+s2+$0x0] =	vst.idx.add.f32.msk vm4, v23  }
0x113: {  	vm3 =	vlt.f32 v20, $0.0e+00;
	v20 =	vmul.f32 $1.500000000e+01, v15;
	v21 =	vcvt.f32.s32 v21;
	[tilespmem:v19+s7+$0x0] =	vst.idx.add.f32.msk vm4, v14  }
0x114: {  	vm2 =	vmor vm2, vm3;
	v23 =	vsel vm3, $0x45800800, v0;
	vm3 =	vlt.s32 v9, $0xE;
	v14 =	vld [tilespmem:s9+$0x30]  }
0x115: {  	vm6 =	vlt.f32 v18, $0.0e+00;
	vm4 =	vgt.f32 v18, $0.0e+00;
	v19 =	vld [tilespmem:s12+$0xFFFFFFC0];
	vm7 =	vlt.s32 v21, $0xE  }
0x116: {  	vm4 =	vmor vm4, vm6;
	v18 =	vand.u32 $0x7FFFFFFF, v22;
	v21 =	vnsel vm7, $0xE, v21;
	[tilespmem:v16+s2+$0x0] =	vst.idx.add.f32.msk vm1, v13  }
0x117: {  	v20 =	vtrunc.f32 v20;
	v13 =	vmul.f32 $1.500000000e+01, v18;
	v21 =	vadd.s32 v4, v21;
	[tilespmem:v16+s7+$0x0] =	vst.idx.add.f32.msk vm1, v7  }
0x118: {  	s11 =	sadd.s32 $0x8, s11;
	v16 =	vcvt.f32.s32 v20;
	v7 =	vand.u32 $0x7FFFFFFF, v12;
	vm1 =	vgt.f32 v12, $0.0e+00;
	v24 =	vld [tilespmem:s8+$0xFFFFFFF0];
	s8 =	smov.u32 s9;
	s9 =	smov.u32 s10  }
0x119: {  	p0 =	slt.u32 s11, $0xF78;
	v20 =	vmul.f32 $1.500000000e+01, v7;
	s10 =	smov.u32 s12;
	v13 =	vtrunc.f32 v13;
	v25 =	vand.u32 $0x7FFFFFFF, v14;
	[tilespmem:v10+s2+$0x0] =	vst.idx.add.f32.msk vm5, v6;
	v6 =	vmovc v11  }
0x11a: {  	v11 =	vand.u32 $0x7FFFFFFF, v19;
	v13 =	vcvt.f32.s32 v13;
	v26 =	vmul.f32 $1.500000000e+01, v25;
	[tilespmem:v10+s7+$0x0] =	vst.idx.add.f32.msk vm5, v5;
	v5 =	vmovc v8  }
0x11b: {  	vm7 =	vgt.f32 v19, $0.0e+00;
	v10 =	vsel vm6, $0x45800800, v0;
	v8 =	vmul.f32 $1.500000000e+01, v11  }
0x11c: {  	vm5 =	vgt.f32 v22, $0.0e+00;
	vm6 =	vlt.s32 v13, $0xE;
	[tilespmem:v21+s2+$0x0] =	vst.idx.add.f32.msk vm4, v10;
	v10 =	vtrunc.f32 v26  }
0x11d: {  	vm8 =	vlt.f32 v22, $0.0e+00;
	v13 =	vnsel vm6, $0xE, v13;
	[tilespmem:v21+s7+$0x0] =	vst.idx.add.f32.msk vm4, v17;
	v10 =	vcvt.f32.s32 v10  }
0x11e: {  	v8 =	vtrunc.f32 v8;
	vm6 =	vmor vm5, vm8;
	v13 =	vadd.s32 v3, v13;
	v17 =	vld [tilespmem:s9+$0x20]  }
0x11f: {  	vm9 =	vlt.f32 v14, $0.0e+00;
	vm4 =	vgt.f32 v14, $0.0e+00;
	vm10 =	vlt.s32 v10, $0xE  }
0x120: {  	v8 =	vcvt.f32.s32 v8;
	vm5 =	vmor vm4, vm9;
	v10 =	vnsel vm10, $0xE, v10  }
0x121: {  	vm11 =	vlt.s32 v16, $0xE;
	vm10 =	vlt.f32 v19, $0.0e+00;
	v10 =	vadd.s32 v1, v10  }
0x122: {  	vm4 =	vmor vm7, vm10;
	vm7 =	vlt.s32 v8, $0xE;
	v19 =	vsel vm10, $0x45800800, v0  }
0x123: {  	v21 =	vsel vm8, $0x45800800, v0;
	v8 =	vnsel vm7, $0xE, v8;
	v14 =	vand.u32 $0x7FFFFFFF, v17  }
0x124: {  	v22 =	vadd.s32 v3, v8;
	v8 =	vnsel vm11, $0xE, v16;
	[tilespmem:v13+s2+$0x0] =	vst.idx.add.f32.msk vm6, v21;
	v16 =	vmul.f32 $1.500000000e+01, v14  }
0x125: {  	v21 =	vadd.s32 v4, v8;
	v8 =	vtrunc.f32 v20;
	[tilespmem:v13+s7+$0x0] =	vst.idx.add.f32.msk vm6, v18;
	v13 =	vsel vm9, $0x45800800, v0  }
0x126: {  	vm6 =	vlt.f32 v12, $0.0e+00;
	v12 =	vcvt.f32.s32 v8;
	v16 =	vtrunc.f32 v16;
	[tilespmem:v10+s2+$0x0] =	vst.idx.add.f32.msk vm5, v13  }
0x127: {  	vm1 =	vmor vm1, vm6;
	v13 =	vsel vm6, $0x45800800, v0;
	v16 =	vcvt.f32.s32 v16;
	[tilespmem:v10+s7+$0x0] =	vst.idx.add.f32.msk vm5, v25  }
0x128: {  	v9 =	vnsel vm3, $0xE, v9;
	v8 =	vand.u32 $0x7FFFFFFF, v24;
	vm6 =	vlt.s32 v12, $0xE;
	v18 =	vld [tilespmem:s12+$0x10]  }
0x129: {  	vm3 =	vgt.f32 v17, $0.0e+00;
	vm5 =	vlt.f32 v17, $0.0e+00;
	[tilespmem:v22+s2+$0x0] =	vst.idx.add.f32.msk vm4, v19;
	vm7 =	vlt.s32 v16, $0xE  }
.Ltmp0:
0x12a: {  	[tilespmem:v22+s7+$0x0] =	vst.idx.add.f32.msk vm4, v11;
	vm4 =	vmor vm3, vm5;
	v10 =	vnsel vm7, $0xE, v16;
	v11 =	vnsel vm6, $0xE, v12;
	(pc) =	sbr.rel @p0 .LBB2_1-.Ltmp0, $4  }
0x12b: {  	v20 =	vld [tilespmem:s12+$0xFFFFFFD0];
	v19 =	vadd.s32 v2, v10;
	v16 =	vadd.s32 v2, v11;
	v11 =	vmul.f32 $1.500000000e+01, v8  }
0x12c: {  	vm3 =	vgt.f32 v24, $0.0e+00;
	vm6 =	vlt.f32 v24, $0.0e+00;
	v10 =	vadd.s32 v1, v9;
	[tilespmem:v21+s2+$0x0] =	vst.idx.add.f32.msk vm2, v23  }
0x12d: {  	v17 =	vand.u32 $0x7FFFFFFF, v18;
	[tilespmem:v21+s7+$0x0] =	vst.idx.add.f32.msk vm2, v15;
	vm2 =	vmor vm3, vm6;
	v9 =	vtrunc.f32 v11  }
0x12e: {  	s12 =	sadd.s32 $0x80, s12;
	v11 =	vsel vm6, $0x45800800, v0;
	v21 =	vmul.f32 $1.500000000e+01, v17;
	v12 =	vld [tilespmem:s9+$0xFFFFFFE0];
	v9 =	vcvt.f32.s32 v9  }
0x12f: {  	_ = 	snop  }
0x130: {  	v3 =	vtrunc.f32 v21  }
0x131: {  	v3 =	vcvt.f32.s32 v3;
	_ =	sdelay $0x1  }
0x132: {  	vm3 =	vgt.f32 v18, $0.0e+00;
	vm6 =	vlt.f32 v18, $0.0e+00;
	vm7 =	vlt.s32 v3, $0xE  }
0x133: {  	vm3 =	vmor vm3, vm6;
	v15 =	vand.u32 $0x7FFFFFFF, v20;
	v3 =	vnsel vm7, $0xE, v3  }
0x134: {  	v56 =	vmul.f32 $1.500000000e+01, v15;
	v3 =	vadd.s32 v4, v3;
	_ =	sdelay $0x1  }
0x135: {  	v18 =	vtrunc.f32 v56  }
0x136: {  	v60 =	vsel vm5, $0x45800800, v0;
	[tilespmem:v16+s2+$0x0] =	vst.idx.add.f32.msk vm1, v13;
	v18 =	vcvt.f32.s32 v18  }
0x137: {  	v57 =	vsel vm6, $0x45800800, v0;
	[tilespmem:v19+s2+$0x0] =	vst.idx.add.f32.msk vm4, v60  }
0x138: {  	vm9 =	vgt.f32 v20, $0.0e+00;
	vm10 =	vlt.f32 v20, $0.0e+00;
	vm11 =	vlt.s32 v18, $0xE;
	[tilespmem:v3+s2+$0x0] =	vst.idx.add.f32.msk vm3, v57  }
0x139: {  	v58 =	vnsel vm11, $0xE, v18;
	[tilespmem:v3+s7+$0x0] =	vst.idx.add.f32.msk vm3, v17;
	vm3 =	vmor vm9, vm10  }
0x13a: {  	[tilespmem:v16+s7+$0x0] =	vst.idx.add.f32.msk vm1, v7;
	v59 =	vadd.s32 v4, v58  }
0x13b: {  	[tilespmem:v19+s7+$0x0] =	vst.idx.add.f32.msk vm4, v14  }
0x13c: {  	v63 =	vld [tilespmem:s9+$0x30]  }
0x13d: {  	v3 =	vld [tilespmem:s10+$0x20]  }
0x13e: {  	v62 =	vsel vm10, $0x45800800, v0;
	v34 =	vld [tilespmem:s8+$0xFFFFFFF0]  }
0x13f: {  	[tilespmem:v59+s2+$0x0] =	vst.idx.add.f32.msk vm3, v62  }
0x140: {  	v27 =	vand.u32 $0x7FFFFFFF, v12;
	[tilespmem:v59+s7+$0x0] =	vst.idx.add.f32.msk vm3, v15  }
0x141: {  	v28 =	vmul.f32 $1.500000000e+01, v27;
	v15 =	vld [tilespmem:s10+$0xFFFFFFE0]  }
0x142: {  	vm5 =	vlt.f32 v12, $0.0e+00;
	v29 =	vand.u32 $0x7FFFFFFF, v63;
	v61 =	vand.u32 $0x7FFFFFFF, v3  }
0x143: {  	vm12 =	vgt.f32 v3, $0.0e+00;
	vm13 =	vlt.f32 v3, $0.0e+00;
	v3 =	vtrunc.f32 v28  }
0x144: {  	vm9 =	vgt.f32 v12, $0.0e+00;
	v24 =	vmul.f32 $1.500000000e+01, v61;
	v3 =	vcvt.f32.s32 v3  }
0x145: {  	v38 =	vand.u32 $0x7FFFFFFF, v34;
	v30 =	vmul.f32 $1.500000000e+01, v29;
	vm1 =	vmor vm9, vm5  }
0x146: {  	v25 =	vtrunc.f32 v24;
	vm10 =	vlt.s32 v3, $0xE;
	v31 =	vand.u32 $0x7FFFFFFF, v15  }
0x147: {  	v26 =	vcvt.f32.s32 v25;
	v3 =	vnsel vm10, $0xE, v3;
	v32 =	vmul.f32 $1.500000000e+01, v31  }
0x148: {  	v37 =	vsel vm5, $0x45800800, v0;
	v40 =	vmul.f32 $1.500000000e+01, v38;
	v3 =	vadd.s32 v2, v3  }
0x149: {  	v33 =	vtrunc.f32 v30;
	vm14 =	vlt.s32 v26, $0xE;
	v13 =	vtrunc.f32 v32  }
0x14a: {  	vm15 =	vmor vm12, vm13;
	v4 =	vnsel vm14, $0xE, v26;
	v13 =	vcvt.f32.s32 v13  }
0x14b: {  	v7 =	vcvt.f32.s32 v33;
	v35 =	vsel vm13, $0x45800800, v0;
	v4 =	vadd.s32 v2, v4  }
0x14c: {  	vm11 =	vgt.f32 v15, $0.0e+00;
	vm12 =	vlt.f32 v15, $0.0e+00;
	vm13 =	vlt.s32 v13, $0xE  }
0x14d: {  	vm9 =	vlt.s32 v7, $0xE;
	vm8 =	vmor vm11, vm12;
	[tilespmem:v3+s2+$0x0] =	vst.idx.add.f32.msk vm1, v37;
	v13 =	vnsel vm13, $0xE, v13  }
0x14e: {  	v45 =	vtrunc.f32 v40;
	v7 =	vnsel vm9, $0xE, v7;
	[tilespmem:v3+s7+$0x0] =	vst.idx.add.f32.msk vm1, v27;
	v36 =	vadd.s32 v2, v13  }
0x14f: {  	vm0 =	vmmov vm0;
	v12 =	vcvt.f32.s32 v45;
	v7 =	vadd.s32 v1, v7;
	v42 =	vld [tilespmem:s9+$0xFFFFFFF0]  }
0x150: {  	vm3 =	vmmov vm2;
	vm10 =	vlt.f32 v63, $0.0e+00;
	vm14 =	vlt.s32 v9, $0xE;
	[tilespmem:v4+s2+$0x0] =	vst.idx.add.f32.msk vm15, v35  }
0x151: {  	vm3 =	vmmov vm3;
	v39 =	vsel vm10, $0x45800800, v0;
	v9 =	vnsel vm14, $0xE, v9;
	[tilespmem:v4+s7+$0x0] =	vst.idx.add.f32.msk vm15, v61  }
0x152: {  	v44 =	vsel vm12, $0x45800800, v0;
	vm11 =	vgt.f32 v34, $0.0e+00;
	vm12 =	vlt.s32 v12, $0xE;
	v4 =	vld [tilespmem:s10+$0x30]  }
0x153: {  	v9 =	vadd.s32 v1, v9;
	v12 =	vnsel vm12, $0xE, v12;
	vm1 =	vlt.f32 v34, $0.0e+00;
	[tilespmem:v36+s2+$0x0] =	vst.idx.add.f32.msk vm8, v44  }
0x154: {  	v55 =	vadd.s32 v1, v12;
	vm4 =	vmor vm11, vm1;
	vm15 =	vgt.f32 v63, $0.0e+00;
	[tilespmem:v36+s7+$0x0] =	vst.idx.add.f32.msk vm8, v31  }
0x155: {  	vm5 =	vmmov vm4;
	vm2 =	vmor vm15, vm10;
	v49 =	vand.u32 $0x7FFFFFFF, v42;
	v48 =	vld [tilespmem:s10+$0xFFFFFFF0]  }
0x156: {  	vm10 =	vgt.f32 v42, $0.0e+00;
	vm7 =	vlt.f32 v42, $0.0e+00;
	v50 =	vmul.f32 $1.500000000e+01, v49  }
0x157: {  	[tilespmem:v10+s2+$0x0] =	vst.idx.add.f32.msk vm0, v6;
	vm5 =	vmmov vm5;
	vm11 =	vmor vm10, vm7;
	v41 =	vand.u32 $0x7FFFFFFF, v4  }
0x158: {  	[tilespmem:v10+s7+$0x0] =	vst.idx.add.f32.msk vm0, v5;
	vm0 =	vmmov vm11;
	v17 =	vtrunc.f32 v50;
	v43 =	vmul.f32 $1.500000000e+01, v41  }
0x159: {  	vm13 =	vgt.f32 v4, $0.0e+00;
	vm14 =	vlt.f32 v4, $0.0e+00;
	v53 =	vcvt.f32.s32 v17  }
0x15a: {  	vm0 =	vmmov vm0;
	v46 =	vtrunc.f32 v43;
	v52 =	vand.u32 $0x7FFFFFFF, v48  }
0x15b: {  	vm12 =	vlt.s32 v53, $0xE;
	v47 =	vcvt.f32.s32 v46;
	v54 =	vmul.f32 $1.500000000e+01, v52  }
0x15c: {  	vm4 =	vmor vm13, vm14;
	v51 =	vsel vm14, $0x45800800, v0;
	v6 =	vnsel vm12, $0xE, v53  }
0x15d: {  	[tilespmem:v9+s2+$0x0] =	vst.idx.add.f32.msk vm3, v11;
	v6 =	vadd.s32 v1, v6;
	vm15 =	vlt.s32 v47, $0xE;
	v56 =	vtrunc.f32 v54  }
0x15e: {  	[tilespmem:v7+s2+$0x0] =	vst.idx.add.f32.msk vm2, v39;
	vm13 =	vgt.f32 v48, $0.0e+00;
	vm14 =	vlt.f32 v48, $0.0e+00;
	v57 =	vcvt.f32.s32 v56  }
0x15f: {  	v58 =	vsel vm1, $0x45800800, v0;
	[tilespmem:v7+s7+$0x0] =	vst.idx.add.f32.msk vm2, v29;
	v2 =	vnsel vm15, $0xE, v47;
	vm2 =	vmor vm13, vm14  }
0x160: {  	[tilespmem:v9+s7+$0x0] =	vst.idx.add.f32.msk vm3, v8;
	v2 =	vadd.s32 v1, v2;
	vm2 =	vmmov vm2;
	vm15 =	vlt.s32 v57, $0xE  }
0x161: {  	[tilespmem:v55+s2+$0x0] =	vst.idx.add.f32.msk vm5, v58;
	vm2 =	vmmov vm2;
	v7 =	vnsel vm15, $0xE, v57  }
0x162: {  	v60 =	vsel vm7, $0x45800800, v0;
	[tilespmem:v55+s7+$0x0] =	vst.idx.add.f32.msk vm5, v38;
	v59 =	vadd.s32 v1, v7  }
0x163: {  	[tilespmem:v6+s2+$0x0] =	vst.idx.add.f32.msk vm0, v60  }
0x164: {  	[tilespmem:v6+s7+$0x0] =	vst.idx.add.f32.msk vm0, v49  }
0x165: {  	[tilespmem:v2+s2+$0x0] =	vst.idx.add.f32.msk vm4, v51  }
0x166: {  	v61 =	vsel vm14, $0x45800800, v0;
	[tilespmem:v2+s7+$0x0] =	vst.idx.add.f32.msk vm4, v41  }
0x167: {  	[tilespmem:v59+s2+$0x0] =	vst.idx.add.f32.msk vm2, v61  }
0x168: {  	[tilespmem:v59+s7+$0x0] =	vst.idx.add.f32.msk vm2, v52  }
0x169: {  	v0 =	vld [tilespmem:$0xF800]  }
0x16a: {  	v4 =	vld [tilespmem:$0xFC00]  }
0x16b: {  	v1 =	vld [tilespmem:$0xF900]  }
0x16c: {  	v5 =	vld [tilespmem:$0xFD00]  }
0x16d: {  	v2 =	vld [tilespmem:$0xFA00]  }
0x16e: {  	v10 =	vld [tilespmem:$0xFE00]  }
0x16f: {  	v6 =	vld [tilespmem:$0xFB00]  }
0x170: {  	v11 =	vld [tilespmem:$0xFF00]  }
0x171: {  	v8 =	vld [tilespmem:$0xF810]  }
0x172: {  	v12 =	vld [tilespmem:$0xFC10]  }
0x173: {  	v13 =	vld [tilespmem:$0xF910]  }
0x174: {  	v14 =	vld [tilespmem:$0xFD10]  }
0x175: {  	v15 =	vld [tilespmem:$0xFA10]  }
0x176: {  	v16 =	vld [tilespmem:$0xFE10]  }
0x177: {  	v17 =	vld [tilespmem:$0xFB10]  }
0x178: {  	v18 =	vld [tilespmem:$0xFF10]  }
0x179: {  	v19 =	vld [tilespmem:$0xF820]  }
0x17a: {  	v20 =	vld [tilespmem:$0xFC20]  }
0x17b: {  	v21 =	vld [tilespmem:$0xF920]  }
0x17c: {  	v22 =	vld [tilespmem:$0xFD20]  }
0x17d: {  	v23 =	vld [tilespmem:$0xFA20]  }
0x17e: {  	v24 =	vld [tilespmem:$0xFE20]  }
0x17f: {  	v25 =	vld [tilespmem:$0xFB20]  }
0x180: {  	v26 =	vld [tilespmem:$0xFF20]  }
0x181: {  	v27 =	vld [tilespmem:$0xF830]  }
0x182: {  	v28 =	vld [tilespmem:$0xFC30]  }
0x183: {  	v29 =	vld [tilespmem:$0xF930]  }
0x184: {  	v30 =	vld [tilespmem:$0xFD30]  }
0x185: {  	v31 =	vld [tilespmem:$0xFA30]  }
0x186: {  	v32 =	vld [tilespmem:$0xFE30]  }
0x187: {  	v33 =	vld [tilespmem:$0xFB30]  }
0x188: {  	v34 =	vld [tilespmem:$0xFF30]  }
0x189: {  	v35 =	vld [tilespmem:$0xF840]  }
0x18a: {  	v36 =	vld [tilespmem:$0xFC40]  }
0x18b: {  	v37 =	vld [tilespmem:$0xF940]  }
0x18c: {  	v38 =	vld [tilespmem:$0xFD40]  }
0x18d: {  	v39 =	vld [tilespmem:$0xFA40]  }
0x18e: {  	v40 =	vld [tilespmem:$0xFE40]  }
0x18f: {  	v41 =	vld [tilespmem:$0xFB40]  }
0x190: {  	v42 =	vld [tilespmem:$0xFF40]  }
0x191: {  	v43 =	vld [tilespmem:$0xF850]  }
0x192: {  	v44 =	vld [tilespmem:$0xFC50]  }
0x193: {  	v45 =	vld [tilespmem:$0xF950]  }
0x194: {  	v46 =	vld [tilespmem:$0xFD50]  }
0x195: {  	v47 =	vld [tilespmem:$0xFA50]  }
0x196: {  	v48 =	vld [tilespmem:$0xFE50]  }
0x197: {  	v49 =	vld [tilespmem:$0xFB50]  }
0x198: {  	v7 =	vld [tilespmem:$0xFF50]  }
0x199: {  	v50 =	vld [tilespmem:$0xF860]  }
0x19a: {  	v51 =	vld [tilespmem:$0xFC60]  }
0x19b: {  	v52 =	vld [tilespmem:$0xF960]  }
0x19c: {  	v53 =	vld [tilespmem:$0xFD60]  }
0x19d: {  	v54 =	vld [tilespmem:$0xFA60]  }
0x19e: {  	v55 =	vld [tilespmem:$0xFE60]  }
0x19f: {  	v56 =	vld [tilespmem:$0xFB60]  }
0x1a0: {  	v9 =	vld [tilespmem:$0xFF60]  }
0x1a1: {  	v57 =	vld [tilespmem:$0xF870]  }
0x1a2: {  	v3 =	vld [tilespmem:$0xFC70]  }
0x1a3: {  	v58 =	vld [tilespmem:$0xF970]  }
0x1a4: {  	v60 =	vld [tilespmem:$0xFA70]  }
0x1a5: {  	v0 =	vadd.f32 v1, v0;
	v1 =	vld [tilespmem:$0xFE70]  }
0x1a6: {  	v62 =	vadd.f32 v13, v8;
	v13 =	vld [tilespmem:$0xFB70]  }
0x1a7: {  	v21 =	vadd.f32 v21, v19;
	v19 =	vld [tilespmem:$0xF880]  }
0x1a8: {  	v12 =	vadd.f32 v14, v12;
	v14 =	vld [tilespmem:$0xFA80]  }
0x1a9: {  	v4 =	vadd.f32 v5, v4;
	v27 =	vadd.f32 v29, v27;
	v5 =	vld [tilespmem:$0xFE80]  }
0x1aa: {  	v45 =	vadd.f32 v45, v43;
	v43 =	vld [tilespmem:$0xFB90];
	v28 =	vadd.f32 v30, v28  }
0x1ab: {  	v44 =	vadd.f32 v46, v44;
	v46 =	vld [tilespmem:$0xFEA0];
	v0 =	vadd.f32 v2, v0  }
0x1ac: {  	v2 =	vadd.f32 v15, v62;
	v15 =	vadd.f32 v23, v21;
	v23 =	vld [tilespmem:$0xF980]  }
0x1ad: {  	v4 =	vadd.f32 v10, v4;
	v59 =	vadd.f32 v6, v0;
	v6 =	vld [tilespmem:$0xFD70]  }
0x1ae: {  	v28 =	vadd.f32 v32, v28;
	v17 =	vadd.f32 v17, v2;
	v2 =	vld [tilespmem:$0xFC80]  }
0x1af: {  	v29 =	vadd.f32 v11, v4;
	v11 =	vadd.f32 v16, v12;
	v4 =	vld [tilespmem:$0xFF80]  }
0x1b0: {  	v28 =	vadd.f32 v34, v28;
	v34 =	vld [tilespmem:$0xFDA0]  }
0x1b1: {  	v0 =	vmul.f32 $2.441406250e-04, v59;
	v18 =	vadd.f32 v18, v11;
	v11 =	vld [tilespmem:$0xFF90]  }
0x1b2: {  	v15 =	vadd.f32 v25, v15;
	v61 =	vmul.f32 $2.441406250e-04, v17;
	[tilespmem:$0x10230] =	vst v28;
	v28 =	vld [tilespmem:$0xFCD0]  }
0x1b3: {  	v19 =	vadd.f32 v23, v19;
	v23 =	vld [tilespmem:$0xF8B0];
	v63 =	vtrunc.f32 v0  }
0x1b4: {  	v0 =	vld [tilespmem:$0xFF70];
	v25 =	vtrunc.f32 v61;
	v61 =	vmul.f32 $2.441406250e-04, v15  }
0x1b5: {  	v8 =	vcvt.f32.s32 v63;
	v14 =	vadd.f32 v14, v19;
	v19 =	vld [tilespmem:$0xF9B0]  }
0x1b6: {  	v63 =	vadd.f32 v31, v27;
	v62 =	vtrunc.f32 v61;
	v61 =	vadd.f32 v37, v35;
	v35 =	vld [tilespmem:$0xF890]  }
0x1b7: {  	v20 =	vadd.f32 v22, v20;
	v37 =	vld [tilespmem:$0xFA90]  }
0x1b8: {  	v3 =	vadd.f32 v6, v3;
	v21 =	vcvt.s32.f32 v8;
	v8 =	vld [tilespmem:$0xFD80];
	v16 =	vadd.f32 v33, v63  }
0x1b9: {  	v12 =	vcvt.f32.s32 v62;
	v33 =	vld [tilespmem:$0xF990];
	v63 =	vadd.f32 v24, v20;
	v20 =	vadd.f32 v47, v45  }
0x1ba: {  	v45 =	vld [tilespmem:$0xF8A0];
	v1 =	vadd.f32 v1, v3;
	v31 =	vadd.f32 v39, v61;
	v10 =	vmul.f32 $4.096000000e+03, v21  }
0x1bb: {  	v47 =	vld [tilespmem:$0xF9A0];
	v61 =	vmul.f32 $2.441406250e-04, v16;
	v26 =	vadd.f32 v26, v63;
	v20 =	vadd.f32 v49, v20  }
0x1bc: {  	v24 =	vld [tilespmem:$0xFD90];
	v0 =	vadd.f32 v0, v1;
	v59 =	vsub.f32 v59, v10;
	v10 =	vcvt.f32.s32 v25  }
0x1bd: {  	v39 =	vld [tilespmem:$0xFE90];
	v31 =	vadd.f32 v41, v31;
	v19 =	vadd.f32 v19, v23;
	v63 =	vtrunc.f32 v61  }
0x1be: {  	v25 =	vld [tilespmem:$0xFB80];
	v61 =	vcvt.f32.s32 v63;
	v63 =	vadd.f32 v52, v50;
	v27 =	vcvt.s32.f32 v10  }
0x1bf: {  	v12 =	vcvt.s32.f32 v12;
	v50 =	vadd.f32 v38, v36;
	v36 =	vld [tilespmem:$0xFCA0];
	v2 =	vadd.f32 v8, v2  }
0x1c0: {  	v47 =	vadd.f32 v47, v45;
	v8 =	vld [tilespmem:$0xFDC0];
	v22 =	vcvt.s32.f32 v61;
	v62 =	vmul.f32 $4.096000000e+03, v27  }
0x1c1: {  	v10 =	vld [tilespmem:$0xFC90];
	v32 =	vadd.f32 v40, v50;
	v2 =	vadd.f32 v5, v2  }
0x1c2: {  	v50 =	vld [tilespmem:$0xFCB0];
	v52 =	vmul.f32 $4.096000000e+03, v22;
	v17 =	vsub.f32 v17, v62;
	v62 =	vmul.f32 $4.096000000e+03, v12  }
0x1c3: {  	v41 =	vmul.f32 $2.441406250e-04, v31;
	[tilespmem:$0x10110] =	vst v27;
	v27 =	vld [tilespmem:$0xFEC0];
	v32 =	vadd.f32 v42, v32;
	v14 =	vadd.f32 v25, v14  }
0x1c4: {  	v25 =	vld [tilespmem:$0xFAB0];
	v16 =	vsub.f32 v16, v52;
	v15 =	vsub.f32 v15, v62  }
0x1c5: {  	[tilespmem:$0x10200] =	vst v29;
	v52 =	vld [tilespmem:$0xFBA0];
	v62 =	vtrunc.f32 v41;
	v41 =	vadd.f32 v54, v63;
	v54 =	vmul.f32 $2.441406250e-04, v20  }
0x1c6: {  	v2 =	vadd.f32 v4, v2;
	[tilespmem:$0x10240] =	vst v32;
	v32 =	vld [tilespmem:$0xFAD0];
	v63 =	vadd.f32 v48, v44;
	v30 =	vcvt.f32.s32 v62  }
0x1c7: {  	[tilespmem:$0x10210] =	vst v18;
	v44 =	vld [tilespmem:$0xFFA0];
	v62 =	vadd.f32 v58, v57;
	v40 =	vadd.f32 v56, v41;
	v38 =	vtrunc.f32 v54  }
0x1c8: {  	[tilespmem:$0x10100] =	vst v21;
	v48 =	vld [tilespmem:$0xFDB0];
	v7 =	vadd.f32 v7, v63;
	v63 =	vadd.f32 v33, v35;
	v30 =	vcvt.s32.f32 v30  }
0x1c9: {  	[tilespmem:$0x10030] =	vst v16;
	v16 =	vld [tilespmem:$0xFCC0];
	v38 =	vcvt.f32.s32 v38;
	v54 =	vadd.f32 v60, v62;
	v62 =	vmul.f32 $2.441406250e-04, v14  }
0x1ca: {  	[tilespmem:$0x10120] =	vst v12;
	v41 =	vld [tilespmem:$0xFAA0];
	v25 =	vadd.f32 v25, v19;
	v61 =	vmul.f32 $2.441406250e-04, v40;
	v56 =	vmul.f32 $4.096000000e+03, v30  }
0x1cb: {  	[tilespmem:$0x10220] =	vst v26;
	v33 =	vld [tilespmem:$0xFBB0];
	v21 =	vcvt.s32.f32 v38;
	v13 =	vadd.f32 v13, v54;
	v42 =	vtrunc.f32 v62  }
0x1cc: {  	[tilespmem:$0x10020] =	vst v15;
	v15 =	vld [tilespmem:$0xFFB0];
	v62 =	vadd.f32 v24, v10;
	v49 =	vtrunc.f32 v61;
	v31 =	vsub.f32 v31, v56  }
0x1cd: {  	[tilespmem:$0x10140] =	vst v30;
	v30 =	vld [tilespmem:$0xF9D0];
	v56 =	vadd.f32 v53, v51;
	v49 =	vcvt.f32.s32 v49;
	v57 =	vmul.f32 $4.096000000e+03, v21  }
0x1ce: {  	[tilespmem:$0x10000] =	vst v59;
	v59 =	vmul.f32 $2.441406250e-04, v13;
	v53 =	vcvt.f32.s32 v42;
	v4 =	vadd.f32 v39, v62;
	v39 =	vld [tilespmem:$0xF8E0]  }
0x1cf: {  	[tilespmem:$0x10270] =	vst v0;
	v54 =	vadd.f32 v41, v47;
	v42 =	vld [tilespmem:$0xF9E0];
	v58 =	vadd.f32 v55, v56;
	v38 =	vcvt.s32.f32 v49  }
0x1d0: {  	[tilespmem:$0x10010] =	vst v17;
	v17 =	vsub.f32 v20, v57;
	v61 =	vtrunc.f32 v59;
	v49 =	vld [tilespmem:$0xF8C0];
	v6 =	vcvt.s32.f32 v53  }
0x1d1: {  	[tilespmem:$0x10130] =	vst v22;
	v55 =	vld [tilespmem:$0xF9C0];
	v22 =	vadd.f32 v52, v54;
	v4 =	vadd.f32 v11, v4;
	v35 =	vcvt.f32.s32 v61  }
0x1d2: {  	[tilespmem:$0x10280] =	vst v2;
	v47 =	vld [tilespmem:$0xFAE0];
	v9 =	vadd.f32 v9, v58;
	v60 =	vmul.f32 $4.096000000e+03, v38;
	v59 =	vmul.f32 $4.096000000e+03, v6  }
0x1d3: {  	v20 =	vld [tilespmem:$0xFEB0];
	[tilespmem:$0x10050] =	vst v17;
	v17 =	vadd.f32 v33, v25;
	v51 =	vcvt.s32.f32 v35;
	v35 =	vadd.f32 v34, v36  }
0x1d4: {  	[tilespmem:$0x10250] =	vst v7;
	v58 =	vld [tilespmem:$0xFAC0];
	v12 =	vsub.f32 v40, v60;
	v40 =	vadd.f32 v37, v63  }
0x1d5: {  	[tilespmem:$0x10040] =	vst v31;
	v52 =	vld [tilespmem:$0xF8F0];
	v60 =	vmul.f32 $2.441406250e-04, v22;
	v5 =	vsub.f32 v14, v59;
	v41 =	vmul.f32 $2.441406250e-04, v17  }
0x1d6: {  	v61 =	vld [tilespmem:$0xFBC0];
	[tilespmem:$0x10160] =	vst v38;
	v56 =	vmul.f32 $4.096000000e+03, v51;
	v38 =	vadd.f32 v55, v49;
	v18 =	vadd.f32 v43, v40  }
0x1d7: {  	v63 =	vld [tilespmem:$0xF8D0];
	v24 =	vtrunc.f32 v60;
	[tilespmem:$0x10060] =	vst v12;
	v40 =	vadd.f32 v46, v35;
	v12 =	vadd.f32 v42, v39  }
0x1d8: {  	[tilespmem:$0x10170] =	vst v51;
	v55 =	vld [tilespmem:$0xF9F0];
	v51 =	vtrunc.f32 v41;
	v35 =	vadd.f32 v8, v16;
	v13 =	vsub.f32 v13, v56  }
0x1d9: {  	v25 =	vld [tilespmem:$0xFBF0];
	[tilespmem:$0x10260] =	vst v9;
	v31 =	vcvt.f32.s32 v24;
	v46 =	vadd.f32 v58, v38;
	v9 =	vcvt.f32.s32 v51  }
0x1da: {  	[tilespmem:$0x10150] =	vst v21;
	v33 =	vld [tilespmem:$0xFED0];
	v56 =	vadd.f32 v48, v50;
	v57 =	vmul.f32 $2.441406250e-04, v18;
	v49 =	vadd.f32 v44, v40  }
0x1db: {  	[tilespmem:$0x10180] =	vst v6;
	v60 =	vld [tilespmem:$0xFAF0];
	v12 =	vadd.f32 v47, v12;
	v40 =	vadd.f32 v27, v35;
	v7 =	vcvt.s32.f32 v31  }
0x1dc: {  	[tilespmem:$0x10290] =	vst v4;
	v36 =	vld [tilespmem:$0xFBD0];
	v10 =	vadd.f32 v30, v63;
	v54 =	vadd.f32 v61, v46;
	v58 =	vcvt.s32.f32 v9  }
0x1dd: {  	[tilespmem:$0x10080] =	vst v5;
	v61 =	vadd.f32 v20, v56;
	v31 =	vld [tilespmem:$0xFDD0];
	v1 =	vtrunc.f32 v57;
	v11 =	vadd.f32 v55, v52  }
0x1de: {  	[tilespmem:$0x10070] =	vst v13;
	v57 =	vld [tilespmem:$0xFBE0];
	v1 =	vcvt.f32.s32 v1;
	v45 =	vmul.f32 $4.096000000e+03, v7;
	v10 =	vadd.f32 v32, v10  }
0x1df: {  	v63 =	vld [tilespmem:$0xFFC0];
	[tilespmem:$0x102A0] =	vst v49;
	v59 =	vmul.f32 $2.441406250e-04, v54;
	v24 =	vmul.f32 $4.096000000e+03, v58;
	v2 =	vadd.f32 v15, v61  }
0x1e0: {  	v47 =	vld [tilespmem:$0xFCF0];
	[tilespmem:$0x101A0] =	vst v7;
	v11 =	vadd.f32 v60, v11;
	v1 =	vcvt.s32.f32 v1;
	v53 =	vsub.f32 v22, v45  }
0x1e1: {  	v49 =	vld [tilespmem:$0xFDF0];
	[tilespmem:$0x101B0] =	vst v58;
	v62 =	vadd.f32 v36, v10;
	v9 =	vtrunc.f32 v59;
	v30 =	vsub.f32 v17, v24  }
0x1e2: {  	v36 =	vld [tilespmem:$0xFFD0];
	[tilespmem:$0x102B0] =	vst v2;
	v26 =	vcvt.f32.s32 v9;
	v11 =	vadd.f32 v25, v11;
	v45 =	vadd.f32 v31, v28  }
0x1e3: {  	v37 =	vmul.f32 $4.096000000e+03, v1;
	[tilespmem:$0x10190] =	vst v1;
	v29 =	vmul.f32 $2.441406250e-04, v62;
	v12 =	vadd.f32 v57, v12  }
0x1e4: {  	v39 =	vld [tilespmem:$0xFCE0];
	v4 =	vadd.f32 v63, v40;
	[tilespmem:$0x100A0] =	vst v53;
	v32 =	vcvt.s32.f32 v26;
	v44 =	vmul.f32 $2.441406250e-04, v11  }
0x1e5: {  	[tilespmem:$0x100B0] =	vst v30;
	v57 =	vld [tilespmem:$0xFEF0];
	v51 =	vadd.f32 v33, v45;
	v43 =	vsub.f32 v18, v37;
	v37 =	vmul.f32 $2.441406250e-04, v12  }
0x1e6: {  	v42 =	vld [tilespmem:$0xFDE0];
	v61 =	vadd.f32 v49, v47;
	[tilespmem:$0x102C0] =	vst v4;
	v34 =	vtrunc.f32 v29;
	v38 =	vmul.f32 $4.096000000e+03, v32  }
0x1e7: {  	v60 =	vld [tilespmem:$0xFFF0];
	v14 =	vcvt.f32.s32 v34;
	[tilespmem:$0x101C0] =	vst v32;
	v0 =	vadd.f32 v36, v51;
	v16 =	vtrunc.f32 v37  }
0x1e8: {  	v50 =	vtrunc.f32 v44;
	[tilespmem:$0x10090] =	vst v43;
	v43 =	vld [tilespmem:$0xFEE0];
	v3 =	vsub.f32 v54, v38;
	v16 =	vcvt.f32.s32 v16  }
0x1e9: {  	v41 =	vcvt.s32.f32 v14;
	v54 =	vcvt.f32.s32 v50;
	[tilespmem:$0x102D0] =	vst v0  }
0x1ea: {  	v53 =	vld [tilespmem:$0xFFE0];
	v0 =	vadd.f32 v57, v61;
	[tilespmem:$0x100C0] =	vst v3;
	v48 =	vcvt.s32.f32 v16  }
0x1eb: {  	v55 =	vadd.f32 v42, v39;
	v46 =	vmul.f32 $4.096000000e+03, v41;
	v58 =	vcvt.s32.f32 v54;
	[tilespmem:$0x101D0] =	vst v41  }
0x1ec: {  	v0 =	vadd.f32 v60, v0;
	v56 =	vmul.f32 $4.096000000e+03, v48;
	[tilespmem:$0x101E0] =	vst v48  }
0x1ed: {  	v52 =	vsub.f32 v62, v46;
	v4 =	vadd.f32 v43, v55;
	[tilespmem:$0x101F0] =	vst v58  }
0x1ee: {  	v62 =	vmul.f32 $4.096000000e+03, v58;
	[tilespmem:$0x102F0] =	vst v0;
	v59 =	vsub.f32 v12, v56  }
0x1ef: {  	[tilespmem:$0x100D0] =	vst v52;
	v2 =	vadd.f32 v53, v4  }
0x1f0: {  	v63 =	vsub.f32 v11, v62;
	[tilespmem:$0x100E0] =	vst v59  }
0x1f1: {  	s25 =	sshll.u32 s3, $0x8;
	[tilespmem:$0x102E0] =	vst v2  }
0x1f2: {  	s28 =	simm.s32 $0x10000;
	s26 =	sadd.s32 s25, s6;
	s2 =	simm.s32 $0x1;
	[tilespmem:$0x100F0] =	vst v63  }
0x1f3: {  	[spmem:s26] =	stream.linear.scatter [tilespmem:s28], [sflag:$0x1], $0x100, $0x38;
	[tilespmem:$0x10680] =	vst v63  }
0x1f4: {  	_ =	swait.ge [sflag:s2], $0x100  }
0x1f5: {  	[sflag:s2] =	ssyncset.done $0x0  }
0x1f6: {  	s30 =	simm.s32 $0x10200;
	s29 =	sadd.s32 s25, s5;
	[sflag:s2] =	ssyncadd.s32 $0xFFFFFF00  }
0x1f7: {  	[spmem:s29] =	stream.linear.scatter [tilespmem:s30], [sflag:$0x1], $0x100, $0x38;
	[tilespmem:$0x10680] =	vst v63  }
0x1f8: {  	_ =	swait.ge [sflag:s2], $0x100  }
0x1f9: {  	[sflag:s2] =	ssyncset.done $0x0  }
0x1fa: {  	s31 =	simm.s32 $0x10100;
	s7 =	sadd.s32 s25, s4;
	[sflag:s2] =	ssyncadd.s32 $0xFFFFFF00  }
0x1fb: {  	[spmem:s7] =	stream.linear.scatter [tilespmem:s31], [sflag:$0x1], $0x100, $0x38;
	[tilespmem:$0x10680] =	vst v63  }
0x1fc: {  	_ =	swait.ge [sflag:s2], $0x100  }
0x1fd: {  	[sflag:s2] =	ssyncset.done $0x0  }
0x1fe: {  	[sflag:s2] =	ssyncadd.s32 $0xFFFFFF00  }
0x1ff: {  	p0 =	sne.s32 s3, $0x0;
	[bflag:$0x0] =	sbarrier.arrive $0xFFFF  }
0x200: {  	_ =	sfence.sel @p0 $0x180000  }
0x201: {  	[bflag:$0x0] =	sbarrier.arrive @p0 $0xFFFF  }
0x202: {  	_ =	strace @p0 $0x90000047  }
0x203: {  	[bflag:$0x2] =	sbarrier.arrive @p0 $0xFFFF  }
0x204: {  	_ =	shalt @p0  }
.LBB2_3:
0x205: {  	s3 =	simm.s32 $0x0  }
0x206: {  	[tilespmem:s3], [sflag:$0x1] =	stream.linear.gather [spmem:s6], $0x1000, $0x38;
	[tilespmem:$0x10680] =	vst v63  }
0x207: {  	_ =	swait.ge [sflag:s2], $0x1000  }
0x208: {  	[sflag:s2] =	ssyncset.done $0x0  }
0x209: {  	s29 =	simm.s32 $0x1000;
	[sflag:s2] =	ssyncadd.s32 $0xFFFFF000  }
0x20a: {  	[tilespmem:s29], [sflag:$0x1] =	stream.linear.gather [spmem:s5], $0x1000, $0x38;
	[tilespmem:$0x10680] =	vst v63  }
0x20b: {  	_ =	swait.ge [sflag:s2], $0x1000  }
0x20c: {  	[sflag:s2] =	ssyncset.done $0x0  }
0x20d: {  	s30 =	simm.s32 $0x2000;
	[sflag:s2] =	ssyncadd.s32 $0xFFFFF000  }
0x20e: {  	[tilespmem:s30], [sflag:$0x1] =	stream.linear.gather [spmem:s4], $0x1000, $0x38;
	[tilespmem:$0x10680] =	vst v63  }
0x20f: {  	_ =	swait.ge [sflag:s2], $0x1000  }
0x210: {  	[sflag:s2] =	ssyncset.done $0x0  }
0x211: {  	[sflag:s2] =	ssyncadd.s32 $0xFFFFF000  }
0x212: {  	v0 =	vld [tilespmem:$0x0]  }
0x213: {  	v15 =	vld [tilespmem:$0x1000]  }
0x214: {  	v13 =	vld [tilespmem:$0x2000]  }
0x215: {  	v1 =	vld [tilespmem:$0x10]  }
0x216: {  	v18 =	vld [tilespmem:$0x1010]  }
0x217: {  	v16 =	vld [tilespmem:$0x2010]  }
0x218: {  	v2 =	vld [tilespmem:$0x20]  }
0x219: {  	v21 =	vld [tilespmem:$0x1020]  }
0x21a: {  	v19 =	vld [tilespmem:$0x2020]  }
0x21b: {  	v3 =	vld [tilespmem:$0x30]  }
0x21c: {  	v24 =	vld [tilespmem:$0x1030]  }
0x21d: {  	v22 =	vld [tilespmem:$0x2030]  }
0x21e: {  	v4 =	vld [tilespmem:$0x40]  }
0x21f: {  	v27 =	vld [tilespmem:$0x1040]  }
0x220: {  	v25 =	vld [tilespmem:$0x2040]  }
0x221: {  	v5 =	vld [tilespmem:$0x50]  }
0x222: {  	v30 =	vld [tilespmem:$0x1050]  }
0x223: {  	v28 =	vld [tilespmem:$0x2050]  }
0x224: {  	v6 =	vld [tilespmem:$0x60]  }
0x225: {  	v33 =	vld [tilespmem:$0x1060]  }
0x226: {  	v31 =	vld [tilespmem:$0x2060]  }
0x227: {  	v7 =	vld [tilespmem:$0x70]  }
0x228: {  	v36 =	vld [tilespmem:$0x1070]  }
0x229: {  	v34 =	vld [tilespmem:$0x2070]  }
0x22a: {  	v8 =	vld [tilespmem:$0x80]  }
0x22b: {  	v39 =	vld [tilespmem:$0x1080]  }
0x22c: {  	v37 =	vld [tilespmem:$0x2080]  }
0x22d: {  	v9 =	vld [tilespmem:$0x90]  }
0x22e: {  	v42 =	vld [tilespmem:$0x1090]  }
0x22f: {  	v40 =	vld [tilespmem:$0x2090]  }
0x230: {  	v10 =	vld [tilespmem:$0xA0]  }
0x231: {  	v45 =	vld [tilespmem:$0x10A0]  }
0x232: {  	v43 =	vld [tilespmem:$0x20A0]  }
0x233: {  	v11 =	vld [tilespmem:$0xB0]  }
0x234: {  	v48 =	vld [tilespmem:$0x10B0]  }
0x235: {  	v46 =	vld [tilespmem:$0x20B0]  }
0x236: {  	v12 =	vld [tilespmem:$0xC0]  }
0x237: {  	v51 =	vld [tilespmem:$0x10C0]  }
0x238: {  	v49 =	vld [tilespmem:$0x20C0]  }
0x239: {  	v14 =	vld [tilespmem:$0xD0]  }
0x23a: {  	v54 =	vld [tilespmem:$0x10D0]  }
0x23b: {  	v52 =	vld [tilespmem:$0x20D0]  }
0x23c: {  	v17 =	vld [tilespmem:$0xE0]  }
0x23d: {  	v57 =	vld [tilespmem:$0x10E0]  }
0x23e: {  	v55 =	vld [tilespmem:$0x20E0]  }
0x23f: {  	v20 =	vld [tilespmem:$0xF0]  }
0x240: {  	v60 =	vld [tilespmem:$0x10F0]  }
0x241: {  	v26 =	vld [tilespmem:$0x2100]  }
0x242: {  	v29 =	vld [tilespmem:$0x1110]  }
0x243: {  	v35 =	vld [tilespmem:$0x2110]  }
0x244: {  	v32 =	vld [tilespmem:$0x1120]  }
0x245: {  	v38 =	vld [tilespmem:$0x2120]  }
0x246: {  	v58 =	vld [tilespmem:$0x20F0];
	[tilespmem:$0x1E780] =	vst v26  }
0x247: {  	v23 =	vld [tilespmem:$0x100];
	[tilespmem:$0x1E790] =	vst v29  }
0x248: {  	v63 =	vld [tilespmem:$0x1100];
	[tilespmem:$0x1E7A0] =	vst v35  }
0x249: {  	v26 =	vld [tilespmem:$0x110];
	[tilespmem:$0x1E7B0] =	vst v32  }
0x24a: {  	v29 =	vld [tilespmem:$0x120];
	[tilespmem:$0x1E7C0] =	vst v38  }
0x24b: {  	v61 =	vld [tilespmem:$0x21A0];
	_ =	sdelay $0x4  }
0x24c: {  	[tilespmem:$0x1E8E0] =	vst v61;
	v61 =	vld [tilespmem:$0x11C0];
	_ =	sdelay $0x4  }
0x24d: {  	[tilespmem:$0x1E930] =	vst v61;
	v61 =	vld [tilespmem:$0x21C0];
	_ =	sdelay $0x4  }
0x24e: {  	[tilespmem:$0x1E940] =	vst v61;
	v61 =	vld [tilespmem:$0x11D0];
	_ =	sdelay $0x4  }
0x24f: {  	[tilespmem:$0x1E960] =	vst v61;
	v61 =	vld [tilespmem:$0x21D0];
	_ =	sdelay $0x4  }
0x250: {  	[tilespmem:$0x1E970] =	vst v61;
	v61 =	vld [tilespmem:$0x1E0];
	_ =	sdelay $0x4  }
0x251: {  	[tilespmem:$0x1E890] =	vst v61;
	v61 =	vld [tilespmem:$0x11E0];
	_ =	sdelay $0x4  }
0x252: {  	[tilespmem:$0x1E990] =	vst v61;
	v61 =	vld [tilespmem:$0x21E0];
	_ =	sdelay $0x4  }
0x253: {  	[tilespmem:$0x1E9A0] =	vst v61;
	v61 =	vld [tilespmem:$0x1F0];
	_ =	sdelay $0x4  }
0x254: {  	[tilespmem:$0x1E8C0] =	vst v61;
	v61 =	vld [tilespmem:$0x11F0];
	_ =	sdelay $0x4  }
0x255: {  	[tilespmem:$0x1E9C0] =	vst v61;
	v61 =	vld [tilespmem:$0x21F0];
	_ =	sdelay $0x4  }
0x256: {  	[tilespmem:$0x1E9D0] =	vst v61;
	v61 =	vld [tilespmem:$0x200];
	_ =	sdelay $0x4  }
0x257: {  	[tilespmem:$0x1E8F0] =	vst v61;
	v61 =	vld [tilespmem:$0x1200];
	_ =	sdelay $0x4  }
0x258: {  	[tilespmem:$0x1E9F0] =	vst v61;
	v61 =	vld [tilespmem:$0x2200];
	_ =	sdelay $0x4  }
0x259: {  	[tilespmem:$0x1EA00] =	vst v61;
	v61 =	vld [tilespmem:$0x210];
	_ =	sdelay $0x4  }
0x25a: {  	[tilespmem:$0x1E920] =	vst v61;
	v61 =	vld [tilespmem:$0x1210];
	_ =	sdelay $0x4  }
0x25b: {  	[tilespmem:$0x1EA20] =	vst v61;
	v61 =	vld [tilespmem:$0x2210];
	_ =	sdelay $0x4  }
0x25c: {  	[tilespmem:$0x1EA30] =	vst v61;
	v61 =	vld [tilespmem:$0x220];
	_ =	sdelay $0x4  }
0x25d: {  	[tilespmem:$0x1E950] =	vst v61;
	v61 =	vld [tilespmem:$0x1220];
	_ =	sdelay $0x4  }
0x25e: {  	[tilespmem:$0x1EA50] =	vst v61;
	v61 =	vld [tilespmem:$0x2220];
	_ =	sdelay $0x4  }
0x25f: {  	[tilespmem:$0x1EA60] =	vst v61;
	v61 =	vld [tilespmem:$0x230];
	_ =	sdelay $0x4  }
0x260: {  	[tilespmem:$0x1E980] =	vst v61;
	v61 =	vld [tilespmem:$0x1230];
	_ =	sdelay $0x4  }
0x261: {  	[tilespmem:$0x1EA80] =	vst v61;
	v61 =	vld [tilespmem:$0x2230];
	_ =	sdelay $0x4  }
0x262: {  	[tilespmem:$0x1EA90] =	vst v61;
	v61 =	vld [tilespmem:$0x240];
	_ =	sdelay $0x4  }
0x263: {  	[tilespmem:$0x1E9B0] =	vst v61;
	v61 =	vld [tilespmem:$0x1240];
	_ =	sdelay $0x4  }
0x264: {  	[tilespmem:$0x1EAB0] =	vst v61;
	v61 =	vld [tilespmem:$0x2240];
	_ =	sdelay $0x4  }
0x265: {  	[tilespmem:$0x1EAC0] =	vst v61;
	v61 =	vld [tilespmem:$0x250];
	_ =	sdelay $0x4  }
0x266: {  	[tilespmem:$0x1E9E0] =	vst v61;
	v61 =	vld [tilespmem:$0x1250];
	_ =	sdelay $0x4  }
0x267: {  	[tilespmem:$0x1EAE0] =	vst v61;
	v61 =	vld [tilespmem:$0x2250];
	_ =	sdelay $0x4  }
0x268: {  	[tilespmem:$0x1EAF0] =	vst v61;
	v61 =	vld [tilespmem:$0x260];
	_ =	sdelay $0x4  }
0x269: {  	[tilespmem:$0x1EA10] =	vst v61;
	v61 =	vld [tilespmem:$0x1260];
	_ =	sdelay $0x4  }
0x26a: {  	[tilespmem:$0x1EB10] =	vst v61;
	v61 =	vld [tilespmem:$0x2260];
	_ =	sdelay $0x4  }
0x26b: {  	[tilespmem:$0x1EB20] =	vst v61;
	v61 =	vld [tilespmem:$0x270];
	_ =	sdelay $0x4  }
0x26c: {  	[tilespmem:$0x1EA40] =	vst v61;
	v61 =	vld [tilespmem:$0x1270];
	_ =	sdelay $0x4  }
0x26d: {  	[tilespmem:$0x1EB40] =	vst v61;
	v61 =	vld [tilespmem:$0x2270];
	_ =	sdelay $0x4  }
0x26e: {  	[tilespmem:$0x1EB50] =	vst v61;
	v61 =	vld [tilespmem:$0x280];
	_ =	sdelay $0x4  }
0x26f: {  	[tilespmem:$0x1EA70] =	vst v61;
	v61 =	vld [tilespmem:$0x1280];
	_ =	sdelay $0x4  }
0x270: {  	[tilespmem:$0x1EB70] =	vst v61;
	v61 =	vld [tilespmem:$0x2280];
	_ =	sdelay $0x4  }
0x271: {  	[tilespmem:$0x1EB80] =	vst v61;
	v61 =	vld [tilespmem:$0x290];
	_ =	sdelay $0x4  }
0x272: {  	[tilespmem:$0x1EAA0] =	vst v61;
	v61 =	vld [tilespmem:$0x1290];
	_ =	sdelay $0x4  }
0x273: {  	[tilespmem:$0x1EBA0] =	vst v61;
	v61 =	vld [tilespmem:$0x2290];
	_ =	sdelay $0x4  }
0x274: {  	[tilespmem:$0x1EBB0] =	vst v61;
	v61 =	vld [tilespmem:$0x2A0];
	_ =	sdelay $0x4  }
0x275: {  	[tilespmem:$0x1EAD0] =	vst v61;
	v61 =	vld [tilespmem:$0x12A0];
	_ =	sdelay $0x4  }
0x276: {  	[tilespmem:$0x1EBD0] =	vst v61;
	v61 =	vld [tilespmem:$0x22A0];
	_ =	sdelay $0x4  }
0x277: {  	[tilespmem:$0x1EBE0] =	vst v61;
	v61 =	vld [tilespmem:$0x2B0];
	_ =	sdelay $0x4  }
0x278: {  	[tilespmem:$0x1EB00] =	vst v61;
	v61 =	vld [tilespmem:$0x12B0];
	_ =	sdelay $0x4  }
0x279: {  	[tilespmem:$0x1EC00] =	vst v61;
	v61 =	vld [tilespmem:$0x22B0];
	_ =	sdelay $0x4  }
0x27a: {  	[tilespmem:$0x1EC10] =	vst v61;
	v61 =	vld [tilespmem:$0x2C0];
	_ =	sdelay $0x4  }
0x27b: {  	[tilespmem:$0x1EB30] =	vst v61;
	v61 =	vld [tilespmem:$0x12C0];
	_ =	sdelay $0x4  }
0x27c: {  	[tilespmem:$0x1EC30] =	vst v61;
	v61 =	vld [tilespmem:$0x22C0];
	_ =	sdelay $0x4  }
0x27d: {  	[tilespmem:$0x1EC40] =	vst v61;
	v61 =	vld [tilespmem:$0x2D0];
	_ =	sdelay $0x4  }
0x27e: {  	[tilespmem:$0x1EB60] =	vst v61;
	v61 =	vld [tilespmem:$0x12D0];
	_ =	sdelay $0x4  }
0x27f: {  	[tilespmem:$0x1EC60] =	vst v61;
	v61 =	vld [tilespmem:$0x22D0];
	_ =	sdelay $0x4  }
0x280: {  	[tilespmem:$0x1EC70] =	vst v61;
	v61 =	vld [tilespmem:$0x2E0];
	_ =	sdelay $0x4  }
0x281: {  	[tilespmem:$0x1EB90] =	vst v61;
	v61 =	vld [tilespmem:$0x12E0];
	_ =	sdelay $0x4  }
0x282: {  	[tilespmem:$0x1EC90] =	vst v61;
	v61 =	vld [tilespmem:$0x22E0];
	_ =	sdelay $0x4  }
0x283: {  	[tilespmem:$0x1ECA0] =	vst v61;
	v61 =	vld [tilespmem:$0x2F0];
	_ =	sdelay $0x4  }
0x284: {  	[tilespmem:$0x1EBC0] =	vst v61;
	v61 =	vld [tilespmem:$0x12F0];
	_ =	sdelay $0x4  }
0x285: {  	[tilespmem:$0x1ECC0] =	vst v61;
	v61 =	vld [tilespmem:$0x22F0];
	_ =	sdelay $0x4  }
0x286: {  	[tilespmem:$0x1ECD0] =	vst v61;
	v61 =	vld [tilespmem:$0x300];
	_ =	sdelay $0x4  }
0x287: {  	[tilespmem:$0x1EBF0] =	vst v61;
	v61 =	vld [tilespmem:$0x1300];
	_ =	sdelay $0x4  }
0x288: {  	[tilespmem:$0x1ECF0] =	vst v61;
	v61 =	vld [tilespmem:$0x2300];
	_ =	sdelay $0x4  }
0x289: {  	[tilespmem:$0x1ED00] =	vst v61;
	v61 =	vld [tilespmem:$0x310];
	_ =	sdelay $0x4  }
0x28a: {  	[tilespmem:$0x1EC20] =	vst v61;
	v61 =	vld [tilespmem:$0x1310];
	_ =	sdelay $0x4  }
0x28b: {  	[tilespmem:$0x1ED20] =	vst v61;
	v61 =	vld [tilespmem:$0x2310];
	_ =	sdelay $0x4  }
0x28c: {  	[tilespmem:$0x1ED30] =	vst v61;
	v61 =	vld [tilespmem:$0x320];
	_ =	sdelay $0x4  }
0x28d: {  	[tilespmem:$0x1EC50] =	vst v61;
	v61 =	vld [tilespmem:$0x1320];
	_ =	sdelay $0x4  }
0x28e: {  	[tilespmem:$0x1ED50] =	vst v61;
	v61 =	vld [tilespmem:$0x2320];
	_ =	sdelay $0x4  }
0x28f: {  	[tilespmem:$0x1ED60] =	vst v61;
	v61 =	vld [tilespmem:$0x330];
	_ =	sdelay $0x4  }
0x290: {  	[tilespmem:$0x1EC80] =	vst v61;
	v61 =	vld [tilespmem:$0x1330];
	_ =	sdelay $0x4  }
0x291: {  	[tilespmem:$0x1ED80] =	vst v61;
	v61 =	vld [tilespmem:$0x2330];
	_ =	sdelay $0x4  }
0x292: {  	[tilespmem:$0x1ED90] =	vst v61;
	v61 =	vld [tilespmem:$0x340];
	_ =	sdelay $0x4  }
0x293: {  	[tilespmem:$0x1ECB0] =	vst v61;
	v61 =	vld [tilespmem:$0x1340];
	_ =	sdelay $0x4  }
0x294: {  	[tilespmem:$0x1EDB0] =	vst v61;
	v61 =	vld [tilespmem:$0x2340];
	_ =	sdelay $0x4  }
0x295: {  	[tilespmem:$0x1EDC0] =	vst v61;
	v61 =	vld [tilespmem:$0x350];
	_ =	sdelay $0x4  }
0x296: {  	[tilespmem:$0x1ECE0] =	vst v61;
	v61 =	vld [tilespmem:$0x1350];
	_ =	sdelay $0x4  }
0x297: {  	[tilespmem:$0x1EDE0] =	vst v61;
	v61 =	vld [tilespmem:$0x2350];
	_ =	sdelay $0x4  }
0x298: {  	[tilespmem:$0x1EDF0] =	vst v61;
	v61 =	vld [tilespmem:$0x360];
	_ =	sdelay $0x4  }
0x299: {  	[tilespmem:$0x1ED10] =	vst v61;
	v61 =	vld [tilespmem:$0x1360];
	_ =	sdelay $0x4  }
0x29a: {  	[tilespmem:$0x1EE10] =	vst v61;
	v61 =	vld [tilespmem:$0x2360];
	_ =	sdelay $0x4  }
0x29b: {  	[tilespmem:$0x1EE20] =	vst v61;
	v61 =	vld [tilespmem:$0x370];
	_ =	sdelay $0x4  }
0x29c: {  	[tilespmem:$0x1ED40] =	vst v61;
	v61 =	vld [tilespmem:$0x1370];
	_ =	sdelay $0x4  }
0x29d: {  	[tilespmem:$0x1EE40] =	vst v61;
	v61 =	vld [tilespmem:$0x2370];
	_ =	sdelay $0x4  }
0x29e: {  	[tilespmem:$0x1EE50] =	vst v61;
	v61 =	vld [tilespmem:$0x380];
	_ =	sdelay $0x4  }
0x29f: {  	[tilespmem:$0x1ED70] =	vst v61;
	v61 =	vld [tilespmem:$0x1380];
	_ =	sdelay $0x4  }
0x2a0: {  	[tilespmem:$0x1EE70] =	vst v61;
	v61 =	vld [tilespmem:$0x2380];
	_ =	sdelay $0x4  }
0x2a1: {  	[tilespmem:$0x1EE80] =	vst v61;
	v61 =	vld [tilespmem:$0x390];
	_ =	sdelay $0x4  }
0x2a2: {  	[tilespmem:$0x1EDA0] =	vst v61;
	v61 =	vld [tilespmem:$0x1390];
	_ =	sdelay $0x4  }
0x2a3: {  	[tilespmem:$0x1EEA0] =	vst v61;
	v61 =	vld [tilespmem:$0x2390];
	_ =	sdelay $0x4  }
0x2a4: {  	[tilespmem:$0x1EEB0] =	vst v61;
	v61 =	vld [tilespmem:$0x3A0];
	_ =	sdelay $0x4  }
0x2a5: {  	[tilespmem:$0x1EDD0] =	vst v61;
	v61 =	vld [tilespmem:$0x13A0];
	_ =	sdelay $0x4  }
0x2a6: {  	[tilespmem:$0x1EED0] =	vst v61;
	v61 =	vld [tilespmem:$0x23A0];
	_ =	sdelay $0x4  }
0x2a7: {  	[tilespmem:$0x1EEE0] =	vst v61;
	v61 =	vld [tilespmem:$0x3B0];
	_ =	sdelay $0x4  }
0x2a8: {  	[tilespmem:$0x1EE00] =	vst v61;
	v61 =	vld [tilespmem:$0x13B0];
	_ =	sdelay $0x4  }
0x2a9: {  	[tilespmem:$0x1EF00] =	vst v61;
	v61 =	vld [tilespmem:$0x23B0];
	_ =	sdelay $0x4  }
0x2aa: {  	[tilespmem:$0x1EF10] =	vst v61;
	v61 =	vld [tilespmem:$0x3C0];
	_ =	sdelay $0x4  }
0x2ab: {  	[tilespmem:$0x1EE30] =	vst v61;
	v61 =	vld [tilespmem:$0x13C0];
	_ =	sdelay $0x4  }
0x2ac: {  	[tilespmem:$0x1EF30] =	vst v61;
	v61 =	vld [tilespmem:$0x23C0];
	_ =	sdelay $0x4  }
0x2ad: {  	[tilespmem:$0x1EF40] =	vst v61;
	v61 =	vld [tilespmem:$0x3D0];
	_ =	sdelay $0x4  }
0x2ae: {  	[tilespmem:$0x1EE60] =	vst v61;
	v61 =	vld [tilespmem:$0x13D0];
	_ =	sdelay $0x4  }
0x2af: {  	[tilespmem:$0x1EF60] =	vst v61;
	v61 =	vld [tilespmem:$0x23D0];
	_ =	sdelay $0x4  }
0x2b0: {  	[tilespmem:$0x1EF70] =	vst v61;
	v61 =	vld [tilespmem:$0x3E0];
	_ =	sdelay $0x4  }
0x2b1: {  	[tilespmem:$0x1EE90] =	vst v61;
	v61 =	vld [tilespmem:$0x13E0];
	_ =	sdelay $0x4  }
0x2b2: {  	[tilespmem:$0x1EF90] =	vst v61;
	v61 =	vld [tilespmem:$0x23E0];
	_ =	sdelay $0x4  }
0x2b3: {  	[tilespmem:$0x1EFA0] =	vst v61;
	v61 =	vld [tilespmem:$0x3F0];
	_ =	sdelay $0x4  }
0x2b4: {  	[tilespmem:$0x1EEC0] =	vst v61;
	v61 =	vld [tilespmem:$0x13F0];
	_ =	sdelay $0x4  }
0x2b5: {  	[tilespmem:$0x1EFC0] =	vst v61;
	v61 =	vld [tilespmem:$0x23F0];
	_ =	sdelay $0x4  }
0x2b6: {  	[tilespmem:$0x1EFD0] =	vst v61;
	v61 =	vld [tilespmem:$0x400];
	_ =	sdelay $0x4  }
0x2b7: {  	[tilespmem:$0x1EEF0] =	vst v61;
	v61 =	vld [tilespmem:$0x1400];
	_ =	sdelay $0x4  }
0x2b8: {  	[tilespmem:$0x1EFF0] =	vst v61;
	v61 =	vld [tilespmem:$0x2400];
	_ =	sdelay $0x4  }
0x2b9: {  	[tilespmem:$0x1F000] =	vst v61;
	v61 =	vld [tilespmem:$0x410];
	_ =	sdelay $0x4  }
0x2ba: {  	[tilespmem:$0x1EF20] =	vst v61;
	v61 =	vld [tilespmem:$0x1410];
	_ =	sdelay $0x4  }
0x2bb: {  	[tilespmem:$0x1F020] =	vst v61;
	v61 =	vld [tilespmem:$0x2410];
	_ =	sdelay $0x4  }
0x2bc: {  	[tilespmem:$0x1F030] =	vst v61;
	v61 =	vld [tilespmem:$0x420];
	_ =	sdelay $0x4  }
0x2bd: {  	[tilespmem:$0x1EF50] =	vst v61;
	v61 =	vld [tilespmem:$0x1420];
	_ =	sdelay $0x4  }
0x2be: {  	[tilespmem:$0x1F050] =	vst v61;
	v61 =	vld [tilespmem:$0x2420];
	_ =	sdelay $0x4  }
0x2bf: {  	[tilespmem:$0x1F060] =	vst v61;
	v61 =	vld [tilespmem:$0x430];
	_ =	sdelay $0x4  }
0x2c0: {  	[tilespmem:$0x1EF80] =	vst v61;
	v61 =	vld [tilespmem:$0x1430];
	_ =	sdelay $0x4  }
0x2c1: {  	[tilespmem:$0x1F080] =	vst v61;
	v61 =	vld [tilespmem:$0x2430];
	_ =	sdelay $0x4  }
0x2c2: {  	[tilespmem:$0x1F090] =	vst v61;
	v61 =	vld [tilespmem:$0x440];
	_ =	sdelay $0x4  }
0x2c3: {  	[tilespmem:$0x1EFB0] =	vst v61;
	v61 =	vld [tilespmem:$0x1440];
	_ =	sdelay $0x4  }
0x2c4: {  	[tilespmem:$0x1F0B0] =	vst v61;
	v61 =	vld [tilespmem:$0x2440];
	_ =	sdelay $0x4  }
0x2c5: {  	[tilespmem:$0x1F0C0] =	vst v61;
	v61 =	vld [tilespmem:$0x450];
	_ =	sdelay $0x4  }
0x2c6: {  	[tilespmem:$0x1EFE0] =	vst v61;
	v61 =	vld [tilespmem:$0x1450];
	_ =	sdelay $0x4  }
0x2c7: {  	[tilespmem:$0x1F0E0] =	vst v61;
	v61 =	vld [tilespmem:$0x2450];
	_ =	sdelay $0x4  }
0x2c8: {  	[tilespmem:$0x1F0F0] =	vst v61;
	v61 =	vld [tilespmem:$0x460];
	_ =	sdelay $0x4  }
0x2c9: {  	[tilespmem:$0x1F010] =	vst v61;
	v61 =	vld [tilespmem:$0x1460];
	_ =	sdelay $0x4  }
0x2ca: {  	[tilespmem:$0x1F110] =	vst v61;
	v61 =	vld [tilespmem:$0x2460];
	_ =	sdelay $0x4  }
0x2cb: {  	[tilespmem:$0x1F120] =	vst v61;
	v61 =	vld [tilespmem:$0x470];
	_ =	sdelay $0x4  }
0x2cc: {  	[tilespmem:$0x1F040] =	vst v61;
	v61 =	vld [tilespmem:$0x1470];
	_ =	sdelay $0x4  }
0x2cd: {  	[tilespmem:$0x1F140] =	vst v61;
	v61 =	vld [tilespmem:$0x2470];
	_ =	sdelay $0x4  }
0x2ce: {  	[tilespmem:$0x1F150] =	vst v61;
	v61 =	vld [tilespmem:$0x480];
	_ =	sdelay $0x4  }
0x2cf: {  	[tilespmem:$0x1F070] =	vst v61;
	v61 =	vld [tilespmem:$0x1480];
	_ =	sdelay $0x4  }
0x2d0: {  	[tilespmem:$0x1F170] =	vst v61;
	v61 =	vld [tilespmem:$0x2480];
	_ =	sdelay $0x4  }
0x2d1: {  	[tilespmem:$0x1F180] =	vst v61;
	v61 =	vld [tilespmem:$0x490];
	_ =	sdelay $0x4  }
0x2d2: {  	[tilespmem:$0x1F0A0] =	vst v61;
	v61 =	vld [tilespmem:$0x1490];
	_ =	sdelay $0x3  }
0x2d3: {  	v32 =	vld [tilespmem:$0x130]  }
0x2d4: {  	[tilespmem:$0x1F1A0] =	vst v61;
	v61 =	vld [tilespmem:$0x2490]  }
0x2d5: {  	v35 =	vld [tilespmem:$0x1130]  }
0x2d6: {  	v41 =	vld [tilespmem:$0x2130]  }
0x2d7: {  	v38 =	vld [tilespmem:$0x1140]  }
0x2d8: {  	v44 =	vld [tilespmem:$0x2140]  }
0x2d9: {  	[tilespmem:$0x1F1B0] =	vst v61;
	v61 =	vld [tilespmem:$0x4A0]  }
0x2da: {  	v47 =	vld [tilespmem:$0x2150]  }
0x2db: {  	v50 =	vld [tilespmem:$0x2160]  }
0x2dc: {  	v53 =	vld [tilespmem:$0x2170]  }
0x2dd: {  	v56 =	vld [tilespmem:$0x2180]  }
0x2de: {  	[tilespmem:$0x1F0D0] =	vst v61;
	v61 =	vld [tilespmem:$0x14A0]  }
0x2df: {  	v0 =	vadd.f32 $0.0e+00, v0;
	v59 =	vld [tilespmem:$0x2190]  }
0x2e0: {  	v62 =	vld [tilespmem:$0x21B0]  }
0x2e1: {  	v0 =	vadd.f32 v1, v0;
	v1 =	vld [tilespmem:$0x2540]  }
0x2e2: {  	[tilespmem:$0x1E7D0] =	vst v35;
	v35 =	vld [tilespmem:$0x140]  }
0x2e3: {  	[tilespmem:$0x1F1D0] =	vst v61;
	v61 =	vld [tilespmem:$0x24A0]  }
0x2e4: {  	[tilespmem:$0x1E7F0] =	vst v38;
	v38 =	vld [tilespmem:$0x150]  }
0x2e5: {  	[tilespmem:$0x1E7E0] =	vst v41;
	v41 =	vld [tilespmem:$0x1150]  }
0x2e6: {  	[tilespmem:$0x1E800] =	vst v44;
	v44 =	vld [tilespmem:$0x1160]  }
0x2e7: {  	[tilespmem:$0x1E820] =	vst v47;
	v47 =	vld [tilespmem:$0x1170]  }
0x2e8: {  	[tilespmem:$0x1F1E0] =	vst v61;
	v61 =	vld [tilespmem:$0x4B0]  }
0x2e9: {  	[tilespmem:$0x1E840] =	vst v50;
	v50 =	vld [tilespmem:$0x1180]  }
0x2ea: {  	[tilespmem:$0x1E860] =	vst v53;
	v53 =	vld [tilespmem:$0x1190]  }
0x2eb: {  	v0 =	vadd.f32 v2, v0;
	[tilespmem:$0x1E880] =	vst v56;
	v56 =	vld [tilespmem:$0x11A0]  }
0x2ec: {  	[tilespmem:$0x1E8B0] =	vst v59;
	v59 =	vld [tilespmem:$0x11B0]  }
0x2ed: {  	v0 =	vadd.f32 v3, v0;
	[tilespmem:$0x1F100] =	vst v61;
	v61 =	vld [tilespmem:$0x14B0]  }
0x2ee: {  	[tilespmem:$0x1E910] =	vst v62;
	v62 =	vld [tilespmem:$0x1D0]  }
0x2ef: {  	[tilespmem:$0x1F3B0] =	vst v1;
	v1 =	vld [tilespmem:$0x550];
	v0 =	vadd.f32 v4, v0  }
0x2f0: {  	v4 =	vld [tilespmem:$0x1560]  }
0x2f1: {  	v0 =	vadd.f32 v5, v0;
	v5 =	vld [tilespmem:$0x570]  }
0x2f2: {  	[tilespmem:$0x1F200] =	vst v61;
	v61 =	vld [tilespmem:$0x24B0]  }
0x2f3: {  	[tilespmem:$0x1E810] =	vst v41;
	v41 =	vld [tilespmem:$0x160]  }
0x2f4: {  	[tilespmem:$0x1E830] =	vst v44;
	v44 =	vld [tilespmem:$0x170]  }
0x2f5: {  	[tilespmem:$0x1E850] =	vst v47;
	v47 =	vld [tilespmem:$0x180]  }
0x2f6: {  	[tilespmem:$0x1E870] =	vst v50;
	v50 =	vld [tilespmem:$0x190]  }
0x2f7: {  	[tilespmem:$0x1F210] =	vst v61;
	v61 =	vld [tilespmem:$0x4C0]  }
0x2f8: {  	[tilespmem:$0x1E8A0] =	vst v53;
	v53 =	vld [tilespmem:$0x1A0]  }
0x2f9: {  	[tilespmem:$0x1E8D0] =	vst v56;
	v56 =	vld [tilespmem:$0x1B0]  }
0x2fa: {  	[tilespmem:$0x1F2E0] =	vst v1;
	v1 =	vld [tilespmem:$0x1550]  }
0x2fb: {  	[tilespmem:$0x1E900] =	vst v59;
	v59 =	vld [tilespmem:$0x1C0];
	v0 =	vadd.f32 v6, v0  }
0x2fc: {  	[tilespmem:$0x1F130] =	vst v61;
	v61 =	vld [tilespmem:$0x14C0]  }
0x2fd: {  	v6 =	vld [tilespmem:$0x2570];
	v0 =	vadd.f32 v7, v0  }
0x2fe: {  	v7 =	vld [tilespmem:$0x1580]  }
0x2ff: {  	v0 =	vadd.f32 v8, v0;
	[tilespmem:$0x1F3D0] =	vst v1;
	v1 =	vld [tilespmem:$0x2550]  }
0x300: {  	[tilespmem:$0x1F340] =	vst v5;
	v5 =	vld [tilespmem:$0x1570]  }
0x301: {  	v0 =	vadd.f32 v9, v0;
	[tilespmem:$0x1F230] =	vst v61;
	v61 =	vld [tilespmem:$0x24C0]  }
0x302: {  	v8 =	vld [tilespmem:$0x1590]  }
0x303: {  	v9 =	vld [tilespmem:$0x2590];
	v0 =	vadd.f32 v10, v0  }
0x304: {  	[tilespmem:$0x1F3E0] =	vst v1;
	v1 =	vld [tilespmem:$0x560]  }
0x305: {  	v10 =	vld [tilespmem:$0x15A0];
	v0 =	vadd.f32 v11, v0  }
0x306: {  	[tilespmem:$0x1F240] =	vst v61;
	v61 =	vld [tilespmem:$0x4D0]  }
0x307: {  	v11 =	vld [tilespmem:$0x15B0];
	v0 =	vadd.f32 v12, v0  }
0x308: {  	v12 =	vld [tilespmem:$0x25B0]  }
0x309: {  	v0 =	vadd.f32 v14, v0;
	[tilespmem:$0x1F310] =	vst v1;
	v1 =	vld [tilespmem:$0x2560]  }
0x30a: {  	v14 =	vld [tilespmem:$0x15C0]  }
0x30b: {  	v0 =	vadd.f32 v17, v0;
	[tilespmem:$0x1F160] =	vst v61;
	v61 =	vld [tilespmem:$0x14D0]  }
0x30c: {  	v17 =	vld [tilespmem:$0x15D0]  }
0x30d: {  	v0 =	vadd.f32 v20, v0;
	v20 =	vld [tilespmem:$0x25E0]  }
0x30e: {  	[tilespmem:$0x1F400] =	vst v1;
	v1 =	vadd.f32 $0.0e+00, v15;
	v15 =	vadd.f32 $0.0e+00, v13;
	v13 =	vld [tilespmem:$0x2580]  }
0x30f: {  	v0 =	vadd.f32 v23, v0;
	v23 =	vld [tilespmem:$0x1600]  }
0x310: {  	[tilespmem:$0x1F260] =	vst v61;
	v61 =	vld [tilespmem:$0x24D0]  }
0x311: {  	v1 =	vadd.f32 v18, v1;
	v18 =	vld [tilespmem:$0x580]  }
0x312: {  	v2 =	vadd.f32 v16, v15;
	v15 =	vld [tilespmem:$0x25A0]  }
0x313: {  	v16 =	vld [tilespmem:$0x25C0]  }
0x314: {  	v0 =	vadd.f32 v26, v0;
	v26 =	vld [tilespmem:$0x2610]  }
0x315: {  	[tilespmem:$0x1F270] =	vst v61;
	v61 =	vld [tilespmem:$0x4E0]  }
0x316: {  	v1 =	vadd.f32 v21, v1;
	v21 =	vld [tilespmem:$0x590]  }
0x317: {  	v2 =	vadd.f32 v19, v2;
	v19 =	vld [tilespmem:$0x15E0]  }
0x318: {  	v0 =	vadd.f32 v29, v0;
	v29 =	vld [tilespmem:$0x1630]  }
0x319: {  	v2 =	vadd.f32 v22, v2;
	v22 =	vld [tilespmem:$0x25F0]  }
0x31a: {  	[tilespmem:$0x1F190] =	vst v61;
	v61 =	vld [tilespmem:$0x14E0]  }
0x31b: {  	v1 =	vadd.f32 v24, v1;
	v24 =	vld [tilespmem:$0x2600]  }
0x31c: {  	v0 =	vadd.f32 v32, v0;
	v32 =	vld [tilespmem:$0x1E7F0]  }
0x31d: {  	[tilespmem:$0x1F370] =	vst v18;
	v18 =	vld [tilespmem:$0x25D0]  }
0x31e: {  	v1 =	vadd.f32 v27, v1;
	v27 =	vld [tilespmem:$0x5A0]  }
0x31f: {  	[tilespmem:$0x1F290] =	vst v61;
	v61 =	vld [tilespmem:$0x24E0]  }
0x320: {  	v2 =	vadd.f32 v25, v2;
	v25 =	vld [tilespmem:$0x1610]  }
0x321: {  	v0 =	vadd.f32 v35, v0;
	v35 =	vld [tilespmem:$0x1E820]  }
0x322: {  	[tilespmem:$0x1F3A0] =	vst v21;
	v21 =	vld [tilespmem:$0x15F0]  }
0x323: {  	v1 =	vadd.f32 v30, v1;
	v30 =	vld [tilespmem:$0x5B0]  }
0x324: {  	[tilespmem:$0x1F2A0] =	vst v61;
	v61 =	vld [tilespmem:$0x4F0]  }
0x325: {  	v2 =	vadd.f32 v28, v2;
	v28 =	vld [tilespmem:$0x2620]  }
0x326: {  	v0 =	vadd.f32 v38, v0;
	v38 =	vld [tilespmem:$0x1E830]  }
0x327: {  	v2 =	vadd.f32 v31, v2;
	v31 =	vld [tilespmem:$0x1E7E0]  }
0x328: {  	v1 =	vadd.f32 v33, v1;
	v33 =	vld [tilespmem:$0x1E800]  }
0x329: {  	[tilespmem:$0x1F1C0] =	vst v61;
	v61 =	vld [tilespmem:$0x14F0]  }
0x32a: {  	v0 =	vadd.f32 v41, v0;
	v41 =	vld [tilespmem:$0x1E850]  }
0x32b: {  	[tilespmem:$0x1F3C0] =	vst v27;
	v27 =	vld [tilespmem:$0x1620]  }
0x32c: {  	v1 =	vadd.f32 v36, v1;
	v36 =	vld [tilespmem:$0x5C0]  }
0x32d: {  	v2 =	vadd.f32 v34, v2;
	v34 =	vld [tilespmem:$0x1E810]  }
0x32e: {  	[tilespmem:$0x1F2C0] =	vst v61;
	v61 =	vld [tilespmem:$0x24F0]  }
0x32f: {  	v0 =	vadd.f32 v44, v0;
	v44 =	vld [tilespmem:$0x1E860]  }
0x330: {  	[tilespmem:$0x1F3F0] =	vst v30;
	v30 =	vld [tilespmem:$0x2630]  }
0x331: {  	v2 =	vadd.f32 v37, v2;
	v37 =	vld [tilespmem:$0x5D0]  }
0x332: {  	v1 =	vadd.f32 v39, v1;
	v39 =	vld [tilespmem:$0x1E840]  }
0x333: {  	[tilespmem:$0x1F2D0] =	vst v61;
	v61 =	vld [tilespmem:$0x500]  }
0x334: {  	v0 =	vadd.f32 v47, v0;
	v47 =	vld [tilespmem:$0x1E890]  }
0x335: {  	v1 =	vadd.f32 v42, v1;
	v42 =	vld [tilespmem:$0x5E0]  }
0x336: {  	v2 =	vadd.f32 v40, v2;
	v40 =	vld [tilespmem:$0x660]  }
0x337: {  	v0 =	vadd.f32 v50, v0;
	v50 =	vld [tilespmem:$0x1E8A0]  }
0x338: {  	[tilespmem:$0x1F1F0] =	vst v61;
	v61 =	vld [tilespmem:$0x1500]  }
0x339: {  	v2 =	vadd.f32 v43, v2;
	v43 =	vld [tilespmem:$0x5F0]  }
0x33a: {  	v1 =	vadd.f32 v45, v1;
	v45 =	vld [tilespmem:$0x1E870]  }
0x33b: {  	v0 =	vadd.f32 v53, v0;
	v53 =	vld [tilespmem:$0x1E8C0]  }
0x33c: {  	v1 =	vadd.f32 v48, v1;
	v48 =	vld [tilespmem:$0x600]  }
0x33d: {  	[tilespmem:$0x1F2F0] =	vst v61;
	v61 =	vld [tilespmem:$0x2500]  }
0x33e: {  	v2 =	vadd.f32 v46, v2;
	v46 =	vld [tilespmem:$0x1E880]  }
0x33f: {  	v0 =	vadd.f32 v56, v0;
	v56 =	vld [tilespmem:$0x1E8D0]  }
0x340: {  	[tilespmem:$0x1F410] =	vst v40;
	v40 =	vld [tilespmem:$0x2670]  }
0x341: {  	v2 =	vadd.f32 v49, v2;
	v49 =	vld [tilespmem:$0x610]  }
0x342: {  	[tilespmem:$0x1F300] =	vst v61;
	v61 =	vld [tilespmem:$0x510]  }
0x343: {  	v1 =	vadd.f32 v51, v1;
	v51 =	vld [tilespmem:$0x1E8B0]  }
0x344: {  	v0 =	vadd.f32 v59, v0;
	v59 =	vld [tilespmem:$0x690]  }
0x345: {  	v1 =	vadd.f32 v54, v1;
	v54 =	vld [tilespmem:$0x1E780]  }
0x346: {  	v0 =	vadd.f32 v62, v0;
	v62 =	vld [tilespmem:$0x670]  }
0x347: {  	v2 =	vadd.f32 v52, v2;
	[tilespmem:$0x1F220] =	vst v61;
	v61 =	vld [tilespmem:$0x1510]  }
0x348: {  	v52 =	vld [tilespmem:$0x680]  }
0x349: {  	v2 =	vadd.f32 v55, v2;
	v55 =	vld [tilespmem:$0x1E790]  }
0x34a: {  	v1 =	vadd.f32 v57, v1;
	v57 =	vld [tilespmem:$0x1E7A0]  }
0x34b: {  	[tilespmem:$0x1F430] =	vst v59;
	v59 =	vld [tilespmem:$0x6B0]  }
0x34c: {  	[tilespmem:$0x1F320] =	vst v61;
	v61 =	vld [tilespmem:$0x2510]  }
0x34d: {  	v2 =	vadd.f32 v58, v2;
	v58 =	vld [tilespmem:$0x1E7B0]  }
0x34e: {  	v1 =	vadd.f32 v60, v1;
	v60 =	vld [tilespmem:$0x1E7C0]  }
0x34f: {  	[tilespmem:$0x1F420] =	vst v52;
	v52 =	vld [tilespmem:$0x6A0]  }
0x350: {  	v2 =	vadd.f32 v54, v2;
	v54 =	vld [tilespmem:$0x620]  }
0x351: {  	v1 =	vadd.f32 v63, v1;
	[tilespmem:$0x1F330] =	vst v61;
	v61 =	vld [tilespmem:$0x520]  }
0x352: {  	v63 =	vld [tilespmem:$0x1E7D0]  }
0x353: {  	v1 =	vadd.f32 v55, v1;
	v2 =	vadd.f32 v57, v2;
	v55 =	vld [tilespmem:$0x630]  }
0x354: {  	v57 =	vld [tilespmem:$0x1E8E0]  }
0x355: {  	v2 =	vadd.f32 v60, v2;
	v60 =	vld [tilespmem:$0x640]  }
0x356: {  	v1 =	vadd.f32 v58, v1;
	[tilespmem:$0x1F250] =	vst v61;
	v61 =	vld [tilespmem:$0x1520]  }
0x357: {  	v58 =	vld [tilespmem:$0x1E8F0]  }
0x358: {  	v1 =	vadd.f32 v63, v1;
	v2 =	vadd.f32 v31, v2;
	v31 =	vld [tilespmem:$0x1640]  }
0x359: {  	v63 =	vld [tilespmem:$0x650]  }
0x35a: {  	v1 =	vadd.f32 v32, v1;
	v32 =	vld [tilespmem:$0x2640]  }
0x35b: {  	[tilespmem:$0x1F350] =	vst v61;
	v61 =	vld [tilespmem:$0x2520]  }
0x35c: {  	v2 =	vadd.f32 v33, v2;
	v33 =	vld [tilespmem:$0x1650]  }
0x35d: {  	v1 =	vadd.f32 v34, v1;
	v34 =	vld [tilespmem:$0x2650]  }
0x35e: {  	v2 =	vadd.f32 v35, v2;
	v35 =	vld [tilespmem:$0x1660]  }
0x35f: {  	v1 =	vadd.f32 v38, v1;
	v38 =	vld [tilespmem:$0x2660]  }
0x360: {  	[tilespmem:$0x1F360] =	vst v61;
	v61 =	vld [tilespmem:$0x530]  }
0x361: {  	v2 =	vadd.f32 v39, v2;
	v39 =	vld [tilespmem:$0x1670]  }
0x362: {  	v0 =	vadd.f32 v47, v0;
	v47 =	vld [tilespmem:$0x1E920]  }
0x363: {  	v1 =	vadd.f32 v41, v1;
	v41 =	vld [tilespmem:$0x1680]  }
0x364: {  	v2 =	vadd.f32 v44, v2;
	v44 =	vld [tilespmem:$0x2680]  }
0x365: {  	[tilespmem:$0x1F280] =	vst v61;
	v61 =	vld [tilespmem:$0x1530]  }
0x366: {  	v1 =	vadd.f32 v45, v1;
	v45 =	vld [tilespmem:$0x1E900]  }
0x367: {  	v0 =	vadd.f32 v53, v0;
	v2 =	vadd.f32 v46, v2;
	v46 =	vld [tilespmem:$0x1E910]  }
0x368: {  	v1 =	vadd.f32 v50, v1;
	v50 =	vld [tilespmem:$0x1E930]  }
0x369: {  	v0 =	vadd.f32 v58, v0;
	v2 =	vadd.f32 v51, v2;
	v51 =	vld [tilespmem:$0x1E940]  }
0x36a: {  	[tilespmem:$0x1F380] =	vst v61;
	v61 =	vld [tilespmem:$0x2530]  }
0x36b: {  	v0 =	vadd.f32 v47, v0;
	v47 =	vld [tilespmem:$0x16A0]  }
0x36c: {  	v1 =	vadd.f32 v56, v1;
	v56 =	vld [tilespmem:$0x1E960]  }
0x36d: {  	v2 =	vadd.f32 v57, v2;
	v57 =	vld [tilespmem:$0x1E970]  }
0x36e: {  	v1 =	vadd.f32 v45, v1;
	v45 =	vld [tilespmem:$0x1690]  }
0x36f: {  	[tilespmem:$0x1F390] =	vst v61;
	v61 =	vld [tilespmem:$0x540]  }
0x370: {  	v2 =	vadd.f32 v46, v2;
	v46 =	vld [tilespmem:$0x2690]  }
0x371: {  	v1 =	vadd.f32 v50, v1;
	v50 =	vld [tilespmem:$0x26A0]  }
0x372: {  	[tilespmem:$0x1F450] =	vst v59;
	v53 =	vld [tilespmem:$0x1E950]  }
0x373: {  	[tilespmem:$0x1F440] =	vst v52;
	v58 =	vld [tilespmem:$0x1E980]  }
0x374: {  	[tilespmem:$0x1F2B0] =	vst v61;
	v61 =	vld [tilespmem:$0x1540]  }
0x375: {  	v3 =	vld [tilespmem:$0x1E990];
	_ =	sdelay $0x1  }
0x376: {  	v0 =	vadd.f32 v53, v0;
	v53 =	vld [tilespmem:$0x1E9C0]  }
0x377: {  	v1 =	vadd.f32 v56, v1  }
0x378: {  	v59 =	vld [tilespmem:$0x1E9F0]  }
0x379: {  	v2 =	vadd.f32 v51, v2;
	v51 =	vld [tilespmem:$0x1E9A0];
	v1 =	vadd.f32 v3, v1  }
0x37a: {  	v52 =	vld [tilespmem:$0x1E9B0]  }
0x37b: {  	v2 =	vadd.f32 v57, v2;
	v57 =	vld [tilespmem:$0x6C0];
	v1 =	vadd.f32 v53, v1  }
0x37c: {  	v56 =	vld [tilespmem:$0x1E9D0]  }
0x37d: {  	v1 =	vadd.f32 v59, v1;
	v59 =	vld [tilespmem:$0x1EA20]  }
0x37e: {  	v0 =	vadd.f32 v58, v0;
	v58 =	vld [tilespmem:$0x1E9E0];
	_ =	sdelay $0x1  }
0x37f: {  	[tilespmem:$0x1F460] =	vst v57;
	v57 =	vld [tilespmem:$0x1EA10]  }
0x380: {  	v2 =	vadd.f32 v51, v2;
	v0 =	vadd.f32 v52, v0  }
0x381: {  	v1 =	vadd.f32 v59, v1;
	v59 =	vld [tilespmem:$0x1EA50]  }
0x382: {  	v2 =	vadd.f32 v56, v2;
	v0 =	vadd.f32 v58, v0;
	v56 =	vld [tilespmem:$0x1EA00]  }
0x383: {  	v3 =	vld [tilespmem:$0x1EA80]  }
0x384: {  	v0 =	vadd.f32 v57, v0;
	v57 =	vld [tilespmem:$0x1EA30];
	_ =	sdelay $0x1  }
0x385: {  	v1 =	vadd.f32 v59, v1;
	v59 =	vld [tilespmem:$0x1EA60]  }
0x386: {  	v2 =	vadd.f32 v56, v2  }
0x387: {  	v1 =	vadd.f32 v3, v1;
	v3 =	vld [tilespmem:$0x1EA90]  }
0x388: {  	v58 =	vld [tilespmem:$0x6D0];
	v2 =	vadd.f32 v57, v2;
	_ =	sdelay $0x1  }
0x389: {  	v2 =	vadd.f32 v59, v2;
	v59 =	vld [tilespmem:$0x6E0];
	_ =	sdelay $0x1  }
0x38a: {  	v2 =	vadd.f32 v3, v2;
	v3 =	vld [tilespmem:$0x26E0]  }
0x38b: {  	[tilespmem:$0x1F470] =	vst v58;
	v58 =	vld [tilespmem:$0x1EA40];
	_ =	sdelay $0x1  }
0x38c: {  	[tilespmem:$0x1F480] =	vst v59;
	v59 =	vld [tilespmem:$0x1EA70];
	_ =	sdelay $0x1  }
0x38d: {  	[tilespmem:$0x1F4E0] =	vst v3;
	v3 =	vld [tilespmem:$0x1EAA0]  }
0x38e: {  	v0 =	vadd.f32 v58, v0;
	_ =	sdelay $0x1  }
0x38f: {  	v0 =	vadd.f32 v59, v0;
	_ =	sdelay $0x1  }
0x390: {  	v0 =	vadd.f32 v3, v0;
	v3 =	vld [tilespmem:$0x6F0];
	_ =	sdelay $0x4  }
0x391: {  	[tilespmem:$0x1F490] =	vst v3;
	v3 =	vld [tilespmem:$0x1EAB0];
	_ =	sdelay $0x4  }
0x392: {  	v1 =	vadd.f32 v3, v1;
	v3 =	vld [tilespmem:$0x1EAC0];
	_ =	sdelay $0x4  }
0x393: {  	v2 =	vadd.f32 v3, v2;
	v3 =	vld [tilespmem:$0x16F0];
	_ =	sdelay $0x4  }
0x394: {  	[tilespmem:$0x1F500] =	vst v3;
	v3 =	vld [tilespmem:$0x1EAD0];
	_ =	sdelay $0x4  }
0x395: {  	v0 =	vadd.f32 v3, v0;
	v3 =	vld [tilespmem:$0x26F0];
	_ =	sdelay $0x4  }
0x396: {  	[tilespmem:$0x1F510] =	vst v3;
	v3 =	vld [tilespmem:$0x1EAE0];
	_ =	sdelay $0x4  }
0x397: {  	v1 =	vadd.f32 v3, v1;
	v3 =	vld [tilespmem:$0x1EAF0];
	_ =	sdelay $0x4  }
0x398: {  	v2 =	vadd.f32 v3, v2;
	v3 =	vld [tilespmem:$0x700];
	_ =	sdelay $0x4  }
0x399: {  	[tilespmem:$0x1F4A0] =	vst v3;
	v3 =	vld [tilespmem:$0x1EB00];
	_ =	sdelay $0x4  }
0x39a: {  	v0 =	vadd.f32 v3, v0;
	v3 =	vld [tilespmem:$0x1700];
	_ =	sdelay $0x4  }
0x39b: {  	[tilespmem:$0x1F530] =	vst v3;
	v3 =	vld [tilespmem:$0x1EB10];
	_ =	sdelay $0x4  }
0x39c: {  	v1 =	vadd.f32 v3, v1;
	v3 =	vld [tilespmem:$0x1EB20];
	_ =	sdelay $0x4  }
0x39d: {  	v2 =	vadd.f32 v3, v2;
	v3 =	vld [tilespmem:$0x2700];
	_ =	sdelay $0x4  }
0x39e: {  	[tilespmem:$0x1F540] =	vst v3;
	v3 =	vld [tilespmem:$0x1EB30];
	_ =	sdelay $0x4  }
0x39f: {  	v0 =	vadd.f32 v3, v0;
	v3 =	vld [tilespmem:$0x710];
	_ =	sdelay $0x4  }
0x3a0: {  	[tilespmem:$0x1F4B0] =	vst v3;
	v3 =	vld [tilespmem:$0x1EB40];
	_ =	sdelay $0x4  }
0x3a1: {  	v1 =	vadd.f32 v3, v1;
	v3 =	vld [tilespmem:$0x1EB50];
	_ =	sdelay $0x4  }
0x3a2: {  	v2 =	vadd.f32 v3, v2;
	v3 =	vld [tilespmem:$0x1710];
	_ =	sdelay $0x4  }
0x3a3: {  	[tilespmem:$0x1F560] =	vst v3;
	v3 =	vld [tilespmem:$0x1EB60];
	_ =	sdelay $0x4  }
0x3a4: {  	v0 =	vadd.f32 v3, v0;
	v3 =	vld [tilespmem:$0x2710];
	_ =	sdelay $0x4  }
0x3a5: {  	[tilespmem:$0x1F570] =	vst v3;
	v3 =	vld [tilespmem:$0x1EB70];
	_ =	sdelay $0x4  }
0x3a6: {  	v1 =	vadd.f32 v3, v1;
	v3 =	vld [tilespmem:$0x1EB80];
	_ =	sdelay $0x4  }
0x3a7: {  	v2 =	vadd.f32 v3, v2;
	v3 =	vld [tilespmem:$0x720];
	_ =	sdelay $0x4  }
0x3a8: {  	[tilespmem:$0x1F4C0] =	vst v3;
	v3 =	vld [tilespmem:$0x1EB90];
	_ =	sdelay $0x4  }
0x3a9: {  	v0 =	vadd.f32 v3, v0;
	v3 =	vld [tilespmem:$0x1720];
	_ =	sdelay $0x4  }
0x3aa: {  	[tilespmem:$0x1F590] =	vst v3;
	v3 =	vld [tilespmem:$0x1EBA0];
	_ =	sdelay $0x4  }
0x3ab: {  	v1 =	vadd.f32 v3, v1;
	v3 =	vld [tilespmem:$0x1EBB0];
	_ =	sdelay $0x4  }
0x3ac: {  	v2 =	vadd.f32 v3, v2;
	v3 =	vld [tilespmem:$0x2720];
	_ =	sdelay $0x4  }
0x3ad: {  	[tilespmem:$0x1F5A0] =	vst v3;
	v3 =	vld [tilespmem:$0x1EBC0];
	_ =	sdelay $0x4  }
0x3ae: {  	v0 =	vadd.f32 v3, v0;
	v3 =	vld [tilespmem:$0x730];
	_ =	sdelay $0x4  }
0x3af: {  	[tilespmem:$0x1F4D0] =	vst v3;
	v3 =	vld [tilespmem:$0x1EBD0];
	_ =	sdelay $0x4  }
0x3b0: {  	v1 =	vadd.f32 v3, v1;
	v3 =	vld [tilespmem:$0x1EBE0];
	_ =	sdelay $0x4  }
0x3b1: {  	v2 =	vadd.f32 v3, v2;
	v3 =	vld [tilespmem:$0x1730];
	_ =	sdelay $0x4  }
0x3b2: {  	[tilespmem:$0x1F5C0] =	vst v3;
	v3 =	vld [tilespmem:$0x1EBF0];
	_ =	sdelay $0x4  }
0x3b3: {  	v0 =	vadd.f32 v3, v0;
	v3 =	vld [tilespmem:$0x2730];
	_ =	sdelay $0x4  }
0x3b4: {  	[tilespmem:$0x1F5D0] =	vst v3;
	v3 =	vld [tilespmem:$0x1EC00];
	_ =	sdelay $0x4  }
0x3b5: {  	v1 =	vadd.f32 v3, v1;
	v3 =	vld [tilespmem:$0x1EC10];
	_ =	sdelay $0x4  }
0x3b6: {  	v2 =	vadd.f32 v3, v2;
	v3 =	vld [tilespmem:$0x740];
	_ =	sdelay $0x4  }
0x3b7: {  	[tilespmem:$0x1F4F0] =	vst v3;
	v3 =	vld [tilespmem:$0x1EC20];
	_ =	sdelay $0x4  }
0x3b8: {  	v0 =	vadd.f32 v3, v0;
	v3 =	vld [tilespmem:$0x1740];
	_ =	sdelay $0x4  }
0x3b9: {  	[tilespmem:$0x1F5F0] =	vst v3;
	v3 =	vld [tilespmem:$0x1EC30];
	_ =	sdelay $0x4  }
0x3ba: {  	v1 =	vadd.f32 v3, v1;
	v3 =	vld [tilespmem:$0x1EC40];
	_ =	sdelay $0x4  }
0x3bb: {  	v2 =	vadd.f32 v3, v2;
	v3 =	vld [tilespmem:$0x2740];
	_ =	sdelay $0x4  }
0x3bc: {  	[tilespmem:$0x1F600] =	vst v3;
	v3 =	vld [tilespmem:$0x1EC50];
	_ =	sdelay $0x4  }
0x3bd: {  	v0 =	vadd.f32 v3, v0;
	v3 =	vld [tilespmem:$0x750];
	_ =	sdelay $0x4  }
0x3be: {  	[tilespmem:$0x1F520] =	vst v3;
	v3 =	vld [tilespmem:$0x1EC60];
	_ =	sdelay $0x4  }
0x3bf: {  	v1 =	vadd.f32 v3, v1;
	v3 =	vld [tilespmem:$0x1EC70];
	_ =	sdelay $0x4  }
0x3c0: {  	v2 =	vadd.f32 v3, v2;
	v3 =	vld [tilespmem:$0x1750];
	_ =	sdelay $0x4  }
0x3c1: {  	[tilespmem:$0x1F620] =	vst v3;
	v3 =	vld [tilespmem:$0x1EC80];
	_ =	sdelay $0x4  }
0x3c2: {  	v0 =	vadd.f32 v3, v0;
	v3 =	vld [tilespmem:$0x2750];
	_ =	sdelay $0x4  }
0x3c3: {  	[tilespmem:$0x1F630] =	vst v3;
	v3 =	vld [tilespmem:$0x1EC90];
	_ =	sdelay $0x4  }
0x3c4: {  	v1 =	vadd.f32 v3, v1;
	v3 =	vld [tilespmem:$0x1ECA0];
	_ =	sdelay $0x4  }
0x3c5: {  	v2 =	vadd.f32 v3, v2;
	v3 =	vld [tilespmem:$0x760];
	_ =	sdelay $0x4  }
0x3c6: {  	[tilespmem:$0x1F550] =	vst v3;
	v3 =	vld [tilespmem:$0x1ECB0];
	_ =	sdelay $0x4  }
0x3c7: {  	v0 =	vadd.f32 v3, v0;
	v3 =	vld [tilespmem:$0x1760];
	_ =	sdelay $0x4  }
0x3c8: {  	[tilespmem:$0x1F650] =	vst v3;
	v3 =	vld [tilespmem:$0x1ECC0];
	_ =	sdelay $0x4  }
0x3c9: {  	v1 =	vadd.f32 v3, v1;
	v3 =	vld [tilespmem:$0x1ECD0];
	_ =	sdelay $0x4  }
0x3ca: {  	v2 =	vadd.f32 v3, v2;
	v3 =	vld [tilespmem:$0x2760];
	_ =	sdelay $0x4  }
0x3cb: {  	[tilespmem:$0x1F660] =	vst v3;
	v3 =	vld [tilespmem:$0x1ECE0];
	_ =	sdelay $0x4  }
0x3cc: {  	v0 =	vadd.f32 v3, v0;
	v3 =	vld [tilespmem:$0x770];
	_ =	sdelay $0x4  }
0x3cd: {  	[tilespmem:$0x1F580] =	vst v3;
	v3 =	vld [tilespmem:$0x1ECF0];
	_ =	sdelay $0x4  }
0x3ce: {  	v1 =	vadd.f32 v3, v1;
	v3 =	vld [tilespmem:$0x1ED00];
	_ =	sdelay $0x4  }
0x3cf: {  	v2 =	vadd.f32 v3, v2;
	v3 =	vld [tilespmem:$0x1770];
	_ =	sdelay $0x4  }
0x3d0: {  	[tilespmem:$0x1F680] =	vst v3;
	v3 =	vld [tilespmem:$0x1ED10];
	_ =	sdelay $0x4  }
0x3d1: {  	v0 =	vadd.f32 v3, v0;
	v3 =	vld [tilespmem:$0x2770];
	_ =	sdelay $0x4  }
0x3d2: {  	[tilespmem:$0x1F690] =	vst v3;
	v3 =	vld [tilespmem:$0x1ED20];
	_ =	sdelay $0x4  }
0x3d3: {  	v1 =	vadd.f32 v3, v1;
	v3 =	vld [tilespmem:$0x1ED30];
	_ =	sdelay $0x4  }
0x3d4: {  	v2 =	vadd.f32 v3, v2;
	v3 =	vld [tilespmem:$0x780];
	_ =	sdelay $0x4  }
0x3d5: {  	[tilespmem:$0x1F5B0] =	vst v3;
	v3 =	vld [tilespmem:$0x1ED40];
	_ =	sdelay $0x4  }
0x3d6: {  	v0 =	vadd.f32 v3, v0;
	v3 =	vld [tilespmem:$0x1780];
	_ =	sdelay $0x4  }
0x3d7: {  	[tilespmem:$0x1F6B0] =	vst v3;
	v3 =	vld [tilespmem:$0x1ED50];
	_ =	sdelay $0x4  }
0x3d8: {  	v1 =	vadd.f32 v3, v1;
	v3 =	vld [tilespmem:$0x1ED60];
	_ =	sdelay $0x4  }
0x3d9: {  	v2 =	vadd.f32 v3, v2;
	v3 =	vld [tilespmem:$0x2780];
	_ =	sdelay $0x4  }
0x3da: {  	[tilespmem:$0x1F6C0] =	vst v3;
	v3 =	vld [tilespmem:$0x1ED70];
	_ =	sdelay $0x4  }
0x3db: {  	v0 =	vadd.f32 v3, v0;
	v3 =	vld [tilespmem:$0x790];
	_ =	sdelay $0x4  }
0x3dc: {  	[tilespmem:$0x1F5E0] =	vst v3;
	v3 =	vld [tilespmem:$0x1ED80];
	_ =	sdelay $0x4  }
0x3dd: {  	v1 =	vadd.f32 v3, v1;
	v3 =	vld [tilespmem:$0x1ED90];
	_ =	sdelay $0x4  }
0x3de: {  	v2 =	vadd.f32 v3, v2;
	v3 =	vld [tilespmem:$0x1790];
	_ =	sdelay $0x4  }
0x3df: {  	[tilespmem:$0x1F6E0] =	vst v3;
	v3 =	vld [tilespmem:$0x1EDA0];
	_ =	sdelay $0x4  }
0x3e0: {  	v0 =	vadd.f32 v3, v0;
	v3 =	vld [tilespmem:$0x2790];
	_ =	sdelay $0x4  }
0x3e1: {  	[tilespmem:$0x1F6F0] =	vst v3;
	v3 =	vld [tilespmem:$0x1EDB0];
	_ =	sdelay $0x4  }
0x3e2: {  	v1 =	vadd.f32 v3, v1;
	v3 =	vld [tilespmem:$0x1EDC0];
	_ =	sdelay $0x4  }
0x3e3: {  	v2 =	vadd.f32 v3, v2;
	v3 =	vld [tilespmem:$0x7A0];
	_ =	sdelay $0x4  }
0x3e4: {  	[tilespmem:$0x1F610] =	vst v3;
	v3 =	vld [tilespmem:$0x1EDD0];
	_ =	sdelay $0x4  }
0x3e5: {  	v0 =	vadd.f32 v3, v0;
	v3 =	vld [tilespmem:$0x17A0];
	_ =	sdelay $0x4  }
0x3e6: {  	[tilespmem:$0x1F710] =	vst v3;
	v3 =	vld [tilespmem:$0x1EDE0];
	_ =	sdelay $0x4  }
0x3e7: {  	v1 =	vadd.f32 v3, v1;
	v3 =	vld [tilespmem:$0x1EDF0];
	_ =	sdelay $0x4  }
0x3e8: {  	v2 =	vadd.f32 v3, v2;
	v3 =	vld [tilespmem:$0x27A0];
	_ =	sdelay $0x4  }
0x3e9: {  	[tilespmem:$0x1F720] =	vst v3;
	v3 =	vld [tilespmem:$0x1EE00];
	_ =	sdelay $0x4  }
0x3ea: {  	v0 =	vadd.f32 v3, v0;
	v3 =	vld [tilespmem:$0x7B0];
	_ =	sdelay $0x4  }
0x3eb: {  	[tilespmem:$0x1F640] =	vst v3;
	v3 =	vld [tilespmem:$0x1EE10];
	_ =	sdelay $0x4  }
0x3ec: {  	v1 =	vadd.f32 v3, v1;
	v3 =	vld [tilespmem:$0x1EE20];
	_ =	sdelay $0x4  }
0x3ed: {  	v2 =	vadd.f32 v3, v2;
	v3 =	vld [tilespmem:$0x17B0];
	_ =	sdelay $0x4  }
0x3ee: {  	[tilespmem:$0x1F740] =	vst v3;
	v3 =	vld [tilespmem:$0x1EE30];
	_ =	sdelay $0x4  }
0x3ef: {  	v0 =	vadd.f32 v3, v0;
	v3 =	vld [tilespmem:$0x27B0];
	_ =	sdelay $0x4  }
0x3f0: {  	[tilespmem:$0x1F750] =	vst v3;
	v3 =	vld [tilespmem:$0x1EE40];
	_ =	sdelay $0x4  }
0x3f1: {  	v1 =	vadd.f32 v3, v1;
	v3 =	vld [tilespmem:$0x1EE50];
	_ =	sdelay $0x4  }
0x3f2: {  	v2 =	vadd.f32 v3, v2;
	v3 =	vld [tilespmem:$0x7C0];
	_ =	sdelay $0x4  }
0x3f3: {  	[tilespmem:$0x1F670] =	vst v3;
	v3 =	vld [tilespmem:$0x1EE60];
	_ =	sdelay $0x4  }
0x3f4: {  	v0 =	vadd.f32 v3, v0;
	v3 =	vld [tilespmem:$0x17C0];
	_ =	sdelay $0x4  }
0x3f5: {  	[tilespmem:$0x1F770] =	vst v3;
	v3 =	vld [tilespmem:$0x1EE70];
	_ =	sdelay $0x4  }
0x3f6: {  	v1 =	vadd.f32 v3, v1;
	v3 =	vld [tilespmem:$0x1EE80];
	_ =	sdelay $0x4  }
0x3f7: {  	v2 =	vadd.f32 v3, v2;
	v3 =	vld [tilespmem:$0x27C0];
	_ =	sdelay $0x4  }
0x3f8: {  	[tilespmem:$0x1F780] =	vst v3;
	v3 =	vld [tilespmem:$0x1EE90];
	_ =	sdelay $0x4  }
0x3f9: {  	v0 =	vadd.f32 v3, v0;
	v3 =	vld [tilespmem:$0x7D0];
	_ =	sdelay $0x4  }
0x3fa: {  	[tilespmem:$0x1F6A0] =	vst v3;
	v3 =	vld [tilespmem:$0x1EEA0];
	_ =	sdelay $0x4  }
0x3fb: {  	v1 =	vadd.f32 v3, v1;
	v3 =	vld [tilespmem:$0x1EEB0];
	_ =	sdelay $0x4  }
0x3fc: {  	v2 =	vadd.f32 v3, v2;
	v3 =	vld [tilespmem:$0x17D0];
	_ =	sdelay $0x4  }
0x3fd: {  	[tilespmem:$0x1F7A0] =	vst v3;
	v3 =	vld [tilespmem:$0x1EEC0];
	_ =	sdelay $0x4  }
0x3fe: {  	v0 =	vadd.f32 v3, v0;
	v3 =	vld [tilespmem:$0x27D0];
	_ =	sdelay $0x4  }
0x3ff: {  	[tilespmem:$0x1F7B0] =	vst v3;
	v3 =	vld [tilespmem:$0x1EED0];
	_ =	sdelay $0x4  }
0x400: {  	v1 =	vadd.f32 v3, v1;
	v3 =	vld [tilespmem:$0x1EEE0];
	_ =	sdelay $0x4  }
0x401: {  	v2 =	vadd.f32 v3, v2;
	v3 =	vld [tilespmem:$0x7E0];
	_ =	sdelay $0x4  }
0x402: {  	[tilespmem:$0x1F6D0] =	vst v3;
	v3 =	vld [tilespmem:$0x1EEF0];
	_ =	sdelay $0x4  }
0x403: {  	v0 =	vadd.f32 v3, v0;
	v3 =	vld [tilespmem:$0x17E0];
	_ =	sdelay $0x4  }
0x404: {  	[tilespmem:$0x1F7D0] =	vst v3;
	v3 =	vld [tilespmem:$0x1EF00];
	_ =	sdelay $0x4  }
0x405: {  	v1 =	vadd.f32 v3, v1;
	v3 =	vld [tilespmem:$0x1EF10];
	_ =	sdelay $0x4  }
0x406: {  	v2 =	vadd.f32 v3, v2;
	v3 =	vld [tilespmem:$0x27E0];
	_ =	sdelay $0x4  }
0x407: {  	[tilespmem:$0x1F7E0] =	vst v3;
	v3 =	vld [tilespmem:$0x1EF20];
	_ =	sdelay $0x4  }
0x408: {  	v0 =	vadd.f32 v3, v0;
	v3 =	vld [tilespmem:$0x7F0];
	_ =	sdelay $0x4  }
0x409: {  	[tilespmem:$0x1F700] =	vst v3;
	v3 =	vld [tilespmem:$0x1EF30];
	_ =	sdelay $0x4  }
0x40a: {  	v1 =	vadd.f32 v3, v1;
	v3 =	vld [tilespmem:$0x1EF40];
	_ =	sdelay $0x4  }
0x40b: {  	v2 =	vadd.f32 v3, v2;
	v3 =	vld [tilespmem:$0x17F0];
	_ =	sdelay $0x4  }
0x40c: {  	[tilespmem:$0x1F800] =	vst v3;
	v3 =	vld [tilespmem:$0x1EF50];
	_ =	sdelay $0x4  }
0x40d: {  	v0 =	vadd.f32 v3, v0;
	v3 =	vld [tilespmem:$0x27F0];
	_ =	sdelay $0x4  }
0x40e: {  	[tilespmem:$0x1F810] =	vst v3;
	v3 =	vld [tilespmem:$0x1EF60];
	_ =	sdelay $0x4  }
0x40f: {  	v1 =	vadd.f32 v3, v1;
	v3 =	vld [tilespmem:$0x1EF70];
	_ =	sdelay $0x4  }
0x410: {  	v2 =	vadd.f32 v3, v2;
	v3 =	vld [tilespmem:$0x800];
	_ =	sdelay $0x4  }
0x411: {  	[tilespmem:$0x1F730] =	vst v3;
	v3 =	vld [tilespmem:$0x1EF80];
	_ =	sdelay $0x4  }
0x412: {  	v0 =	vadd.f32 v3, v0;
	v3 =	vld [tilespmem:$0x1800];
	_ =	sdelay $0x4  }
0x413: {  	[tilespmem:$0x1F830] =	vst v3;
	v3 =	vld [tilespmem:$0x1EF90];
	_ =	sdelay $0x4  }
0x414: {  	v1 =	vadd.f32 v3, v1;
	v3 =	vld [tilespmem:$0x1EFA0];
	_ =	sdelay $0x4  }
0x415: {  	v2 =	vadd.f32 v3, v2;
	v3 =	vld [tilespmem:$0x2800];
	_ =	sdelay $0x4  }
0x416: {  	[tilespmem:$0x1F840] =	vst v3;
	v3 =	vld [tilespmem:$0x1EFB0];
	_ =	sdelay $0x4  }
0x417: {  	v0 =	vadd.f32 v3, v0;
	v3 =	vld [tilespmem:$0x810];
	_ =	sdelay $0x4  }
0x418: {  	[tilespmem:$0x1F760] =	vst v3;
	v3 =	vld [tilespmem:$0x1EFC0];
	_ =	sdelay $0x4  }
0x419: {  	v1 =	vadd.f32 v3, v1;
	v3 =	vld [tilespmem:$0x1EFD0];
	_ =	sdelay $0x4  }
0x41a: {  	v2 =	vadd.f32 v3, v2;
	v3 =	vld [tilespmem:$0x1810];
	_ =	sdelay $0x4  }
0x41b: {  	[tilespmem:$0x1F860] =	vst v3;
	v3 =	vld [tilespmem:$0x1EFE0];
	_ =	sdelay $0x4  }
0x41c: {  	v0 =	vadd.f32 v3, v0;
	v3 =	vld [tilespmem:$0x2810];
	_ =	sdelay $0x4  }
0x41d: {  	[tilespmem:$0x1F870] =	vst v3;
	v3 =	vld [tilespmem:$0x1EFF0];
	_ =	sdelay $0x4  }
0x41e: {  	v1 =	vadd.f32 v3, v1;
	v3 =	vld [tilespmem:$0x1F000];
	_ =	sdelay $0x4  }
0x41f: {  	v2 =	vadd.f32 v3, v2;
	v3 =	vld [tilespmem:$0x820];
	_ =	sdelay $0x4  }
0x420: {  	[tilespmem:$0x1F790] =	vst v3;
	v3 =	vld [tilespmem:$0x1F010];
	_ =	sdelay $0x4  }
0x421: {  	v0 =	vadd.f32 v3, v0;
	v3 =	vld [tilespmem:$0x1820];
	_ =	sdelay $0x4  }
0x422: {  	[tilespmem:$0x1F890] =	vst v3;
	v3 =	vld [tilespmem:$0x1F020];
	_ =	sdelay $0x4  }
0x423: {  	v1 =	vadd.f32 v3, v1;
	v3 =	vld [tilespmem:$0x1F030];
	_ =	sdelay $0x4  }
0x424: {  	v2 =	vadd.f32 v3, v2;
	v3 =	vld [tilespmem:$0x2820];
	_ =	sdelay $0x4  }
0x425: {  	[tilespmem:$0x1F8A0] =	vst v3;
	v3 =	vld [tilespmem:$0x1F040];
	_ =	sdelay $0x4  }
0x426: {  	v0 =	vadd.f32 v3, v0;
	v3 =	vld [tilespmem:$0x830];
	_ =	sdelay $0x4  }
0x427: {  	[tilespmem:$0x1F7C0] =	vst v3;
	v3 =	vld [tilespmem:$0x1F050];
	_ =	sdelay $0x4  }
0x428: {  	v1 =	vadd.f32 v3, v1;
	v3 =	vld [tilespmem:$0x1F060];
	_ =	sdelay $0x4  }
0x429: {  	v2 =	vadd.f32 v3, v2;
	v3 =	vld [tilespmem:$0x1830];
	_ =	sdelay $0x4  }
0x42a: {  	[tilespmem:$0x1F8C0] =	vst v3;
	v3 =	vld [tilespmem:$0x1F070];
	_ =	sdelay $0x4  }
0x42b: {  	v0 =	vadd.f32 v3, v0;
	v3 =	vld [tilespmem:$0x2830];
	_ =	sdelay $0x4  }
0x42c: {  	[tilespmem:$0x1F8D0] =	vst v3;
	v3 =	vld [tilespmem:$0x1F080];
	_ =	sdelay $0x4  }
0x42d: {  	v1 =	vadd.f32 v3, v1;
	v3 =	vld [tilespmem:$0x1F090];
	_ =	sdelay $0x4  }
0x42e: {  	v2 =	vadd.f32 v3, v2;
	v3 =	vld [tilespmem:$0x840];
	_ =	sdelay $0x4  }
0x42f: {  	[tilespmem:$0x1F7F0] =	vst v3;
	v3 =	vld [tilespmem:$0x1F0A0];
	_ =	sdelay $0x4  }
0x430: {  	v0 =	vadd.f32 v3, v0;
	v3 =	vld [tilespmem:$0x1840];
	_ =	sdelay $0x4  }
0x431: {  	[tilespmem:$0x1F8F0] =	vst v3;
	v3 =	vld [tilespmem:$0x1F0B0];
	_ =	sdelay $0x4  }
0x432: {  	v1 =	vadd.f32 v3, v1;
	v3 =	vld [tilespmem:$0x1F0C0];
	_ =	sdelay $0x4  }
0x433: {  	v2 =	vadd.f32 v3, v2;
	v3 =	vld [tilespmem:$0x2840];
	_ =	sdelay $0x4  }
0x434: {  	[tilespmem:$0x1F900] =	vst v3;
	v3 =	vld [tilespmem:$0x1F0D0];
	_ =	sdelay $0x4  }
0x435: {  	v0 =	vadd.f32 v3, v0;
	v3 =	vld [tilespmem:$0x850];
	_ =	sdelay $0x4  }
0x436: {  	[tilespmem:$0x1F820] =	vst v3;
	v3 =	vld [tilespmem:$0x1F0E0];
	_ =	sdelay $0x4  }
0x437: {  	v1 =	vadd.f32 v3, v1;
	v3 =	vld [tilespmem:$0x1F0F0];
	_ =	sdelay $0x4  }
0x438: {  	v2 =	vadd.f32 v3, v2;
	v3 =	vld [tilespmem:$0x1850];
	_ =	sdelay $0x4  }
0x439: {  	[tilespmem:$0x1F920] =	vst v3;
	v3 =	vld [tilespmem:$0x1F100];
	_ =	sdelay $0x4  }
0x43a: {  	v0 =	vadd.f32 v3, v0;
	v3 =	vld [tilespmem:$0x2850];
	_ =	sdelay $0x4  }
0x43b: {  	[tilespmem:$0x1F930] =	vst v3;
	v3 =	vld [tilespmem:$0x1F110];
	_ =	sdelay $0x4  }
0x43c: {  	v1 =	vadd.f32 v3, v1;
	v3 =	vld [tilespmem:$0x1F120];
	_ =	sdelay $0x4  }
0x43d: {  	v2 =	vadd.f32 v3, v2;
	v3 =	vld [tilespmem:$0x860];
	_ =	sdelay $0x4  }
0x43e: {  	[tilespmem:$0x1F850] =	vst v3;
	v3 =	vld [tilespmem:$0x1F130];
	_ =	sdelay $0x4  }
0x43f: {  	v0 =	vadd.f32 v3, v0;
	v3 =	vld [tilespmem:$0x1860];
	_ =	sdelay $0x4  }
0x440: {  	[tilespmem:$0x1F950] =	vst v3;
	v3 =	vld [tilespmem:$0x1F140];
	_ =	sdelay $0x4  }
0x441: {  	v1 =	vadd.f32 v3, v1;
	v3 =	vld [tilespmem:$0x1F150];
	_ =	sdelay $0x4  }
0x442: {  	v2 =	vadd.f32 v3, v2;
	v3 =	vld [tilespmem:$0x2860];
	_ =	sdelay $0x4  }
0x443: {  	[tilespmem:$0x1F960] =	vst v3;
	v3 =	vld [tilespmem:$0x1F160];
	_ =	sdelay $0x4  }
0x444: {  	v0 =	vadd.f32 v3, v0;
	v3 =	vld [tilespmem:$0x870];
	_ =	sdelay $0x4  }
0x445: {  	[tilespmem:$0x1F880] =	vst v3;
	v3 =	vld [tilespmem:$0x1F170];
	_ =	sdelay $0x4  }
0x446: {  	v1 =	vadd.f32 v3, v1;
	v3 =	vld [tilespmem:$0x1F180];
	_ =	sdelay $0x4  }
0x447: {  	v2 =	vadd.f32 v3, v2;
	v3 =	vld [tilespmem:$0x1870];
	_ =	sdelay $0x4  }
0x448: {  	[tilespmem:$0x1F980] =	vst v3;
	v3 =	vld [tilespmem:$0x1F190];
	_ =	sdelay $0x4  }
0x449: {  	v0 =	vadd.f32 v3, v0;
	v3 =	vld [tilespmem:$0x2870];
	_ =	sdelay $0x4  }
0x44a: {  	[tilespmem:$0x1F990] =	vst v3;
	v3 =	vld [tilespmem:$0x1F1A0];
	_ =	sdelay $0x4  }
0x44b: {  	v1 =	vadd.f32 v3, v1;
	v3 =	vld [tilespmem:$0x1F1B0];
	_ =	sdelay $0x4  }
0x44c: {  	v2 =	vadd.f32 v3, v2;
	v3 =	vld [tilespmem:$0x880];
	_ =	sdelay $0x4  }
0x44d: {  	[tilespmem:$0x1F8B0] =	vst v3;
	v3 =	vld [tilespmem:$0x1F1C0];
	_ =	sdelay $0x4  }
0x44e: {  	v0 =	vadd.f32 v3, v0;
	v3 =	vld [tilespmem:$0x1880];
	_ =	sdelay $0x4  }
0x44f: {  	[tilespmem:$0x1F9B0] =	vst v3;
	v3 =	vld [tilespmem:$0x1F1D0];
	_ =	sdelay $0x4  }
0x450: {  	v1 =	vadd.f32 v3, v1;
	v3 =	vld [tilespmem:$0x1F1E0];
	_ =	sdelay $0x4  }
0x451: {  	v2 =	vadd.f32 v3, v2;
	v3 =	vld [tilespmem:$0x2880];
	_ =	sdelay $0x4  }
0x452: {  	[tilespmem:$0x1F9C0] =	vst v3;
	v3 =	vld [tilespmem:$0x1F1F0];
	_ =	sdelay $0x4  }
0x453: {  	v0 =	vadd.f32 v3, v0;
	v3 =	vld [tilespmem:$0x890];
	_ =	sdelay $0x4  }
0x454: {  	[tilespmem:$0x1F8E0] =	vst v3;
	v3 =	vld [tilespmem:$0x1F200];
	_ =	sdelay $0x4  }
0x455: {  	v1 =	vadd.f32 v3, v1;
	v3 =	vld [tilespmem:$0x1F210];
	_ =	sdelay $0x4  }
0x456: {  	v2 =	vadd.f32 v3, v2;
	v3 =	vld [tilespmem:$0x1890];
	_ =	sdelay $0x4  }
0x457: {  	[tilespmem:$0x1F9E0] =	vst v3;
	v3 =	vld [tilespmem:$0x1F220];
	_ =	sdelay $0x4  }
0x458: {  	v0 =	vadd.f32 v3, v0;
	v3 =	vld [tilespmem:$0x2890];
	_ =	sdelay $0x4  }
0x459: {  	[tilespmem:$0x1F9F0] =	vst v3;
	v3 =	vld [tilespmem:$0x1F230];
	_ =	sdelay $0x4  }
0x45a: {  	v1 =	vadd.f32 v3, v1;
	v3 =	vld [tilespmem:$0x1F240];
	_ =	sdelay $0x4  }
0x45b: {  	v2 =	vadd.f32 v3, v2;
	v3 =	vld [tilespmem:$0x8A0];
	_ =	sdelay $0x4  }
0x45c: {  	[tilespmem:$0x1F910] =	vst v3;
	v3 =	vld [tilespmem:$0x1F250];
	_ =	sdelay $0x4  }
0x45d: {  	v0 =	vadd.f32 v3, v0;
	v3 =	vld [tilespmem:$0x18A0];
	_ =	sdelay $0x4  }
0x45e: {  	[tilespmem:$0x1FA10] =	vst v3;
	v3 =	vld [tilespmem:$0x1F260];
	_ =	sdelay $0x4  }
0x45f: {  	v1 =	vadd.f32 v3, v1;
	v3 =	vld [tilespmem:$0x1F270];
	_ =	sdelay $0x4  }
0x460: {  	v2 =	vadd.f32 v3, v2;
	v3 =	vld [tilespmem:$0x28A0];
	_ =	sdelay $0x4  }
0x461: {  	[tilespmem:$0x1FA20] =	vst v3;
	v3 =	vld [tilespmem:$0x1F280];
	_ =	sdelay $0x4  }
0x462: {  	v0 =	vadd.f32 v3, v0;
	v3 =	vld [tilespmem:$0x8B0];
	_ =	sdelay $0x4  }
0x463: {  	[tilespmem:$0x1F940] =	vst v3;
	v3 =	vld [tilespmem:$0x1F290];
	_ =	sdelay $0x4  }
0x464: {  	v1 =	vadd.f32 v3, v1;
	v3 =	vld [tilespmem:$0x1F2A0];
	_ =	sdelay $0x4  }
0x465: {  	v2 =	vadd.f32 v3, v2;
	v3 =	vld [tilespmem:$0x18B0];
	_ =	sdelay $0x4  }
0x466: {  	[tilespmem:$0x1FA40] =	vst v3;
	v3 =	vld [tilespmem:$0x1F2B0];
	_ =	sdelay $0x4  }
0x467: {  	v0 =	vadd.f32 v3, v0;
	v3 =	vld [tilespmem:$0x28B0];
	_ =	sdelay $0x4  }
0x468: {  	[tilespmem:$0x1FA50] =	vst v3;
	v3 =	vld [tilespmem:$0x1F2C0];
	_ =	sdelay $0x4  }
0x469: {  	v1 =	vadd.f32 v3, v1;
	v3 =	vld [tilespmem:$0x1F2D0];
	_ =	sdelay $0x4  }
0x46a: {  	v2 =	vadd.f32 v3, v2;
	v3 =	vld [tilespmem:$0x8C0];
	_ =	sdelay $0x4  }
0x46b: {  	[tilespmem:$0x1F970] =	vst v3;
	v3 =	vld [tilespmem:$0x1F2E0];
	_ =	sdelay $0x4  }
0x46c: {  	v0 =	vadd.f32 v3, v0;
	v3 =	vld [tilespmem:$0x18C0];
	_ =	sdelay $0x4  }
0x46d: {  	[tilespmem:$0x1FA70] =	vst v3;
	v3 =	vld [tilespmem:$0x1F2F0];
	_ =	sdelay $0x4  }
0x46e: {  	v1 =	vadd.f32 v3, v1;
	v3 =	vld [tilespmem:$0x1F300];
	_ =	sdelay $0x4  }
0x46f: {  	v2 =	vadd.f32 v3, v2;
	v3 =	vld [tilespmem:$0x28C0];
	_ =	sdelay $0x4  }
0x470: {  	[tilespmem:$0x1FA80] =	vst v3;
	v3 =	vld [tilespmem:$0x1F310];
	_ =	sdelay $0x4  }
0x471: {  	v0 =	vadd.f32 v3, v0;
	v3 =	vld [tilespmem:$0x8D0];
	_ =	sdelay $0x4  }
0x472: {  	[tilespmem:$0x1F9A0] =	vst v3;
	v3 =	vld [tilespmem:$0x1F320];
	_ =	sdelay $0x4  }
0x473: {  	v1 =	vadd.f32 v3, v1;
	v3 =	vld [tilespmem:$0x1F330];
	_ =	sdelay $0x4  }
0x474: {  	v2 =	vadd.f32 v3, v2;
	v3 =	vld [tilespmem:$0x18D0];
	_ =	sdelay $0x4  }
0x475: {  	[tilespmem:$0x1FAA0] =	vst v3;
	v3 =	vld [tilespmem:$0x1F340];
	_ =	sdelay $0x4  }
0x476: {  	v0 =	vadd.f32 v3, v0;
	v3 =	vld [tilespmem:$0x28D0];
	_ =	sdelay $0x4  }
0x477: {  	[tilespmem:$0x1FAB0] =	vst v3;
	v3 =	vld [tilespmem:$0x1F350];
	_ =	sdelay $0x4  }
0x478: {  	v1 =	vadd.f32 v3, v1;
	v3 =	vld [tilespmem:$0x1F360];
	_ =	sdelay $0x4  }
0x479: {  	v2 =	vadd.f32 v3, v2;
	v3 =	vld [tilespmem:$0x8E0];
	_ =	sdelay $0x4  }
0x47a: {  	[tilespmem:$0x1F9D0] =	vst v3;
	v3 =	vld [tilespmem:$0x1F370];
	_ =	sdelay $0x4  }
0x47b: {  	v0 =	vadd.f32 v3, v0;
	v3 =	vld [tilespmem:$0x18E0];
	_ =	sdelay $0x4  }
0x47c: {  	[tilespmem:$0x1FAD0] =	vst v3;
	v3 =	vld [tilespmem:$0x1F380];
	_ =	sdelay $0x4  }
0x47d: {  	v1 =	vadd.f32 v3, v1;
	v3 =	vld [tilespmem:$0x1F390];
	_ =	sdelay $0x4  }
0x47e: {  	v2 =	vadd.f32 v3, v2;
	v3 =	vld [tilespmem:$0x28E0];
	_ =	sdelay $0x4  }
0x47f: {  	[tilespmem:$0x1FAE0] =	vst v3;
	v3 =	vld [tilespmem:$0x1F3A0];
	_ =	sdelay $0x4  }
0x480: {  	v0 =	vadd.f32 v3, v0;
	v3 =	vld [tilespmem:$0x8F0];
	_ =	sdelay $0x4  }
0x481: {  	[tilespmem:$0x1FA00] =	vst v3;
	v3 =	vld [tilespmem:$0x1F3C0];
	_ =	sdelay $0x4  }
0x482: {  	v0 =	vadd.f32 v3, v0;
	v3 =	vld [tilespmem:$0x28F0];
	_ =	sdelay $0x4  }
0x483: {  	[tilespmem:$0x1FB00] =	vst v3;
	v3 =	vld [tilespmem:$0x1F3D0];
	_ =	sdelay $0x1  }
0x484: {  	v51 =	vld [tilespmem:$0x16B0]  }
0x485: {  	v1 =	vadd.f32 v61, v1;
	v61 =	vld [tilespmem:$0x1F3B0]  }
0x486: {  	v52 =	vld [tilespmem:$0x26B0]  }
0x487: {  	v1 =	vadd.f32 v3, v1;
	v3 =	vld [tilespmem:$0x1F3E0]  }
0x488: {  	v53 =	vld [tilespmem:$0x16C0]  }
0x489: {  	v56 =	vld [tilespmem:$0x26C0]  }
0x48a: {  	v57 =	vld [tilespmem:$0x16D0];
	v2 =	vadd.f32 v61, v2;
	v1 =	vadd.f32 v4, v1  }
0x48b: {  	v58 =	vld [tilespmem:$0x26D0]  }
0x48c: {  	v1 =	vadd.f32 v5, v1;
	v2 =	vadd.f32 v3, v2;
	v3 =	vld [tilespmem:$0x900]  }
0x48d: {  	v59 =	vld [tilespmem:$0x16E0]  }
0x48e: {  	v1 =	vadd.f32 v7, v1;
	v7 =	vld [tilespmem:$0x920]  }
0x48f: {  	v61 =	vld [tilespmem:$0x18F0]  }
0x490: {  	v1 =	vadd.f32 v8, v1;
	v8 =	vld [tilespmem:$0x2920]  }
0x491: {  	[tilespmem:$0x1FA30] =	vst v3;
	v3 =	vld [tilespmem:$0x1F3F0]  }
0x492: {  	v1 =	vadd.f32 v10, v1;
	v10 =	vld [tilespmem:$0x1F4C0]  }
0x493: {  	[tilespmem:$0x1FA90] =	vst v7;
	v7 =	vld [tilespmem:$0x1F4A0]  }
0x494: {  	v1 =	vadd.f32 v11, v1;
	v11 =	vld [tilespmem:$0x1F4D0]  }
0x495: {  	[tilespmem:$0x1FB30] =	vst v8;
	v8 =	vld [tilespmem:$0x19E0]  }
0x496: {  	v1 =	vadd.f32 v14, v1;
	v14 =	vld [tilespmem:$0x1F4F0]  }
0x497: {  	v0 =	vadd.f32 v3, v0;
	v3 =	vld [tilespmem:$0x1900]  }
0x498: {  	v1 =	vadd.f32 v17, v1;
	v17 =	vld [tilespmem:$0x1950]  }
0x499: {  	v0 =	vadd.f32 v36, v0;
	v36 =	vld [tilespmem:$0x910]  }
0x49a: {  	v1 =	vadd.f32 v19, v1;
	v19 =	vld [tilespmem:$0x1960]  }
0x49b: {  	[tilespmem:$0x1FBB0] =	vst v8;
	v8 =	vld [tilespmem:$0x1F5A0]  }
0x49c: {  	v0 =	vadd.f32 v37, v0;
	v37 =	vld [tilespmem:$0x2910]  }
0x49d: {  	[tilespmem:$0x1FB10] =	vst v3;
	v3 =	vld [tilespmem:$0x1F400]  }
0x49e: {  	v1 =	vadd.f32 v21, v1;
	v21 =	vld [tilespmem:$0x970]  }
0x49f: {  	v0 =	vadd.f32 v42, v0;
	v42 =	vld [tilespmem:$0x1920]  }
0x4a0: {  	[tilespmem:$0x1FA60] =	vst v36;
	v36 =	vld [tilespmem:$0x1910]  }
0x4a1: {  	v1 =	vadd.f32 v23, v1;
	v23 =	vld [tilespmem:$0x1F410]  }
0x4a2: {  	v0 =	vadd.f32 v43, v0;
	v43 =	vld [tilespmem:$0x1930]  }
0x4a3: {  	v1 =	vadd.f32 v25, v1;
	v25 =	vld [tilespmem:$0x1F420]  }
0x4a4: {  	v2 =	vadd.f32 v3, v2;
	v3 =	vld [tilespmem:$0x2900]  }
0x4a5: {  	v0 =	vadd.f32 v48, v0;
	v48 =	vld [tilespmem:$0x1F450]  }
0x4a6: {  	v1 =	vadd.f32 v27, v1;
	v27 =	vld [tilespmem:$0x1F430]  }
0x4a7: {  	v0 =	vadd.f32 v49, v0;
	v49 =	vld [tilespmem:$0x1940]  }
0x4a8: {  	v2 =	vadd.f32 v6, v2;
	v6 =	vld [tilespmem:$0x1F490]  }
0x4a9: {  	v1 =	vadd.f32 v29, v1;
	v29 =	vld [tilespmem:$0x2990]  }
0x4aa: {  	v2 =	vadd.f32 v13, v2;
	v13 =	vld [tilespmem:$0x2930]  }
0x4ab: {  	v0 =	vadd.f32 v54, v0;
	v54 =	vld [tilespmem:$0x9B0]  }
0x4ac: {  	v1 =	vadd.f32 v31, v1;
	v31 =	vld [tilespmem:$0x9A0]  }
0x4ad: {  	v2 =	vadd.f32 v9, v2;
	v9 =	vld [tilespmem:$0x930]  }
0x4ae: {  	v0 =	vadd.f32 v55, v0;
	v55 =	vld [tilespmem:$0x2950]  }
0x4af: {  	v1 =	vadd.f32 v33, v1;
	v33 =	vld [tilespmem:$0x19B0]  }
0x4b0: {  	v2 =	vadd.f32 v15, v2;
	v15 =	vld [tilespmem:$0x940]  }
0x4b1: {  	v0 =	vadd.f32 v60, v0;
	v60 =	vld [tilespmem:$0x1F460]  }
0x4b2: {  	[tilespmem:$0x1FBA0] =	vst v29;
	v29 =	vld [tilespmem:$0x2A10]  }
0x4b3: {  	v1 =	vadd.f32 v35, v1;
	v35 =	vld [tilespmem:$0x19C0]  }
0x4b4: {  	[tilespmem:$0x1FB50] =	vst v13;
	v13 =	vld [tilespmem:$0x2A00]  }
0x4b5: {  	[tilespmem:$0x1FB90] =	vst v54;
	v54 =	vld [tilespmem:$0xA20]  }
0x4b6: {  	[tilespmem:$0x1FB80] =	vst v31;
	v31 =	vld [tilespmem:$0x19A0]  }
0x4b7: {  	v0 =	vadd.f32 v63, v0;
	v63 =	vld [tilespmem:$0x1F480]  }
0x4b8: {  	v2 =	vadd.f32 v12, v2;
	v12 =	vld [tilespmem:$0x1F4E0]  }
0x4b9: {  	v1 =	vadd.f32 v39, v1;
	v39 =	vld [tilespmem:$0x9D0]  }
0x4ba: {  	[tilespmem:$0x1FAC0] =	vst v9;
	v9 =	vld [tilespmem:$0x1F4B0]  }
0x4bb: {  	v2 =	vadd.f32 v16, v2;
	v16 =	vld [tilespmem:$0x2940]  }
0x4bc: {  	v0 =	vadd.f32 v23, v0;
	v23 =	vld [tilespmem:$0x2970]  }
0x4bd: {  	v1 =	vadd.f32 v41, v1;
	v41 =	vld [tilespmem:$0x19D0]  }
0x4be: {  	[tilespmem:$0x1FAF0] =	vst v15;
	v15 =	vld [tilespmem:$0x1F500]  }
0x4bf: {  	v2 =	vadd.f32 v18, v2;
	v18 =	vld [tilespmem:$0x960]  }
0x4c0: {  	v0 =	vadd.f32 v62, v0;
	v62 =	vld [tilespmem:$0x1F470]  }
0x4c1: {  	[tilespmem:$0x1FBC0] =	vst v13;
	v13 =	vld [tilespmem:$0x1F5D0]  }
0x4c2: {  	v1 =	vadd.f32 v45, v1;
	v45 =	vld [tilespmem:$0x29D0];
	v2 =	vadd.f32 v20, v2  }
0x4c3: {  	v20 =	vld [tilespmem:$0x2960]  }
0x4c4: {  	v0 =	vadd.f32 v25, v0;
	v25 =	vld [tilespmem:$0x1F510];
	v2 =	vadd.f32 v22, v2  }
0x4c5: {  	[tilespmem:$0x1FB70] =	vst v16;
	v16 =	vld [tilespmem:$0x950]  }
0x4c6: {  	v1 =	vadd.f32 v47, v1;
	v47 =	vld [tilespmem:$0x1F550];
	v2 =	vadd.f32 v24, v2  }
0x4c7: {  	v22 =	vld [tilespmem:$0x1970]  }
0x4c8: {  	v0 =	vadd.f32 v27, v0;
	v27 =	vld [tilespmem:$0x1F520];
	v2 =	vadd.f32 v26, v2  }
0x4c9: {  	v1 =	vadd.f32 v51, v1;
	v51 =	vld [tilespmem:$0x29E0]  }
0x4ca: {  	v24 =	vld [tilespmem:$0x980];
	v2 =	vadd.f32 v28, v2  }
0x4cb: {  	v1 =	vadd.f32 v53, v1;
	v53 =	vld [tilespmem:$0x19F0]  }
0x4cc: {  	v26 =	vld [tilespmem:$0x990];
	v2 =	vadd.f32 v30, v2  }
0x4cd: {  	v1 =	vadd.f32 v57, v1;
	v57 =	vld [tilespmem:$0x1A00]  }
0x4ce: {  	v2 =	vadd.f32 v32, v2;
	v32 =	vld [tilespmem:$0x1F440]  }
0x4cf: {  	v28 =	vld [tilespmem:$0x2980]  }
0x4d0: {  	[tilespmem:$0x1FB40] =	vst v24;
	v24 =	vld [tilespmem:$0x1980]  }
0x4d1: {  	v1 =	vadd.f32 v59, v1;
	v59 =	vld [tilespmem:$0xA10]  }
0x4d2: {  	[tilespmem:$0x1FB60] =	vst v26;
	v26 =	vld [tilespmem:$0x1A10]  }
0x4d3: {  	v30 =	vld [tilespmem:$0x1990];
	v0 =	vadd.f32 v32, v0  }
0x4d4: {  	v1 =	vadd.f32 v15, v1;
	v15 =	vld [tilespmem:$0x1A40];
	v2 =	vadd.f32 v34, v2  }
0x4d5: {  	v34 =	vld [tilespmem:$0x29B0];
	v0 =	vadd.f32 v48, v0  }
0x4d6: {  	v2 =	vadd.f32 v38, v2;
	v38 =	vld [tilespmem:$0x9C0]  }
0x4d7: {  	[tilespmem:$0x1FBD0] =	vst v26;
	v26 =	vld [tilespmem:$0x1F600];
	v0 =	vadd.f32 v60, v0  }
0x4d8: {  	v32 =	vld [tilespmem:$0x29A0]  }
0x4d9: {  	v2 =	vadd.f32 v40, v2;
	v40 =	vld [tilespmem:$0x29C0];
	v0 =	vadd.f32 v62, v0  }
0x4da: {  	v48 =	vld [tilespmem:$0x1A20]  }
0x4db: {  	v2 =	vadd.f32 v44, v2;
	v44 =	vld [tilespmem:$0x1F530];
	v0 =	vadd.f32 v63, v0  }
0x4dc: {  	v60 =	vld [tilespmem:$0x9F0]  }
0x4dd: {  	v2 =	vadd.f32 v46, v2;
	v46 =	vld [tilespmem:$0x1F540];
	v0 =	vadd.f32 v6, v0  }
0x4de: {  	v62 =	vld [tilespmem:$0x9E0]  }
0x4df: {  	v2 =	vadd.f32 v50, v2;
	v50 =	vld [tilespmem:$0x1F560];
	v0 =	vadd.f32 v7, v0  }
0x4e0: {  	v63 =	vld [tilespmem:$0x2A20]  }
0x4e1: {  	v2 =	vadd.f32 v52, v2;
	v52 =	vld [tilespmem:$0x1F570];
	v0 =	vadd.f32 v9, v0  }
0x4e2: {  	v1 =	vadd.f32 v44, v1;
	v6 =	vld [tilespmem:$0x1F580]  }
0x4e3: {  	v2 =	vadd.f32 v56, v2;
	v56 =	vld [tilespmem:$0x29F0];
	v0 =	vadd.f32 v10, v0  }
0x4e4: {  	v7 =	vld [tilespmem:$0x1F590]  }
0x4e5: {  	v1 =	vadd.f32 v50, v1;
	v50 =	vld [tilespmem:$0xA40];
	v0 =	vadd.f32 v11, v0  }
0x4e6: {  	v2 =	vadd.f32 v58, v2;
	v58 =	vld [tilespmem:$0xA00]  }
0x4e7: {  	[tilespmem:$0x1FB20] =	vst v3;
	v9 =	vld [tilespmem:$0x1A30];
	v0 =	vadd.f32 v14, v0  }
0x4e8: {  	[tilespmem:$0x1FBE0] =	vst v29;
	v2 =	vadd.f32 v12, v2;
	v11 =	vld [tilespmem:$0x2A30]  }
0x4e9: {  	[tilespmem:$0x1FC30] =	vst v15;
	v0 =	vadd.f32 v27, v0;
	v27 =	vld [tilespmem:$0x2A40]  }
0x4ea: {  	[tilespmem:$0x1FBF0] =	vst v48;
	v12 =	vld [tilespmem:$0x1F5C0];
	v2 =	vadd.f32 v25, v2  }
0x4eb: {  	[tilespmem:$0x1FC00] =	vst v63;
	v10 =	vld [tilespmem:$0x1F5B0]  }
0x4ec: {  	v25 =	vld [tilespmem:$0x1F5F0];
	v2 =	vadd.f32 v46, v2;
	[tilespmem:$0x1FC10] =	vst v9  }
0x4ed: {  	v14 =	vld [tilespmem:$0x1F5E0];
	[tilespmem:$0x1FC20] =	vst v11  }
0x4ee: {  	v2 =	vadd.f32 v52, v2;
	v52 =	vld [tilespmem:$0xA30];
	[tilespmem:$0x1FC40] =	vst v27  }
0x4ef: {  	v3 =	vld [tilespmem:$0x1F610]  }
0x4f0: {  	v48 =	vld [tilespmem:$0xA50]  }
0x4f1: {  	v29 =	vld [tilespmem:$0x1F620]  }
0x4f2: {  	v44 =	vld [tilespmem:$0x1F630]  }
0x4f3: {  	v46 =	vld [tilespmem:$0x1A50]  }
0x4f4: {  	v0 =	vadd.f32 v47, v0;
	v47 =	vld [tilespmem:$0x1F640]  }
0x4f5: {  	v63 =	vld [tilespmem:$0x2A50]  }
0x4f6: {  	v0 =	vadd.f32 v6, v0;
	v6 =	vld [tilespmem:$0x1F650]  }
0x4f7: {  	v1 =	vadd.f32 v7, v1;
	v7 =	vld [tilespmem:$0x1F660]  }
0x4f8: {  	v2 =	vadd.f32 v8, v2;
	v8 =	vld [tilespmem:$0x1F670]  }
0x4f9: {  	v9 =	vld [tilespmem:$0x1A60]  }
0x4fa: {  	v0 =	vadd.f32 v10, v0;
	v10 =	vld [tilespmem:$0x1F680]  }
0x4fb: {  	v11 =	vld [tilespmem:$0x1F690]  }
0x4fc: {  	v1 =	vadd.f32 v12, v1;
	v12 =	vld [tilespmem:$0x2A60]  }
0x4fd: {  	v2 =	vadd.f32 v13, v2;
	v13 =	vld [tilespmem:$0x1F6A0]  }
0x4fe: {  	v15 =	vld [tilespmem:$0x1F6C0]  }
0x4ff: {  	v1 =	vadd.f32 v25, v1;
	v25 =	vld [tilespmem:$0x1A70]  }
0x500: {  	v2 =	vadd.f32 v26, v2;
	v26 =	vld [tilespmem:$0x1F6D0]  }
0x501: {  	v27 =	vld [tilespmem:$0x2A70]  }
0x502: {  	v5 =	vld [tilespmem:$0xAB0]  }
0x503: {  	v4 =	vld [tilespmem:$0xB40]  }
0x504: {  	v0 =	vadd.f32 v14, v0;
	v14 =	vld [tilespmem:$0x1F6B0]  }
0x505: {  	[tilespmem:$0x1FC50] =	vst v46;
	v46 =	vld [tilespmem:$0xA60]  }
0x506: {  	v1 =	vadd.f32 v29, v1;
	v29 =	vld [tilespmem:$0x1F6E0]  }
0x507: {  	v2 =	vadd.f32 v44, v2;
	v44 =	vld [tilespmem:$0x1F6F0]  }
0x508: {  	[tilespmem:$0x1FC60] =	vst v63;
	v63 =	vld [tilespmem:$0x1F700]  }
0x509: {  	[tilespmem:$0x1FC70] =	vst v9;
	v9 =	vld [tilespmem:$0x2A80]  }
0x50a: {  	v0 =	vadd.f32 v3, v0;
	v3 =	vld [tilespmem:$0xA90]  }
0x50b: {  	[tilespmem:$0x1FC80] =	vst v12;
	v12 =	vld [tilespmem:$0x1F750]  }
0x50c: {  	[tilespmem:$0x1FC90] =	vst v25;
	v25 =	vld [tilespmem:$0x2A90]  }
0x50d: {  	[tilespmem:$0x1FCA0] =	vst v27;
	v27 =	vld [tilespmem:$0x1F780]  }
0x50e: {  	v0 =	vadd.f32 v47, v0;
	v47 =	vld [tilespmem:$0xA70]  }
0x50f: {  	v1 =	vadd.f32 v6, v1;
	v6 =	vld [tilespmem:$0x1A80]  }
0x510: {  	v2 =	vadd.f32 v7, v2;
	v7 =	vld [tilespmem:$0x1F710]  }
0x511: {  	v0 =	vadd.f32 v8, v0;
	v8 =	vld [tilespmem:$0x1F720]  }
0x512: {  	v1 =	vadd.f32 v10, v1;
	v10 =	vld [tilespmem:$0x1F730]  }
0x513: {  	v2 =	vadd.f32 v11, v2;
	v11 =	vld [tilespmem:$0x1F740]  }
0x514: {  	[tilespmem:$0x1FCC0] =	vst v9;
	v9 =	vld [tilespmem:$0x1F7B0]  }
0x515: {  	[tilespmem:$0x1FCE0] =	vst v25;
	v25 =	vld [tilespmem:$0x1F7F0]  }
0x516: {  	v2 =	vadd.f32 v15, v2;
	v15 =	vld [tilespmem:$0xA80]  }
0x517: {  	v0 =	vadd.f32 v13, v0;
	v13 =	vld [tilespmem:$0x1A90]  }
0x518: {  	v1 =	vadd.f32 v14, v1;
	v14 =	vld [tilespmem:$0x1F760]  }
0x519: {  	[tilespmem:$0x1FCB0] =	vst v6;
	v6 =	vld [tilespmem:$0xB10]  }
0x51a: {  	v0 =	vadd.f32 v26, v0;
	v26 =	vld [tilespmem:$0x1F770]  }
0x51b: {  	v1 =	vadd.f32 v29, v1;
	v2 =	vadd.f32 v44, v2;
	v29 =	vld [tilespmem:$0x1F790]  }
0x51c: {  	v44 =	vld [tilespmem:$0x1AA0]  }
0x51d: {  	v2 =	vadd.f32 v8, v2;
	v8 =	vld [tilespmem:$0xAA0]  }
0x51e: {  	v0 =	vadd.f32 v63, v0;
	v63 =	vld [tilespmem:$0x1F7A0]  }
0x51f: {  	v1 =	vadd.f32 v7, v1;
	v7 =	vld [tilespmem:$0xB70]  }
0x520: {  	[tilespmem:$0x1FCD0] =	vst v13;
	v13 =	vld [tilespmem:$0x1F7E0]  }
0x521: {  	v0 =	vadd.f32 v10, v0;
	v10 =	vld [tilespmem:$0x2AA0]  }
0x522: {  	v1 =	vadd.f32 v11, v1;
	v11 =	vld [tilespmem:$0x1F7C0]  }
0x523: {  	v2 =	vadd.f32 v12, v2;
	v12 =	vld [tilespmem:$0x1F7D0]  }
0x524: {  	[tilespmem:$0x1FCF0] =	vst v44;
	v44 =	vld [tilespmem:$0x1F820]  }
0x525: {  	v0 =	vadd.f32 v14, v0;
	v14 =	vld [tilespmem:$0x1AB0]  }
0x526: {  	v1 =	vadd.f32 v26, v1;
	v26 =	vld [tilespmem:$0x2AB0]  }
0x527: {  	v2 =	vadd.f32 v27, v2;
	v27 =	vld [tilespmem:$0x1F800]  }
0x528: {  	v0 =	vadd.f32 v29, v0;
	v29 =	vld [tilespmem:$0x1F810]  }
0x529: {  	v2 =	vadd.f32 v9, v2;
	v9 =	vld [tilespmem:$0xAC0]  }
0x52a: {  	v1 =	vadd.f32 v63, v1;
	v63 =	vld [tilespmem:$0x1AC0]  }
0x52b: {  	[tilespmem:$0x1FD00] =	vst v10;
	v10 =	vld [tilespmem:$0x1F830]  }
0x52c: {  	v0 =	vadd.f32 v11, v0;
	v11 =	vld [tilespmem:$0x1F840]  }
0x52d: {  	v1 =	vadd.f32 v12, v1;
	v12 =	vld [tilespmem:$0x2AC0]  }
0x52e: {  	v2 =	vadd.f32 v13, v2;
	v13 =	vld [tilespmem:$0x1F850]  }
0x52f: {  	[tilespmem:$0x1FD10] =	vst v14;
	v14 =	vld [tilespmem:$0x1F860]  }
0x530: {  	[tilespmem:$0x1FD20] =	vst v26;
	v26 =	vld [tilespmem:$0x1AD0]  }
0x531: {  	v0 =	vadd.f32 v25, v0;
	v25 =	vld [tilespmem:$0x1F870]  }
0x532: {  	v1 =	vadd.f32 v27, v1;
	v27 =	vld [tilespmem:$0x1F880]  }
0x533: {  	v2 =	vadd.f32 v29, v2;
	v29 =	vld [tilespmem:$0x2AD0]  }
0x534: {  	[tilespmem:$0x1FD30] =	vst v63;
	v63 =	vld [tilespmem:$0x1F8A0]  }
0x535: {  	v1 =	vadd.f32 v10, v1;
	v10 =	vld [tilespmem:$0xAD0]  }
0x536: {  	v0 =	vadd.f32 v44, v0;
	v44 =	vld [tilespmem:$0x1F890]  }
0x537: {  	v2 =	vadd.f32 v11, v2;
	v11 =	vld [tilespmem:$0x1F8B0]  }
0x538: {  	[tilespmem:$0x1FD40] =	vst v12;
	v12 =	vld [tilespmem:$0x1AE0]  }
0x539: {  	v0 =	vadd.f32 v13, v0;
	v13 =	vld [tilespmem:$0xAE0]  }
0x53a: {  	v1 =	vadd.f32 v14, v1;
	v14 =	vld [tilespmem:$0x1F8C0]  }
0x53b: {  	[tilespmem:$0x1FD50] =	vst v26;
	v26 =	vld [tilespmem:$0x2AE0]  }
0x53c: {  	v2 =	vadd.f32 v25, v2;
	v25 =	vld [tilespmem:$0x1F8D0]  }
0x53d: {  	v0 =	vadd.f32 v27, v0;
	v27 =	vld [tilespmem:$0x1F8E0]  }
0x53e: {  	[tilespmem:$0x1FD60] =	vst v29;
	v29 =	vld [tilespmem:$0x1F8F0]  }
0x53f: {  	v1 =	vadd.f32 v44, v1;
	v44 =	vld [tilespmem:$0x1F900]  }
0x540: {  	v2 =	vadd.f32 v63, v2;
	v63 =	vld [tilespmem:$0x1AF0]  }
0x541: {  	v0 =	vadd.f32 v11, v0;
	v11 =	vld [tilespmem:$0x1F910]  }
0x542: {  	[tilespmem:$0x1FD70] =	vst v12;
	v12 =	vld [tilespmem:$0x2AF0]  }
0x543: {  	[tilespmem:$0x1FD80] =	vst v26;
	v26 =	vld [tilespmem:$0xAF0]  }
0x544: {  	v1 =	vadd.f32 v14, v1;
	v14 =	vld [tilespmem:$0x1F920]  }
0x545: {  	v2 =	vadd.f32 v25, v2;
	v25 =	vld [tilespmem:$0x1F930]  }
0x546: {  	v0 =	vadd.f32 v27, v0;
	v27 =	vld [tilespmem:$0x1F940]  }
0x547: {  	v1 =	vadd.f32 v29, v1;
	v29 =	vld [tilespmem:$0x1B00]  }
0x548: {  	v2 =	vadd.f32 v44, v2;
	v44 =	vld [tilespmem:$0x1F950]  }
0x549: {  	[tilespmem:$0x1FD90] =	vst v63;
	v63 =	vld [tilespmem:$0x1F960]  }
0x54a: {  	v0 =	vadd.f32 v11, v0;
	v11 =	vld [tilespmem:$0x2B00]  }
0x54b: {  	[tilespmem:$0x1FDA0] =	vst v12;
	v12 =	vld [tilespmem:$0x1F970]  }
0x54c: {  	v1 =	vadd.f32 v14, v1;
	v14 =	vld [tilespmem:$0xB00]  }
0x54d: {  	v2 =	vadd.f32 v25, v2;
	v25 =	vld [tilespmem:$0x1F980]  }
0x54e: {  	v0 =	vadd.f32 v27, v0;
	v27 =	vld [tilespmem:$0x1F990]  }
0x54f: {  	[tilespmem:$0x1FDB0] =	vst v29;
	v29 =	vld [tilespmem:$0x1B10]  }
0x550: {  	v1 =	vadd.f32 v44, v1;
	v44 =	vld [tilespmem:$0x1F9A0]  }
0x551: {  	v2 =	vadd.f32 v63, v2;
	v63 =	vld [tilespmem:$0x2B10]  }
0x552: {  	[tilespmem:$0x1FDC0] =	vst v11;
	v11 =	vld [tilespmem:$0x1F9B0]  }
0x553: {  	v0 =	vadd.f32 v12, v0;
	v12 =	vld [tilespmem:$0x1F9C0]  }
0x554: {  	v1 =	vadd.f32 v25, v1;
	v25 =	vld [tilespmem:$0x1F9D0]  }
0x555: {  	v2 =	vadd.f32 v27, v2;
	v27 =	vld [tilespmem:$0x1B20]  }
0x556: {  	[tilespmem:$0x1FDD0] =	vst v29;
	v29 =	vld [tilespmem:$0x1F9E0]  }
0x557: {  	v0 =	vadd.f32 v44, v0;
	v44 =	vld [tilespmem:$0x1F9F0]  }
0x558: {  	[tilespmem:$0x1FDE0] =	vst v63;
	v63 =	vld [tilespmem:$0x2B20]  }
0x559: {  	v2 =	vadd.f32 v12, v2;
	v12 =	vld [tilespmem:$0xB20]  }
0x55a: {  	v1 =	vadd.f32 v11, v1;
	v11 =	vld [tilespmem:$0x1FA00]  }
0x55b: {  	v0 =	vadd.f32 v25, v0;
	v25 =	vld [tilespmem:$0x1FA10]  }
0x55c: {  	[tilespmem:$0x1FDF0] =	vst v27;
	v27 =	vld [tilespmem:$0x1FA20]  }
0x55d: {  	v1 =	vadd.f32 v29, v1;
	v29 =	vld [tilespmem:$0x1B30]  }
0x55e: {  	[tilespmem:$0x1FE00] =	vst v63;
	v63 =	vld [tilespmem:$0x2B30]  }
0x55f: {  	v2 =	vadd.f32 v44, v2;
	v44 =	vld [tilespmem:$0x1FA30]  }
0x560: {  	v0 =	vadd.f32 v11, v0;
	v11 =	vld [tilespmem:$0xB30]  }
0x561: {  	v1 =	vadd.f32 v25, v1;
	v25 =	vld [tilespmem:$0x1FA40]  }
0x562: {  	v2 =	vadd.f32 v27, v2;
	v27 =	vld [tilespmem:$0x1FA50]  }
0x563: {  	[tilespmem:$0x1FE20] =	vst v63;
	v63 =	vld [tilespmem:$0x1FA70]  }
0x564: {  	v0 =	vadd.f32 v44, v0;
	v44 =	vld [tilespmem:$0x1B40]  }
0x565: {  	[tilespmem:$0x1FE10] =	vst v29;
	v29 =	vld [tilespmem:$0x1FA60]  }
0x566: {  	v1 =	vadd.f32 v25, v1;
	v25 =	vld [tilespmem:$0x1FA80]  }
0x567: {  	v2 =	vadd.f32 v27, v2;
	v27 =	vld [tilespmem:$0x2B40]  }
0x568: {  	v1 =	vadd.f32 v63, v1;
	v63 =	vld [tilespmem:$0x1FAB0]  }
0x569: {  	[tilespmem:$0x1FE30] =	vst v44;
	v44 =	vld [tilespmem:$0x1FAA0]  }
0x56a: {  	v0 =	vadd.f32 v29, v0;
	v29 =	vld [tilespmem:$0x1FA90]  }
0x56b: {  	v2 =	vadd.f32 v25, v2;
	v25 =	vld [tilespmem:$0x1B50]  }
0x56c: {  	[tilespmem:$0x1FE40] =	vst v27;
	v27 =	vld [tilespmem:$0x1FAC0]  }
0x56d: {  	v2 =	vadd.f32 v63, v2;
	v63 =	vld [tilespmem:$0x1FAD0]  }
0x56e: {  	v1 =	vadd.f32 v44, v1;
	v44 =	vld [tilespmem:$0x2B50]  }
0x56f: {  	v0 =	vadd.f32 v29, v0;
	v29 =	vld [tilespmem:$0xB50]  }
0x570: {  	[tilespmem:$0x1FE50] =	vst v25;
	v25 =	vld [tilespmem:$0x1FAE0]  }
0x571: {  	v0 =	vadd.f32 v27, v0;
	v27 =	vld [tilespmem:$0x1FAF0]  }
0x572: {  	v1 =	vadd.f32 v63, v1;
	v63 =	vld [tilespmem:$0x1FB00]  }
0x573: {  	[tilespmem:$0x1FE60] =	vst v44;
	v44 =	vld [tilespmem:$0x1B60]  }
0x574: {  	v1 =	vadd.f32 v61, v1;
	v61 =	vld [tilespmem:$0x1B70]  }
0x575: {  	v2 =	vadd.f32 v25, v2;
	v25 =	vld [tilespmem:$0xB60]  }
0x576: {  	v0 =	vadd.f32 v27, v0;
	v27 =	vld [tilespmem:$0x1FB10]  }
0x577: {  	v2 =	vadd.f32 v63, v2;
	v63 =	vld [tilespmem:$0x2B60]  }
0x578: {  	[tilespmem:$0x1FE70] =	vst v44;
	v44 =	vld [tilespmem:$0x1FB20]  }
0x579: {  	v0 =	vadd.f32 v16, v0;
	v16 =	vld [tilespmem:$0xCA0]  }
0x57a: {  	[tilespmem:$0x1FE80] =	vst v61;
	v61 =	vld [tilespmem:$0x1FB50]  }
0x57b: {  	v0 =	vadd.f32 v18, v0;
	v18 =	vld [tilespmem:$0xB80]  }
0x57c: {  	v1 =	vadd.f32 v27, v1;
	v27 =	vld [tilespmem:$0x2B70]  }
0x57d: {  	v2 =	vadd.f32 v44, v2;
	v44 =	vld [tilespmem:$0x1FB40]  }
0x57e: {  	v0 =	vadd.f32 v21, v0;
	v21 =	vld [tilespmem:$0x1B90]  }
0x57f: {  	v1 =	vadd.f32 v36, v1;
	v36 =	vld [tilespmem:$0x1B80]  }
0x580: {  	v2 =	vadd.f32 v37, v2;
	v37 =	vld [tilespmem:$0x1FB30]  }
0x581: {  	v1 =	vadd.f32 v42, v1;
	v42 =	vld [tilespmem:$0x2B80]  }
0x582: {  	[tilespmem:$0x1FE90] =	vst v27;
	v27 =	vld [tilespmem:$0xB90]  }
0x583: {  	[tilespmem:$0x1FEC0] =	vst v21;
	v21 =	vld [tilespmem:$0xBA0]  }
0x584: {  	v1 =	vadd.f32 v43, v1;
	v43 =	vld [tilespmem:$0x1FB80]  }
0x585: {  	v0 =	vadd.f32 v44, v0;
	v44 =	vld [tilespmem:$0x1BA0]  }
0x586: {  	[tilespmem:$0x1FEA0] =	vst v36;
	v36 =	vld [tilespmem:$0x1FB60]  }
0x587: {  	v2 =	vadd.f32 v37, v2;
	v37 =	vld [tilespmem:$0x2B90]  }
0x588: {  	v1 =	vadd.f32 v49, v1;
	v49 =	vld [tilespmem:$0x2BA0]  }
0x589: {  	[tilespmem:$0x1FEB0] =	vst v42;
	v42 =	vld [tilespmem:$0x1FB70]  }
0x58a: {  	v1 =	vadd.f32 v17, v1;
	v17 =	vld [tilespmem:$0xBB0]  }
0x58b: {  	v2 =	vadd.f32 v61, v2;
	v61 =	vld [tilespmem:$0x1BB0]  }
0x58c: {  	[tilespmem:$0x1FEE0] =	vst v44;
	v44 =	vld [tilespmem:$0xBC0]  }
0x58d: {  	v0 =	vadd.f32 v36, v0;
	v36 =	vld [tilespmem:$0x2BD0]  }
0x58e: {  	v1 =	vadd.f32 v19, v1;
	v19 =	vld [tilespmem:$0xC90]  }
0x58f: {  	[tilespmem:$0x1FED0] =	vst v37;
	v37 =	vld [tilespmem:$0x1BE0]  }
0x590: {  	[tilespmem:$0x1FEF0] =	vst v49;
	v49 =	vld [tilespmem:$0x1FBB0]  }
0x591: {  	v0 =	vadd.f32 v43, v0;
	v43 =	vld [tilespmem:$0xBD0]  }
0x592: {  	v2 =	vadd.f32 v42, v2;
	v42 =	vld [tilespmem:$0x2BF0]  }
0x593: {  	v1 =	vadd.f32 v22, v1;
	v22 =	vld [tilespmem:$0x1FC20]  }
0x594: {  	[tilespmem:$0x1FF00] =	vst v61;
	v61 =	vld [tilespmem:$0x1FBF0]  }
0x595: {  	v2 =	vadd.f32 v55, v2;
	v55 =	vld [tilespmem:$0x1FB90]  }
0x596: {  	v1 =	vadd.f32 v24, v1;
	v24 =	vld [tilespmem:$0x2BC0]  }
0x597: {  	[tilespmem:$0x1FF50] =	vst v36;
	v36 =	vld [tilespmem:$0xC10]  }
0x598: {  	v2 =	vadd.f32 v20, v2;
	v20 =	vld [tilespmem:$0x2BB0]  }
0x599: {  	v1 =	vadd.f32 v30, v1;
	v30 =	vld [tilespmem:$0x1BD0]  }
0x59a: {  	[tilespmem:$0x1FF90] =	vst v42;
	v42 =	vld [tilespmem:$0x1FCA0]  }
0x59b: {  	v2 =	vadd.f32 v23, v2;
	v23 =	vld [tilespmem:$0x1BC0]  }
0x59c: {  	v1 =	vadd.f32 v31, v1;
	v31 =	vld [tilespmem:$0xC20]  }
0x59d: {  	v0 =	vadd.f32 v55, v0;
	v55 =	vld [tilespmem:$0x2C10]  }
0x59e: {  	[tilespmem:$0x1FF30] =	vst v24;
	v24 =	vld [tilespmem:$0x1FC40]  }
0x59f: {  	v2 =	vadd.f32 v28, v2;
	v28 =	vld [tilespmem:$0x1FBA0]  }
0x5a0: {  	v1 =	vadd.f32 v33, v1;
	v33 =	vld [tilespmem:$0x1FC60]  }
0x5a1: {  	v0 =	vadd.f32 v38, v0;
	v38 =	vld [tilespmem:$0x2BE0]  }
0x5a2: {  	[tilespmem:$0x1FF40] =	vst v30;
	v30 =	vld [tilespmem:$0xC30]  }
0x5a3: {  	[tilespmem:$0x1FF10] =	vst v20;
	v20 =	vld [tilespmem:$0x1FC10]  }
0x5a4: {  	v1 =	vadd.f32 v35, v1;
	v35 =	vld [tilespmem:$0xC00]  }
0x5a5: {  	v0 =	vadd.f32 v39, v0;
	v39 =	vld [tilespmem:$0xBE0]  }
0x5a6: {  	[tilespmem:$0x1FF20] =	vst v23;
	v23 =	vld [tilespmem:$0x1FC30]  }
0x5a7: {  	[tilespmem:$0x1FFD0] =	vst v55;
	v55 =	vld [tilespmem:$0x1C60]  }
0x5a8: {  	v1 =	vadd.f32 v41, v1;
	v41 =	vld [tilespmem:$0x1FC90]  }
0x5a9: {  	v0 =	vadd.f32 v62, v0;
	v62 =	vld [tilespmem:$0x1FC00]  }
0x5aa: {  	v2 =	vadd.f32 v28, v2;
	v28 =	vld [tilespmem:$0xC40]  }
0x5ab: {  	[tilespmem:$0x1FF70] =	vst v38;
	v38 =	vld [tilespmem:$0xBF0]  }
0x5ac: {  	v1 =	vadd.f32 v49, v1;
	v49 =	vld [tilespmem:$0x1FCF0]  }
0x5ad: {  	v0 =	vadd.f32 v60, v0;
	v60 =	vld [tilespmem:$0x2C20]  }
0x5ae: {  	v2 =	vadd.f32 v32, v2;
	v32 =	vld [tilespmem:$0x1FC50]  }
0x5af: {  	v1 =	vadd.f32 v53, v1;
	v53 =	vld [tilespmem:$0x1C70]  }
0x5b0: {  	v0 =	vadd.f32 v58, v0;
	v58 =	vld [tilespmem:$0x1FBD0]  }
0x5b1: {  	v2 =	vadd.f32 v34, v2;
	v34 =	vld [tilespmem:$0x1FC70]  }
0x5b2: {  	v1 =	vadd.f32 v57, v1;
	v57 =	vld [tilespmem:$0x1C20]  }
0x5b3: {  	v2 =	vadd.f32 v40, v2;
	v40 =	vld [tilespmem:$0x1BF0]  }
0x5b4: {  	v0 =	vadd.f32 v59, v0;
	v59 =	vld [tilespmem:$0x1FBE0]  }
0x5b5: {  	[tilespmem:$0x1FFF0] =	vst v60;
	v60 =	vld [tilespmem:$0x2C30]  }
0x5b6: {  	v2 =	vadd.f32 v45, v2;
	v45 =	vld [tilespmem:$0x1C00]  }
0x5b7: {  	v0 =	vadd.f32 v54, v0;
	v54 =	vld [tilespmem:$0x1C10]  }
0x5b8: {  	v1 =	vadd.f32 v58, v1;
	v58 =	vld [tilespmem:$0x2C40]  }
0x5b9: {  	v0 =	vadd.f32 v52, v0;
	v52 =	vld [tilespmem:$0x2C00]  }
0x5ba: {  	[tilespmem:$0x1FFE0] =	vst v57;
	v57 =	vld [tilespmem:$0x1C50]  }
0x5bb: {  	v2 =	vadd.f32 v51, v2;
	v51 =	vld [tilespmem:$0x1C80]  }
0x5bc: {  	v1 =	vadd.f32 v61, v1;
	v61 =	vld [tilespmem:$0x1C30]  }
0x5bd: {  	[tilespmem:$0x1FF80] =	vst v40;
	v40 =	vld [tilespmem:$0x1FC80]  }
0x5be: {  	v2 =	vadd.f32 v56, v2;
	v56 =	vld [tilespmem:$0x1FBC0]  }
0x5bf: {  	v0 =	vadd.f32 v50, v0;
	v50 =	vld [tilespmem:$0x1FD00]  }
0x5c0: {  	[tilespmem:$0x1FFC0] =	vst v54;
	v54 =	vld [tilespmem:$0x2C60]  }
0x5c1: {  	[tilespmem:$0x1FFA0] =	vst v45;
	v45 =	vld [tilespmem:$0x1FCB0]  }
0x5c2: {  	v1 =	vadd.f32 v20, v1;
	v20 =	vld [tilespmem:$0xC80]  }
0x5c3: {  	v0 =	vadd.f32 v48, v0;
	v48 =	vld [tilespmem:$0x1FCE0]  }
0x5c4: {  	v1 =	vadd.f32 v23, v1;
	v23 =	vld [tilespmem:$0xC60]  }
0x5c5: {  	[tilespmem:$0x1FFB0] =	vst v52;
	v52 =	vld [tilespmem:$0x2C70]  }
0x5c6: {  	v0 =	vadd.f32 v46, v0;
	v46 =	vld [tilespmem:$0x1FCC0]  }
0x5c7: {  	v2 =	vadd.f32 v56, v2;
	v56 =	vld [tilespmem:$0x2C50]  }
0x5c8: {  	v1 =	vadd.f32 v32, v1;
	v32 =	vld [tilespmem:$0x1FD70]  }
0x5c9: {  	v0 =	vadd.f32 v47, v0;
	v47 =	vld [tilespmem:$0x1FCD0]  }
0x5ca: {  	v2 =	vadd.f32 v59, v2;
	v59 =	vld [tilespmem:$0x1C40]  }
0x5cb: {  	[tilespmem:$0x1FF60] =	vst v37;
	v37 =	vadd.f32 v34, v1;
	v34 =	vld [tilespmem:$0x1FD90];
	v0 =	vadd.f32 v15, v0  }
0x5cc: {  	v15 =	vld [tilespmem:$0x1FD50];
	v2 =	vadd.f32 v62, v2  }
0x5cd: {  	v62 =	vld [tilespmem:$0x1FD10];
	v0 =	vadd.f32 v3, v0  }
0x5ce: {  	v2 =	vadd.f32 v22, v2;
	v22 =	vld [tilespmem:$0xC70]  }
0x5cf: {  	v0 =	vadd.f32 v8, v0;
	v8 =	vld [tilespmem:$0x1FD20]  }
0x5d0: {  	v3 =	vadd.f32 v24, v2;
	v24 =	vld [tilespmem:$0xC50]  }
0x5d1: {  	v0 =	vadd.f32 v5, v0;
	v5 =	vadd.f32 v41, v37;
	v37 =	vld [tilespmem:$0x1FDA0]  }
0x5d2: {  	v41 =	vld [tilespmem:$0x1CC0]  }
0x5d3: {  	v3 =	vadd.f32 v33, v3;
	v33 =	vld [tilespmem:$0x1FD80]  }
0x5d4: {  	v0 =	vadd.f32 v9, v0;
	v5 =	vadd.f32 v45, v5;
	v45 =	vld [tilespmem:$0x1CB0]  }
0x5d5: {  	v3 =	vadd.f32 v40, v3;
	v40 =	vld [tilespmem:$0x1FDB0]  }
0x5d6: {  	v9 =	vadd.f32 v10, v0;
	v10 =	vld [tilespmem:$0x1FD30]  }
0x5d7: {  	v5 =	vadd.f32 v47, v5;
	v47 =	vld [tilespmem:$0x1CA0]  }
0x5d8: {  	v3 =	vadd.f32 v42, v3;
	v42 =	vld [tilespmem:$0x2CB0]  }
0x5d9: {  	v5 =	vadd.f32 v49, v5;
	v49 =	vld [tilespmem:$0x1C90]  }
0x5da: {  	v9 =	vadd.f32 v13, v9;
	v13 =	vld [tilespmem:$0x1FD40]  }
0x5db: {  	v3 =	vadd.f32 v46, v3;
	v46 =	vld [tilespmem:$0x2CA0]  }
0x5dc: {  	v9 =	vadd.f32 v26, v9;
	v26 =	vld [tilespmem:$0x1FD60]  }
0x5dd: {  	v5 =	vadd.f32 v62, v5;
	v62 =	vld [tilespmem:$0x1FDC0]  }
0x5de: {  	v3 =	vadd.f32 v48, v3;
	v48 =	vld [tilespmem:$0x2C90]  }
0x5df: {  	v5 =	vadd.f32 v10, v5;
	v10 =	vld [tilespmem:$0x1FE20]  }
0x5e0: {  	v9 =	vadd.f32 v14, v9;
	v3 =	vadd.f32 v50, v3;
	v50 =	vld [tilespmem:$0x2C80]  }
0x5e1: {  	v5 =	vadd.f32 v15, v5;
	v15 =	vld [tilespmem:$0xCB0]  }
0x5e2: {  	v9 =	vadd.f32 v6, v9;
	v6 =	vld [tilespmem:$0x1FDF0]  }
0x5e3: {  	v3 =	vadd.f32 v8, v3;
	v8 =	vld [tilespmem:$0x1FE10]  }
0x5e4: {  	v14 =	vadd.f32 v12, v9;
	v12 =	vld [tilespmem:$0xCC0]  }
0x5e5: {  	v9 =	vld [tilespmem:$0xCE0]  }
0x5e6: {  	v5 =	vadd.f32 v32, v5;
	v32 =	vld [tilespmem:$0x2CE0]  }
0x5e7: {  	v3 =	vadd.f32 v13, v3;
	v13 =	vld [tilespmem:$0x1FE40]  }
0x5e8: {  	v5 =	vadd.f32 v34, v5;
	v34 =	vld [tilespmem:$0x2CD0]  }
0x5e9: {  	v0 =	vadd.f32 v11, v14;
	v11 =	vld [tilespmem:$0x1FE30]  }
0x5ea: {  	v14 =	vld [tilespmem:$0x1FE50]  }
0x5eb: {  	v3 =	vadd.f32 v26, v3;
	v26 =	vld [tilespmem:$0x1D00];
	v0 =	vadd.f32 v4, v0  }
0x5ec: {  	v1 =	vadd.f32 v40, v5;
	v40 =	vld [tilespmem:$0x2CC0]  }
0x5ed: {  	v4 =	vld [tilespmem:$0x1FDD0];
	v0 =	vadd.f32 v29, v0  }
0x5ee: {  	v5 =	vld [tilespmem:$0x1FDE0];
	v3 =	vadd.f32 v33, v3  }
0x5ef: {  	v33 =	vld [tilespmem:$0x1CE0];
	v0 =	vadd.f32 v25, v0  }
0x5f0: {  	v29 =	vld [tilespmem:$0x1CF0];
	v3 =	vadd.f32 v37, v3  }
0x5f1: {  	v0 =	vadd.f32 v7, v0;
	v7 =	vld [tilespmem:$0x1FE00]  }
0x5f2: {  	v37 =	vld [tilespmem:$0x1CD0];
	v3 =	vadd.f32 v62, v3  }
0x5f3: {  	v25 =	vld [tilespmem:$0xCD0];
	v1 =	vadd.f32 v4, v1  }
0x5f4: {  	v62 =	vld [tilespmem:$0x1FE80];
	v3 =	vadd.f32 v5, v3;
	v0 =	vadd.f32 v18, v0  }
0x5f5: {  	v4 =	vld [tilespmem:$0xD60];
	v1 =	vadd.f32 v6, v1  }
0x5f6: {  	v6 =	vld [tilespmem:$0x1FE90];
	v0 =	vadd.f32 v27, v0;
	v3 =	vadd.f32 v7, v3  }
0x5f7: {  	v18 =	vld [tilespmem:$0x1FE60];
	v1 =	vadd.f32 v8, v1  }
0x5f8: {  	v0 =	vadd.f32 v21, v0;
	v21 =	vld [tilespmem:$0x1FE70];
	v2 =	vadd.f32 v10, v3  }
0x5f9: {  	v5 =	vld [tilespmem:$0xD40];
	v1 =	vadd.f32 v11, v1  }
0x5fa: {  	v8 =	vld [tilespmem:$0xCF0];
	v2 =	vadd.f32 v13, v2  }
0x5fb: {  	v27 =	vld [tilespmem:$0x2CF0];
	v1 =	vadd.f32 v14, v1  }
0x5fc: {  	v10 =	vld [tilespmem:$0x1FEA0];
	v2 =	vadd.f32 v18, v2  }
0x5fd: {  	v11 =	vld [tilespmem:$0x1FEB0];
	v1 =	vadd.f32 v21, v1  }
0x5fe: {  	v13 =	vld [tilespmem:$0x1FEC0];
	v2 =	vadd.f32 v63, v2  }
0x5ff: {  	v14 =	vld [tilespmem:$0x1FED0];
	v1 =	vadd.f32 v62, v1  }
0x600: {  	v0 =	vadd.f32 v17, v0;
	v17 =	vld [tilespmem:$0x1FEE0];
	v2 =	vadd.f32 v6, v2  }
0x601: {  	v62 =	vld [tilespmem:$0x1FEF0];
	v1 =	vadd.f32 v10, v1  }
0x602: {  	v10 =	vld [tilespmem:$0x1FF00];
	v2 =	vadd.f32 v11, v2  }
0x603: {  	v7 =	vld [tilespmem:$0xD00];
	v1 =	vadd.f32 v13, v1  }
0x604: {  	v13 =	vld [tilespmem:$0x1FF20];
	v2 =	vadd.f32 v14, v2  }
0x605: {  	v11 =	vld [tilespmem:$0x1FF10];
	v1 =	vadd.f32 v17, v1  }
0x606: {  	v0 =	vadd.f32 v44, v0;
	v2 =	vadd.f32 v62, v2;
	v62 =	vld [tilespmem:$0x1FF40]  }
0x607: {  	v14 =	vld [tilespmem:$0x1FF30];
	v1 =	vadd.f32 v10, v1  }
0x608: {  	v3 =	vld [tilespmem:$0xD80];
	v0 =	vadd.f32 v43, v0  }
0x609: {  	v10 =	vld [tilespmem:$0x1FF50];
	v1 =	vadd.f32 v13, v1  }
0x60a: {  	v44 =	vld [tilespmem:$0xD10];
	v0 =	vadd.f32 v39, v0;
	v2 =	vadd.f32 v11, v2  }
0x60b: {  	v1 =	vadd.f32 v62, v1;
	v62 =	vld [tilespmem:$0x1FF70]  }
0x60c: {  	v0 =	vadd.f32 v38, v0;
	v11 =	vld [tilespmem:$0x1FF60];
	v2 =	vadd.f32 v14, v2  }
0x60d: {  	v21 =	vld [tilespmem:$0x1D10]  }
0x60e: {  	v0 =	vadd.f32 v35, v0;
	v2 =	vadd.f32 v10, v2;
	v10 =	vld [tilespmem:$0x1FF80]  }
0x60f: {  	v18 =	vld [tilespmem:$0x2D20]  }
0x610: {  	v0 =	vadd.f32 v36, v0;
	v2 =	vadd.f32 v62, v2;
	v62 =	vld [tilespmem:$0x1FFA0]  }
0x611: {  	v43 =	vld [tilespmem:$0x2D10];
	v1 =	vadd.f32 v11, v1  }
0x612: {  	v63 =	vld [tilespmem:$0x2D00];
	v0 =	vadd.f32 v31, v0  }
0x613: {  	v39 =	vld [tilespmem:$0x1D20];
	v1 =	vadd.f32 v10, v1  }
0x614: {  	v6 =	vld [tilespmem:$0xD20];
	v0 =	vadd.f32 v30, v0  }
0x615: {  	v1 =	vadd.f32 v62, v1;
	v62 =	vld [tilespmem:$0x1FFC0]  }
0x616: {  	v0 =	vadd.f32 v28, v0;
	v11 =	vld [tilespmem:$0x1FF90]  }
0x617: {  	v38 =	vld [tilespmem:$0xD30]  }
0x618: {  	v0 =	vadd.f32 v24, v0;
	v10 =	vld [tilespmem:$0x1FFB0]  }
0x619: {  	v35 =	vld [tilespmem:$0x2D30]  }
0x61a: {  	v0 =	vadd.f32 v23, v0;
	v1 =	vadd.f32 v62, v1;
	v62 =	vld [tilespmem:$0x1FFD0]  }
0x61b: {  	v17 =	vld [tilespmem:$0x1D30];
	v2 =	vadd.f32 v11, v2  }
0x61c: {  	v36 =	vld [tilespmem:$0x1D40];
	v0 =	vadd.f32 v22, v0  }
0x61d: {  	v31 =	vld [tilespmem:$0xD50];
	v2 =	vadd.f32 v10, v2  }
0x61e: {  	v13 =	vld [tilespmem:$0x1D50];
	v0 =	vadd.f32 v20, v0  }
0x61f: {  	v2 =	vadd.f32 v62, v2;
	v62 =	vld [tilespmem:$0x1FFE0]  }
0x620: {  	v30 =	vld [tilespmem:$0x2D50];
	v0 =	vadd.f32 v19, v0  }
0x621: {  	v14 =	vld [tilespmem:$0x2D40]  }
0x622: {  	v28 =	vld [tilespmem:$0x1D60];
	v0 =	vadd.f32 v16, v0  }
0x623: {  	v24 =	vld [tilespmem:$0xD70]  }
0x624: {  	v0 =	vadd.f32 v15, v0;
	v1 =	vadd.f32 v62, v1;
	v62 =	vld [tilespmem:$0x1FFF0]  }
0x625: {  	v23 =	vld [tilespmem:$0x2D70]  }
0x626: {  	v22 =	vld [tilespmem:$0x1D80];
	v0 =	vadd.f32 v12, v0  }
0x627: {  	v11 =	vld [tilespmem:$0x2D60]  }
0x628: {  	v20 =	vld [tilespmem:$0xD90];
	v0 =	vadd.f32 v25, v0  }
0x629: {  	v19 =	vld [tilespmem:$0x2D90];
	v2 =	vadd.f32 v62, v2  }
0x62a: {  	v10 =	vld [tilespmem:$0x1D70];
	v0 =	vadd.f32 v9, v0  }
0x62b: {  	v16 =	vld [tilespmem:$0x1DA0];
	v1 =	vadd.f32 v61, v1;
	v2 =	vadd.f32 v60, v2  }
0x62c: {  	v15 =	vld [tilespmem:$0xDB0];
	v0 =	vadd.f32 v8, v0  }
0x62d: {  	v12 =	vld [tilespmem:$0x2DB0];
	v1 =	vadd.f32 v59, v1;
	v2 =	vadd.f32 v58, v2  }
0x62e: {  	v25 =	vld [tilespmem:$0x1DC0];
	v0 =	vadd.f32 v7, v0  }
0x62f: {  	v8 =	vld [tilespmem:$0x2DD0];
	v1 =	vadd.f32 v57, v1;
	v2 =	vadd.f32 v56, v2  }
0x630: {  	v7 =	vld [tilespmem:$0x1DE0];
	v0 =	vadd.f32 v44, v0  }
0x631: {  	v44 =	vld [tilespmem:$0xED0];
	v1 =	vadd.f32 v55, v1;
	v2 =	vadd.f32 v54, v2  }
0x632: {  	v61 =	vld [tilespmem:$0xE00];
	v0 =	vadd.f32 v6, v0  }
0x633: {  	v6 =	vld [tilespmem:$0x2DF0];
	v1 =	vadd.f32 v53, v1;
	v2 =	vadd.f32 v52, v2  }
0x634: {  	v59 =	vld [tilespmem:$0xDF0]  }
0x635: {  	v62 =	vld [tilespmem:$0x2D80];
	v1 =	vadd.f32 v51, v1;
	v2 =	vadd.f32 v50, v2  }
0x636: {  	v0 =	vadd.f32 v38, v0;
	v38 =	vld [tilespmem:$0x1EB0]  }
0x637: {  	v57 =	vld [tilespmem:$0xDE0];
	v1 =	vadd.f32 v49, v1;
	v2 =	vadd.f32 v48, v2  }
0x638: {  	v60 =	vld [tilespmem:$0x1D90];
	v0 =	vadd.f32 v5, v0  }
0x639: {  	v55 =	vld [tilespmem:$0xDD0];
	v1 =	vadd.f32 v47, v1;
	v2 =	vadd.f32 v46, v2  }
0x63a: {  	v58 =	vld [tilespmem:$0xDA0];
	v0 =	vadd.f32 v31, v0  }
0x63b: {  	v31 =	vld [tilespmem:$0x1F60];
	v1 =	vadd.f32 v45, v1;
	v2 =	vadd.f32 v42, v2  }
0x63c: {  	v53 =	vld [tilespmem:$0xE60]  }
0x63d: {  	v56 =	vld [tilespmem:$0x2DA0];
	v1 =	vadd.f32 v41, v1;
	v2 =	vadd.f32 v40, v2  }
0x63e: {  	v0 =	vadd.f32 v4, v0;
	v4 =	vld [tilespmem:$0x1E20]  }
0x63f: {  	v51 =	vld [tilespmem:$0xE50];
	v1 =	vadd.f32 v37, v1;
	v2 =	vadd.f32 v34, v2  }
0x640: {  	v54 =	vld [tilespmem:$0x1DB0];
	v0 =	vadd.f32 v24, v0  }
0x641: {  	v24 =	vld [tilespmem:$0x1F40];
	v1 =	vadd.f32 v33, v1;
	v2 =	vadd.f32 v32, v2  }
0x642: {  	v49 =	vld [tilespmem:$0xE40]  }
0x643: {  	v52 =	vld [tilespmem:$0xDC0];
	v1 =	vadd.f32 v29, v1;
	v2 =	vadd.f32 v27, v2  }
0x644: {  	v0 =	vadd.f32 v3, v0;
	v3 =	vld [tilespmem:$0x2E30]  }
0x645: {  	v47 =	vld [tilespmem:$0xE30];
	v1 =	vadd.f32 v26, v1;
	v2 =	vadd.f32 v63, v2  }
0x646: {  	v50 =	vld [tilespmem:$0x2DC0];
	v0 =	vadd.f32 v20, v0  }
0x647: {  	v20 =	vld [tilespmem:$0x1E40];
	v1 =	vadd.f32 v21, v1;
	v2 =	vadd.f32 v43, v2  }
0x648: {  	v45 =	vld [tilespmem:$0xE20]  }
0x649: {  	v48 =	vld [tilespmem:$0x1DD0];
	v1 =	vadd.f32 v39, v1;
	v2 =	vadd.f32 v18, v2  }
0x64a: {  	v0 =	vadd.f32 v58, v0;
	v58 =	vld [tilespmem:$0xE80]  }
0x64b: {  	v41 =	vld [tilespmem:$0xE10];
	v1 =	vadd.f32 v17, v1;
	v2 =	vadd.f32 v35, v2  }
0x64c: {  	v0 =	vadd.f32 v15, v0;
	v15 =	vld [tilespmem:$0x2E50]  }
0x64d: {  	v46 =	vld [tilespmem:$0x2ED0];
	v1 =	vadd.f32 v36, v1;
	v2 =	vadd.f32 v14, v2  }
0x64e: {  	v37 =	vld [tilespmem:$0x1E00]  }
0x64f: {  	v42 =	vld [tilespmem:$0x2DE0];
	v1 =	vadd.f32 v13, v1;
	v2 =	vadd.f32 v30, v2  }
0x650: {  	v0 =	vadd.f32 v52, v0;
	v52 =	vld [tilespmem:$0x2EF0]  }
0x651: {  	v33 =	vld [tilespmem:$0x2F60];
	v1 =	vadd.f32 v28, v1;
	v2 =	vadd.f32 v11, v2  }
0x652: {  	v40 =	vld [tilespmem:$0x1DF0];
	v0 =	vadd.f32 v55, v0  }
0x653: {  	v55 =	vld [tilespmem:$0xE70];
	v1 =	vadd.f32 v10, v1;
	v2 =	vadd.f32 v23, v2  }
0x654: {  	v29 =	vld [tilespmem:$0x2E10];
	v0 =	vadd.f32 v57, v0  }
0x655: {  	v57 =	vld [tilespmem:$0x2E70];
	v1 =	vadd.f32 v22, v1;
	v2 =	vadd.f32 v62, v2  }
0x656: {  	v34 =	vld [tilespmem:$0xF80]  }
0x657: {  	v26 =	vld [tilespmem:$0x1EA0];
	v1 =	vadd.f32 v60, v1;
	v2 =	vadd.f32 v19, v2  }
0x658: {  	v32 =	vld [tilespmem:$0x2E00];
	v0 =	vadd.f32 v59, v0  }
0x659: {  	v59 =	vld [tilespmem:$0x2E80];
	v1 =	vadd.f32 v16, v1;
	v2 =	vadd.f32 v56, v2  }
0x65a: {  	v21 =	vld [tilespmem:$0x2E20];
	v0 =	vadd.f32 v61, v0  }
0x65b: {  	v27 =	vld [tilespmem:$0x1E10];
	v1 =	vadd.f32 v54, v1;
	v2 =	vadd.f32 v12, v2  }
0x65c: {  	v61 =	vld [tilespmem:$0x2E90];
	v0 =	vadd.f32 v41, v0  }
0x65d: {  	v39 =	vld [tilespmem:$0x2EB0];
	v1 =	vadd.f32 v25, v1;
	v2 =	vadd.f32 v50, v2  }
0x65e: {  	v63 =	vld [tilespmem:$0x2EA0];
	v0 =	vadd.f32 v45, v0  }
0x65f: {  	v41 =	vld [tilespmem:$0xEC0];
	v1 =	vadd.f32 v48, v1;
	v2 =	vadd.f32 v8, v2  }
0x660: {  	v43 =	vld [tilespmem:$0x2EC0];
	v0 =	vadd.f32 v47, v0  }
0x661: {  	v45 =	vld [tilespmem:$0x1ED0];
	v1 =	vadd.f32 v7, v1;
	v2 =	vadd.f32 v42, v2  }
0x662: {  	v36 =	vld [tilespmem:$0xEB0];
	v0 =	vadd.f32 v49, v0  }
0x663: {  	v18 =	vld [tilespmem:$0x1E30];
	v1 =	vadd.f32 v40, v1;
	v2 =	vadd.f32 v6, v2  }
0x664: {  	v47 =	vld [tilespmem:$0xEE0];
	v0 =	vadd.f32 v51, v0  }
0x665: {  	v13 =	vld [tilespmem:$0x1E50];
	v1 =	vadd.f32 v37, v1;
	v2 =	vadd.f32 v32, v2  }
0x666: {  	v49 =	vld [tilespmem:$0x2EE0];
	v0 =	vadd.f32 v53, v0  }
0x667: {  	v60 =	vld [tilespmem:$0xE90];
	v1 =	vadd.f32 v27, v1;
	v2 =	vadd.f32 v29, v2  }
0x668: {  	v14 =	vld [tilespmem:$0x2E40];
	v0 =	vadd.f32 v55, v0  }
0x669: {  	v62 =	vld [tilespmem:$0xEA0];
	v1 =	vadd.f32 v4, v1;
	v2 =	vadd.f32 v21, v2  }
0x66a: {  	v35 =	vld [tilespmem:$0x1F70];
	v0 =	vadd.f32 v58, v0  }
0x66b: {  	v28 =	vld [tilespmem:$0x1E60];
	v1 =	vadd.f32 v18, v1;
	v2 =	vadd.f32 v3, v2  }
0x66c: {  	v10 =	vld [tilespmem:$0x2E60];
	v0 =	vadd.f32 v60, v0  }
0x66d: {  	v51 =	vld [tilespmem:$0x1EF0];
	v1 =	vadd.f32 v20, v1;
	v2 =	vadd.f32 v14, v2  }
0x66e: {  	v22 =	vld [tilespmem:$0x1E70];
	v0 =	vadd.f32 v62, v0  }
0x66f: {  	v30 =	vld [tilespmem:$0x1E80];
	v1 =	vadd.f32 v13, v1;
	v2 =	vadd.f32 v15, v2  }
0x670: {  	v53 =	vld [tilespmem:$0xF00];
	v0 =	vadd.f32 v36, v0  }
0x671: {  	v55 =	vld [tilespmem:$0x2F00];
	v1 =	vadd.f32 v28, v1;
	v2 =	vadd.f32 v10, v2  }
0x672: {  	v12 =	vld [tilespmem:$0x1E90];
	v0 =	vadd.f32 v41, v0  }
0x673: {  	v50 =	vld [tilespmem:$0xEF0];
	v1 =	vadd.f32 v22, v1;
	v2 =	vadd.f32 v57, v2  }
0x674: {  	v58 =	vld [tilespmem:$0x2F10];
	v0 =	vadd.f32 v44, v0  }
0x675: {  	v23 =	vld [tilespmem:$0xF40];
	v1 =	vadd.f32 v30, v1;
	v2 =	vadd.f32 v59, v2  }
0x676: {  	v54 =	vld [tilespmem:$0x1F00];
	v0 =	vadd.f32 v47, v0  }
0x677: {  	v56 =	vld [tilespmem:$0xF10];
	v1 =	vadd.f32 v12, v1;
	v2 =	vadd.f32 v61, v2  }
0x678: {  	v42 =	vld [tilespmem:$0x1EC0];
	v0 =	vadd.f32 v50, v0  }
0x679: {  	v1 =	vadd.f32 v26, v1;
	v59 =	vld [tilespmem:$0xF20];
	v2 =	vadd.f32 v63, v2  }
0x67a: {  	v60 =	vld [tilespmem:$0x1F20];
	v0 =	vadd.f32 v53, v0  }
0x67b: {  	v62 =	vld [tilespmem:$0xF30];
	v1 =	vadd.f32 v38, v1;
	v2 =	vadd.f32 v39, v2  }
0x67c: {  	v48 =	vld [tilespmem:$0x1EE0];
	v0 =	vadd.f32 v56, v0  }
0x67d: {  	v25 =	vld [tilespmem:$0x2F40];
	v1 =	vadd.f32 v42, v1;
	v2 =	vadd.f32 v43, v2  }
0x67e: {  	v36 =	vld [tilespmem:$0xF90];
	v0 =	vadd.f32 v59, v0  }
0x67f: {  	v26 =	vld [tilespmem:$0xF50];
	v1 =	vadd.f32 v45, v1;
	v2 =	vadd.f32 v46, v2  }
0x680: {  	v40 =	vld [tilespmem:$0xFB0];
	v0 =	vadd.f32 v62, v0  }
0x681: {  	v30 =	vld [tilespmem:$0xF60];
	v1 =	vadd.f32 v48, v1;
	v2 =	vadd.f32 v49, v2  }
0x682: {  	v57 =	vld [tilespmem:$0x1F10];
	v0 =	vadd.f32 v23, v0  }
0x683: {  	v32 =	vld [tilespmem:$0xF70];
	v1 =	vadd.f32 v51, v1;
	v2 =	vadd.f32 v52, v2  }
0x684: {  	v61 =	vld [tilespmem:$0x2F20];
	v0 =	vadd.f32 v26, v0  }
0x685: {  	v22 =	vld [tilespmem:$0x2F30];
	v1 =	vadd.f32 v54, v1;
	v2 =	vadd.f32 v55, v2  }
0x686: {  	v63 =	vld [tilespmem:$0x1F30];
	v0 =	vadd.f32 v30, v0  }
0x687: {  	v41 =	vld [tilespmem:$0x2F80];
	v1 =	vadd.f32 v57, v1;
	v2 =	vadd.f32 v58, v2  }
0x688: {  	v29 =	vld [tilespmem:$0x2F50];
	v0 =	vadd.f32 v32, v0  }
0x689: {  	v38 =	vld [tilespmem:$0xFA0];
	v1 =	vadd.f32 v60, v1;
	v2 =	vadd.f32 v61, v2  }
0x68a: {  	v28 =	vld [tilespmem:$0x1F50];
	v0 =	vadd.f32 v34, v0  }
0x68b: {  	v37 =	vld [tilespmem:$0x2F70];
	v1 =	vadd.f32 v63, v1;
	v2 =	vadd.f32 v22, v2  }
0x68c: {  	v44 =	vld [tilespmem:$0xFD0];
	v0 =	vadd.f32 v36, v0  }
0x68d: {  	v42 =	vld [tilespmem:$0xFC0];
	v1 =	vadd.f32 v24, v1;
	v2 =	vadd.f32 v25, v2  }
0x68e: {  	v47 =	vld [tilespmem:$0x1FA0];
	v0 =	vadd.f32 v38, v0  }
0x68f: {  	v45 =	vld [tilespmem:$0x2F90];
	v1 =	vadd.f32 v28, v1;
	v2 =	vadd.f32 v29, v2  }
0x690: {  	v39 =	vld [tilespmem:$0x1F80];
	v0 =	vadd.f32 v40, v0  }
0x691: {  	v46 =	vld [tilespmem:$0xFE0];
	v1 =	vadd.f32 v31, v1;
	v2 =	vadd.f32 v33, v2  }
0x692: {  	v43 =	vld [tilespmem:$0x1F90];
	v0 =	vadd.f32 v42, v0  }
0x693: {  	v48 =	vld [tilespmem:$0xFF0];
	v1 =	vadd.f32 v35, v1;
	v2 =	vadd.f32 v37, v2  }
0x694: {  	v49 =	vld [tilespmem:$0x2FA0];
	v0 =	vadd.f32 v44, v0  }
0x695: {  	v50 =	vld [tilespmem:$0x1FB0];
	v1 =	vadd.f32 v39, v1;
	v2 =	vadd.f32 v41, v2  }
0x696: {  	v51 =	vld [tilespmem:$0x2FB0];
	v0 =	vadd.f32 v46, v0  }
0x697: {  	v53 =	vld [tilespmem:$0x2FC0];
	v1 =	vadd.f32 v43, v1;
	v2 =	vadd.f32 v45, v2  }
0x698: {  	v52 =	vld [tilespmem:$0x1FC0];
	v0 =	vadd.f32 v48, v0  }
0x699: {  	v54 =	vld [tilespmem:$0x1FD0];
	v1 =	vadd.f32 v47, v1;
	v2 =	vadd.f32 v49, v2  }
0x69a: {  	v55 =	vld [tilespmem:$0x2FD0];
	v56 =	vmax.f32 v0, $1.000000000e+00  }
0x69b: {  	v57 =	vld [tilespmem:$0x1FE0];
	v1 =	vadd.f32 v50, v1;
	(erf) = vrcp.f32 v56;
	v2 =	vadd.f32 v51, v2  }
0x69c: {  	v58 =	vld [tilespmem:$0x2FE0]  }
0x69d: {  	v59 =	vld [tilespmem:$0x1FF0];
	v1 =	vadd.f32 v52, v1;
	v2 =	vadd.f32 v53, v2  }
0x69e: {  	v60 =	vld [tilespmem:$0x2FF0]  }
0x69f: {  	v1 =	vadd.f32 v54, v1;
	v2 =	vadd.f32 v55, v2;
	_ =	sdelay $0x1  }
0x6a0: {  	v1 =	vadd.f32 v57, v1;
	v2 =	vadd.f32 v58, v2;
	_ =	sdelay $0x1  }
0x6a1: {  	v1 =	vadd.f32 v59, v1;
	v2 =	vadd.f32 v60, v2  }
0x6a2: {  	v61 =	vpop (erf)  }
0x6a3: {  	v1 =	vmul.f32 v61, v1;
	v2 =	vmul.f32 v61, v2;
	_ =	sdelay $0x1  }
0x6a4: {  	v1 =	vsub.f32 v1, v2  }
0x6a5: {  	v62 =	vmul.f32 $9.999999970e-07, v0  }
0x6a6: {  	v1 =	vand.u32 $0x7FFFFFFF, v1  }
0x6a7: {  	vm1 =	vcmask $0x3F04;
	vm0 =	vgt.f32 v0, $0.0e+00;
	v1 =	vmul.f32 v1, v62  }
0x6a8: {  	vm0 =	vmand vm0, vm1  }
0x6a9: {  	v63 =	vnsel vm0, $0x0, v1  }
0x6aa: {  	(xrf2) =	vadd.scan.msk.f32 $0xffff, v63;
	_ =	sdelay $0x9  }
0x6ab: {  	v0, _, _ =	vpop (xrf2)  }
0x6ac: {  	v0 =	vbroadcast v0, $0xF;
	_ =	sdelay $0x1  }
0x6ad: {  	s31 =	simm.s32 $0x10300;
	[tilespmem:$0x10300] =	vst v0  }
0x6ae: {  	[hbm4b:s1+s3] =	stream.linear.scatter [tilespmem:s31], [sflag:$0x1], $0x80, $0x38;
	[tilespmem:$0x10680] =	vst v63  }
0x6af: {  	_ =	swait.ge [sflag:s2], $0x80  }
0x6b0: {  	[sflag:s2] =	ssyncset.done $0x0  }
0x6b1: {  	[sflag:s2] =	ssyncadd.s32 $0xFFFFFF80  }
0x6b2: {  	_ =	sfence.sel $0x180000  }
0x6b3: {  	[bflag:$0x0] =	sbarrier.arrive $0xFFFF  }
0x6b4: {  	_ =	strace $0x90000047  }
0x6b5: {  	s0 =	sadd.s32 $0x100000, s0;
	[bflag:$0x2] =	sbarrier.arrive $0xFFFF  }
0x6b6: {  	[sflag:s0] =	ssyncadd.tile.s32 $0x1;
	_ =	shalt  }
.Lfunc_end2:
_tile_overlayer_lowered:
.L_overlay_start_2:
0x6b7: {  	(tag) =	ssettag $0x2  }
0x6b8: {  	s0 =	rddreg [dreg:$0x0];
	s2 =	stileid.u32  }
0x6b9: {  	s1 =	rddreg [dreg:$0x1];
	p0 =	sne.s32 s2, $0x0  }
0x6ba: {  	s3 =	rddreg [dreg:$0x2];
	[bflag:$0x3] =	sbarrier.arrive $0xFFFF;
	s2 =	simm.s32 @!p0 $0x1C01  }
0x6bb: {  	[timem:s3], [sflag:s2] =	dma.local @!p0 [hbm:s0], s1  }
0x6bc: {  	s0 =	simm.s32 @!p0 $0x1  }
0x6bd: {  	_ =	swait.ge @!p0 [sflag:s0], s1  }
0x6be: {  	s1 =	ssub.s32 @!p0 $0x0, s1;
	[sflag:s0] =	ssyncset.done @!p0 $0x0  }
0x6bf: {  	[sflag:s0] =	ssyncadd.s32 @!p0 s1  }
0x6c0: {  	[bflag:$0x3] =	sbarrier.arrive $0xFFFF  }
0x6c1: {  	_ =	shalt  }

</sc_bundles>
